<compile_context>
chip_gen: v7x
topology: tpu7x:2x2x1
jax: 0.10.2.dev20260603
libtpu: 0.0.44.dev20260713+nightly
codegen_flags: <defaults>
</compile_context>

<pallas_src>
import functools
import jax
import jax.numpy as jnp
from jax import lax
from jax.experimental import pallas as pl
from jax.experimental.pallas import tpu as pltpu
from jax.experimental.pallas import tpu_sc as plsc

N_NODES = 10000
NPAD = 10240
N_EDGES = 320000
D = 128
H = 4
C = 32

NC = 2
NS = 16
EPT = N_EDGES // NS
CHUNK = 80
NCHUNK = EPT // CHUNK
NPT = NPAD // NS


def _tc_pre_body(x_ref, wg_ref, asrc_ref, adst_ref, r_ref, wgcn_ref,
                 xw_ref, asd_ref, exself_ref, initgat_ref, xg_ref):
    x = x_ref[...]
    xw = jnp.dot(x, wg_ref[...], preferred_element_type=jnp.float32)
    a_s = jnp.dot(xw, asrc_ref[...], preferred_element_type=jnp.float32)
    a_d = jnp.dot(xw, adst_ref[...], preferred_element_type=jnp.float32)
    al = a_s + a_d
    al = jnp.where(al > 0, al, 0.2 * al)
    ex = jnp.exp(al)
    xw_ref[...] = xw
    asd_ref[...] = jnp.concatenate([a_s, a_d], axis=1)
    exself_ref[...] = jnp.concatenate([ex, jnp.zeros_like(ex)], axis=1)
    initgat_ref[...] = jnp.dot(ex, r_ref[...], preferred_element_type=jnp.float32) * xw
    xg_ref[...] = jnp.dot(x, wgcn_ref[...], preferred_element_type=jnp.float32)


def _tc_post_body(num_ref, den_ref, u_ref, deg_ref, xg_ref, x_ref, r_ref,
                  w0_ref, w1_ref, bgate_ref, bgat_ref, bgcn_ref, g_ref, b_ref,
                  out_ref):
    den4 = den_ref[:, :4]
    denb = jnp.dot(den4 + 1e-16, r_ref[...], preferred_element_type=jnp.float32)
    gat = num_ref[...] / denb + bgat_ref[...]
    deg = deg_ref[:, 0:1] + 1.0
    dis = lax.rsqrt(deg)
    xg = xg_ref[...]
    gcn = dis * u_ref[...] + (dis * dis) * xg + bgcn_ref[...]
    z0 = (jnp.dot(gat, w0_ref[:, 0:1], preferred_element_type=jnp.float32)
          + jnp.dot(gcn, w1_ref[:, 0:1], preferred_element_type=jnp.float32)
          + bgate_ref[0, 0])
    z1 = (jnp.dot(gat, w0_ref[:, 1:2], preferred_element_type=jnp.float32)
          + jnp.dot(gcn, w1_ref[:, 1:2], preferred_element_type=jnp.float32)
          + bgate_ref[0, 1])
    gw0 = 1.0 / (1.0 + jnp.exp(z1 - z0))
    gw1 = 1.0 - gw0
    y = gw0 * gat + gw1 * gcn + x_ref[...]
    mu = jnp.mean(y, axis=-1, keepdims=True)
    yc = y - mu
    var = jnp.mean(yc * yc, axis=-1, keepdims=True)
    out_ref[...] = g_ref[...] * yc * lax.rsqrt(var + 1e-5) + b_ref[...]


def _edge_pipeline(gat, tile, src_hbm, dst_hbm, tbl_hbm, asd_hbm, acc_s, den_s,
                   rows2, asrc2, adst2, exbuf2, dis_v, src2, dst2, dscat2,
                   isems, gsems, ssems):
    lanes0 = lax.iota(jnp.int32, 16)

    def full16(v):
        return jnp.full((16,), v, jnp.int32)

    def start_idx(c, p):
        off = tile * EPT + c * CHUNK
        pltpu.async_copy(src_hbm.at[pl.ds(off, CHUNK)], src2[p], isems[p])
        pltpu.async_copy(dst_hbm.at[pl.ds(off, CHUNK)], dst2[p], isems[p])

    def wait_idx(p):
        pltpu.make_async_copy(src_hbm.at[pl.ds(0, CHUNK)], src2[p], isems[p]).wait()
        pltpu.make_async_copy(dst_hbm.at[pl.ds(0, CHUNK)], dst2[p], isems[p]).wait()

    def start_gathers(p):
        pltpu.async_copy(tbl_hbm.at[src2[p]], rows2[p], gsems[p])
        if gat:
            pltpu.async_copy(asd_hbm.at[src2[p]], asrc2[p], gsems[p])
            pltpu.async_copy(asd_hbm.at[dst2[p]], adst2[p], gsems[p])

    def wait_gathers(p):
        pltpu.make_async_copy(tbl_hbm.at[src2[p]], rows2[p], gsems[p]).wait()
        if gat:
            pltpu.make_async_copy(asd_hbm.at[src2[p]], asrc2[p], gsems[p]).wait()
            pltpu.make_async_copy(asd_hbm.at[dst2[p]], adst2[p], gsems[p]).wait()

    def start_scatter(p):
        pltpu.async_copy(rows2[p], acc_s.at[dscat2[p]], ssems[p], add=True)
        if gat:
            pltpu.async_copy(exbuf2[p], den_s.at[dscat2[p]], ssems[p], add=True)

    def wait_scatter(p):
        pltpu.make_async_copy(rows2[p], acc_s.at[dscat2[p]], ssems[p]).wait()
        if gat:
            pltpu.make_async_copy(exbuf2[p], den_s.at[dscat2[p]], ssems[p]).wait()

    def compute(p):
        NG = CHUNK // 16
        for g in range(NG):
            lane = lanes0 + g * 16
            if gat:
                for h in range(H):
                    av = plsc.load_gather(asrc2[p], [lane, full16(h)])
                    bv = plsc.load_gather(adst2[p], [lane, full16(h + 4)])
                    al = av + bv
                    al = jnp.where(al > 0, al, 0.2 * al)
                    e = jnp.exp(al)
                    plsc.store_scatter(exbuf2[p], [lane, full16(h)], e)
            else:
                s16 = src2[p][pl.ds(g * 16, 16)]
                dv = plsc.load_gather(dis_v, [s16])
                plsc.store_scatter(exbuf2[p], [lane, full16(0)], dv)

        @plsc.parallel_loop(0, D)
        def _col(c):
            hidx = (c >> 5) if gat else 0
            for g in range(NG):
                lane = lanes0 + g * 16
                sc = plsc.load_gather(exbuf2[p], [lane, full16(hidx)])
                col = plsc.load_gather(rows2[p], [lane, full16(c)])
                plsc.store_scatter(rows2[p], [lane, full16(c)], col * sc)

    start_idx(0, 0)
    wait_idx(0)
    start_gathers(0)
    start_idx(1, 1)

    def body(i, carry):
        for p in (0, 1):
            ci = 2 * i + p
            if p == 0:
                pl.when(i > 0)(lambda: wait_scatter(1))
            else:
                wait_scatter(0)
            wait_idx(1 - p)
            start_gathers(1 - p)
            wait_gathers(p)
            for g in range(CHUNK // 16):
                dscat2[p][pl.ds(g * 16, 16)] = dst2[p][pl.ds(g * 16, 16)]
            compute(p)
            start_idx(ci + 2, p)
            start_scatter(p)
        return carry
    lax.fori_loop(0, NCHUNK // 2, body, 0)
    wait_gathers(0)
    wait_idx(1)
    wait_scatter(1)


def _sc_body(src_hbm, dst_hbm, asd_hbm, xw_hbm, xg_hbm, exself_hbm,
             initgat_hbm, z128_hbm, z8_hbm,
             num_out, den_out, u_out, deg_out,
             acc_s, den_s, dis_s,
             rows0, rows1, asrc0, asrc1, adst0, adst1, exbuf0, exbuf1,
             ones_v, dis_v, deg_v, dis640_v,
             src0, src1, dst0, dst1, dscat0, dscat1,
             isem0, isem1, gsem0, gsem1, ssem0, ssem1):
    core = lax.axis_index("c")
    tile = lax.axis_index("s")
    r0 = tile * NPT
    lanes0 = lax.iota(jnp.int32, 16)
    rows2, asrc2, adst2 = (rows0, rows1), (asrc0, asrc1), (adst0, adst1)
    exbuf2 = (exbuf0, exbuf1)
    src2, dst2, dscat2 = (src0, src1), (dst0, dst1), (dscat0, dscat1)
    isems, gsems, ssems = (isem0, isem1), (gsem0, gsem1), (ssem0, ssem1)

    def full16(v):
        return jnp.full((16,), v, jnp.int32)

    @pl.when(core == 0)
    def _gat():
        pltpu.sync_copy(initgat_hbm.at[pl.ds(r0, NPT)], acc_s.at[pl.ds(r0, NPT)])
        pltpu.sync_copy(exself_hbm.at[pl.ds(r0, NPT)], den_s.at[pl.ds(r0, NPT)])
        def _zero(k, carry):
            for col in range(4, 8):
                for b in exbuf2:
                    plsc.store_scatter(b, [lanes0 + k * 16, full16(col)],
                                       jnp.zeros((16,), jnp.float32))
            return carry
        lax.fori_loop(0, CHUNK // 16, _zero, 0)
        plsc.subcore_barrier()
        _edge_pipeline(True, tile, src_hbm, dst_hbm, xw_hbm, asd_hbm,
                       acc_s, den_s, rows2, asrc2, adst2, exbuf2, dis_v,
                       src2, dst2, dscat2, isems, gsems, ssems)
        plsc.subcore_barrier()
        pltpu.sync_copy(acc_s.at[pl.ds(r0, NPT)], num_out.at[pl.ds(r0, NPT)])
        pltpu.sync_copy(den_s.at[pl.ds(r0, NPT)], den_out.at[pl.ds(r0, NPT)])

    @pl.when(core == 1)
    def _gcn():
        pltpu.sync_copy(z128_hbm.at[pl.ds(r0, NPT)], acc_s.at[pl.ds(r0, NPT)])
        pltpu.sync_copy(z8_hbm.at[pl.ds(r0, NPT)], den_s.at[pl.ds(r0, NPT)])
        def _ones(k, carry):
            for col in range(8):
                plsc.store_scatter(ones_v, [lanes0 + k * 16, full16(col)],
                                   jnp.ones((16,), jnp.float32))
            return carry
        lax.fori_loop(0, CHUNK // 16, _ones, 0)
        plsc.subcore_barrier()

        def startA(c, p):
            off = tile * EPT + c * CHUNK
            pltpu.async_copy(dst_hbm.at[pl.ds(off, CHUNK)], dst2[p], isems[p])
        def waitAidx(p):
            pltpu.make_async_copy(dst_hbm.at[pl.ds(0, CHUNK)], dst2[p], isems[p]).wait()
        def waitAsc(p):
            pltpu.make_async_copy(ones_v, den_s.at[dscat2[p]], ssems[p]).wait()
        startA(0, 0)
        startA(1, 1)
        def _dbody(i, carry):
            for p in (0, 1):
                ci = 2 * i + p
                waitAidx(p)
                pl.when(i > 0)(lambda: waitAsc(p))
                for g in range(CHUNK // 16):
                    dscat2[p][pl.ds(g * 16, 16)] = dst2[p][pl.ds(g * 16, 16)]
                startA(ci + 2, p)
                pltpu.async_copy(ones_v, den_s.at[dscat2[p]], ssems[p], add=True)
            return carry
        lax.fori_loop(0, NCHUNK // 2, _dbody, 0)
        for p in (0, 1):
            waitAidx(p)
            waitAsc(p)
        plsc.subcore_barrier()
        @pl.when(tile == 0)
        def _wdeg():
            pltpu.sync_copy(den_s, deg_out)

        pltpu.sync_copy(den_s.at[pl.ds(r0, NPT)], deg_v)
        def _newton(j, carry):
            idx = lanes0 + j * 16
            dv = plsc.load_gather(deg_v, [idx, full16(0)])
            xx = dv + 1.0
            ii = plsc.bitcast(xx, jnp.int32)
            ii = jnp.int32(0x5F3759DF) - (ii >> 1)
            y = plsc.bitcast(ii, jnp.float32)
            for _ in range(3):
                y = y * (1.5 - (0.5 * xx) * (y * y))
            plsc.store_scatter(dis640_v, [idx], y)
            return carry
        lax.fori_loop(0, NPT // 16, _newton, 0)
        pltpu.sync_copy(dis640_v, dis_s.at[pl.ds(r0, NPT)])
        plsc.subcore_barrier()
        pltpu.sync_copy(dis_s, dis_v)

        _edge_pipeline(False, tile, src_hbm, dst_hbm, xg_hbm, asd_hbm,
                       acc_s, den_s, rows2, asrc2, adst2, exbuf2, dis_v,
                       src2, dst2, dscat2, isems, gsems, ssems)
        plsc.subcore_barrier()
        pltpu.sync_copy(acc_s.at[pl.ds(r0, NPT)], u_out.at[pl.ds(r0, NPT)])


@jax.jit
def kernel(x, edge_index, W_gat, att_src, att_dst, b_gat, W_gcn, b_gcn,
           W_gate, b_gate, gamma, beta):
    n = NPAD
    mask = (jnp.arange(D)[:, None] // C == jnp.arange(H)[None, :]).astype(jnp.float32)
    A_src = mask * att_src.reshape(-1)[:, None]
    A_dst = mask * att_dst.reshape(-1)[:, None]
    R = mask.T
    pad = jnp.zeros((2 * CHUNK,), jnp.int32)
    src = jnp.concatenate([edge_index[0], pad])
    dst = jnp.concatenate([edge_index[1], pad])
    x = jnp.pad(x, ((0, NPAD - N_NODES), (0, 0)))
    z128 = jnp.zeros((n, D), jnp.float32)
    z8 = jnp.zeros((n, 8), jnp.float32)

    blk = 1024
    grid = (n // blk,)
    row_spec = pl.BlockSpec((blk, D), lambda i: (i, 0))
    full = lambda s: pl.BlockSpec(s, lambda i: tuple(0 for _ in s))
    xw, asd, ex_self, init_gat, xg = pl.pallas_call(
        _tc_pre_body,
        grid=grid,
        in_specs=[row_spec, full((D, D)), full((D, H)), full((D, H)),
                  full((H, D)), full((D, D))],
        out_specs=[row_spec, pl.BlockSpec((blk, 2 * H), lambda i: (i, 0)),
                   pl.BlockSpec((blk, 8), lambda i: (i, 0)), row_spec, row_spec],
        out_shape=[jax.ShapeDtypeStruct((n, D), jnp.float32),
                   jax.ShapeDtypeStruct((n, 2 * H), jnp.float32),
                   jax.ShapeDtypeStruct((n, 8), jnp.float32),
                   jax.ShapeDtypeStruct((n, D), jnp.float32),
                   jax.ShapeDtypeStruct((n, D), jnp.float32)],
    )(x, W_gat, A_src, A_dst, R, W_gcn)

    mesh = plsc.VectorSubcoreMesh(core_axis_name="c", subcore_axis_name="s")
    sc = pl.kernel(
        _sc_body,
        out_type=[jax.ShapeDtypeStruct((n, D), jnp.float32),
                  jax.ShapeDtypeStruct((n, 8), jnp.float32),
                  jax.ShapeDtypeStruct((n, D), jnp.float32),
                  jax.ShapeDtypeStruct((n, 8), jnp.float32)],
        mesh=mesh,
        compiler_params=pltpu.CompilerParams(needs_layout_passes=False, use_tc_tiling_on_sc=False),
        scratch_types=[
            pltpu.VMEM_SHARED((NPAD, D), jnp.float32),
            pltpu.VMEM_SHARED((NPAD, 8), jnp.float32),
            pltpu.VMEM_SHARED((NPAD,), jnp.float32),
            pltpu.VMEM((CHUNK, D), jnp.float32),
            pltpu.VMEM((CHUNK, D), jnp.float32),
            pltpu.VMEM((CHUNK, 8), jnp.float32),
            pltpu.VMEM((CHUNK, 8), jnp.float32),
            pltpu.VMEM((CHUNK, 8), jnp.float32),
            pltpu.VMEM((CHUNK, 8), jnp.float32),
            pltpu.VMEM((CHUNK, 8), jnp.float32),
            pltpu.VMEM((CHUNK, 8), jnp.float32),
            pltpu.VMEM((CHUNK, 8), jnp.float32),
            pltpu.VMEM((NPAD,), jnp.float32),
            pltpu.VMEM((NPT, 8), jnp.float32),
            pltpu.VMEM((NPT,), jnp.float32),
            pltpu.VMEM((CHUNK,), jnp.int32),
            pltpu.VMEM((CHUNK,), jnp.int32),
            pltpu.VMEM((CHUNK,), jnp.int32),
            pltpu.VMEM((CHUNK,), jnp.int32),
            pltpu.VMEM((CHUNK,), jnp.int32),
            pltpu.VMEM((CHUNK,), jnp.int32),
            pltpu.SemaphoreType.DMA,
            pltpu.SemaphoreType.DMA,
            pltpu.SemaphoreType.DMA,
            pltpu.SemaphoreType.DMA,
            pltpu.SemaphoreType.DMA,
            pltpu.SemaphoreType.DMA,
        ],
    )
    num, den8, u, deg8 = sc(src, dst, asd, xw, xg, ex_self, init_gat, z128, z8)

    out = pl.pallas_call(
        _tc_post_body,
        grid=grid,
        in_specs=[row_spec, pl.BlockSpec((blk, 8), lambda i: (i, 0)), row_spec,
                  pl.BlockSpec((blk, 8), lambda i: (i, 0)), row_spec, row_spec,
                  full((H, D)), full((D, 2)), full((D, 2)), full((1, 2)),
                  full((1, D)), full((1, D)), full((1, D)), full((1, D))],
        out_specs=row_spec,
        out_shape=jax.ShapeDtypeStruct((n, D), jnp.float32),
    )(num, den8, u, deg8, xg, x, R,
      W_gate[:D], W_gate[D:], b_gate.reshape(1, 2), b_gat.reshape(1, D),
      b_gcn.reshape(1, D), gamma.reshape(1, D), beta.reshape(1, D))
    return out[:N_NODES]

# --- scband reference (transcript-rebuilt; emitter-appended) ---
"""Pipeline reference for scband-graph-layer-17746804867118 (READ-ONLY COPY).

The authoritative reference and input builder live on the scoring server;
editing this copy changes nothing except your own understanding.
"""

import jax, jax.numpy as jnp
import numpy as np

N = 10000
E = 320000
D = 128
H = 4
C = 32


def setup_inputs(seed: int = 0):
    key = jax.random.key(seed)
    ks = jax.random.split(key, 8)
    x = jax.random.normal(ks[0], (N, D), dtype=jnp.float32)
    edge_index = jax.random.randint(ks[1], (2, E), 0, N, dtype=jnp.int32)
    s = 1.0 / np.sqrt(D)
    W_gat = jax.random.uniform(ks[2], (D, H * C), jnp.float32, -s, s)
    att_src = jax.random.uniform(ks[3], (H, C), jnp.float32, -s, s)
    att_dst = jax.random.uniform(ks[4], (H, C), jnp.float32, -s, s)
    b_gat = jnp.zeros((H * C,), jnp.float32)
    W_gcn = jax.random.uniform(ks[5], (D, D), jnp.float32, -s, s)
    b_gcn = jnp.zeros((D,), jnp.float32)
    sg = 1.0 / np.sqrt(2 * D)
    W_gate = jax.random.uniform(ks[6], (2 * D, 2), jnp.float32, -sg, sg)
    b_gate = jnp.zeros((2,), jnp.float32)
    gamma = jnp.ones((D,), jnp.float32)
    beta = jnp.zeros((D,), jnp.float32)
    return {"x": x, "edge_index": edge_index, "W_gat": W_gat, "att_src": att_src,
            "att_dst": att_dst, "b_gat": b_gat, "W_gcn": W_gcn, "b_gcn": b_gcn,
            "W_gate": W_gate, "b_gate": b_gate, "gamma": gamma, "beta": beta}


def reference(x, edge_index, W_gat, att_src, att_dst, b_gat, W_gcn, b_gcn, W_gate, b_gate, gamma, beta):
    loops = jnp.arange(N, dtype=edge_index.dtype)
    src = jnp.concatenate([edge_index[0], loops])
    dst = jnp.concatenate([edge_index[1], loops])
    # --- GATConv (heads=4, concat=True, add_self_loops=True) ---
    xw = (x @ W_gat).reshape(N, H, C)
    a_s = (xw * att_src[None, :, :]).sum(-1)  # [N, H]
    a_d = (xw * att_dst[None, :, :]).sum(-1)  # [N, H]
    alpha = a_s[src] + a_d[dst]               # [Et, H]
    alpha = jnp.where(alpha > 0, alpha, 0.2 * alpha)  # leaky_relu(0.2)
    amax = jax.ops.segment_max(alpha, dst, num_segments=N)
    amax = jnp.where(jnp.isfinite(amax), amax, 0.0)
    ex = jnp.exp(alpha - amax[dst])
    den = jax.ops.segment_sum(ex, dst, num_segments=N)
    w = ex / (den[dst] + 1e-16)
    gat_out = jax.ops.segment_sum(xw[src] * w[:, :, None], dst, num_segments=N).reshape(N, H * C) + b_gat
    # --- GCNConv (add_self_loops=True, sym norm) ---
    xg = x @ W_gcn
    deg = jax.ops.segment_sum(jnp.ones(src.shape[0], dtype=jnp.float32), dst, num_segments=N)
    dis = jnp.where(deg > 0, 1.0 / jnp.sqrt(deg), 0.0)
    norm = dis[src] * dis[dst]
    gcn_out = jax.ops.segment_sum(xg[src] * norm[:, None], dst, num_segments=N) + b_gcn
    # --- gate + residual + layernorm ---
    cat = jnp.concatenate([gat_out, gcn_out], axis=1)
    gw = jax.nn.softmax(cat @ W_gate + b_gate, axis=-1)
    out = gw[:, 0:1] * gat_out + gw[:, 1:2] * gcn_out
    y = out + x
    mu = y.mean(-1, keepdims=True)
    var = y.var(-1, keepdims=True)
    return gamma * (y - mu) / jnp.sqrt(var + 1e-5) + beta

if __name__ == "__main__":
    import jax
    _d = setup_inputs()
    print(jax.jit(kernel)(*tuple(_d.values())))

</pallas_src>

<mosaic_0001>
#map = affine_map<(d0, d1) -> (0)>
#map1 = affine_map<(d0, d1) -> (0, 0)>
module attributes {stable_mosaic.version = 14 : i64} {
  func.func @_sc_body(%arg0: i32, %arg1: i32, %arg2: memref<320160xi32, #tpu.memory_space<hbm>>, %arg3: memref<320160xi32, #tpu.memory_space<hbm>>, %arg4: memref<10240x8xf32, #tpu.memory_space<hbm>>, %arg5: memref<10240x128xf32, #tpu.memory_space<hbm>>, %arg6: memref<10240x128xf32, #tpu.memory_space<hbm>>, %arg7: memref<10240x8xf32, #tpu.memory_space<hbm>>, %arg8: memref<10240x128xf32, #tpu.memory_space<hbm>>, %arg9: memref<10240x128xf32, #tpu.memory_space<hbm>>, %arg10: memref<10240x8xf32, #tpu.memory_space<hbm>>, %arg11: memref<10240x128xf32, #tpu.memory_space<hbm>>, %arg12: memref<10240x8xf32, #tpu.memory_space<hbm>>, %arg13: memref<10240x128xf32, #tpu.memory_space<hbm>>, %arg14: memref<10240x8xf32, #tpu.memory_space<hbm>>, %arg15: memref<10240x128xf32, #tpu.memory_space<vmem_shared>>, %arg16: memref<10240x8xf32, #tpu.memory_space<vmem_shared>>, %arg17: memref<10240xf32, #tpu.memory_space<vmem_shared>>, %arg18: memref<80x128xf32, #tpu.memory_space<vmem>>, %arg19: memref<80x128xf32, #tpu.memory_space<vmem>>, %arg20: memref<80x8xf32, #tpu.memory_space<vmem>>, %arg21: memref<80x8xf32, #tpu.memory_space<vmem>>, %arg22: memref<80x8xf32, #tpu.memory_space<vmem>>, %arg23: memref<80x8xf32, #tpu.memory_space<vmem>>, %arg24: memref<80x8xf32, #tpu.memory_space<vmem>>, %arg25: memref<80x8xf32, #tpu.memory_space<vmem>>, %arg26: memref<80x8xf32, #tpu.memory_space<vmem>>, %arg27: memref<10240xf32, #tpu.memory_space<vmem>>, %arg28: memref<640x8xf32, #tpu.memory_space<vmem>>, %arg29: memref<640xf32, #tpu.memory_space<vmem>>, %arg30: memref<80xi32, #tpu.memory_space<vmem>>, %arg31: memref<80xi32, #tpu.memory_space<vmem>>, %arg32: memref<80xi32, #tpu.memory_space<vmem>>, %arg33: memref<80xi32, #tpu.memory_space<vmem>>, %arg34: memref<80xi32, #tpu.memory_space<vmem>>, %arg35: memref<80xi32, #tpu.memory_space<vmem>>, %arg36: memref<!tpu.dma_semaphore, #tpu.memory_space<semaphore_mem>>, %arg37: memref<!tpu.dma_semaphore, #tpu.memory_space<semaphore_mem>>, %arg38: memref<!tpu.dma_semaphore, #tpu.memory_space<semaphore_mem>>, %arg39: memref<!tpu.dma_semaphore, #tpu.memory_space<semaphore_mem>>, %arg40: memref<!tpu.dma_semaphore, #tpu.memory_space<semaphore_mem>>, %arg41: memref<!tpu.dma_semaphore, #tpu.memory_space<semaphore_mem>>) attributes {dimension_semantics = [#tpu.dimension_semantics<core_parallel>, #tpu.dimension_semantics<subcore_parallel>], iteration_bounds = array<i64: 2, 16>, scalar_prefetch = 0 : i64, scratch_operands = 27 : i64, tpu.core_type = #tpu.core_type<sc_vector_subcore>, window_params = [{transform_indices = #map}, {transform_indices = #map}, {transform_indices = #map1}, {transform_indices = #map1}, {transform_indices = #map1}, {transform_indices = #map1}, {transform_indices = #map1}, {transform_indices = #map1}, {transform_indices = #map1}, {transform_indices = #map1}, {transform_indices = #map1}, {transform_indices = #map1}, {transform_indices = #map1}]} {
    %mul3A = arith.constant 640 : i32
    %mul3A_0 = arith.muli %arg1, %mul3A : i32
    %iota3A = tpu.iota {dimensions = array<i32: 0>} : vector<16xi32>
    %eq3A = arith.constant 0 : i32
    %eq3A_1 = arith.cmpi eq, %arg0, %eq3A : i32
    %convert_element_type3A = arith.extui %eq3A_1 : i1 to i32
    %cond3A = arith.constant 0 : i32
    %cond3A_2 = arith.cmpi ne, %convert_element_type3A, %cond3A : i32
    scf.if %cond3A_2 {
      "tpu.region"() ({
        %run_scoped3A = tpu.sem_alloc : memref<!tpu.dma_semaphore, #tpu.memory_space<semaphore_mem>>
        %dma_start3A_74 = arith.constant 0 : i32
        %dma_start3A_75 = tpu.memref_slice %arg15[%mul3A_0, %dma_start3A_74] : memref<10240x128xf32, #tpu.memory_space<vmem_shared>> -> memref<640x128xf32, #tpu.memory_space<vmem_shared>>
        %dma_start3A_76 = arith.constant 0 : i32
        %dma_start3A_77 = tpu.memref_slice %arg8[%mul3A_0, %dma_start3A_76] : memref<10240x128xf32, #tpu.memory_space<hbm>> -> memref<640x128xf32, #tpu.memory_space<hbm>>
        tpu.enqueue_dma source(%dma_start3A_77 : memref<640x128xf32, #tpu.memory_space<hbm>>) target(%dma_start3A_75 : memref<640x128xf32, #tpu.memory_space<vmem_shared>>) target_semaphore(%run_scoped3A : memref<!tpu.dma_semaphore, #tpu.memory_space<semaphore_mem>>)
        %dma_wait3A_78 = arith.constant 0 : i32
        %dma_wait3A_79 = tpu.memref_slice %arg15[%mul3A_0, %dma_wait3A_78] : memref<10240x128xf32, #tpu.memory_space<vmem_shared>> -> memref<640x128xf32, #tpu.memory_space<vmem_shared>>
        %dma_wait3A_80 = arith.constant 0 : i32
        %dma_wait3A_81 = tpu.memref_slice %arg8[%mul3A_0, %dma_wait3A_80] : memref<10240x128xf32, #tpu.memory_space<hbm>> -> memref<640x128xf32, #tpu.memory_space<hbm>>
        tpu.wait_dma2 semaphore(%run_scoped3A : memref<!tpu.dma_semaphore, #tpu.memory_space<semaphore_mem>>) src(%dma_wait3A_81 : memref<640x128xf32, #tpu.memory_space<hbm>>) dst(%dma_wait3A_79 : memref<640x128xf32, #tpu.memory_space<vmem_shared>>)
        tpu.yield
      }) : () -> ()
      "tpu.region"() ({
        %run_scoped3A = tpu.sem_alloc : memref<!tpu.dma_semaphore, #tpu.memory_space<semaphore_mem>>
        %dma_start3A_74 = arith.constant 0 : i32
        %dma_start3A_75 = tpu.memref_slice %arg16[%mul3A_0, %dma_start3A_74] : memref<10240x8xf32, #tpu.memory_space<vmem_shared>> -> memref<640x8xf32, #tpu.memory_space<vmem_shared>>
        %dma_start3A_76 = arith.constant 0 : i32
        %dma_start3A_77 = tpu.memref_slice %arg7[%mul3A_0, %dma_start3A_76] : memref<10240x8xf32, #tpu.memory_space<hbm>> -> memref<640x8xf32, #tpu.memory_space<hbm>>
        tpu.enqueue_dma source(%dma_start3A_77 : memref<640x8xf32, #tpu.memory_space<hbm>>) target(%dma_start3A_75 : memref<640x8xf32, #tpu.memory_space<vmem_shared>>) target_semaphore(%run_scoped3A : memref<!tpu.dma_semaphore, #tpu.memory_space<semaphore_mem>>)
        %dma_wait3A_78 = arith.constant 0 : i32
        %dma_wait3A_79 = tpu.memref_slice %arg16[%mul3A_0, %dma_wait3A_78] : memref<10240x8xf32, #tpu.memory_space<vmem_shared>> -> memref<640x8xf32, #tpu.memory_space<vmem_shared>>
        %dma_wait3A_80 = arith.constant 0 : i32
        %dma_wait3A_81 = tpu.memref_slice %arg7[%mul3A_0, %dma_wait3A_80] : memref<10240x8xf32, #tpu.memory_space<hbm>> -> memref<640x8xf32, #tpu.memory_space<hbm>>
        tpu.wait_dma2 semaphore(%run_scoped3A : memref<!tpu.dma_semaphore, #tpu.memory_space<semaphore_mem>>) src(%dma_wait3A_81 : memref<640x8xf32, #tpu.memory_space<hbm>>) dst(%dma_wait3A_79 : memref<640x8xf32, #tpu.memory_space<vmem_shared>>)
        tpu.yield
      }) : () -> ()
      %scan3A = arith.constant 0 : i32
      %scan3A_8 = arith.constant 0 : i32
      %scan3A_9 = arith.constant 5 : i32
      %scan3A_10 = arith.addi %scan3A_8, %scan3A_9 : i32
      %scan3A_11 = arith.constant 1 : i32
      scf.for %scan3A_74 = %scan3A_8 to %scan3A_10 step %scan3A_11  : i32 {
        %mul3A_75 = arith.constant 16 : i32
        %mul3A_76 = arith.muli %scan3A_74, %mul3A_75 : i32
        %add3A_77 = vector.broadcast %mul3A_76 : i32 to vector<16xi32>
        %add3A_78 = arith.addi %iota3A, %add3A_77 : vector<16xi32>
        %broadcast_in_dim3A = arith.constant 4 : i32
        %broadcast_in_dim3A_79 = vector.broadcast %broadcast_in_dim3A : i32 to vector<16xi32>
        %broadcast_in_dim3A_80 = arith.constant 0.000000e+00 : f32
        %broadcast_in_dim3A_81 = vector.broadcast %broadcast_in_dim3A_80 : f32 to vector<16xf32>
        tpu.vector_store_idx %arg24[%add3A_78, %broadcast_in_dim3A_79], %broadcast_in_dim3A_81 : memref<80x8xf32, #tpu.memory_space<vmem>>[vector<16xi32>, vector<16xi32>], vector<16xf32>,
        %mul3A_82 = arith.constant 16 : i32
        %mul3A_83 = arith.muli %scan3A_74, %mul3A_82 : i32
        %add3A_84 = vector.broadcast %mul3A_83 : i32 to vector<16xi32>
        %add3A_85 = arith.addi %iota3A, %add3A_84 : vector<16xi32>
        %broadcast_in_dim3A_86 = arith.constant 4 : i32
        %broadcast_in_dim3A_87 = vector.broadcast %broadcast_in_dim3A_86 : i32 to vector<16xi32>
        %broadcast_in_dim3A_88 = arith.constant 0.000000e+00 : f32
        %broadcast_in_dim3A_89 = vector.broadcast %broadcast_in_dim3A_88 : f32 to vector<16xf32>
        tpu.vector_store_idx %arg25[%add3A_85, %broadcast_in_dim3A_87], %broadcast_in_dim3A_89 : memref<80x8xf32, #tpu.memory_space<vmem>>[vector<16xi32>, vector<16xi32>], vector<16xf32>,
        %mul3A_90 = arith.constant 16 : i32
        %mul3A_91 = arith.muli %scan3A_74, %mul3A_90 : i32
        %add3A_92 = vector.broadcast %mul3A_91 : i32 to vector<16xi32>
        %add3A_93 = arith.addi %iota3A, %add3A_92 : vector<16xi32>
        %broadcast_in_dim3A_94 = arith.constant 5 : i32
        %broadcast_in_dim3A_95 = vector.broadcast %broadcast_in_dim3A_94 : i32 to vector<16xi32>
        %broadcast_in_dim3A_96 = arith.constant 0.000000e+00 : f32
        %broadcast_in_dim3A_97 = vector.broadcast %broadcast_in_dim3A_96 : f32 to vector<16xf32>
        tpu.vector_store_idx %arg24[%add3A_93, %broadcast_in_dim3A_95], %broadcast_in_dim3A_97 : memref<80x8xf32, #tpu.memory_space<vmem>>[vector<16xi32>, vector<16xi32>], vector<16xf32>,
        %mul3A_98 = arith.constant 16 : i32
        %mul3A_99 = arith.muli %scan3A_74, %mul3A_98 : i32
        %add3A_100 = vector.broadcast %mul3A_99 : i32 to vector<16xi32>
        %add3A_101 = arith.addi %iota3A, %add3A_100 : vector<16xi32>
        %broadcast_in_dim3A_102 = arith.constant 5 : i32
        %broadcast_in_dim3A_103 = vector.broadcast %broadcast_in_dim3A_102 : i32 to vector<16xi32>
        %broadcast_in_dim3A_104 = arith.constant 0.000000e+00 : f32
        %broadcast_in_dim3A_105 = vector.broadcast %broadcast_in_dim3A_104 : f32 to vector<16xf32>
        tpu.vector_store_idx %arg25[%add3A_101, %broadcast_in_dim3A_103], %broadcast_in_dim3A_105 : memref<80x8xf32, #tpu.memory_space<vmem>>[vector<16xi32>, vector<16xi32>], vector<16xf32>,
        %mul3A_106 = arith.constant 16 : i32
        %mul3A_107 = arith.muli %scan3A_74, %mul3A_106 : i32
        %add3A_108 = vector.broadcast %mul3A_107 : i32 to vector<16xi32>
        %add3A_109 = arith.addi %iota3A, %add3A_108 : vector<16xi32>
        %broadcast_in_dim3A_110 = arith.constant 6 : i32
        %broadcast_in_dim3A_111 = vector.broadcast %broadcast_in_dim3A_110 : i32 to vector<16xi32>
        %broadcast_in_dim3A_112 = arith.constant 0.000000e+00 : f32
        %broadcast_in_dim3A_113 = vector.broadcast %broadcast_in_dim3A_112 : f32 to vector<16xf32>
        tpu.vector_store_idx %arg24[%add3A_109, %broadcast_in_dim3A_111], %broadcast_in_dim3A_113 : memref<80x8xf32, #tpu.memory_space<vmem>>[vector<16xi32>, vector<16xi32>], vector<16xf32>,
        %mul3A_114 = arith.constant 16 : i32
        %mul3A_115 = arith.muli %scan3A_74, %mul3A_114 : i32
        %add3A_116 = vector.broadcast %mul3A_115 : i32 to vector<16xi32>
        %add3A_117 = arith.addi %iota3A, %add3A_116 : vector<16xi32>
        %broadcast_in_dim3A_118 = arith.constant 6 : i32
        %broadcast_in_dim3A_119 = vector.broadcast %broadcast_in_dim3A_118 : i32 to vector<16xi32>
        %broadcast_in_dim3A_120 = arith.constant 0.000000e+00 : f32
        %broadcast_in_dim3A_121 = vector.broadcast %broadcast_in_dim3A_120 : f32 to vector<16xf32>
        tpu.vector_store_idx %arg25[%add3A_117, %broadcast_in_dim3A_119], %broadcast_in_dim3A_121 : memref<80x8xf32, #tpu.memory_space<vmem>>[vector<16xi32>, vector<16xi32>], vector<16xf32>,
        %mul3A_122 = arith.constant 16 : i32
        %mul3A_123 = arith.muli %scan3A_74, %mul3A_122 : i32
        %add3A_124 = vector.broadcast %mul3A_123 : i32 to vector<16xi32>
        %add3A_125 = arith.addi %iota3A, %add3A_124 : vector<16xi32>
        %broadcast_in_dim3A_126 = arith.constant 7 : i32
        %broadcast_in_dim3A_127 = vector.broadcast %broadcast_in_dim3A_126 : i32 to vector<16xi32>
        %broadcast_in_dim3A_128 = arith.constant 0.000000e+00 : f32
        %broadcast_in_dim3A_129 = vector.broadcast %broadcast_in_dim3A_128 : f32 to vector<16xf32>
        tpu.vector_store_idx %arg24[%add3A_125, %broadcast_in_dim3A_127], %broadcast_in_dim3A_129 : memref<80x8xf32, #tpu.memory_space<vmem>>[vector<16xi32>, vector<16xi32>], vector<16xf32>,
        %mul3A_130 = arith.constant 16 : i32
        %mul3A_131 = arith.muli %scan3A_74, %mul3A_130 : i32
        %add3A_132 = vector.broadcast %mul3A_131 : i32 to vector<16xi32>
        %add3A_133 = arith.addi %iota3A, %add3A_132 : vector<16xi32>
        %broadcast_in_dim3A_134 = arith.constant 7 : i32
        %broadcast_in_dim3A_135 = vector.broadcast %broadcast_in_dim3A_134 : i32 to vector<16xi32>
        %broadcast_in_dim3A_136 = arith.constant 0.000000e+00 : f32
        %broadcast_in_dim3A_137 = vector.broadcast %broadcast_in_dim3A_136 : f32 to vector<16xf32>
        tpu.vector_store_idx %arg25[%add3A_133, %broadcast_in_dim3A_135], %broadcast_in_dim3A_137 : memref<80x8xf32, #tpu.memory_space<vmem>>[vector<16xi32>, vector<16xi32>], vector<16xf32>,
      }
      %scan3A_12 = arith.constant 5 : i32
      %barrier3A = arith.constant 0 : index
      tpu.barrier barrier_id(%barrier3A)
      %iota3A_13 = tpu.iota {dimensions = array<i32: 0>} : vector<16xi32>
      %mul3A_14 = arith.constant 20000 : i32
      %mul3A_15 = arith.muli %arg1, %mul3A_14 : i32
      %add3A = arith.constant 0 : i32
      %add3A_16 = arith.addi %mul3A_15, %add3A : i32
      %dma_start3A = tpu.memref_slice %arg2[%add3A_16] : memref<320160xi32, #tpu.memory_space<hbm>> -> memref<80xi32, #tpu.memory_space<hbm>>
      %dma_start3A_17 = tpu.memref_slice %arg2[%add3A_16] : memref<320160xi32, #tpu.memory_space<hbm>> -> memref<80xi32, #tpu.memory_space<hbm>>
      tpu.enqueue_dma source(%dma_start3A_17 : memref<80xi32, #tpu.memory_space<hbm>>) target(%arg30 : memref<80xi32, #tpu.memory_space<vmem>>) target_semaphore(%arg36 : memref<!tpu.dma_semaphore, #tpu.memory_space<semaphore_mem>>)
      %dma_start3A_18 = tpu.memref_slice %arg3[%add3A_16] : memref<320160xi32, #tpu.memory_space<hbm>> -> memref<80xi32, #tpu.memory_space<hbm>>
      %dma_start3A_19 = tpu.memref_slice %arg3[%add3A_16] : memref<320160xi32, #tpu.memory_space<hbm>> -> memref<80xi32, #tpu.memory_space<hbm>>
      tpu.enqueue_dma source(%dma_start3A_19 : memref<80xi32, #tpu.memory_space<hbm>>) target(%arg32 : memref<80xi32, #tpu.memory_space<vmem>>) target_semaphore(%arg36 : memref<!tpu.dma_semaphore, #tpu.memory_space<semaphore_mem>>)
      %dma_wait3A = arith.constant 0 : i32
      %dma_wait3A_20 = tpu.memref_slice %arg2[%dma_wait3A] : memref<320160xi32, #tpu.memory_space<hbm>> -> memref<80xi32, #tpu.memory_space<hbm>>
      %dma_wait3A_21 = arith.constant 0 : i32
      %dma_wait3A_22 = tpu.memref_slice %arg2[%dma_wait3A_21] : memref<320160xi32, #tpu.memory_space<hbm>> -> memref<80xi32, #tpu.memory_space<hbm>>
      tpu.wait_dma2 semaphore(%arg36 : memref<!tpu.dma_semaphore, #tpu.memory_space<semaphore_mem>>) src(%dma_wait3A_22 : memref<80xi32, #tpu.memory_space<hbm>>) dst(%arg30 : memref<80xi32, #tpu.memory_space<vmem>>)
      %dma_wait3A_23 = arith.constant 0 : i32
      %dma_wait3A_24 = tpu.memref_slice %arg3[%dma_wait3A_23] : memref<320160xi32, #tpu.memory_space<hbm>> -> memref<80xi32, #tpu.memory_space<hbm>>
      %dma_wait3A_25 = arith.constant 0 : i32
      %dma_wait3A_26 = tpu.memref_slice %arg3[%dma_wait3A_25] : memref<320160xi32, #tpu.memory_space<hbm>> -> memref<80xi32, #tpu.memory_space<hbm>>
      tpu.wait_dma2 semaphore(%arg36 : memref<!tpu.dma_semaphore, #tpu.memory_space<semaphore_mem>>) src(%dma_wait3A_26 : memref<80xi32, #tpu.memory_space<hbm>>) dst(%arg32 : memref<80xi32, #tpu.memory_space<vmem>>)
      %dma_start3A_27 = arith.constant 0 : i32
      %dma_start3A_28 = arith.constant 0 : i32
      %dma_start3A_29 = tpu.memref_slice %arg5[%dma_start3A_27, %dma_start3A_28] : memref<10240x128xf32, #tpu.memory_space<hbm>> -> memref<10240x128xf32, #tpu.memory_space<hbm>>
      tpu.enqueue_indirect_dma source(%dma_start3A_29 : memref<10240x128xf32, #tpu.memory_space<hbm>>) target(%arg18 : memref<80x128xf32, #tpu.memory_space<vmem>>) offsets(%arg30 : memref<80xi32, #tpu.memory_space<vmem>>) semaphore(%arg38 : memref<!tpu.dma_semaphore, #tpu.memory_space<semaphore_mem>>)
      %dma_start3A_30 = arith.constant 0 : i32
      %dma_start3A_31 = arith.constant 0 : i32
      %dma_start3A_32 = tpu.memref_slice %arg4[%dma_start3A_30, %dma_start3A_31] : memref<10240x8xf32, #tpu.memory_space<hbm>> -> memref<10240x8xf32, #tpu.memory_space<hbm>>
      tpu.enqueue_indirect_dma source(%dma_start3A_32 : memref<10240x8xf32, #tpu.memory_space<hbm>>) target(%arg20 : memref<80x8xf32, #tpu.memory_space<vmem>>) offsets(%arg30 : memref<80xi32, #tpu.memory_space<vmem>>) semaphore(%arg38 : memref<!tpu.dma_semaphore, #tpu.memory_space<semaphore_mem>>)
      %dma_start3A_33 = arith.constant 0 : i32
      %dma_start3A_34 = arith.constant 0 : i32
      %dma_start3A_35 = tpu.memref_slice %arg4[%dma_start3A_33, %dma_start3A_34] : memref<10240x8xf32, #tpu.memory_space<hbm>> -> memref<10240x8xf32, #tpu.memory_space<hbm>>
      tpu.enqueue_indirect_dma source(%dma_start3A_35 : memref<10240x8xf32, #tpu.memory_space<hbm>>) target(%arg22 : memref<80x8xf32, #tpu.memory_space<vmem>>) offsets(%arg32 : memref<80xi32, #tpu.memory_space<vmem>>) semaphore(%arg38 : memref<!tpu.dma_semaphore, #tpu.memory_space<semaphore_mem>>)
      %mul3A_36 = arith.constant 20000 : i32
      %mul3A_37 = arith.muli %arg1, %mul3A_36 : i32
      %add3A_38 = arith.constant 80 : i32
      %add3A_39 = arith.addi %mul3A_37, %add3A_38 : i32
      %dma_start3A_40 = tpu.memref_slice %arg2[%add3A_39] : memref<320160xi32, #tpu.memory_space<hbm>> -> memref<80xi32, #tpu.memory_space<hbm>>
      %dma_start3A_41 = tpu.memref_slice %arg2[%add3A_39] : memref<320160xi32, #tpu.memory_space<hbm>> -> memref<80xi32, #tpu.memory_space<hbm>>
      tpu.enqueue_dma source(%dma_start3A_41 : memref<80xi32, #tpu.memory_space<hbm>>) target(%arg31 : memref<80xi32, #tpu.memory_space<vmem>>) target_semaphore(%arg37 : memref<!tpu.dma_semaphore, #tpu.memory_space<semaphore_mem>>)
      %dma_start3A_42 = tpu.memref_slice %arg3[%add3A_39] : memref<320160xi32, #tpu.memory_space<hbm>> -> memref<80xi32, #tpu.memory_space<hbm>>
      %dma_start3A_43 = tpu.memref_slice %arg3[%add3A_39] : memref<320160xi32, #tpu.memory_space<hbm>> -> memref<80xi32, #tpu.memory_space<hbm>>
      tpu.enqueue_dma source(%dma_start3A_43 : memref<80xi32, #tpu.memory_space<hbm>>) target(%arg33 : memref<80xi32, #tpu.memory_space<vmem>>) target_semaphore(%arg37 : memref<!tpu.dma_semaphore, #tpu.memory_space<semaphore_mem>>)
      %scan3A_44 = arith.constant 0 : i32
      %scan3A_45 = arith.constant 0 : i32
      %scan3A_46 = arith.constant 125 : i32
      %scan3A_47 = arith.addi %scan3A_45, %scan3A_46 : i32
      %scan3A_48 = arith.constant 1 : i32
      scf.for %scan3A_74 = %scan3A_45 to %scan3A_47 step %scan3A_48  : i32 {
        %mul3A_75 = arith.constant 2 : i32
        %mul3A_76 = arith.muli %mul3A_75, %scan3A_74 : i32
        %add3A_77 = arith.constant 0 : i32
        %add3A_78 = arith.addi %mul3A_76, %add3A_77 : i32
        %gt3A = arith.constant 0 : i32
        %gt3A_79 = arith.cmpi sgt, %scan3A_74, %gt3A : i32
        %convert_element_type3A_80 = arith.extui %gt3A_79 : i1 to i32
        %cond3A_81 = arith.constant 0 : i32
        %cond3A_82 = arith.cmpi ne, %convert_element_type3A_80, %cond3A_81 : i32
        scf.if %cond3A_82 {
          %dma_wait3A_928 = arith.constant 0 : i32
          %dma_wait3A_929 = arith.constant 0 : i32
          %dma_wait3A_930 = tpu.memref_slice %arg15[%dma_wait3A_928, %dma_wait3A_929] : memref<10240x128xf32, #tpu.memory_space<vmem_shared>> -> memref<10240x128xf32, #tpu.memory_space<vmem_shared>>
          tpu.wait_indirect_dma semaphore(%arg41 : memref<!tpu.dma_semaphore, #tpu.memory_space<semaphore_mem>>) src(%arg19 : memref<80x128xf32, #tpu.memory_space<vmem>>) dst(%dma_wait3A_930 : memref<10240x128xf32, #tpu.memory_space<vmem_shared>>)
          %dma_wait3A_931 = arith.constant 0 : i32
          %dma_wait3A_932 = arith.constant 0 : i32
          %dma_wait3A_933 = tpu.memref_slice %arg16[%dma_wait3A_931, %dma_wait3A_932] : memref<10240x8xf32, #tpu.memory_space<vmem_shared>> -> memref<10240x8xf32, #tpu.memory_space<vmem_shared>>
          tpu.wait_indirect_dma semaphore(%arg41 : memref<!tpu.dma_semaphore, #tpu.memory_space<semaphore_mem>>) src(%arg25 : memref<80x8xf32, #tpu.memory_space<vmem>>) dst(%dma_wait3A_933 : memref<10240x8xf32, #tpu.memory_space<vmem_shared>>)
        } else {
        }
        %dma_wait3A_83 = arith.constant 0 : i32
        %dma_wait3A_84 = tpu.memref_slice %arg2[%dma_wait3A_83] : memref<320160xi32, #tpu.memory_space<hbm>> -> memref<80xi32, #tpu.memory_space<hbm>>
        %dma_wait3A_85 = arith.constant 0 : i32
        %dma_wait3A_86 = tpu.memref_slice %arg2[%dma_wait3A_85] : memref<320160xi32, #tpu.memory_space<hbm>> -> memref<80xi32, #tpu.memory_space<hbm>>
        tpu.wait_dma2 semaphore(%arg37 : memref<!tpu.dma_semaphore, #tpu.memory_space<semaphore_mem>>) src(%dma_wait3A_86 : memref<80xi32, #tpu.memory_space<hbm>>) dst(%arg31 : memref<80xi32, #tpu.memory_space<vmem>>)
        %dma_wait3A_87 = arith.constant 0 : i32
        %dma_wait3A_88 = tpu.memref_slice %arg3[%dma_wait3A_87] : memref<320160xi32, #tpu.memory_space<hbm>> -> memref<80xi32, #tpu.memory_space<hbm>>
        %dma_wait3A_89 = arith.constant 0 : i32
        %dma_wait3A_90 = tpu.memref_slice %arg3[%dma_wait3A_89] : memref<320160xi32, #tpu.memory_space<hbm>> -> memref<80xi32, #tpu.memory_space<hbm>>
        tpu.wait_dma2 semaphore(%arg37 : memref<!tpu.dma_semaphore, #tpu.memory_space<semaphore_mem>>) src(%dma_wait3A_90 : memref<80xi32, #tpu.memory_space<hbm>>) dst(%arg33 : memref<80xi32, #tpu.memory_space<vmem>>)
        %dma_start3A_91 = arith.constant 0 : i32
        %dma_start3A_92 = arith.constant 0 : i32
        %dma_start3A_93 = tpu.memref_slice %arg5[%dma_start3A_91, %dma_start3A_92] : memref<10240x128xf32, #tpu.memory_space<hbm>> -> memref<10240x128xf32, #tpu.memory_space<hbm>>
        tpu.enqueue_indirect_dma source(%dma_start3A_93 : memref<10240x128xf32, #tpu.memory_space<hbm>>) target(%arg19 : memref<80x128xf32, #tpu.memory_space<vmem>>) offsets(%arg31 : memref<80xi32, #tpu.memory_space<vmem>>) semaphore(%arg39 : memref<!tpu.dma_semaphore, #tpu.memory_space<semaphore_mem>>)
        %dma_start3A_94 = arith.constant 0 : i32
        %dma_start3A_95 = arith.constant 0 : i32
        %dma_start3A_96 = tpu.memref_slice %arg4[%dma_start3A_94, %dma_start3A_95] : memref<10240x8xf32, #tpu.memory_space<hbm>> -> memref<10240x8xf32, #tpu.memory_space<hbm>>
        tpu.enqueue_indirect_dma source(%dma_start3A_96 : memref<10240x8xf32, #tpu.memory_space<hbm>>) target(%arg21 : memref<80x8xf32, #tpu.memory_space<vmem>>) offsets(%arg31 : memref<80xi32, #tpu.memory_space<vmem>>) semaphore(%arg39 : memref<!tpu.dma_semaphore, #tpu.memory_space<semaphore_mem>>)
        %dma_start3A_97 = arith.constant 0 : i32
        %dma_start3A_98 = arith.constant 0 : i32
        %dma_start3A_99 = tpu.memref_slice %arg4[%dma_start3A_97, %dma_start3A_98] : memref<10240x8xf32, #tpu.memory_space<hbm>> -> memref<10240x8xf32, #tpu.memory_space<hbm>>
        tpu.enqueue_indirect_dma source(%dma_start3A_99 : memref<10240x8xf32, #tpu.memory_space<hbm>>) target(%arg23 : memref<80x8xf32, #tpu.memory_space<vmem>>) offsets(%arg33 : memref<80xi32, #tpu.memory_space<vmem>>) semaphore(%arg39 : memref<!tpu.dma_semaphore, #tpu.memory_space<semaphore_mem>>)
        %dma_wait3A_100 = arith.constant 0 : i32
        %dma_wait3A_101 = arith.constant 0 : i32
        %dma_wait3A_102 = tpu.memref_slice %arg5[%dma_wait3A_100, %dma_wait3A_101] : memref<10240x128xf32, #tpu.memory_space<hbm>> -> memref<10240x128xf32, #tpu.memory_space<hbm>>
        tpu.wait_indirect_dma semaphore(%arg38 : memref<!tpu.dma_semaphore, #tpu.memory_space<semaphore_mem>>) src(%dma_wait3A_102 : memref<10240x128xf32, #tpu.memory_space<hbm>>) dst(%arg18 : memref<80x128xf32, #tpu.memory_space<vmem>>)
        %dma_wait3A_103 = arith.constant 0 : i32
        %dma_wait3A_104 = arith.constant 0 : i32
        %dma_wait3A_105 = tpu.memref_slice %arg4[%dma_wait3A_103, %dma_wait3A_104] : memref<10240x8xf32, #tpu.memory_space<hbm>> -> memref<10240x8xf32, #tpu.memory_space<hbm>>
        tpu.wait_indirect_dma semaphore(%arg38 : memref<!tpu.dma_semaphore, #tpu.memory_space<semaphore_mem>>) src(%dma_wait3A_105 : memref<10240x8xf32, #tpu.memory_space<hbm>>) dst(%arg20 : memref<80x8xf32, #tpu.memory_space<vmem>>)
        %dma_wait3A_106 = arith.constant 0 : i32
        %dma_wait3A_107 = arith.constant 0 : i32
        %dma_wait3A_108 = tpu.memref_slice %arg4[%dma_wait3A_106, %dma_wait3A_107] : memref<10240x8xf32, #tpu.memory_space<hbm>> -> memref<10240x8xf32, #tpu.memory_space<hbm>>
        tpu.wait_indirect_dma semaphore(%arg38 : memref<!tpu.dma_semaphore, #tpu.memory_space<semaphore_mem>>) src(%dma_wait3A_108 : memref<10240x8xf32, #tpu.memory_space<hbm>>) dst(%arg22 : memref<80x8xf32, #tpu.memory_space<vmem>>)
        %get3A = arith.constant 0 : index
        %get3A_109 = tpu.vector_load %arg32[%get3A] {strides = array<i32>} : memref<80xi32, #tpu.memory_space<vmem>>, vector<16xi32>,
        %swap3A = arith.constant 0 : index
        %swap3A_110 = tpu.vector_load %arg34[%swap3A] {strides = array<i32>} : memref<80xi32, #tpu.memory_space<vmem>>, vector<16xi32>,
        tpu.vector_store %arg34[%swap3A], %get3A_109 {strides = array<i32>} : memref<80xi32, #tpu.memory_space<vmem>>, vector<16xi32>,
        %get3A_111 = arith.constant 16 : index
        %get3A_112 = tpu.vector_load %arg32[%get3A_111] {strides = array<i32>} : memref<80xi32, #tpu.memory_space<vmem>>, vector<16xi32>,
        %swap3A_113 = arith.constant 16 : index
        %swap3A_114 = tpu.vector_load %arg34[%swap3A_113] {strides = array<i32>} : memref<80xi32, #tpu.memory_space<vmem>>, vector<16xi32>,
        tpu.vector_store %arg34[%swap3A_113], %get3A_112 {strides = array<i32>} : memref<80xi32, #tpu.memory_space<vmem>>, vector<16xi32>,
        %get3A_115 = arith.constant 32 : index
        %get3A_116 = tpu.vector_load %arg32[%get3A_115] {strides = array<i32>} : memref<80xi32, #tpu.memory_space<vmem>>, vector<16xi32>,
        %swap3A_117 = arith.constant 32 : index
        %swap3A_118 = tpu.vector_load %arg34[%swap3A_117] {strides = array<i32>} : memref<80xi32, #tpu.memory_space<vmem>>, vector<16xi32>,
        tpu.vector_store %arg34[%swap3A_117], %get3A_116 {strides = array<i32>} : memref<80xi32, #tpu.memory_space<vmem>>, vector<16xi32>,
        %get3A_119 = arith.constant 48 : index
        %get3A_120 = tpu.vector_load %arg32[%get3A_119] {strides = array<i32>} : memref<80xi32, #tpu.memory_space<vmem>>, vector<16xi32>,
        %swap3A_121 = arith.constant 48 : index
        %swap3A_122 = tpu.vector_load %arg34[%swap3A_121] {strides = array<i32>} : memref<80xi32, #tpu.memory_space<vmem>>, vector<16xi32>,
        tpu.vector_store %arg34[%swap3A_121], %get3A_120 {strides = array<i32>} : memref<80xi32, #tpu.memory_space<vmem>>, vector<16xi32>,
        %get3A_123 = arith.constant 64 : index
        %get3A_124 = tpu.vector_load %arg32[%get3A_123] {strides = array<i32>} : memref<80xi32, #tpu.memory_space<vmem>>, vector<16xi32>,
        %swap3A_125 = arith.constant 64 : index
        %swap3A_126 = tpu.vector_load %arg34[%swap3A_125] {strides = array<i32>} : memref<80xi32, #tpu.memory_space<vmem>>, vector<16xi32>,
        tpu.vector_store %arg34[%swap3A_125], %get3A_124 {strides = array<i32>} : memref<80xi32, #tpu.memory_space<vmem>>, vector<16xi32>,
        %add3A_127 = arith.constant 0 : i32
        %add3A_128 = vector.broadcast %add3A_127 : i32 to vector<16xi32>
        %add3A_129 = arith.addi %iota3A_13, %add3A_128 : vector<16xi32>
        %broadcast_in_dim3A = arith.constant 0 : i32
        %broadcast_in_dim3A_130 = vector.broadcast %broadcast_in_dim3A : i32 to vector<16xi32>
        %gather3A = tpu.vector_load_idx %arg20[%add3A_129, %broadcast_in_dim3A_130] : memref<80x8xf32, #tpu.memory_space<vmem>>[vector<16xi32>, vector<16xi32>], vector<16xf32>,
        %broadcast_in_dim3A_131 = arith.constant 4 : i32
        %broadcast_in_dim3A_132 = vector.broadcast %broadcast_in_dim3A_131 : i32 to vector<16xi32>
        %gather3A_133 = tpu.vector_load_idx %arg22[%add3A_129, %broadcast_in_dim3A_132] : memref<80x8xf32, #tpu.memory_space<vmem>>[vector<16xi32>, vector<16xi32>], vector<16xf32>,
        %add3A_134 = arith.addf %gather3A, %gather3A_133 : vector<16xf32>
        %gt3A_135 = arith.constant 0.000000e+00 : f32
        %gt3A_136 = vector.broadcast %gt3A_135 : f32 to vector<16xf32>
        %gt3A_137 = arith.cmpf ogt, %add3A_134, %gt3A_136 : vector<16xf32>
        %mul3A_138 = arith.constant 2.000000e-01 : f32
        %mul3A_139 = vector.broadcast %mul3A_138 : f32 to vector<16xf32>
        %mul3A_140 = arith.mulf %mul3A_139, %add3A_134 : vector<16xf32>
        %select_n3A = arith.select %gt3A_137, %add3A_134, %mul3A_140 : vector<16xi1>, vector<16xf32>
        %exp3A = math.exp %select_n3A : vector<16xf32>
        %broadcast_in_dim3A_141 = arith.constant 0 : i32
        %broadcast_in_dim3A_142 = vector.broadcast %broadcast_in_dim3A_141 : i32 to vector<16xi32>
        tpu.vector_store_idx %arg24[%add3A_129, %broadcast_in_dim3A_142], %exp3A : memref<80x8xf32, #tpu.memory_space<vmem>>[vector<16xi32>, vector<16xi32>], vector<16xf32>,
        %broadcast_in_dim3A_143 = arith.constant 1 : i32
        %broadcast_in_dim3A_144 = vector.broadcast %broadcast_in_dim3A_143 : i32 to vector<16xi32>
        %gather3A_145 = tpu.vector_load_idx %arg20[%add3A_129, %broadcast_in_dim3A_144] : memref<80x8xf32, #tpu.memory_space<vmem>>[vector<16xi32>, vector<16xi32>], vector<16xf32>,
        %broadcast_in_dim3A_146 = arith.constant 5 : i32
        %broadcast_in_dim3A_147 = vector.broadcast %broadcast_in_dim3A_146 : i32 to vector<16xi32>
        %gather3A_148 = tpu.vector_load_idx %arg22[%add3A_129, %broadcast_in_dim3A_147] : memref<80x8xf32, #tpu.memory_space<vmem>>[vector<16xi32>, vector<16xi32>], vector<16xf32>,
        %add3A_149 = arith.addf %gather3A_145, %gather3A_148 : vector<16xf32>
        %gt3A_150 = arith.constant 0.000000e+00 : f32
        %gt3A_151 = vector.broadcast %gt3A_150 : f32 to vector<16xf32>
        %gt3A_152 = arith.cmpf ogt, %add3A_149, %gt3A_151 : vector<16xf32>
        %mul3A_153 = arith.constant 2.000000e-01 : f32
        %mul3A_154 = vector.broadcast %mul3A_153 : f32 to vector<16xf32>
        %mul3A_155 = arith.mulf %mul3A_154, %add3A_149 : vector<16xf32>
        %select_n3A_156 = arith.select %gt3A_152, %add3A_149, %mul3A_155 : vector<16xi1>, vector<16xf32>
        %exp3A_157 = math.exp %select_n3A_156 : vector<16xf32>
        %broadcast_in_dim3A_158 = arith.constant 1 : i32
        %broadcast_in_dim3A_159 = vector.broadcast %broadcast_in_dim3A_158 : i32 to vector<16xi32>
        tpu.vector_store_idx %arg24[%add3A_129, %broadcast_in_dim3A_159], %exp3A_157 : memref<80x8xf32, #tpu.memory_space<vmem>>[vector<16xi32>, vector<16xi32>], vector<16xf32>,
        %broadcast_in_dim3A_160 = arith.constant 2 : i32
        %broadcast_in_dim3A_161 = vector.broadcast %broadcast_in_dim3A_160 : i32 to vector<16xi32>
        %gather3A_162 = tpu.vector_load_idx %arg20[%add3A_129, %broadcast_in_dim3A_161] : memref<80x8xf32, #tpu.memory_space<vmem>>[vector<16xi32>, vector<16xi32>], vector<16xf32>,
        %broadcast_in_dim3A_163 = arith.constant 6 : i32
        %broadcast_in_dim3A_164 = vector.broadcast %broadcast_in_dim3A_163 : i32 to vector<16xi32>
        %gather3A_165 = tpu.vector_load_idx %arg22[%add3A_129, %broadcast_in_dim3A_164] : memref<80x8xf32, #tpu.memory_space<vmem>>[vector<16xi32>, vector<16xi32>], vector<16xf32>,
        %add3A_166 = arith.addf %gather3A_162, %gather3A_165 : vector<16xf32>
        %gt3A_167 = arith.constant 0.000000e+00 : f32
        %gt3A_168 = vector.broadcast %gt3A_167 : f32 to vector<16xf32>
        %gt3A_169 = arith.cmpf ogt, %add3A_166, %gt3A_168 : vector<16xf32>
        %mul3A_170 = arith.constant 2.000000e-01 : f32
        %mul3A_171 = vector.broadcast %mul3A_170 : f32 to vector<16xf32>
        %mul3A_172 = arith.mulf %mul3A_171, %add3A_166 : vector<16xf32>
        %select_n3A_173 = arith.select %gt3A_169, %add3A_166, %mul3A_172 : vector<16xi1>, vector<16xf32>
        %exp3A_174 = math.exp %select_n3A_173 : vector<16xf32>
        %broadcast_in_dim3A_175 = arith.constant 2 : i32
        %broadcast_in_dim3A_176 = vector.broadcast %broadcast_in_dim3A_175 : i32 to vector<16xi32>
        tpu.vector_store_idx %arg24[%add3A_129, %broadcast_in_dim3A_176], %exp3A_174 : memref<80x8xf32, #tpu.memory_space<vmem>>[vector<16xi32>, vector<16xi32>], vector<16xf32>,
        %broadcast_in_dim3A_177 = arith.constant 3 : i32
        %broadcast_in_dim3A_178 = vector.broadcast %broadcast_in_dim3A_177 : i32 to vector<16xi32>
        %gather3A_179 = tpu.vector_load_idx %arg20[%add3A_129, %broadcast_in_dim3A_178] : memref<80x8xf32, #tpu.memory_space<vmem>>[vector<16xi32>, vector<16xi32>], vector<16xf32>,
        %broadcast_in_dim3A_180 = arith.constant 7 : i32
        %broadcast_in_dim3A_181 = vector.broadcast %broadcast_in_dim3A_180 : i32 to vector<16xi32>
        %gather3A_182 = tpu.vector_load_idx %arg22[%add3A_129, %broadcast_in_dim3A_181] : memref<80x8xf32, #tpu.memory_space<vmem>>[vector<16xi32>, vector<16xi32>], vector<16xf32>,
        %add3A_183 = arith.addf %gather3A_179, %gather3A_182 : vector<16xf32>
        %gt3A_184 = arith.constant 0.000000e+00 : f32
        %gt3A_185 = vector.broadcast %gt3A_184 : f32 to vector<16xf32>
        %gt3A_186 = arith.cmpf ogt, %add3A_183, %gt3A_185 : vector<16xf32>
        %mul3A_187 = arith.constant 2.000000e-01 : f32
        %mul3A_188 = vector.broadcast %mul3A_187 : f32 to vector<16xf32>
        %mul3A_189 = arith.mulf %mul3A_188, %add3A_183 : vector<16xf32>
        %select_n3A_190 = arith.select %gt3A_186, %add3A_183, %mul3A_189 : vector<16xi1>, vector<16xf32>
        %exp3A_191 = math.exp %select_n3A_190 : vector<16xf32>
        %broadcast_in_dim3A_192 = arith.constant 3 : i32
        %broadcast_in_dim3A_193 = vector.broadcast %broadcast_in_dim3A_192 : i32 to vector<16xi32>
        tpu.vector_store_idx %arg24[%add3A_129, %broadcast_in_dim3A_193], %exp3A_191 : memref<80x8xf32, #tpu.memory_space<vmem>>[vector<16xi32>, vector<16xi32>], vector<16xf32>,
        %add3A_194 = arith.constant 16 : i32
        %add3A_195 = vector.broadcast %add3A_194 : i32 to vector<16xi32>
        %add3A_196 = arith.addi %iota3A_13, %add3A_195 : vector<16xi32>
        %broadcast_in_dim3A_197 = arith.constant 0 : i32
        %broadcast_in_dim3A_198 = vector.broadcast %broadcast_in_dim3A_197 : i32 to vector<16xi32>
        %gather3A_199 = tpu.vector_load_idx %arg20[%add3A_196, %broadcast_in_dim3A_198] : memref<80x8xf32, #tpu.memory_space<vmem>>[vector<16xi32>, vector<16xi32>], vector<16xf32>,
        %broadcast_in_dim3A_200 = arith.constant 4 : i32
        %broadcast_in_dim3A_201 = vector.broadcast %broadcast_in_dim3A_200 : i32 to vector<16xi32>
        %gather3A_202 = tpu.vector_load_idx %arg22[%add3A_196, %broadcast_in_dim3A_201] : memref<80x8xf32, #tpu.memory_space<vmem>>[vector<16xi32>, vector<16xi32>], vector<16xf32>,
        %add3A_203 = arith.addf %gather3A_199, %gather3A_202 : vector<16xf32>
        %gt3A_204 = arith.constant 0.000000e+00 : f32
        %gt3A_205 = vector.broadcast %gt3A_204 : f32 to vector<16xf32>
        %gt3A_206 = arith.cmpf ogt, %add3A_203, %gt3A_205 : vector<16xf32>
        %mul3A_207 = arith.constant 2.000000e-01 : f32
        %mul3A_208 = vector.broadcast %mul3A_207 : f32 to vector<16xf32>
        %mul3A_209 = arith.mulf %mul3A_208, %add3A_203 : vector<16xf32>
        %select_n3A_210 = arith.select %gt3A_206, %add3A_203, %mul3A_209 : vector<16xi1>, vector<16xf32>
        %exp3A_211 = math.exp %select_n3A_210 : vector<16xf32>
        %broadcast_in_dim3A_212 = arith.constant 0 : i32
        %broadcast_in_dim3A_213 = vector.broadcast %broadcast_in_dim3A_212 : i32 to vector<16xi32>
        tpu.vector_store_idx %arg24[%add3A_196, %broadcast_in_dim3A_213], %exp3A_211 : memref<80x8xf32, #tpu.memory_space<vmem>>[vector<16xi32>, vector<16xi32>], vector<16xf32>,
        %broadcast_in_dim3A_214 = arith.constant 1 : i32
        %broadcast_in_dim3A_215 = vector.broadcast %broadcast_in_dim3A_214 : i32 to vector<16xi32>
        %gather3A_216 = tpu.vector_load_idx %arg20[%add3A_196, %broadcast_in_dim3A_215] : memref<80x8xf32, #tpu.memory_space<vmem>>[vector<16xi32>, vector<16xi32>], vector<16xf32>,
        %broadcast_in_dim3A_217 = arith.constant 5 : i32
        %broadcast_in_dim3A_218 = vector.broadcast %broadcast_in_dim3A_217 : i32 to vector<16xi32>
        %gather3A_219 = tpu.vector_load_idx %arg22[%add3A_196, %broadcast_in_dim3A_218] : memref<80x8xf32, #tpu.memory_space<vmem>>[vector<16xi32>, vector<16xi32>], vector<16xf32>,
        %add3A_220 = arith.addf %gather3A_216, %gather3A_219 : vector<16xf32>
        %gt3A_221 = arith.constant 0.000000e+00 : f32
        %gt3A_222 = vector.broadcast %gt3A_221 : f32 to vector<16xf32>
        %gt3A_223 = arith.cmpf ogt, %add3A_220, %gt3A_222 : vector<16xf32>
        %mul3A_224 = arith.constant 2.000000e-01 : f32
        %mul3A_225 = vector.broadcast %mul3A_224 : f32 to vector<16xf32>
        %mul3A_226 = arith.mulf %mul3A_225, %add3A_220 : vector<16xf32>
        %select_n3A_227 = arith.select %gt3A_223, %add3A_220, %mul3A_226 : vector<16xi1>, vector<16xf32>
        %exp3A_228 = math.exp %select_n3A_227 : vector<16xf32>
        %broadcast_in_dim3A_229 = arith.constant 1 : i32
        %broadcast_in_dim3A_230 = vector.broadcast %broadcast_in_dim3A_229 : i32 to vector<16xi32>
        tpu.vector_store_idx %arg24[%add3A_196, %broadcast_in_dim3A_230], %exp3A_228 : memref<80x8xf32, #tpu.memory_space<vmem>>[vector<16xi32>, vector<16xi32>], vector<16xf32>,
        %broadcast_in_dim3A_231 = arith.constant 2 : i32
        %broadcast_in_dim3A_232 = vector.broadcast %broadcast_in_dim3A_231 : i32 to vector<16xi32>
        %gather3A_233 = tpu.vector_load_idx %arg20[%add3A_196, %broadcast_in_dim3A_232] : memref<80x8xf32, #tpu.memory_space<vmem>>[vector<16xi32>, vector<16xi32>], vector<16xf32>,
        %broadcast_in_dim3A_234 = arith.constant 6 : i32
        %broadcast_in_dim3A_235 = vector.broadcast %broadcast_in_dim3A_234 : i32 to vector<16xi32>
        %gather3A_236 = tpu.vector_load_idx %arg22[%add3A_196, %broadcast_in_dim3A_235] : memref<80x8xf32, #tpu.memory_space<vmem>>[vector<16xi32>, vector<16xi32>], vector<16xf32>,
        %add3A_237 = arith.addf %gather3A_233, %gather3A_236 : vector<16xf32>
        %gt3A_238 = arith.constant 0.000000e+00 : f32
        %gt3A_239 = vector.broadcast %gt3A_238 : f32 to vector<16xf32>
        %gt3A_240 = arith.cmpf ogt, %add3A_237, %gt3A_239 : vector<16xf32>
        %mul3A_241 = arith.constant 2.000000e-01 : f32
        %mul3A_242 = vector.broadcast %mul3A_241 : f32 to vector<16xf32>
        %mul3A_243 = arith.mulf %mul3A_242, %add3A_237 : vector<16xf32>
        %select_n3A_244 = arith.select %gt3A_240, %add3A_237, %mul3A_243 : vector<16xi1>, vector<16xf32>
        %exp3A_245 = math.exp %select_n3A_244 : vector<16xf32>
        %broadcast_in_dim3A_246 = arith.constant 2 : i32
        %broadcast_in_dim3A_247 = vector.broadcast %broadcast_in_dim3A_246 : i32 to vector<16xi32>
        tpu.vector_store_idx %arg24[%add3A_196, %broadcast_in_dim3A_247], %exp3A_245 : memref<80x8xf32, #tpu.memory_space<vmem>>[vector<16xi32>, vector<16xi32>], vector<16xf32>,
        %broadcast_in_dim3A_248 = arith.constant 3 : i32
        %broadcast_in_dim3A_249 = vector.broadcast %broadcast_in_dim3A_248 : i32 to vector<16xi32>
        %gather3A_250 = tpu.vector_load_idx %arg20[%add3A_196, %broadcast_in_dim3A_249] : memref<80x8xf32, #tpu.memory_space<vmem>>[vector<16xi32>, vector<16xi32>], vector<16xf32>,
        %broadcast_in_dim3A_251 = arith.constant 7 : i32
        %broadcast_in_dim3A_252 = vector.broadcast %broadcast_in_dim3A_251 : i32 to vector<16xi32>
        %gather3A_253 = tpu.vector_load_idx %arg22[%add3A_196, %broadcast_in_dim3A_252] : memref<80x8xf32, #tpu.memory_space<vmem>>[vector<16xi32>, vector<16xi32>], vector<16xf32>,
        %add3A_254 = arith.addf %gather3A_250, %gather3A_253 : vector<16xf32>
        %gt3A_255 = arith.constant 0.000000e+00 : f32
        %gt3A_256 = vector.broadcast %gt3A_255 : f32 to vector<16xf32>
        %gt3A_257 = arith.cmpf ogt, %add3A_254, %gt3A_256 : vector<16xf32>
        %mul3A_258 = arith.constant 2.000000e-01 : f32
        %mul3A_259 = vector.broadcast %mul3A_258 : f32 to vector<16xf32>
        %mul3A_260 = arith.mulf %mul3A_259, %add3A_254 : vector<16xf32>
        %select_n3A_261 = arith.select %gt3A_257, %add3A_254, %mul3A_260 : vector<16xi1>, vector<16xf32>
        %exp3A_262 = math.exp %select_n3A_261 : vector<16xf32>
        %broadcast_in_dim3A_263 = arith.constant 3 : i32
        %broadcast_in_dim3A_264 = vector.broadcast %broadcast_in_dim3A_263 : i32 to vector<16xi32>
        tpu.vector_store_idx %arg24[%add3A_196, %broadcast_in_dim3A_264], %exp3A_262 : memref<80x8xf32, #tpu.memory_space<vmem>>[vector<16xi32>, vector<16xi32>], vector<16xf32>,
        %add3A_265 = arith.constant 32 : i32
        %add3A_266 = vector.broadcast %add3A_265 : i32 to vector<16xi32>
        %add3A_267 = arith.addi %iota3A_13, %add3A_266 : vector<16xi32>
        %broadcast_in_dim3A_268 = arith.constant 0 : i32
        %broadcast_in_dim3A_269 = vector.broadcast %broadcast_in_dim3A_268 : i32 to vector<16xi32>
        %gather3A_270 = tpu.vector_load_idx %arg20[%add3A_267, %broadcast_in_dim3A_269] : memref<80x8xf32, #tpu.memory_space<vmem>>[vector<16xi32>, vector<16xi32>], vector<16xf32>,
        %broadcast_in_dim3A_271 = arith.constant 4 : i32
        %broadcast_in_dim3A_272 = vector.broadcast %broadcast_in_dim3A_271 : i32 to vector<16xi32>
        %gather3A_273 = tpu.vector_load_idx %arg22[%add3A_267, %broadcast_in_dim3A_272] : memref<80x8xf32, #tpu.memory_space<vmem>>[vector<16xi32>, vector<16xi32>], vector<16xf32>,
        %add3A_274 = arith.addf %gather3A_270, %gather3A_273 : vector<16xf32>
        %gt3A_275 = arith.constant 0.000000e+00 : f32
        %gt3A_276 = vector.broadcast %gt3A_275 : f32 to vector<16xf32>
        %gt3A_277 = arith.cmpf ogt, %add3A_274, %gt3A_276 : vector<16xf32>
        %mul3A_278 = arith.constant 2.000000e-01 : f32
        %mul3A_279 = vector.broadcast %mul3A_278 : f32 to vector<16xf32>
        %mul3A_280 = arith.mulf %mul3A_279, %add3A_274 : vector<16xf32>
        %select_n3A_281 = arith.select %gt3A_277, %add3A_274, %mul3A_280 : vector<16xi1>, vector<16xf32>
        %exp3A_282 = math.exp %select_n3A_281 : vector<16xf32>
        %broadcast_in_dim3A_283 = arith.constant 0 : i32
        %broadcast_in_dim3A_284 = vector.broadcast %broadcast_in_dim3A_283 : i32 to vector<16xi32>
        tpu.vector_store_idx %arg24[%add3A_267, %broadcast_in_dim3A_284], %exp3A_282 : memref<80x8xf32, #tpu.memory_space<vmem>>[vector<16xi32>, vector<16xi32>], vector<16xf32>,
        %broadcast_in_dim3A_285 = arith.constant 1 : i32
        %broadcast_in_dim3A_286 = vector.broadcast %broadcast_in_dim3A_285 : i32 to vector<16xi32>
        %gather3A_287 = tpu.vector_load_idx %arg20[%add3A_267, %broadcast_in_dim3A_286] : memref<80x8xf32, #tpu.memory_space<vmem>>[vector<16xi32>, vector<16xi32>], vector<16xf32>,
        %broadcast_in_dim3A_288 = arith.constant 5 : i32
        %broadcast_in_dim3A_289 = vector.broadcast %broadcast_in_dim3A_288 : i32 to vector<16xi32>
        %gather3A_290 = tpu.vector_load_idx %arg22[%add3A_267, %broadcast_in_dim3A_289] : memref<80x8xf32, #tpu.memory_space<vmem>>[vector<16xi32>, vector<16xi32>], vector<16xf32>,
        %add3A_291 = arith.addf %gather3A_287, %gather3A_290 : vector<16xf32>
        %gt3A_292 = arith.constant 0.000000e+00 : f32
        %gt3A_293 = vector.broadcast %gt3A_292 : f32 to vector<16xf32>
        %gt3A_294 = arith.cmpf ogt, %add3A_291, %gt3A_293 : vector<16xf32>
        %mul3A_295 = arith.constant 2.000000e-01 : f32
        %mul3A_296 = vector.broadcast %mul3A_295 : f32 to vector<16xf32>
        %mul3A_297 = arith.mulf %mul3A_296, %add3A_291 : vector<16xf32>
        %select_n3A_298 = arith.select %gt3A_294, %add3A_291, %mul3A_297 : vector<16xi1>, vector<16xf32>
        %exp3A_299 = math.exp %select_n3A_298 : vector<16xf32>
        %broadcast_in_dim3A_300 = arith.constant 1 : i32
        %broadcast_in_dim3A_301 = vector.broadcast %broadcast_in_dim3A_300 : i32 to vector<16xi32>
        tpu.vector_store_idx %arg24[%add3A_267, %broadcast_in_dim3A_301], %exp3A_299 : memref<80x8xf32, #tpu.memory_space<vmem>>[vector<16xi32>, vector<16xi32>], vector<16xf32>,
        %broadcast_in_dim3A_302 = arith.constant 2 : i32
        %broadcast_in_dim3A_303 = vector.broadcast %broadcast_in_dim3A_302 : i32 to vector<16xi32>
        %gather3A_304 = tpu.vector_load_idx %arg20[%add3A_267, %broadcast_in_dim3A_303] : memref<80x8xf32, #tpu.memory_space<vmem>>[vector<16xi32>, vector<16xi32>], vector<16xf32>,
        %broadcast_in_dim3A_305 = arith.constant 6 : i32
        %broadcast_in_dim3A_306 = vector.broadcast %broadcast_in_dim3A_305 : i32 to vector<16xi32>
        %gather3A_307 = tpu.vector_load_idx %arg22[%add3A_267, %broadcast_in_dim3A_306] : memref<80x8xf32, #tpu.memory_space<vmem>>[vector<16xi32>, vector<16xi32>], vector<16xf32>,
        %add3A_308 = arith.addf %gather3A_304, %gather3A_307 : vector<16xf32>
        %gt3A_309 = arith.constant 0.000000e+00 : f32
        %gt3A_310 = vector.broadcast %gt3A_309 : f32 to vector<16xf32>
        %gt3A_311 = arith.cmpf ogt, %add3A_308, %gt3A_310 : vector<16xf32>
        %mul3A_312 = arith.constant 2.000000e-01 : f32
        %mul3A_313 = vector.broadcast %mul3A_312 : f32 to vector<16xf32>
        %mul3A_314 = arith.mulf %mul3A_313, %add3A_308 : vector<16xf32>
        %select_n3A_315 = arith.select %gt3A_311, %add3A_308, %mul3A_314 : vector<16xi1>, vector<16xf32>
        %exp3A_316 = math.exp %select_n3A_315 : vector<16xf32>
        %broadcast_in_dim3A_317 = arith.constant 2 : i32
        %broadcast_in_dim3A_318 = vector.broadcast %broadcast_in_dim3A_317 : i32 to vector<16xi32>
        tpu.vector_store_idx %arg24[%add3A_267, %broadcast_in_dim3A_318], %exp3A_316 : memref<80x8xf32, #tpu.memory_space<vmem>>[vector<16xi32>, vector<16xi32>], vector<16xf32>,
        %broadcast_in_dim3A_319 = arith.constant 3 : i32
        %broadcast_in_dim3A_320 = vector.broadcast %broadcast_in_dim3A_319 : i32 to vector<16xi32>
        %gather3A_321 = tpu.vector_load_idx %arg20[%add3A_267, %broadcast_in_dim3A_320] : memref<80x8xf32, #tpu.memory_space<vmem>>[vector<16xi32>, vector<16xi32>], vector<16xf32>,
        %broadcast_in_dim3A_322 = arith.constant 7 : i32
        %broadcast_in_dim3A_323 = vector.broadcast %broadcast_in_dim3A_322 : i32 to vector<16xi32>
        %gather3A_324 = tpu.vector_load_idx %arg22[%add3A_267, %broadcast_in_dim3A_323] : memref<80x8xf32, #tpu.memory_space<vmem>>[vector<16xi32>, vector<16xi32>], vector<16xf32>,
        %add3A_325 = arith.addf %gather3A_321, %gather3A_324 : vector<16xf32>
        %gt3A_326 = arith.constant 0.000000e+00 : f32
        %gt3A_327 = vector.broadcast %gt3A_326 : f32 to vector<16xf32>
        %gt3A_328 = arith.cmpf ogt, %add3A_325, %gt3A_327 : vector<16xf32>
        %mul3A_329 = arith.constant 2.000000e-01 : f32
        %mul3A_330 = vector.broadcast %mul3A_329 : f32 to vector<16xf32>
        %mul3A_331 = arith.mulf %mul3A_330, %add3A_325 : vector<16xf32>
        %select_n3A_332 = arith.select %gt3A_328, %add3A_325, %mul3A_331 : vector<16xi1>, vector<16xf32>
        %exp3A_333 = math.exp %select_n3A_332 : vector<16xf32>
        %broadcast_in_dim3A_334 = arith.constant 3 : i32
        %broadcast_in_dim3A_335 = vector.broadcast %broadcast_in_dim3A_334 : i32 to vector<16xi32>
        tpu.vector_store_idx %arg24[%add3A_267, %broadcast_in_dim3A_335], %exp3A_333 : memref<80x8xf32, #tpu.memory_space<vmem>>[vector<16xi32>, vector<16xi32>], vector<16xf32>,
        %add3A_336 = arith.constant 48 : i32
        %add3A_337 = vector.broadcast %add3A_336 : i32 to vector<16xi32>
        %add3A_338 = arith.addi %iota3A_13, %add3A_337 : vector<16xi32>
        %broadcast_in_dim3A_339 = arith.constant 0 : i32
        %broadcast_in_dim3A_340 = vector.broadcast %broadcast_in_dim3A_339 : i32 to vector<16xi32>
        %gather3A_341 = tpu.vector_load_idx %arg20[%add3A_338, %broadcast_in_dim3A_340] : memref<80x8xf32, #tpu.memory_space<vmem>>[vector<16xi32>, vector<16xi32>], vector<16xf32>,
        %broadcast_in_dim3A_342 = arith.constant 4 : i32
        %broadcast_in_dim3A_343 = vector.broadcast %broadcast_in_dim3A_342 : i32 to vector<16xi32>
        %gather3A_344 = tpu.vector_load_idx %arg22[%add3A_338, %broadcast_in_dim3A_343] : memref<80x8xf32, #tpu.memory_space<vmem>>[vector<16xi32>, vector<16xi32>], vector<16xf32>,
        %add3A_345 = arith.addf %gather3A_341, %gather3A_344 : vector<16xf32>
        %gt3A_346 = arith.constant 0.000000e+00 : f32
        %gt3A_347 = vector.broadcast %gt3A_346 : f32 to vector<16xf32>
        %gt3A_348 = arith.cmpf ogt, %add3A_345, %gt3A_347 : vector<16xf32>
        %mul3A_349 = arith.constant 2.000000e-01 : f32
        %mul3A_350 = vector.broadcast %mul3A_349 : f32 to vector<16xf32>
        %mul3A_351 = arith.mulf %mul3A_350, %add3A_345 : vector<16xf32>
        %select_n3A_352 = arith.select %gt3A_348, %add3A_345, %mul3A_351 : vector<16xi1>, vector<16xf32>
        %exp3A_353 = math.exp %select_n3A_352 : vector<16xf32>
        %broadcast_in_dim3A_354 = arith.constant 0 : i32
        %broadcast_in_dim3A_355 = vector.broadcast %broadcast_in_dim3A_354 : i32 to vector<16xi32>
        tpu.vector_store_idx %arg24[%add3A_338, %broadcast_in_dim3A_355], %exp3A_353 : memref<80x8xf32, #tpu.memory_space<vmem>>[vector<16xi32>, vector<16xi32>], vector<16xf32>,
        %broadcast_in_dim3A_356 = arith.constant 1 : i32
        %broadcast_in_dim3A_357 = vector.broadcast %broadcast_in_dim3A_356 : i32 to vector<16xi32>
        %gather3A_358 = tpu.vector_load_idx %arg20[%add3A_338, %broadcast_in_dim3A_357] : memref<80x8xf32, #tpu.memory_space<vmem>>[vector<16xi32>, vector<16xi32>], vector<16xf32>,
        %broadcast_in_dim3A_359 = arith.constant 5 : i32
        %broadcast_in_dim3A_360 = vector.broadcast %broadcast_in_dim3A_359 : i32 to vector<16xi32>
        %gather3A_361 = tpu.vector_load_idx %arg22[%add3A_338, %broadcast_in_dim3A_360] : memref<80x8xf32, #tpu.memory_space<vmem>>[vector<16xi32>, vector<16xi32>], vector<16xf32>,
        %add3A_362 = arith.addf %gather3A_358, %gather3A_361 : vector<16xf32>
        %gt3A_363 = arith.constant 0.000000e+00 : f32
        %gt3A_364 = vector.broadcast %gt3A_363 : f32 to vector<16xf32>
        %gt3A_365 = arith.cmpf ogt, %add3A_362, %gt3A_364 : vector<16xf32>
        %mul3A_366 = arith.constant 2.000000e-01 : f32
        %mul3A_367 = vector.broadcast %mul3A_366 : f32 to vector<16xf32>
        %mul3A_368 = arith.mulf %mul3A_367, %add3A_362 : vector<16xf32>
        %select_n3A_369 = arith.select %gt3A_365, %add3A_362, %mul3A_368 : vector<16xi1>, vector<16xf32>
        %exp3A_370 = math.exp %select_n3A_369 : vector<16xf32>
        %broadcast_in_dim3A_371 = arith.constant 1 : i32
        %broadcast_in_dim3A_372 = vector.broadcast %broadcast_in_dim3A_371 : i32 to vector<16xi32>
        tpu.vector_store_idx %arg24[%add3A_338, %broadcast_in_dim3A_372], %exp3A_370 : memref<80x8xf32, #tpu.memory_space<vmem>>[vector<16xi32>, vector<16xi32>], vector<16xf32>,
        %broadcast_in_dim3A_373 = arith.constant 2 : i32
        %broadcast_in_dim3A_374 = vector.broadcast %broadcast_in_dim3A_373 : i32 to vector<16xi32>
        %gather3A_375 = tpu.vector_load_idx %arg20[%add3A_338, %broadcast_in_dim3A_374] : memref<80x8xf32, #tpu.memory_space<vmem>>[vector<16xi32>, vector<16xi32>], vector<16xf32>,
        %broadcast_in_dim3A_376 = arith.constant 6 : i32
        %broadcast_in_dim3A_377 = vector.broadcast %broadcast_in_dim3A_376 : i32 to vector<16xi32>
        %gather3A_378 = tpu.vector_load_idx %arg22[%add3A_338, %broadcast_in_dim3A_377] : memref<80x8xf32, #tpu.memory_space<vmem>>[vector<16xi32>, vector<16xi32>], vector<16xf32>,
        %add3A_379 = arith.addf %gather3A_375, %gather3A_378 : vector<16xf32>
        %gt3A_380 = arith.constant 0.000000e+00 : f32
        %gt3A_381 = vector.broadcast %gt3A_380 : f32 to vector<16xf32>
        %gt3A_382 = arith.cmpf ogt, %add3A_379, %gt3A_381 : vector<16xf32>
        %mul3A_383 = arith.constant 2.000000e-01 : f32
        %mul3A_384 = vector.broadcast %mul3A_383 : f32 to vector<16xf32>
        %mul3A_385 = arith.mulf %mul3A_384, %add3A_379 : vector<16xf32>
        %select_n3A_386 = arith.select %gt3A_382, %add3A_379, %mul3A_385 : vector<16xi1>, vector<16xf32>
        %exp3A_387 = math.exp %select_n3A_386 : vector<16xf32>
        %broadcast_in_dim3A_388 = arith.constant 2 : i32
        %broadcast_in_dim3A_389 = vector.broadcast %broadcast_in_dim3A_388 : i32 to vector<16xi32>
        tpu.vector_store_idx %arg24[%add3A_338, %broadcast_in_dim3A_389], %exp3A_387 : memref<80x8xf32, #tpu.memory_space<vmem>>[vector<16xi32>, vector<16xi32>], vector<16xf32>,
        %broadcast_in_dim3A_390 = arith.constant 3 : i32
        %broadcast_in_dim3A_391 = vector.broadcast %broadcast_in_dim3A_390 : i32 to vector<16xi32>
        %gather3A_392 = tpu.vector_load_idx %arg20[%add3A_338, %broadcast_in_dim3A_391] : memref<80x8xf32, #tpu.memory_space<vmem>>[vector<16xi32>, vector<16xi32>], vector<16xf32>,
        %broadcast_in_dim3A_393 = arith.constant 7 : i32
        %broadcast_in_dim3A_394 = vector.broadcast %broadcast_in_dim3A_393 : i32 to vector<16xi32>
        %gather3A_395 = tpu.vector_load_idx %arg22[%add3A_338, %broadcast_in_dim3A_394] : memref<80x8xf32, #tpu.memory_space<vmem>>[vector<16xi32>, vector<16xi32>], vector<16xf32>,
        %add3A_396 = arith.addf %gather3A_392, %gather3A_395 : vector<16xf32>
        %gt3A_397 = arith.constant 0.000000e+00 : f32
        %gt3A_398 = vector.broadcast %gt3A_397 : f32 to vector<16xf32>
        %gt3A_399 = arith.cmpf ogt, %add3A_396, %gt3A_398 : vector<16xf32>
        %mul3A_400 = arith.constant 2.000000e-01 : f32
        %mul3A_401 = vector.broadcast %mul3A_400 : f32 to vector<16xf32>
        %mul3A_402 = arith.mulf %mul3A_401, %add3A_396 : vector<16xf32>
        %select_n3A_403 = arith.select %gt3A_399, %add3A_396, %mul3A_402 : vector<16xi1>, vector<16xf32>
        %exp3A_404 = math.exp %select_n3A_403 : vector<16xf32>
        %broadcast_in_dim3A_405 = arith.constant 3 : i32
        %broadcast_in_dim3A_406 = vector.broadcast %broadcast_in_dim3A_405 : i32 to vector<16xi32>
        tpu.vector_store_idx %arg24[%add3A_338, %broadcast_in_dim3A_406], %exp3A_404 : memref<80x8xf32, #tpu.memory_space<vmem>>[vector<16xi32>, vector<16xi32>], vector<16xf32>,
        %add3A_407 = arith.constant 64 : i32
        %add3A_408 = vector.broadcast %add3A_407 : i32 to vector<16xi32>
        %add3A_409 = arith.addi %iota3A_13, %add3A_408 : vector<16xi32>
        %broadcast_in_dim3A_410 = arith.constant 0 : i32
        %broadcast_in_dim3A_411 = vector.broadcast %broadcast_in_dim3A_410 : i32 to vector<16xi32>
        %gather3A_412 = tpu.vector_load_idx %arg20[%add3A_409, %broadcast_in_dim3A_411] : memref<80x8xf32, #tpu.memory_space<vmem>>[vector<16xi32>, vector<16xi32>], vector<16xf32>,
        %broadcast_in_dim3A_413 = arith.constant 4 : i32
        %broadcast_in_dim3A_414 = vector.broadcast %broadcast_in_dim3A_413 : i32 to vector<16xi32>
        %gather3A_415 = tpu.vector_load_idx %arg22[%add3A_409, %broadcast_in_dim3A_414] : memref<80x8xf32, #tpu.memory_space<vmem>>[vector<16xi32>, vector<16xi32>], vector<16xf32>,
        %add3A_416 = arith.addf %gather3A_412, %gather3A_415 : vector<16xf32>
        %gt3A_417 = arith.constant 0.000000e+00 : f32
        %gt3A_418 = vector.broadcast %gt3A_417 : f32 to vector<16xf32>
        %gt3A_419 = arith.cmpf ogt, %add3A_416, %gt3A_418 : vector<16xf32>
        %mul3A_420 = arith.constant 2.000000e-01 : f32
        %mul3A_421 = vector.broadcast %mul3A_420 : f32 to vector<16xf32>
        %mul3A_422 = arith.mulf %mul3A_421, %add3A_416 : vector<16xf32>
        %select_n3A_423 = arith.select %gt3A_419, %add3A_416, %mul3A_422 : vector<16xi1>, vector<16xf32>
        %exp3A_424 = math.exp %select_n3A_423 : vector<16xf32>
        %broadcast_in_dim3A_425 = arith.constant 0 : i32
        %broadcast_in_dim3A_426 = vector.broadcast %broadcast_in_dim3A_425 : i32 to vector<16xi32>
        tpu.vector_store_idx %arg24[%add3A_409, %broadcast_in_dim3A_426], %exp3A_424 : memref<80x8xf32, #tpu.memory_space<vmem>>[vector<16xi32>, vector<16xi32>], vector<16xf32>,
        %broadcast_in_dim3A_427 = arith.constant 1 : i32
        %broadcast_in_dim3A_428 = vector.broadcast %broadcast_in_dim3A_427 : i32 to vector<16xi32>
        %gather3A_429 = tpu.vector_load_idx %arg20[%add3A_409, %broadcast_in_dim3A_428] : memref<80x8xf32, #tpu.memory_space<vmem>>[vector<16xi32>, vector<16xi32>], vector<16xf32>,
        %broadcast_in_dim3A_430 = arith.constant 5 : i32
        %broadcast_in_dim3A_431 = vector.broadcast %broadcast_in_dim3A_430 : i32 to vector<16xi32>
        %gather3A_432 = tpu.vector_load_idx %arg22[%add3A_409, %broadcast_in_dim3A_431] : memref<80x8xf32, #tpu.memory_space<vmem>>[vector<16xi32>, vector<16xi32>], vector<16xf32>,
        %add3A_433 = arith.addf %gather3A_429, %gather3A_432 : vector<16xf32>
        %gt3A_434 = arith.constant 0.000000e+00 : f32
        %gt3A_435 = vector.broadcast %gt3A_434 : f32 to vector<16xf32>
        %gt3A_436 = arith.cmpf ogt, %add3A_433, %gt3A_435 : vector<16xf32>
        %mul3A_437 = arith.constant 2.000000e-01 : f32
        %mul3A_438 = vector.broadcast %mul3A_437 : f32 to vector<16xf32>
        %mul3A_439 = arith.mulf %mul3A_438, %add3A_433 : vector<16xf32>
        %select_n3A_440 = arith.select %gt3A_436, %add3A_433, %mul3A_439 : vector<16xi1>, vector<16xf32>
        %exp3A_441 = math.exp %select_n3A_440 : vector<16xf32>
        %broadcast_in_dim3A_442 = arith.constant 1 : i32
        %broadcast_in_dim3A_443 = vector.broadcast %broadcast_in_dim3A_442 : i32 to vector<16xi32>
        tpu.vector_store_idx %arg24[%add3A_409, %broadcast_in_dim3A_443], %exp3A_441 : memref<80x8xf32, #tpu.memory_space<vmem>>[vector<16xi32>, vector<16xi32>], vector<16xf32>,
        %broadcast_in_dim3A_444 = arith.constant 2 : i32
        %broadcast_in_dim3A_445 = vector.broadcast %broadcast_in_dim3A_444 : i32 to vector<16xi32>
        %gather3A_446 = tpu.vector_load_idx %arg20[%add3A_409, %broadcast_in_dim3A_445] : memref<80x8xf32, #tpu.memory_space<vmem>>[vector<16xi32>, vector<16xi32>], vector<16xf32>,
        %broadcast_in_dim3A_447 = arith.constant 6 : i32
        %broadcast_in_dim3A_448 = vector.broadcast %broadcast_in_dim3A_447 : i32 to vector<16xi32>
        %gather3A_449 = tpu.vector_load_idx %arg22[%add3A_409, %broadcast_in_dim3A_448] : memref<80x8xf32, #tpu.memory_space<vmem>>[vector<16xi32>, vector<16xi32>], vector<16xf32>,
        %add3A_450 = arith.addf %gather3A_446, %gather3A_449 : vector<16xf32>
        %gt3A_451 = arith.constant 0.000000e+00 : f32
        %gt3A_452 = vector.broadcast %gt3A_451 : f32 to vector<16xf32>
        %gt3A_453 = arith.cmpf ogt, %add3A_450, %gt3A_452 : vector<16xf32>
        %mul3A_454 = arith.constant 2.000000e-01 : f32
        %mul3A_455 = vector.broadcast %mul3A_454 : f32 to vector<16xf32>
        %mul3A_456 = arith.mulf %mul3A_455, %add3A_450 : vector<16xf32>
        %select_n3A_457 = arith.select %gt3A_453, %add3A_450, %mul3A_456 : vector<16xi1>, vector<16xf32>
        %exp3A_458 = math.exp %select_n3A_457 : vector<16xf32>
        %broadcast_in_dim3A_459 = arith.constant 2 : i32
        %broadcast_in_dim3A_460 = vector.broadcast %broadcast_in_dim3A_459 : i32 to vector<16xi32>
        tpu.vector_store_idx %arg24[%add3A_409, %broadcast_in_dim3A_460], %exp3A_458 : memref<80x8xf32, #tpu.memory_space<vmem>>[vector<16xi32>, vector<16xi32>], vector<16xf32>,
        %broadcast_in_dim3A_461 = arith.constant 3 : i32
        %broadcast_in_dim3A_462 = vector.broadcast %broadcast_in_dim3A_461 : i32 to vector<16xi32>
        %gather3A_463 = tpu.vector_load_idx %arg20[%add3A_409, %broadcast_in_dim3A_462] : memref<80x8xf32, #tpu.memory_space<vmem>>[vector<16xi32>, vector<16xi32>], vector<16xf32>,
        %broadcast_in_dim3A_464 = arith.constant 7 : i32
        %broadcast_in_dim3A_465 = vector.broadcast %broadcast_in_dim3A_464 : i32 to vector<16xi32>
        %gather3A_466 = tpu.vector_load_idx %arg22[%add3A_409, %broadcast_in_dim3A_465] : memref<80x8xf32, #tpu.memory_space<vmem>>[vector<16xi32>, vector<16xi32>], vector<16xf32>,
        %add3A_467 = arith.addf %gather3A_463, %gather3A_466 : vector<16xf32>
        %gt3A_468 = arith.constant 0.000000e+00 : f32
        %gt3A_469 = vector.broadcast %gt3A_468 : f32 to vector<16xf32>
        %gt3A_470 = arith.cmpf ogt, %add3A_467, %gt3A_469 : vector<16xf32>
        %mul3A_471 = arith.constant 2.000000e-01 : f32
        %mul3A_472 = vector.broadcast %mul3A_471 : f32 to vector<16xf32>
        %mul3A_473 = arith.mulf %mul3A_472, %add3A_467 : vector<16xf32>
        %select_n3A_474 = arith.select %gt3A_470, %add3A_467, %mul3A_473 : vector<16xi1>, vector<16xf32>
        %exp3A_475 = math.exp %select_n3A_474 : vector<16xf32>
        %broadcast_in_dim3A_476 = arith.constant 3 : i32
        %broadcast_in_dim3A_477 = vector.broadcast %broadcast_in_dim3A_476 : i32 to vector<16xi32>
        tpu.vector_store_idx %arg24[%add3A_409, %broadcast_in_dim3A_477], %exp3A_475 : memref<80x8xf32, #tpu.memory_space<vmem>>[vector<16xi32>, vector<16xi32>], vector<16xf32>,
        %parallel_loop3A = arith.constant 0 : i32
        %parallel_loop3A_478 = arith.constant 128 : i32
        %parallel_loop3A_479 = arith.constant 1 : i32
        scf.for %parallel_loop3A_928 = %parallel_loop3A to %parallel_loop3A_478 step %parallel_loop3A_479  : i32 {
          %parallel_loop3A_929 = arith.constant 5 : i32
          %parallel_loop3A_930 = arith.shrsi %parallel_loop3A_928, %parallel_loop3A_929 : i32
          %parallel_loop3A_931 = arith.constant 0 : i32
          %parallel_loop3A_932 = vector.broadcast %parallel_loop3A_931 : i32 to vector<16xi32>
          %parallel_loop3A_933 = arith.addi %iota3A_13, %parallel_loop3A_932 : vector<16xi32>
          %parallel_loop3A_934 = vector.broadcast %parallel_loop3A_930 : i32 to vector<16xi32>
          %parallel_loop3A_935 = tpu.vector_load_idx %arg24[%parallel_loop3A_933, %parallel_loop3A_934] : memref<80x8xf32, #tpu.memory_space<vmem>>[vector<16xi32>, vector<16xi32>], vector<16xf32>,
          %parallel_loop3A_936 = vector.broadcast %parallel_loop3A_928 : i32 to vector<16xi32>
          %parallel_loop3A_937 = tpu.vector_load_idx %arg18[%parallel_loop3A_933, %parallel_loop3A_936] : memref<80x128xf32, #tpu.memory_space<vmem>>[vector<16xi32>, vector<16xi32>], vector<16xf32>,
          %parallel_loop3A_938 = vector.broadcast %parallel_loop3A_928 : i32 to vector<16xi32>
          %parallel_loop3A_939 = arith.mulf %parallel_loop3A_937, %parallel_loop3A_935 : vector<16xf32>
          tpu.vector_store_idx %arg18[%parallel_loop3A_933, %parallel_loop3A_938], %parallel_loop3A_939 : memref<80x128xf32, #tpu.memory_space<vmem>>[vector<16xi32>, vector<16xi32>], vector<16xf32>,
          %parallel_loop3A_940 = arith.constant 16 : i32
          %parallel_loop3A_941 = vector.broadcast %parallel_loop3A_940 : i32 to vector<16xi32>
          %parallel_loop3A_942 = arith.addi %iota3A_13, %parallel_loop3A_941 : vector<16xi32>
          %parallel_loop3A_943 = vector.broadcast %parallel_loop3A_930 : i32 to vector<16xi32>
          %parallel_loop3A_944 = tpu.vector_load_idx %arg24[%parallel_loop3A_942, %parallel_loop3A_943] : memref<80x8xf32, #tpu.memory_space<vmem>>[vector<16xi32>, vector<16xi32>], vector<16xf32>,
          %parallel_loop3A_945 = vector.broadcast %parallel_loop3A_928 : i32 to vector<16xi32>
          %parallel_loop3A_946 = tpu.vector_load_idx %arg18[%parallel_loop3A_942, %parallel_loop3A_945] : memref<80x128xf32, #tpu.memory_space<vmem>>[vector<16xi32>, vector<16xi32>], vector<16xf32>,
          %parallel_loop3A_947 = vector.broadcast %parallel_loop3A_928 : i32 to vector<16xi32>
          %parallel_loop3A_948 = arith.mulf %parallel_loop3A_946, %parallel_loop3A_944 : vector<16xf32>
          tpu.vector_store_idx %arg18[%parallel_loop3A_942, %parallel_loop3A_947], %parallel_loop3A_948 : memref<80x128xf32, #tpu.memory_space<vmem>>[vector<16xi32>, vector<16xi32>], vector<16xf32>,
          %parallel_loop3A_949 = arith.constant 32 : i32
          %parallel_loop3A_950 = vector.broadcast %parallel_loop3A_949 : i32 to vector<16xi32>
          %parallel_loop3A_951 = arith.addi %iota3A_13, %parallel_loop3A_950 : vector<16xi32>
          %parallel_loop3A_952 = vector.broadcast %parallel_loop3A_930 : i32 to vector<16xi32>
          %parallel_loop3A_953 = tpu.vector_load_idx %arg24[%parallel_loop3A_951, %parallel_loop3A_952] : memref<80x8xf32, #tpu.memory_space<vmem>>[vector<16xi32>, vector<16xi32>], vector<16xf32>,
          %parallel_loop3A_954 = vector.broadcast %parallel_loop3A_928 : i32 to vector<16xi32>
          %parallel_loop3A_955 = tpu.vector_load_idx %arg18[%parallel_loop3A_951, %parallel_loop3A_954] : memref<80x128xf32, #tpu.memory_space<vmem>>[vector<16xi32>, vector<16xi32>], vector<16xf32>,
          %parallel_loop3A_956 = vector.broadcast %parallel_loop3A_928 : i32 to vector<16xi32>
          %parallel_loop3A_957 = arith.mulf %parallel_loop3A_955, %parallel_loop3A_953 : vector<16xf32>
          tpu.vector_store_idx %arg18[%parallel_loop3A_951, %parallel_loop3A_956], %parallel_loop3A_957 : memref<80x128xf32, #tpu.memory_space<vmem>>[vector<16xi32>, vector<16xi32>], vector<16xf32>,
          %parallel_loop3A_958 = arith.constant 48 : i32
          %parallel_loop3A_959 = vector.broadcast %parallel_loop3A_958 : i32 to vector<16xi32>
          %parallel_loop3A_960 = arith.addi %iota3A_13, %parallel_loop3A_959 : vector<16xi32>
          %parallel_loop3A_961 = vector.broadcast %parallel_loop3A_930 : i32 to vector<16xi32>
          %parallel_loop3A_962 = tpu.vector_load_idx %arg24[%parallel_loop3A_960, %parallel_loop3A_961] : memref<80x8xf32, #tpu.memory_space<vmem>>[vector<16xi32>, vector<16xi32>], vector<16xf32>,
          %parallel_loop3A_963 = vector.broadcast %parallel_loop3A_928 : i32 to vector<16xi32>
          %parallel_loop3A_964 = tpu.vector_load_idx %arg18[%parallel_loop3A_960, %parallel_loop3A_963] : memref<80x128xf32, #tpu.memory_space<vmem>>[vector<16xi32>, vector<16xi32>], vector<16xf32>,
          %parallel_loop3A_965 = vector.broadcast %parallel_loop3A_928 : i32 to vector<16xi32>
          %parallel_loop3A_966 = arith.mulf %parallel_loop3A_964, %parallel_loop3A_962 : vector<16xf32>
          tpu.vector_store_idx %arg18[%parallel_loop3A_960, %parallel_loop3A_965], %parallel_loop3A_966 : memref<80x128xf32, #tpu.memory_space<vmem>>[vector<16xi32>, vector<16xi32>], vector<16xf32>,
          %parallel_loop3A_967 = arith.constant 64 : i32
          %parallel_loop3A_968 = vector.broadcast %parallel_loop3A_967 : i32 to vector<16xi32>
          %parallel_loop3A_969 = arith.addi %iota3A_13, %parallel_loop3A_968 : vector<16xi32>
          %parallel_loop3A_970 = vector.broadcast %parallel_loop3A_930 : i32 to vector<16xi32>
          %parallel_loop3A_971 = tpu.vector_load_idx %arg24[%parallel_loop3A_969, %parallel_loop3A_970] : memref<80x8xf32, #tpu.memory_space<vmem>>[vector<16xi32>, vector<16xi32>], vector<16xf32>,
          %parallel_loop3A_972 = vector.broadcast %parallel_loop3A_928 : i32 to vector<16xi32>
          %parallel_loop3A_973 = tpu.vector_load_idx %arg18[%parallel_loop3A_969, %parallel_loop3A_972] : memref<80x128xf32, #tpu.memory_space<vmem>>[vector<16xi32>, vector<16xi32>], vector<16xf32>,
          %parallel_loop3A_974 = vector.broadcast %parallel_loop3A_928 : i32 to vector<16xi32>
          %parallel_loop3A_975 = arith.mulf %parallel_loop3A_973, %parallel_loop3A_971 : vector<16xf32>
          tpu.vector_store_idx %arg18[%parallel_loop3A_969, %parallel_loop3A_974], %parallel_loop3A_975 : memref<80x128xf32, #tpu.memory_space<vmem>>[vector<16xi32>, vector<16xi32>], vector<16xf32>,
        } {sc.loop_unroll_factor = 1 : i64, sc.parallel_access}
        %add3A_480 = arith.constant 2 : i32
        %add3A_481 = arith.addi %add3A_78, %add3A_480 : i32
        %mul3A_482 = arith.constant 20000 : i32
        %mul3A_483 = arith.muli %arg1, %mul3A_482 : i32
        %mul3A_484 = arith.constant 80 : i32
        %mul3A_485 = arith.muli %add3A_481, %mul3A_484 : i32
        %add3A_486 = arith.addi %mul3A_483, %mul3A_485 : i32
        %dma_start3A_487 = tpu.memref_slice %arg2[%add3A_486] : memref<320160xi32, #tpu.memory_space<hbm>> -> memref<80xi32, #tpu.memory_space<hbm>>
        %dma_start3A_488 = tpu.memref_slice %arg2[%add3A_486] : memref<320160xi32, #tpu.memory_space<hbm>> -> memref<80xi32, #tpu.memory_space<hbm>>
        tpu.enqueue_dma source(%dma_start3A_488 : memref<80xi32, #tpu.memory_space<hbm>>) target(%arg30 : memref<80xi32, #tpu.memory_space<vmem>>) target_semaphore(%arg36 : memref<!tpu.dma_semaphore, #tpu.memory_space<semaphore_mem>>)
        %dma_start3A_489 = tpu.memref_slice %arg3[%add3A_486] : memref<320160xi32, #tpu.memory_space<hbm>> -> memref<80xi32, #tpu.memory_space<hbm>>
        %dma_start3A_490 = tpu.memref_slice %arg3[%add3A_486] : memref<320160xi32, #tpu.memory_space<hbm>> -> memref<80xi32, #tpu.memory_space<hbm>>
        tpu.enqueue_dma source(%dma_start3A_490 : memref<80xi32, #tpu.memory_space<hbm>>) target(%arg32 : memref<80xi32, #tpu.memory_space<vmem>>) target_semaphore(%arg36 : memref<!tpu.dma_semaphore, #tpu.memory_space<semaphore_mem>>)
        %dma_start3A_491 = arith.constant 0 : i32
        %dma_start3A_492 = arith.constant 0 : i32
        %dma_start3A_493 = tpu.memref_slice %arg15[%dma_start3A_491, %dma_start3A_492] : memref<10240x128xf32, #tpu.memory_space<vmem_shared>> -> memref<10240x128xf32, #tpu.memory_space<vmem_shared>>
        tpu.enqueue_indirect_dma source(%arg18 : memref<80x128xf32, #tpu.memory_space<vmem>>) target(%dma_start3A_493 : memref<10240x128xf32, #tpu.memory_space<vmem_shared>>) offsets(%arg34 : memref<80xi32, #tpu.memory_space<vmem>>) semaphore(%arg40 : memref<!tpu.dma_semaphore, #tpu.memory_space<semaphore_mem>>) {add = true}
        %dma_start3A_494 = arith.constant 0 : i32
        %dma_start3A_495 = arith.constant 0 : i32
        %dma_start3A_496 = tpu.memref_slice %arg16[%dma_start3A_494, %dma_start3A_495] : memref<10240x8xf32, #tpu.memory_space<vmem_shared>> -> memref<10240x8xf32, #tpu.memory_space<vmem_shared>>
        tpu.enqueue_indirect_dma source(%arg24 : memref<80x8xf32, #tpu.memory_space<vmem>>) target(%dma_start3A_496 : memref<10240x8xf32, #tpu.memory_space<vmem_shared>>) offsets(%arg34 : memref<80xi32, #tpu.memory_space<vmem>>) semaphore(%arg40 : memref<!tpu.dma_semaphore, #tpu.memory_space<semaphore_mem>>) {add = true}
        %mul3A_497 = arith.constant 2 : i32
        %mul3A_498 = arith.muli %mul3A_497, %scan3A_74 : i32
        %add3A_499 = arith.constant 1 : i32
        %add3A_500 = arith.addi %mul3A_498, %add3A_499 : i32
        %dma_wait3A_501 = arith.constant 0 : i32
        %dma_wait3A_502 = arith.constant 0 : i32
        %dma_wait3A_503 = tpu.memref_slice %arg15[%dma_wait3A_501, %dma_wait3A_502] : memref<10240x128xf32, #tpu.memory_space<vmem_shared>> -> memref<10240x128xf32, #tpu.memory_space<vmem_shared>>
        tpu.wait_indirect_dma semaphore(%arg40 : memref<!tpu.dma_semaphore, #tpu.memory_space<semaphore_mem>>) src(%arg18 : memref<80x128xf32, #tpu.memory_space<vmem>>) dst(%dma_wait3A_503 : memref<10240x128xf32, #tpu.memory_space<vmem_shared>>)
        %dma_wait3A_504 = arith.constant 0 : i32
        %dma_wait3A_505 = arith.constant 0 : i32
        %dma_wait3A_506 = tpu.memref_slice %arg16[%dma_wait3A_504, %dma_wait3A_505] : memref<10240x8xf32, #tpu.memory_space<vmem_shared>> -> memref<10240x8xf32, #tpu.memory_space<vmem_shared>>
        tpu.wait_indirect_dma semaphore(%arg40 : memref<!tpu.dma_semaphore, #tpu.memory_space<semaphore_mem>>) src(%arg24 : memref<80x8xf32, #tpu.memory_space<vmem>>) dst(%dma_wait3A_506 : memref<10240x8xf32, #tpu.memory_space<vmem_shared>>)
        %dma_wait3A_507 = arith.constant 0 : i32
        %dma_wait3A_508 = tpu.memref_slice %arg2[%dma_wait3A_507] : memref<320160xi32, #tpu.memory_space<hbm>> -> memref<80xi32, #tpu.memory_space<hbm>>
        %dma_wait3A_509 = arith.constant 0 : i32
        %dma_wait3A_510 = tpu.memref_slice %arg2[%dma_wait3A_509] : memref<320160xi32, #tpu.memory_space<hbm>> -> memref<80xi32, #tpu.memory_space<hbm>>
        tpu.wait_dma2 semaphore(%arg36 : memref<!tpu.dma_semaphore, #tpu.memory_space<semaphore_mem>>) src(%dma_wait3A_510 : memref<80xi32, #tpu.memory_space<hbm>>) dst(%arg30 : memref<80xi32, #tpu.memory_space<vmem>>)
        %dma_wait3A_511 = arith.constant 0 : i32
        %dma_wait3A_512 = tpu.memref_slice %arg3[%dma_wait3A_511] : memref<320160xi32, #tpu.memory_space<hbm>> -> memref<80xi32, #tpu.memory_space<hbm>>
        %dma_wait3A_513 = arith.constant 0 : i32
        %dma_wait3A_514 = tpu.memref_slice %arg3[%dma_wait3A_513] : memref<320160xi32, #tpu.memory_space<hbm>> -> memref<80xi32, #tpu.memory_space<hbm>>
        tpu.wait_dma2 semaphore(%arg36 : memref<!tpu.dma_semaphore, #tpu.memory_space<semaphore_mem>>) src(%dma_wait3A_514 : memref<80xi32, #tpu.memory_space<hbm>>) dst(%arg32 : memref<80xi32, #tpu.memory_space<vmem>>)
        %dma_start3A_515 = arith.constant 0 : i32
        %dma_start3A_516 = arith.constant 0 : i32
        %dma_start3A_517 = tpu.memref_slice %arg5[%dma_start3A_515, %dma_start3A_516] : memref<10240x128xf32, #tpu.memory_space<hbm>> -> memref<10240x128xf32, #tpu.memory_space<hbm>>
        tpu.enqueue_indirect_dma source(%dma_start3A_517 : memref<10240x128xf32, #tpu.memory_space<hbm>>) target(%arg18 : memref<80x128xf32, #tpu.memory_space<vmem>>) offsets(%arg30 : memref<80xi32, #tpu.memory_space<vmem>>) semaphore(%arg38 : memref<!tpu.dma_semaphore, #tpu.memory_space<semaphore_mem>>)
        %dma_start3A_518 = arith.constant 0 : i32
        %dma_start3A_519 = arith.constant 0 : i32
        %dma_start3A_520 = tpu.memref_slice %arg4[%dma_start3A_518, %dma_start3A_519] : memref<10240x8xf32, #tpu.memory_space<hbm>> -> memref<10240x8xf32, #tpu.memory_space<hbm>>
        tpu.enqueue_indirect_dma source(%dma_start3A_520 : memref<10240x8xf32, #tpu.memory_space<hbm>>) target(%arg20 : memref<80x8xf32, #tpu.memory_space<vmem>>) offsets(%arg30 : memref<80xi32, #tpu.memory_space<vmem>>) semaphore(%arg38 : memref<!tpu.dma_semaphore, #tpu.memory_space<semaphore_mem>>)
        %dma_start3A_521 = arith.constant 0 : i32
        %dma_start3A_522 = arith.constant 0 : i32
        %dma_start3A_523 = tpu.memref_slice %arg4[%dma_start3A_521, %dma_start3A_522] : memref<10240x8xf32, #tpu.memory_space<hbm>> -> memref<10240x8xf32, #tpu.memory_space<hbm>>
        tpu.enqueue_indirect_dma source(%dma_start3A_523 : memref<10240x8xf32, #tpu.memory_space<hbm>>) target(%arg22 : memref<80x8xf32, #tpu.memory_space<vmem>>) offsets(%arg32 : memref<80xi32, #tpu.memory_space<vmem>>) semaphore(%arg38 : memref<!tpu.dma_semaphore, #tpu.memory_space<semaphore_mem>>)
        %dma_wait3A_524 = arith.constant 0 : i32
        %dma_wait3A_525 = arith.constant 0 : i32
        %dma_wait3A_526 = tpu.memref_slice %arg5[%dma_wait3A_524, %dma_wait3A_525] : memref<10240x128xf32, #tpu.memory_space<hbm>> -> memref<10240x128xf32, #tpu.memory_space<hbm>>
        tpu.wait_indirect_dma semaphore(%arg39 : memref<!tpu.dma_semaphore, #tpu.memory_space<semaphore_mem>>) src(%dma_wait3A_526 : memref<10240x128xf32, #tpu.memory_space<hbm>>) dst(%arg19 : memref<80x128xf32, #tpu.memory_space<vmem>>)
        %dma_wait3A_527 = arith.constant 0 : i32
        %dma_wait3A_528 = arith.constant 0 : i32
        %dma_wait3A_529 = tpu.memref_slice %arg4[%dma_wait3A_527, %dma_wait3A_528] : memref<10240x8xf32, #tpu.memory_space<hbm>> -> memref<10240x8xf32, #tpu.memory_space<hbm>>
        tpu.wait_indirect_dma semaphore(%arg39 : memref<!tpu.dma_semaphore, #tpu.memory_space<semaphore_mem>>) src(%dma_wait3A_529 : memref<10240x8xf32, #tpu.memory_space<hbm>>) dst(%arg21 : memref<80x8xf32, #tpu.memory_space<vmem>>)
        %dma_wait3A_530 = arith.constant 0 : i32
        %dma_wait3A_531 = arith.constant 0 : i32
        %dma_wait3A_532 = tpu.memref_slice %arg4[%dma_wait3A_530, %dma_wait3A_531] : memref<10240x8xf32, #tpu.memory_space<hbm>> -> memref<10240x8xf32, #tpu.memory_space<hbm>>
        tpu.wait_indirect_dma semaphore(%arg39 : memref<!tpu.dma_semaphore, #tpu.memory_space<semaphore_mem>>) src(%dma_wait3A_532 : memref<10240x8xf32, #tpu.memory_space<hbm>>) dst(%arg23 : memref<80x8xf32, #tpu.memory_space<vmem>>)
        %get3A_533 = arith.constant 0 : index
        %get3A_534 = tpu.vector_load %arg33[%get3A_533] {strides = array<i32>} : memref<80xi32, #tpu.memory_space<vmem>>, vector<16xi32>,
        %swap3A_535 = arith.constant 0 : index
        %swap3A_536 = tpu.vector_load %arg35[%swap3A_535] {strides = array<i32>} : memref<80xi32, #tpu.memory_space<vmem>>, vector<16xi32>,
        tpu.vector_store %arg35[%swap3A_535], %get3A_534 {strides = array<i32>} : memref<80xi32, #tpu.memory_space<vmem>>, vector<16xi32>,
        %get3A_537 = arith.constant 16 : index
        %get3A_538 = tpu.vector_load %arg33[%get3A_537] {strides = array<i32>} : memref<80xi32, #tpu.memory_space<vmem>>, vector<16xi32>,
        %swap3A_539 = arith.constant 16 : index
        %swap3A_540 = tpu.vector_load %arg35[%swap3A_539] {strides = array<i32>} : memref<80xi32, #tpu.memory_space<vmem>>, vector<16xi32>,
        tpu.vector_store %arg35[%swap3A_539], %get3A_538 {strides = array<i32>} : memref<80xi32, #tpu.memory_space<vmem>>, vector<16xi32>,
        %get3A_541 = arith.constant 32 : index
        %get3A_542 = tpu.vector_load %arg33[%get3A_541] {strides = array<i32>} : memref<80xi32, #tpu.memory_space<vmem>>, vector<16xi32>,
        %swap3A_543 = arith.constant 32 : index
        %swap3A_544 = tpu.vector_load %arg35[%swap3A_543] {strides = array<i32>} : memref<80xi32, #tpu.memory_space<vmem>>, vector<16xi32>,
        tpu.vector_store %arg35[%swap3A_543], %get3A_542 {strides = array<i32>} : memref<80xi32, #tpu.memory_space<vmem>>, vector<16xi32>,
        %get3A_545 = arith.constant 48 : index
        %get3A_546 = tpu.vector_load %arg33[%get3A_545] {strides = array<i32>} : memref<80xi32, #tpu.memory_space<vmem>>, vector<16xi32>,
        %swap3A_547 = arith.constant 48 : index
        %swap3A_548 = tpu.vector_load %arg35[%swap3A_547] {strides = array<i32>} : memref<80xi32, #tpu.memory_space<vmem>>, vector<16xi32>,
        tpu.vector_store %arg35[%swap3A_547], %get3A_546 {strides = array<i32>} : memref<80xi32, #tpu.memory_space<vmem>>, vector<16xi32>,
        %get3A_549 = arith.constant 64 : index
        %get3A_550 = tpu.vector_load %arg33[%get3A_549] {strides = array<i32>} : memref<80xi32, #tpu.memory_space<vmem>>, vector<16xi32>,
        %swap3A_551 = arith.constant 64 : index
        %swap3A_552 = tpu.vector_load %arg35[%swap3A_551] {strides = array<i32>} : memref<80xi32, #tpu.memory_space<vmem>>, vector<16xi32>,
        tpu.vector_store %arg35[%swap3A_551], %get3A_550 {strides = array<i32>} : memref<80xi32, #tpu.memory_space<vmem>>, vector<16xi32>,
        %add3A_553 = arith.constant 0 : i32
        %add3A_554 = vector.broadcast %add3A_553 : i32 to vector<16xi32>
        %add3A_555 = arith.addi %iota3A_13, %add3A_554 : vector<16xi32>
        %broadcast_in_dim3A_556 = arith.constant 0 : i32
        %broadcast_in_dim3A_557 = vector.broadcast %broadcast_in_dim3A_556 : i32 to vector<16xi32>
        %gather3A_558 = tpu.vector_load_idx %arg21[%add3A_555, %broadcast_in_dim3A_557] : memref<80x8xf32, #tpu.memory_space<vmem>>[vector<16xi32>, vector<16xi32>], vector<16xf32>,
        %broadcast_in_dim3A_559 = arith.constant 4 : i32
        %broadcast_in_dim3A_560 = vector.broadcast %broadcast_in_dim3A_559 : i32 to vector<16xi32>
        %gather3A_561 = tpu.vector_load_idx %arg23[%add3A_555, %broadcast_in_dim3A_560] : memref<80x8xf32, #tpu.memory_space<vmem>>[vector<16xi32>, vector<16xi32>], vector<16xf32>,
        %add3A_562 = arith.addf %gather3A_558, %gather3A_561 : vector<16xf32>
        %gt3A_563 = arith.constant 0.000000e+00 : f32
        %gt3A_564 = vector.broadcast %gt3A_563 : f32 to vector<16xf32>
        %gt3A_565 = arith.cmpf ogt, %add3A_562, %gt3A_564 : vector<16xf32>
        %mul3A_566 = arith.constant 2.000000e-01 : f32
        %mul3A_567 = vector.broadcast %mul3A_566 : f32 to vector<16xf32>
        %mul3A_568 = arith.mulf %mul3A_567, %add3A_562 : vector<16xf32>
        %select_n3A_569 = arith.select %gt3A_565, %add3A_562, %mul3A_568 : vector<16xi1>, vector<16xf32>
        %exp3A_570 = math.exp %select_n3A_569 : vector<16xf32>
        %broadcast_in_dim3A_571 = arith.constant 0 : i32
        %broadcast_in_dim3A_572 = vector.broadcast %broadcast_in_dim3A_571 : i32 to vector<16xi32>
        tpu.vector_store_idx %arg25[%add3A_555, %broadcast_in_dim3A_572], %exp3A_570 : memref<80x8xf32, #tpu.memory_space<vmem>>[vector<16xi32>, vector<16xi32>], vector<16xf32>,
        %broadcast_in_dim3A_573 = arith.constant 1 : i32
        %broadcast_in_dim3A_574 = vector.broadcast %broadcast_in_dim3A_573 : i32 to vector<16xi32>
        %gather3A_575 = tpu.vector_load_idx %arg21[%add3A_555, %broadcast_in_dim3A_574] : memref<80x8xf32, #tpu.memory_space<vmem>>[vector<16xi32>, vector<16xi32>], vector<16xf32>,
        %broadcast_in_dim3A_576 = arith.constant 5 : i32
        %broadcast_in_dim3A_577 = vector.broadcast %broadcast_in_dim3A_576 : i32 to vector<16xi32>
        %gather3A_578 = tpu.vector_load_idx %arg23[%add3A_555, %broadcast_in_dim3A_577] : memref<80x8xf32, #tpu.memory_space<vmem>>[vector<16xi32>, vector<16xi32>], vector<16xf32>,
        %add3A_579 = arith.addf %gather3A_575, %gather3A_578 : vector<16xf32>
        %gt3A_580 = arith.constant 0.000000e+00 : f32
        %gt3A_581 = vector.broadcast %gt3A_580 : f32 to vector<16xf32>
        %gt3A_582 = arith.cmpf ogt, %add3A_579, %gt3A_581 : vector<16xf32>
        %mul3A_583 = arith.constant 2.000000e-01 : f32
        %mul3A_584 = vector.broadcast %mul3A_583 : f32 to vector<16xf32>
        %mul3A_585 = arith.mulf %mul3A_584, %add3A_579 : vector<16xf32>
        %select_n3A_586 = arith.select %gt3A_582, %add3A_579, %mul3A_585 : vector<16xi1>, vector<16xf32>
        %exp3A_587 = math.exp %select_n3A_586 : vector<16xf32>
        %broadcast_in_dim3A_588 = arith.constant 1 : i32
        %broadcast_in_dim3A_589 = vector.broadcast %broadcast_in_dim3A_588 : i32 to vector<16xi32>
        tpu.vector_store_idx %arg25[%add3A_555, %broadcast_in_dim3A_589], %exp3A_587 : memref<80x8xf32, #tpu.memory_space<vmem>>[vector<16xi32>, vector<16xi32>], vector<16xf32>,
        %broadcast_in_dim3A_590 = arith.constant 2 : i32
        %broadcast_in_dim3A_591 = vector.broadcast %broadcast_in_dim3A_590 : i32 to vector<16xi32>
        %gather3A_592 = tpu.vector_load_idx %arg21[%add3A_555, %broadcast_in_dim3A_591] : memref<80x8xf32, #tpu.memory_space<vmem>>[vector<16xi32>, vector<16xi32>], vector<16xf32>,
        %broadcast_in_dim3A_593 = arith.constant 6 : i32
        %broadcast_in_dim3A_594 = vector.broadcast %broadcast_in_dim3A_593 : i32 to vector<16xi32>
        %gather3A_595 = tpu.vector_load_idx %arg23[%add3A_555, %broadcast_in_dim3A_594] : memref<80x8xf32, #tpu.memory_space<vmem>>[vector<16xi32>, vector<16xi32>], vector<16xf32>,
        %add3A_596 = arith.addf %gather3A_592, %gather3A_595 : vector<16xf32>
        %gt3A_597 = arith.constant 0.000000e+00 : f32
        %gt3A_598 = vector.broadcast %gt3A_597 : f32 to vector<16xf32>
        %gt3A_599 = arith.cmpf ogt, %add3A_596, %gt3A_598 : vector<16xf32>
        %mul3A_600 = arith.constant 2.000000e-01 : f32
        %mul3A_601 = vector.broadcast %mul3A_600 : f32 to vector<16xf32>
        %mul3A_602 = arith.mulf %mul3A_601, %add3A_596 : vector<16xf32>
        %select_n3A_603 = arith.select %gt3A_599, %add3A_596, %mul3A_602 : vector<16xi1>, vector<16xf32>
        %exp3A_604 = math.exp %select_n3A_603 : vector<16xf32>
        %broadcast_in_dim3A_605 = arith.constant 2 : i32
        %broadcast_in_dim3A_606 = vector.broadcast %broadcast_in_dim3A_605 : i32 to vector<16xi32>
        tpu.vector_store_idx %arg25[%add3A_555, %broadcast_in_dim3A_606], %exp3A_604 : memref<80x8xf32, #tpu.memory_space<vmem>>[vector<16xi32>, vector<16xi32>], vector<16xf32>,
        %broadcast_in_dim3A_607 = arith.constant 3 : i32
        %broadcast_in_dim3A_608 = vector.broadcast %broadcast_in_dim3A_607 : i32 to vector<16xi32>
        %gather3A_609 = tpu.vector_load_idx %arg21[%add3A_555, %broadcast_in_dim3A_608] : memref<80x8xf32, #tpu.memory_space<vmem>>[vector<16xi32>, vector<16xi32>], vector<16xf32>,
        %broadcast_in_dim3A_610 = arith.constant 7 : i32
        %broadcast_in_dim3A_611 = vector.broadcast %broadcast_in_dim3A_610 : i32 to vector<16xi32>
        %gather3A_612 = tpu.vector_load_idx %arg23[%add3A_555, %broadcast_in_dim3A_611] : memref<80x8xf32, #tpu.memory_space<vmem>>[vector<16xi32>, vector<16xi32>], vector<16xf32>,
        %add3A_613 = arith.addf %gather3A_609, %gather3A_612 : vector<16xf32>
        %gt3A_614 = arith.constant 0.000000e+00 : f32
        %gt3A_615 = vector.broadcast %gt3A_614 : f32 to vector<16xf32>
        %gt3A_616 = arith.cmpf ogt, %add3A_613, %gt3A_615 : vector<16xf32>
        %mul3A_617 = arith.constant 2.000000e-01 : f32
        %mul3A_618 = vector.broadcast %mul3A_617 : f32 to vector<16xf32>
        %mul3A_619 = arith.mulf %mul3A_618, %add3A_613 : vector<16xf32>
        %select_n3A_620 = arith.select %gt3A_616, %add3A_613, %mul3A_619 : vector<16xi1>, vector<16xf32>
        %exp3A_621 = math.exp %select_n3A_620 : vector<16xf32>
        %broadcast_in_dim3A_622 = arith.constant 3 : i32
        %broadcast_in_dim3A_623 = vector.broadcast %broadcast_in_dim3A_622 : i32 to vector<16xi32>
        tpu.vector_store_idx %arg25[%add3A_555, %broadcast_in_dim3A_623], %exp3A_621 : memref<80x8xf32, #tpu.memory_space<vmem>>[vector<16xi32>, vector<16xi32>], vector<16xf32>,
        %add3A_624 = arith.constant 16 : i32
        %add3A_625 = vector.broadcast %add3A_624 : i32 to vector<16xi32>
        %add3A_626 = arith.addi %iota3A_13, %add3A_625 : vector<16xi32>
        %broadcast_in_dim3A_627 = arith.constant 0 : i32
        %broadcast_in_dim3A_628 = vector.broadcast %broadcast_in_dim3A_627 : i32 to vector<16xi32>
        %gather3A_629 = tpu.vector_load_idx %arg21[%add3A_626, %broadcast_in_dim3A_628] : memref<80x8xf32, #tpu.memory_space<vmem>>[vector<16xi32>, vector<16xi32>], vector<16xf32>,
        %broadcast_in_dim3A_630 = arith.constant 4 : i32
        %broadcast_in_dim3A_631 = vector.broadcast %broadcast_in_dim3A_630 : i32 to vector<16xi32>
        %gather3A_632 = tpu.vector_load_idx %arg23[%add3A_626, %broadcast_in_dim3A_631] : memref<80x8xf32, #tpu.memory_space<vmem>>[vector<16xi32>, vector<16xi32>], vector<16xf32>,
        %add3A_633 = arith.addf %gather3A_629, %gather3A_632 : vector<16xf32>
        %gt3A_634 = arith.constant 0.000000e+00 : f32
        %gt3A_635 = vector.broadcast %gt3A_634 : f32 to vector<16xf32>
        %gt3A_636 = arith.cmpf ogt, %add3A_633, %gt3A_635 : vector<16xf32>
        %mul3A_637 = arith.constant 2.000000e-01 : f32
        %mul3A_638 = vector.broadcast %mul3A_637 : f32 to vector<16xf32>
        %mul3A_639 = arith.mulf %mul3A_638, %add3A_633 : vector<16xf32>
        %select_n3A_640 = arith.select %gt3A_636, %add3A_633, %mul3A_639 : vector<16xi1>, vector<16xf32>
        %exp3A_641 = math.exp %select_n3A_640 : vector<16xf32>
        %broadcast_in_dim3A_642 = arith.constant 0 : i32
        %broadcast_in_dim3A_643 = vector.broadcast %broadcast_in_dim3A_642 : i32 to vector<16xi32>
        tpu.vector_store_idx %arg25[%add3A_626, %broadcast_in_dim3A_643], %exp3A_641 : memref<80x8xf32, #tpu.memory_space<vmem>>[vector<16xi32>, vector<16xi32>], vector<16xf32>,
        %broadcast_in_dim3A_644 = arith.constant 1 : i32
        %broadcast_in_dim3A_645 = vector.broadcast %broadcast_in_dim3A_644 : i32 to vector<16xi32>
        %gather3A_646 = tpu.vector_load_idx %arg21[%add3A_626, %broadcast_in_dim3A_645] : memref<80x8xf32, #tpu.memory_space<vmem>>[vector<16xi32>, vector<16xi32>], vector<16xf32>,
        %broadcast_in_dim3A_647 = arith.constant 5 : i32
        %broadcast_in_dim3A_648 = vector.broadcast %broadcast_in_dim3A_647 : i32 to vector<16xi32>
        %gather3A_649 = tpu.vector_load_idx %arg23[%add3A_626, %broadcast_in_dim3A_648] : memref<80x8xf32, #tpu.memory_space<vmem>>[vector<16xi32>, vector<16xi32>], vector<16xf32>,
        %add3A_650 = arith.addf %gather3A_646, %gather3A_649 : vector<16xf32>
        %gt3A_651 = arith.constant 0.000000e+00 : f32
        %gt3A_652 = vector.broadcast %gt3A_651 : f32 to vector<16xf32>
        %gt3A_653 = arith.cmpf ogt, %add3A_650, %gt3A_652 : vector<16xf32>
        %mul3A_654 = arith.constant 2.000000e-01 : f32
        %mul3A_655 = vector.broadcast %mul3A_654 : f32 to vector<16xf32>
        %mul3A_656 = arith.mulf %mul3A_655, %add3A_650 : vector<16xf32>
        %select_n3A_657 = arith.select %gt3A_653, %add3A_650, %mul3A_656 : vector<16xi1>, vector<16xf32>
        %exp3A_658 = math.exp %select_n3A_657 : vector<16xf32>
        %broadcast_in_dim3A_659 = arith.constant 1 : i32
        %broadcast_in_dim3A_660 = vector.broadcast %broadcast_in_dim3A_659 : i32 to vector<16xi32>
        tpu.vector_store_idx %arg25[%add3A_626, %broadcast_in_dim3A_660], %exp3A_658 : memref<80x8xf32, #tpu.memory_space<vmem>>[vector<16xi32>, vector<16xi32>], vector<16xf32>,
        %broadcast_in_dim3A_661 = arith.constant 2 : i32
        %broadcast_in_dim3A_662 = vector.broadcast %broadcast_in_dim3A_661 : i32 to vector<16xi32>
        %gather3A_663 = tpu.vector_load_idx %arg21[%add3A_626, %broadcast_in_dim3A_662] : memref<80x8xf32, #tpu.memory_space<vmem>>[vector<16xi32>, vector<16xi32>], vector<16xf32>,
        %broadcast_in_dim3A_664 = arith.constant 6 : i32
        %broadcast_in_dim3A_665 = vector.broadcast %broadcast_in_dim3A_664 : i32 to vector<16xi32>
        %gather3A_666 = tpu.vector_load_idx %arg23[%add3A_626, %broadcast_in_dim3A_665] : memref<80x8xf32, #tpu.memory_space<vmem>>[vector<16xi32>, vector<16xi32>], vector<16xf32>,
        %add3A_667 = arith.addf %gather3A_663, %gather3A_666 : vector<16xf32>
        %gt3A_668 = arith.constant 0.000000e+00 : f32
        %gt3A_669 = vector.broadcast %gt3A_668 : f32 to vector<16xf32>
        %gt3A_670 = arith.cmpf ogt, %add3A_667, %gt3A_669 : vector<16xf32>
        %mul3A_671 = arith.constant 2.000000e-01 : f32
        %mul3A_672 = vector.broadcast %mul3A_671 : f32 to vector<16xf32>
        %mul3A_673 = arith.mulf %mul3A_672, %add3A_667 : vector<16xf32>
        %select_n3A_674 = arith.select %gt3A_670, %add3A_667, %mul3A_673 : vector<16xi1>, vector<16xf32>
        %exp3A_675 = math.exp %select_n3A_674 : vector<16xf32>
        %broadcast_in_dim3A_676 = arith.constant 2 : i32
        %broadcast_in_dim3A_677 = vector.broadcast %broadcast_in_dim3A_676 : i32 to vector<16xi32>
        tpu.vector_store_idx %arg25[%add3A_626, %broadcast_in_dim3A_677], %exp3A_675 : memref<80x8xf32, #tpu.memory_space<vmem>>[vector<16xi32>, vector<16xi32>], vector<16xf32>,
        %broadcast_in_dim3A_678 = arith.constant 3 : i32
        %broadcast_in_dim3A_679 = vector.broadcast %broadcast_in_dim3A_678 : i32 to vector<16xi32>
        %gather3A_680 = tpu.vector_load_idx %arg21[%add3A_626, %broadcast_in_dim3A_679] : memref<80x8xf32, #tpu.memory_space<vmem>>[vector<16xi32>, vector<16xi32>], vector<16xf32>,
        %broadcast_in_dim3A_681 = arith.constant 7 : i32
        %broadcast_in_dim3A_682 = vector.broadcast %broadcast_in_dim3A_681 : i32 to vector<16xi32>
        %gather3A_683 = tpu.vector_load_idx %arg23[%add3A_626, %broadcast_in_dim3A_682] : memref<80x8xf32, #tpu.memory_space<vmem>>[vector<16xi32>, vector<16xi32>], vector<16xf32>,
        %add3A_684 = arith.addf %gather3A_680, %gather3A_683 : vector<16xf32>
        %gt3A_685 = arith.constant 0.000000e+00 : f32
        %gt3A_686 = vector.broadcast %gt3A_685 : f32 to vector<16xf32>
        %gt3A_687 = arith.cmpf ogt, %add3A_684, %gt3A_686 : vector<16xf32>
        %mul3A_688 = arith.constant 2.000000e-01 : f32
        %mul3A_689 = vector.broadcast %mul3A_688 : f32 to vector<16xf32>
        %mul3A_690 = arith.mulf %mul3A_689, %add3A_684 : vector<16xf32>
        %select_n3A_691 = arith.select %gt3A_687, %add3A_684, %mul3A_690 : vector<16xi1>, vector<16xf32>
        %exp3A_692 = math.exp %select_n3A_691 : vector<16xf32>
        %broadcast_in_dim3A_693 = arith.constant 3 : i32
        %broadcast_in_dim3A_694 = vector.broadcast %broadcast_in_dim3A_693 : i32 to vector<16xi32>
        tpu.vector_store_idx %arg25[%add3A_626, %broadcast_in_dim3A_694], %exp3A_692 : memref<80x8xf32, #tpu.memory_space<vmem>>[vector<16xi32>, vector<16xi32>], vector<16xf32>,
        %add3A_695 = arith.constant 32 : i32
        %add3A_696 = vector.broadcast %add3A_695 : i32 to vector<16xi32>
        %add3A_697 = arith.addi %iota3A_13, %add3A_696 : vector<16xi32>
        %broadcast_in_dim3A_698 = arith.constant 0 : i32
        %broadcast_in_dim3A_699 = vector.broadcast %broadcast_in_dim3A_698 : i32 to vector<16xi32>
        %gather3A_700 = tpu.vector_load_idx %arg21[%add3A_697, %broadcast_in_dim3A_699] : memref<80x8xf32, #tpu.memory_space<vmem>>[vector<16xi32>, vector<16xi32>], vector<16xf32>,
        %broadcast_in_dim3A_701 = arith.constant 4 : i32
        %broadcast_in_dim3A_702 = vector.broadcast %broadcast_in_dim3A_701 : i32 to vector<16xi32>
        %gather3A_703 = tpu.vector_load_idx %arg23[%add3A_697, %broadcast_in_dim3A_702] : memref<80x8xf32, #tpu.memory_space<vmem>>[vector<16xi32>, vector<16xi32>], vector<16xf32>,
        %add3A_704 = arith.addf %gather3A_700, %gather3A_703 : vector<16xf32>
        %gt3A_705 = arith.constant 0.000000e+00 : f32
        %gt3A_706 = vector.broadcast %gt3A_705 : f32 to vector<16xf32>
        %gt3A_707 = arith.cmpf ogt, %add3A_704, %gt3A_706 : vector<16xf32>
        %mul3A_708 = arith.constant 2.000000e-01 : f32
        %mul3A_709 = vector.broadcast %mul3A_708 : f32 to vector<16xf32>
        %mul3A_710 = arith.mulf %mul3A_709, %add3A_704 : vector<16xf32>
        %select_n3A_711 = arith.select %gt3A_707, %add3A_704, %mul3A_710 : vector<16xi1>, vector<16xf32>
        %exp3A_712 = math.exp %select_n3A_711 : vector<16xf32>
        %broadcast_in_dim3A_713 = arith.constant 0 : i32
        %broadcast_in_dim3A_714 = vector.broadcast %broadcast_in_dim3A_713 : i32 to vector<16xi32>
        tpu.vector_store_idx %arg25[%add3A_697, %broadcast_in_dim3A_714], %exp3A_712 : memref<80x8xf32, #tpu.memory_space<vmem>>[vector<16xi32>, vector<16xi32>], vector<16xf32>,
        %broadcast_in_dim3A_715 = arith.constant 1 : i32
        %broadcast_in_dim3A_716 = vector.broadcast %broadcast_in_dim3A_715 : i32 to vector<16xi32>
        %gather3A_717 = tpu.vector_load_idx %arg21[%add3A_697, %broadcast_in_dim3A_716] : memref<80x8xf32, #tpu.memory_space<vmem>>[vector<16xi32>, vector<16xi32>], vector<16xf32>,
        %broadcast_in_dim3A_718 = arith.constant 5 : i32
        %broadcast_in_dim3A_719 = vector.broadcast %broadcast_in_dim3A_718 : i32 to vector<16xi32>
        %gather3A_720 = tpu.vector_load_idx %arg23[%add3A_697, %broadcast_in_dim3A_719] : memref<80x8xf32, #tpu.memory_space<vmem>>[vector<16xi32>, vector<16xi32>], vector<16xf32>,
        %add3A_721 = arith.addf %gather3A_717, %gather3A_720 : vector<16xf32>
        %gt3A_722 = arith.constant 0.000000e+00 : f32
        %gt3A_723 = vector.broadcast %gt3A_722 : f32 to vector<16xf32>
        %gt3A_724 = arith.cmpf ogt, %add3A_721, %gt3A_723 : vector<16xf32>
        %mul3A_725 = arith.constant 2.000000e-01 : f32
        %mul3A_726 = vector.broadcast %mul3A_725 : f32 to vector<16xf32>
        %mul3A_727 = arith.mulf %mul3A_726, %add3A_721 : vector<16xf32>
        %select_n3A_728 = arith.select %gt3A_724, %add3A_721, %mul3A_727 : vector<16xi1>, vector<16xf32>
        %exp3A_729 = math.exp %select_n3A_728 : vector<16xf32>
        %broadcast_in_dim3A_730 = arith.constant 1 : i32
        %broadcast_in_dim3A_731 = vector.broadcast %broadcast_in_dim3A_730 : i32 to vector<16xi32>
        tpu.vector_store_idx %arg25[%add3A_697, %broadcast_in_dim3A_731], %exp3A_729 : memref<80x8xf32, #tpu.memory_space<vmem>>[vector<16xi32>, vector<16xi32>], vector<16xf32>,
        %broadcast_in_dim3A_732 = arith.constant 2 : i32
        %broadcast_in_dim3A_733 = vector.broadcast %broadcast_in_dim3A_732 : i32 to vector<16xi32>
        %gather3A_734 = tpu.vector_load_idx %arg21[%add3A_697, %broadcast_in_dim3A_733] : memref<80x8xf32, #tpu.memory_space<vmem>>[vector<16xi32>, vector<16xi32>], vector<16xf32>,
        %broadcast_in_dim3A_735 = arith.constant 6 : i32
        %broadcast_in_dim3A_736 = vector.broadcast %broadcast_in_dim3A_735 : i32 to vector<16xi32>
        %gather3A_737 = tpu.vector_load_idx %arg23[%add3A_697, %broadcast_in_dim3A_736] : memref<80x8xf32, #tpu.memory_space<vmem>>[vector<16xi32>, vector<16xi32>], vector<16xf32>,
        %add3A_738 = arith.addf %gather3A_734, %gather3A_737 : vector<16xf32>
        %gt3A_739 = arith.constant 0.000000e+00 : f32
        %gt3A_740 = vector.broadcast %gt3A_739 : f32 to vector<16xf32>
        %gt3A_741 = arith.cmpf ogt, %add3A_738, %gt3A_740 : vector<16xf32>
        %mul3A_742 = arith.constant 2.000000e-01 : f32
        %mul3A_743 = vector.broadcast %mul3A_742 : f32 to vector<16xf32>
        %mul3A_744 = arith.mulf %mul3A_743, %add3A_738 : vector<16xf32>
        %select_n3A_745 = arith.select %gt3A_741, %add3A_738, %mul3A_744 : vector<16xi1>, vector<16xf32>
        %exp3A_746 = math.exp %select_n3A_745 : vector<16xf32>
        %broadcast_in_dim3A_747 = arith.constant 2 : i32
        %broadcast_in_dim3A_748 = vector.broadcast %broadcast_in_dim3A_747 : i32 to vector<16xi32>
        tpu.vector_store_idx %arg25[%add3A_697, %broadcast_in_dim3A_748], %exp3A_746 : memref<80x8xf32, #tpu.memory_space<vmem>>[vector<16xi32>, vector<16xi32>], vector<16xf32>,
        %broadcast_in_dim3A_749 = arith.constant 3 : i32
        %broadcast_in_dim3A_750 = vector.broadcast %broadcast_in_dim3A_749 : i32 to vector<16xi32>
        %gather3A_751 = tpu.vector_load_idx %arg21[%add3A_697, %broadcast_in_dim3A_750] : memref<80x8xf32, #tpu.memory_space<vmem>>[vector<16xi32>, vector<16xi32>], vector<16xf32>,
        %broadcast_in_dim3A_752 = arith.constant 7 : i32
        %broadcast_in_dim3A_753 = vector.broadcast %broadcast_in_dim3A_752 : i32 to vector<16xi32>
        %gather3A_754 = tpu.vector_load_idx %arg23[%add3A_697, %broadcast_in_dim3A_753] : memref<80x8xf32, #tpu.memory_space<vmem>>[vector<16xi32>, vector<16xi32>], vector<16xf32>,
        %add3A_755 = arith.addf %gather3A_751, %gather3A_754 : vector<16xf32>
        %gt3A_756 = arith.constant 0.000000e+00 : f32
        %gt3A_757 = vector.broadcast %gt3A_756 : f32 to vector<16xf32>
        %gt3A_758 = arith.cmpf ogt, %add3A_755, %gt3A_757 : vector<16xf32>
        %mul3A_759 = arith.constant 2.000000e-01 : f32
        %mul3A_760 = vector.broadcast %mul3A_759 : f32 to vector<16xf32>
        %mul3A_761 = arith.mulf %mul3A_760, %add3A_755 : vector<16xf32>
        %select_n3A_762 = arith.select %gt3A_758, %add3A_755, %mul3A_761 : vector<16xi1>, vector<16xf32>
        %exp3A_763 = math.exp %select_n3A_762 : vector<16xf32>
        %broadcast_in_dim3A_764 = arith.constant 3 : i32
        %broadcast_in_dim3A_765 = vector.broadcast %broadcast_in_dim3A_764 : i32 to vector<16xi32>
        tpu.vector_store_idx %arg25[%add3A_697, %broadcast_in_dim3A_765], %exp3A_763 : memref<80x8xf32, #tpu.memory_space<vmem>>[vector<16xi32>, vector<16xi32>], vector<16xf32>,
        %add3A_766 = arith.constant 48 : i32
        %add3A_767 = vector.broadcast %add3A_766 : i32 to vector<16xi32>
        %add3A_768 = arith.addi %iota3A_13, %add3A_767 : vector<16xi32>
        %broadcast_in_dim3A_769 = arith.constant 0 : i32
        %broadcast_in_dim3A_770 = vector.broadcast %broadcast_in_dim3A_769 : i32 to vector<16xi32>
        %gather3A_771 = tpu.vector_load_idx %arg21[%add3A_768, %broadcast_in_dim3A_770] : memref<80x8xf32, #tpu.memory_space<vmem>>[vector<16xi32>, vector<16xi32>], vector<16xf32>,
        %broadcast_in_dim3A_772 = arith.constant 4 : i32
        %broadcast_in_dim3A_773 = vector.broadcast %broadcast_in_dim3A_772 : i32 to vector<16xi32>
        %gather3A_774 = tpu.vector_load_idx %arg23[%add3A_768, %broadcast_in_dim3A_773] : memref<80x8xf32, #tpu.memory_space<vmem>>[vector<16xi32>, vector<16xi32>], vector<16xf32>,
        %add3A_775 = arith.addf %gather3A_771, %gather3A_774 : vector<16xf32>
        %gt3A_776 = arith.constant 0.000000e+00 : f32
        %gt3A_777 = vector.broadcast %gt3A_776 : f32 to vector<16xf32>
        %gt3A_778 = arith.cmpf ogt, %add3A_775, %gt3A_777 : vector<16xf32>
        %mul3A_779 = arith.constant 2.000000e-01 : f32
        %mul3A_780 = vector.broadcast %mul3A_779 : f32 to vector<16xf32>
        %mul3A_781 = arith.mulf %mul3A_780, %add3A_775 : vector<16xf32>
        %select_n3A_782 = arith.select %gt3A_778, %add3A_775, %mul3A_781 : vector<16xi1>, vector<16xf32>
        %exp3A_783 = math.exp %select_n3A_782 : vector<16xf32>
        %broadcast_in_dim3A_784 = arith.constant 0 : i32
        %broadcast_in_dim3A_785 = vector.broadcast %broadcast_in_dim3A_784 : i32 to vector<16xi32>
        tpu.vector_store_idx %arg25[%add3A_768, %broadcast_in_dim3A_785], %exp3A_783 : memref<80x8xf32, #tpu.memory_space<vmem>>[vector<16xi32>, vector<16xi32>], vector<16xf32>,
        %broadcast_in_dim3A_786 = arith.constant 1 : i32
        %broadcast_in_dim3A_787 = vector.broadcast %broadcast_in_dim3A_786 : i32 to vector<16xi32>
        %gather3A_788 = tpu.vector_load_idx %arg21[%add3A_768, %broadcast_in_dim3A_787] : memref<80x8xf32, #tpu.memory_space<vmem>>[vector<16xi32>, vector<16xi32>], vector<16xf32>,
        %broadcast_in_dim3A_789 = arith.constant 5 : i32
        %broadcast_in_dim3A_790 = vector.broadcast %broadcast_in_dim3A_789 : i32 to vector<16xi32>
        %gather3A_791 = tpu.vector_load_idx %arg23[%add3A_768, %broadcast_in_dim3A_790] : memref<80x8xf32, #tpu.memory_space<vmem>>[vector<16xi32>, vector<16xi32>], vector<16xf32>,
        %add3A_792 = arith.addf %gather3A_788, %gather3A_791 : vector<16xf32>
        %gt3A_793 = arith.constant 0.000000e+00 : f32
        %gt3A_794 = vector.broadcast %gt3A_793 : f32 to vector<16xf32>
        %gt3A_795 = arith.cmpf ogt, %add3A_792, %gt3A_794 : vector<16xf32>
        %mul3A_796 = arith.constant 2.000000e-01 : f32
        %mul3A_797 = vector.broadcast %mul3A_796 : f32 to vector<16xf32>
        %mul3A_798 = arith.mulf %mul3A_797, %add3A_792 : vector<16xf32>
        %select_n3A_799 = arith.select %gt3A_795, %add3A_792, %mul3A_798 : vector<16xi1>, vector<16xf32>
        %exp3A_800 = math.exp %select_n3A_799 : vector<16xf32>
        %broadcast_in_dim3A_801 = arith.constant 1 : i32
        %broadcast_in_dim3A_802 = vector.broadcast %broadcast_in_dim3A_801 : i32 to vector<16xi32>
        tpu.vector_store_idx %arg25[%add3A_768, %broadcast_in_dim3A_802], %exp3A_800 : memref<80x8xf32, #tpu.memory_space<vmem>>[vector<16xi32>, vector<16xi32>], vector<16xf32>,
        %broadcast_in_dim3A_803 = arith.constant 2 : i32
        %broadcast_in_dim3A_804 = vector.broadcast %broadcast_in_dim3A_803 : i32 to vector<16xi32>
        %gather3A_805 = tpu.vector_load_idx %arg21[%add3A_768, %broadcast_in_dim3A_804] : memref<80x8xf32, #tpu.memory_space<vmem>>[vector<16xi32>, vector<16xi32>], vector<16xf32>,
        %broadcast_in_dim3A_806 = arith.constant 6 : i32
        %broadcast_in_dim3A_807 = vector.broadcast %broadcast_in_dim3A_806 : i32 to vector<16xi32>
        %gather3A_808 = tpu.vector_load_idx %arg23[%add3A_768, %broadcast_in_dim3A_807] : memref<80x8xf32, #tpu.memory_space<vmem>>[vector<16xi32>, vector<16xi32>], vector<16xf32>,
        %add3A_809 = arith.addf %gather3A_805, %gather3A_808 : vector<16xf32>
        %gt3A_810 = arith.constant 0.000000e+00 : f32
        %gt3A_811 = vector.broadcast %gt3A_810 : f32 to vector<16xf32>
        %gt3A_812 = arith.cmpf ogt, %add3A_809, %gt3A_811 : vector<16xf32>
        %mul3A_813 = arith.constant 2.000000e-01 : f32
        %mul3A_814 = vector.broadcast %mul3A_813 : f32 to vector<16xf32>
        %mul3A_815 = arith.mulf %mul3A_814, %add3A_809 : vector<16xf32>
        %select_n3A_816 = arith.select %gt3A_812, %add3A_809, %mul3A_815 : vector<16xi1>, vector<16xf32>
        %exp3A_817 = math.exp %select_n3A_816 : vector<16xf32>
        %broadcast_in_dim3A_818 = arith.constant 2 : i32
        %broadcast_in_dim3A_819 = vector.broadcast %broadcast_in_dim3A_818 : i32 to vector<16xi32>
        tpu.vector_store_idx %arg25[%add3A_768, %broadcast_in_dim3A_819], %exp3A_817 : memref<80x8xf32, #tpu.memory_space<vmem>>[vector<16xi32>, vector<16xi32>], vector<16xf32>,
        %broadcast_in_dim3A_820 = arith.constant 3 : i32
        %broadcast_in_dim3A_821 = vector.broadcast %broadcast_in_dim3A_820 : i32 to vector<16xi32>
        %gather3A_822 = tpu.vector_load_idx %arg21[%add3A_768, %broadcast_in_dim3A_821] : memref<80x8xf32, #tpu.memory_space<vmem>>[vector<16xi32>, vector<16xi32>], vector<16xf32>,
        %broadcast_in_dim3A_823 = arith.constant 7 : i32
        %broadcast_in_dim3A_824 = vector.broadcast %broadcast_in_dim3A_823 : i32 to vector<16xi32>
        %gather3A_825 = tpu.vector_load_idx %arg23[%add3A_768, %broadcast_in_dim3A_824] : memref<80x8xf32, #tpu.memory_space<vmem>>[vector<16xi32>, vector<16xi32>], vector<16xf32>,
        %add3A_826 = arith.addf %gather3A_822, %gather3A_825 : vector<16xf32>
        %gt3A_827 = arith.constant 0.000000e+00 : f32
        %gt3A_828 = vector.broadcast %gt3A_827 : f32 to vector<16xf32>
        %gt3A_829 = arith.cmpf ogt, %add3A_826, %gt3A_828 : vector<16xf32>
        %mul3A_830 = arith.constant 2.000000e-01 : f32
        %mul3A_831 = vector.broadcast %mul3A_830 : f32 to vector<16xf32>
        %mul3A_832 = arith.mulf %mul3A_831, %add3A_826 : vector<16xf32>
        %select_n3A_833 = arith.select %gt3A_829, %add3A_826, %mul3A_832 : vector<16xi1>, vector<16xf32>
        %exp3A_834 = math.exp %select_n3A_833 : vector<16xf32>
        %broadcast_in_dim3A_835 = arith.constant 3 : i32
        %broadcast_in_dim3A_836 = vector.broadcast %broadcast_in_dim3A_835 : i32 to vector<16xi32>
        tpu.vector_store_idx %arg25[%add3A_768, %broadcast_in_dim3A_836], %exp3A_834 : memref<80x8xf32, #tpu.memory_space<vmem>>[vector<16xi32>, vector<16xi32>], vector<16xf32>,
        %add3A_837 = arith.constant 64 : i32
        %add3A_838 = vector.broadcast %add3A_837 : i32 to vector<16xi32>
        %add3A_839 = arith.addi %iota3A_13, %add3A_838 : vector<16xi32>
        %broadcast_in_dim3A_840 = arith.constant 0 : i32
        %broadcast_in_dim3A_841 = vector.broadcast %broadcast_in_dim3A_840 : i32 to vector<16xi32>
        %gather3A_842 = tpu.vector_load_idx %arg21[%add3A_839, %broadcast_in_dim3A_841] : memref<80x8xf32, #tpu.memory_space<vmem>>[vector<16xi32>, vector<16xi32>], vector<16xf32>,
        %broadcast_in_dim3A_843 = arith.constant 4 : i32
        %broadcast_in_dim3A_844 = vector.broadcast %broadcast_in_dim3A_843 : i32 to vector<16xi32>
        %gather3A_845 = tpu.vector_load_idx %arg23[%add3A_839, %broadcast_in_dim3A_844] : memref<80x8xf32, #tpu.memory_space<vmem>>[vector<16xi32>, vector<16xi32>], vector<16xf32>,
        %add3A_846 = arith.addf %gather3A_842, %gather3A_845 : vector<16xf32>
        %gt3A_847 = arith.constant 0.000000e+00 : f32
        %gt3A_848 = vector.broadcast %gt3A_847 : f32 to vector<16xf32>
        %gt3A_849 = arith.cmpf ogt, %add3A_846, %gt3A_848 : vector<16xf32>
        %mul3A_850 = arith.constant 2.000000e-01 : f32
        %mul3A_851 = vector.broadcast %mul3A_850 : f32 to vector<16xf32>
        %mul3A_852 = arith.mulf %mul3A_851, %add3A_846 : vector<16xf32>
        %select_n3A_853 = arith.select %gt3A_849, %add3A_846, %mul3A_852 : vector<16xi1>, vector<16xf32>
        %exp3A_854 = math.exp %select_n3A_853 : vector<16xf32>
        %broadcast_in_dim3A_855 = arith.constant 0 : i32
        %broadcast_in_dim3A_856 = vector.broadcast %broadcast_in_dim3A_855 : i32 to vector<16xi32>
        tpu.vector_store_idx %arg25[%add3A_839, %broadcast_in_dim3A_856], %exp3A_854 : memref<80x8xf32, #tpu.memory_space<vmem>>[vector<16xi32>, vector<16xi32>], vector<16xf32>,
        %broadcast_in_dim3A_857 = arith.constant 1 : i32
        %broadcast_in_dim3A_858 = vector.broadcast %broadcast_in_dim3A_857 : i32 to vector<16xi32>
        %gather3A_859 = tpu.vector_load_idx %arg21[%add3A_839, %broadcast_in_dim3A_858] : memref<80x8xf32, #tpu.memory_space<vmem>>[vector<16xi32>, vector<16xi32>], vector<16xf32>,
        %broadcast_in_dim3A_860 = arith.constant 5 : i32
        %broadcast_in_dim3A_861 = vector.broadcast %broadcast_in_dim3A_860 : i32 to vector<16xi32>
        %gather3A_862 = tpu.vector_load_idx %arg23[%add3A_839, %broadcast_in_dim3A_861] : memref<80x8xf32, #tpu.memory_space<vmem>>[vector<16xi32>, vector<16xi32>], vector<16xf32>,
        %add3A_863 = arith.addf %gather3A_859, %gather3A_862 : vector<16xf32>
        %gt3A_864 = arith.constant 0.000000e+00 : f32
        %gt3A_865 = vector.broadcast %gt3A_864 : f32 to vector<16xf32>
        %gt3A_866 = arith.cmpf ogt, %add3A_863, %gt3A_865 : vector<16xf32>
        %mul3A_867 = arith.constant 2.000000e-01 : f32
        %mul3A_868 = vector.broadcast %mul3A_867 : f32 to vector<16xf32>
        %mul3A_869 = arith.mulf %mul3A_868, %add3A_863 : vector<16xf32>
        %select_n3A_870 = arith.select %gt3A_866, %add3A_863, %mul3A_869 : vector<16xi1>, vector<16xf32>
        %exp3A_871 = math.exp %select_n3A_870 : vector<16xf32>
        %broadcast_in_dim3A_872 = arith.constant 1 : i32
        %broadcast_in_dim3A_873 = vector.broadcast %broadcast_in_dim3A_872 : i32 to vector<16xi32>
        tpu.vector_store_idx %arg25[%add3A_839, %broadcast_in_dim3A_873], %exp3A_871 : memref<80x8xf32, #tpu.memory_space<vmem>>[vector<16xi32>, vector<16xi32>], vector<16xf32>,
        %broadcast_in_dim3A_874 = arith.constant 2 : i32
        %broadcast_in_dim3A_875 = vector.broadcast %broadcast_in_dim3A_874 : i32 to vector<16xi32>
        %gather3A_876 = tpu.vector_load_idx %arg21[%add3A_839, %broadcast_in_dim3A_875] : memref<80x8xf32, #tpu.memory_space<vmem>>[vector<16xi32>, vector<16xi32>], vector<16xf32>,
        %broadcast_in_dim3A_877 = arith.constant 6 : i32
        %broadcast_in_dim3A_878 = vector.broadcast %broadcast_in_dim3A_877 : i32 to vector<16xi32>
        %gather3A_879 = tpu.vector_load_idx %arg23[%add3A_839, %broadcast_in_dim3A_878] : memref<80x8xf32, #tpu.memory_space<vmem>>[vector<16xi32>, vector<16xi32>], vector<16xf32>,
        %add3A_880 = arith.addf %gather3A_876, %gather3A_879 : vector<16xf32>
        %gt3A_881 = arith.constant 0.000000e+00 : f32
        %gt3A_882 = vector.broadcast %gt3A_881 : f32 to vector<16xf32>
        %gt3A_883 = arith.cmpf ogt, %add3A_880, %gt3A_882 : vector<16xf32>
        %mul3A_884 = arith.constant 2.000000e-01 : f32
        %mul3A_885 = vector.broadcast %mul3A_884 : f32 to vector<16xf32>
        %mul3A_886 = arith.mulf %mul3A_885, %add3A_880 : vector<16xf32>
        %select_n3A_887 = arith.select %gt3A_883, %add3A_880, %mul3A_886 : vector<16xi1>, vector<16xf32>
        %exp3A_888 = math.exp %select_n3A_887 : vector<16xf32>
        %broadcast_in_dim3A_889 = arith.constant 2 : i32
        %broadcast_in_dim3A_890 = vector.broadcast %broadcast_in_dim3A_889 : i32 to vector<16xi32>
        tpu.vector_store_idx %arg25[%add3A_839, %broadcast_in_dim3A_890], %exp3A_888 : memref<80x8xf32, #tpu.memory_space<vmem>>[vector<16xi32>, vector<16xi32>], vector<16xf32>,
        %broadcast_in_dim3A_891 = arith.constant 3 : i32
        %broadcast_in_dim3A_892 = vector.broadcast %broadcast_in_dim3A_891 : i32 to vector<16xi32>
        %gather3A_893 = tpu.vector_load_idx %arg21[%add3A_839, %broadcast_in_dim3A_892] : memref<80x8xf32, #tpu.memory_space<vmem>>[vector<16xi32>, vector<16xi32>], vector<16xf32>,
        %broadcast_in_dim3A_894 = arith.constant 7 : i32
        %broadcast_in_dim3A_895 = vector.broadcast %broadcast_in_dim3A_894 : i32 to vector<16xi32>
        %gather3A_896 = tpu.vector_load_idx %arg23[%add3A_839, %broadcast_in_dim3A_895] : memref<80x8xf32, #tpu.memory_space<vmem>>[vector<16xi32>, vector<16xi32>], vector<16xf32>,
        %add3A_897 = arith.addf %gather3A_893, %gather3A_896 : vector<16xf32>
        %gt3A_898 = arith.constant 0.000000e+00 : f32
        %gt3A_899 = vector.broadcast %gt3A_898 : f32 to vector<16xf32>
        %gt3A_900 = arith.cmpf ogt, %add3A_897, %gt3A_899 : vector<16xf32>
        %mul3A_901 = arith.constant 2.000000e-01 : f32
        %mul3A_902 = vector.broadcast %mul3A_901 : f32 to vector<16xf32>
        %mul3A_903 = arith.mulf %mul3A_902, %add3A_897 : vector<16xf32>
        %select_n3A_904 = arith.select %gt3A_900, %add3A_897, %mul3A_903 : vector<16xi1>, vector<16xf32>
        %exp3A_905 = math.exp %select_n3A_904 : vector<16xf32>
        %broadcast_in_dim3A_906 = arith.constant 3 : i32
        %broadcast_in_dim3A_907 = vector.broadcast %broadcast_in_dim3A_906 : i32 to vector<16xi32>
        tpu.vector_store_idx %arg25[%add3A_839, %broadcast_in_dim3A_907], %exp3A_905 : memref<80x8xf32, #tpu.memory_space<vmem>>[vector<16xi32>, vector<16xi32>], vector<16xf32>,
        %parallel_loop3A_908 = arith.constant 0 : i32
        %parallel_loop3A_909 = arith.constant 128 : i32
        %parallel_loop3A_910 = arith.constant 1 : i32
        scf.for %parallel_loop3A_928 = %parallel_loop3A_908 to %parallel_loop3A_909 step %parallel_loop3A_910  : i32 {
          %parallel_loop3A_929 = arith.constant 5 : i32
          %parallel_loop3A_930 = arith.shrsi %parallel_loop3A_928, %parallel_loop3A_929 : i32
          %parallel_loop3A_931 = arith.constant 0 : i32
          %parallel_loop3A_932 = vector.broadcast %parallel_loop3A_931 : i32 to vector<16xi32>
          %parallel_loop3A_933 = arith.addi %iota3A_13, %parallel_loop3A_932 : vector<16xi32>
          %parallel_loop3A_934 = vector.broadcast %parallel_loop3A_930 : i32 to vector<16xi32>
          %parallel_loop3A_935 = tpu.vector_load_idx %arg25[%parallel_loop3A_933, %parallel_loop3A_934] : memref<80x8xf32, #tpu.memory_space<vmem>>[vector<16xi32>, vector<16xi32>], vector<16xf32>,
          %parallel_loop3A_936 = vector.broadcast %parallel_loop3A_928 : i32 to vector<16xi32>
          %parallel_loop3A_937 = tpu.vector_load_idx %arg19[%parallel_loop3A_933, %parallel_loop3A_936] : memref<80x128xf32, #tpu.memory_space<vmem>>[vector<16xi32>, vector<16xi32>], vector<16xf32>,
          %parallel_loop3A_938 = vector.broadcast %parallel_loop3A_928 : i32 to vector<16xi32>
          %parallel_loop3A_939 = arith.mulf %parallel_loop3A_937, %parallel_loop3A_935 : vector<16xf32>
          tpu.vector_store_idx %arg19[%parallel_loop3A_933, %parallel_loop3A_938], %parallel_loop3A_939 : memref<80x128xf32, #tpu.memory_space<vmem>>[vector<16xi32>, vector<16xi32>], vector<16xf32>,
          %parallel_loop3A_940 = arith.constant 16 : i32
          %parallel_loop3A_941 = vector.broadcast %parallel_loop3A_940 : i32 to vector<16xi32>
          %parallel_loop3A_942 = arith.addi %iota3A_13, %parallel_loop3A_941 : vector<16xi32>
          %parallel_loop3A_943 = vector.broadcast %parallel_loop3A_930 : i32 to vector<16xi32>
          %parallel_loop3A_944 = tpu.vector_load_idx %arg25[%parallel_loop3A_942, %parallel_loop3A_943] : memref<80x8xf32, #tpu.memory_space<vmem>>[vector<16xi32>, vector<16xi32>], vector<16xf32>,
          %parallel_loop3A_945 = vector.broadcast %parallel_loop3A_928 : i32 to vector<16xi32>
          %parallel_loop3A_946 = tpu.vector_load_idx %arg19[%parallel_loop3A_942, %parallel_loop3A_945] : memref<80x128xf32, #tpu.memory_space<vmem>>[vector<16xi32>, vector<16xi32>], vector<16xf32>,
          %parallel_loop3A_947 = vector.broadcast %parallel_loop3A_928 : i32 to vector<16xi32>
          %parallel_loop3A_948 = arith.mulf %parallel_loop3A_946, %parallel_loop3A_944 : vector<16xf32>
          tpu.vector_store_idx %arg19[%parallel_loop3A_942, %parallel_loop3A_947], %parallel_loop3A_948 : memref<80x128xf32, #tpu.memory_space<vmem>>[vector<16xi32>, vector<16xi32>], vector<16xf32>,
          %parallel_loop3A_949 = arith.constant 32 : i32
          %parallel_loop3A_950 = vector.broadcast %parallel_loop3A_949 : i32 to vector<16xi32>
          %parallel_loop3A_951 = arith.addi %iota3A_13, %parallel_loop3A_950 : vector<16xi32>
          %parallel_loop3A_952 = vector.broadcast %parallel_loop3A_930 : i32 to vector<16xi32>
          %parallel_loop3A_953 = tpu.vector_load_idx %arg25[%parallel_loop3A_951, %parallel_loop3A_952] : memref<80x8xf32, #tpu.memory_space<vmem>>[vector<16xi32>, vector<16xi32>], vector<16xf32>,
          %parallel_loop3A_954 = vector.broadcast %parallel_loop3A_928 : i32 to vector<16xi32>
          %parallel_loop3A_955 = tpu.vector_load_idx %arg19[%parallel_loop3A_951, %parallel_loop3A_954] : memref<80x128xf32, #tpu.memory_space<vmem>>[vector<16xi32>, vector<16xi32>], vector<16xf32>,
          %parallel_loop3A_956 = vector.broadcast %parallel_loop3A_928 : i32 to vector<16xi32>
          %parallel_loop3A_957 = arith.mulf %parallel_loop3A_955, %parallel_loop3A_953 : vector<16xf32>
          tpu.vector_store_idx %arg19[%parallel_loop3A_951, %parallel_loop3A_956], %parallel_loop3A_957 : memref<80x128xf32, #tpu.memory_space<vmem>>[vector<16xi32>, vector<16xi32>], vector<16xf32>,
          %parallel_loop3A_958 = arith.constant 48 : i32
          %parallel_loop3A_959 = vector.broadcast %parallel_loop3A_958 : i32 to vector<16xi32>
          %parallel_loop3A_960 = arith.addi %iota3A_13, %parallel_loop3A_959 : vector<16xi32>
          %parallel_loop3A_961 = vector.broadcast %parallel_loop3A_930 : i32 to vector<16xi32>
          %parallel_loop3A_962 = tpu.vector_load_idx %arg25[%parallel_loop3A_960, %parallel_loop3A_961] : memref<80x8xf32, #tpu.memory_space<vmem>>[vector<16xi32>, vector<16xi32>], vector<16xf32>,
          %parallel_loop3A_963 = vector.broadcast %parallel_loop3A_928 : i32 to vector<16xi32>
          %parallel_loop3A_964 = tpu.vector_load_idx %arg19[%parallel_loop3A_960, %parallel_loop3A_963] : memref<80x128xf32, #tpu.memory_space<vmem>>[vector<16xi32>, vector<16xi32>], vector<16xf32>,
          %parallel_loop3A_965 = vector.broadcast %parallel_loop3A_928 : i32 to vector<16xi32>
          %parallel_loop3A_966 = arith.mulf %parallel_loop3A_964, %parallel_loop3A_962 : vector<16xf32>
          tpu.vector_store_idx %arg19[%parallel_loop3A_960, %parallel_loop3A_965], %parallel_loop3A_966 : memref<80x128xf32, #tpu.memory_space<vmem>>[vector<16xi32>, vector<16xi32>], vector<16xf32>,
          %parallel_loop3A_967 = arith.constant 64 : i32
          %parallel_loop3A_968 = vector.broadcast %parallel_loop3A_967 : i32 to vector<16xi32>
          %parallel_loop3A_969 = arith.addi %iota3A_13, %parallel_loop3A_968 : vector<16xi32>
          %parallel_loop3A_970 = vector.broadcast %parallel_loop3A_930 : i32 to vector<16xi32>
          %parallel_loop3A_971 = tpu.vector_load_idx %arg25[%parallel_loop3A_969, %parallel_loop3A_970] : memref<80x8xf32, #tpu.memory_space<vmem>>[vector<16xi32>, vector<16xi32>], vector<16xf32>,
          %parallel_loop3A_972 = vector.broadcast %parallel_loop3A_928 : i32 to vector<16xi32>
          %parallel_loop3A_973 = tpu.vector_load_idx %arg19[%parallel_loop3A_969, %parallel_loop3A_972] : memref<80x128xf32, #tpu.memory_space<vmem>>[vector<16xi32>, vector<16xi32>], vector<16xf32>,
          %parallel_loop3A_974 = vector.broadcast %parallel_loop3A_928 : i32 to vector<16xi32>
          %parallel_loop3A_975 = arith.mulf %parallel_loop3A_973, %parallel_loop3A_971 : vector<16xf32>
          tpu.vector_store_idx %arg19[%parallel_loop3A_969, %parallel_loop3A_974], %parallel_loop3A_975 : memref<80x128xf32, #tpu.memory_space<vmem>>[vector<16xi32>, vector<16xi32>], vector<16xf32>,
        } {sc.loop_unroll_factor = 1 : i64, sc.parallel_access}
        %add3A_911 = arith.constant 2 : i32
        %add3A_912 = arith.addi %add3A_500, %add3A_911 : i32
        %mul3A_913 = arith.constant 20000 : i32
        %mul3A_914 = arith.muli %arg1, %mul3A_913 : i32
        %mul3A_915 = arith.constant 80 : i32
        %mul3A_916 = arith.muli %add3A_912, %mul3A_915 : i32
        %add3A_917 = arith.addi %mul3A_914, %mul3A_916 : i32
        %dma_start3A_918 = tpu.memref_slice %arg2[%add3A_917] : memref<320160xi32, #tpu.memory_space<hbm>> -> memref<80xi32, #tpu.memory_space<hbm>>
        %dma_start3A_919 = tpu.memref_slice %arg2[%add3A_917] : memref<320160xi32, #tpu.memory_space<hbm>> -> memref<80xi32, #tpu.memory_space<hbm>>
        tpu.enqueue_dma source(%dma_start3A_919 : memref<80xi32, #tpu.memory_space<hbm>>) target(%arg31 : memref<80xi32, #tpu.memory_space<vmem>>) target_semaphore(%arg37 : memref<!tpu.dma_semaphore, #tpu.memory_space<semaphore_mem>>)
        %dma_start3A_920 = tpu.memref_slice %arg3[%add3A_917] : memref<320160xi32, #tpu.memory_space<hbm>> -> memref<80xi32, #tpu.memory_space<hbm>>
        %dma_start3A_921 = tpu.memref_slice %arg3[%add3A_917] : memref<320160xi32, #tpu.memory_space<hbm>> -> memref<80xi32, #tpu.memory_space<hbm>>
        tpu.enqueue_dma source(%dma_start3A_921 : memref<80xi32, #tpu.memory_space<hbm>>) target(%arg33 : memref<80xi32, #tpu.memory_space<vmem>>) target_semaphore(%arg37 : memref<!tpu.dma_semaphore, #tpu.memory_space<semaphore_mem>>)
        %dma_start3A_922 = arith.constant 0 : i32
        %dma_start3A_923 = arith.constant 0 : i32
        %dma_start3A_924 = tpu.memref_slice %arg15[%dma_start3A_922, %dma_start3A_923] : memref<10240x128xf32, #tpu.memory_space<vmem_shared>> -> memref<10240x128xf32, #tpu.memory_space<vmem_shared>>
        tpu.enqueue_indirect_dma source(%arg19 : memref<80x128xf32, #tpu.memory_space<vmem>>) target(%dma_start3A_924 : memref<10240x128xf32, #tpu.memory_space<vmem_shared>>) offsets(%arg35 : memref<80xi32, #tpu.memory_space<vmem>>) semaphore(%arg41 : memref<!tpu.dma_semaphore, #tpu.memory_space<semaphore_mem>>) {add = true}
        %dma_start3A_925 = arith.constant 0 : i32
        %dma_start3A_926 = arith.constant 0 : i32
        %dma_start3A_927 = tpu.memref_slice %arg16[%dma_start3A_925, %dma_start3A_926] : memref<10240x8xf32, #tpu.memory_space<vmem_shared>> -> memref<10240x8xf32, #tpu.memory_space<vmem_shared>>
        tpu.enqueue_indirect_dma source(%arg25 : memref<80x8xf32, #tpu.memory_space<vmem>>) target(%dma_start3A_927 : memref<10240x8xf32, #tpu.memory_space<vmem_shared>>) offsets(%arg35 : memref<80xi32, #tpu.memory_space<vmem>>) semaphore(%arg41 : memref<!tpu.dma_semaphore, #tpu.memory_space<semaphore_mem>>) {add = true}
      }
      %scan3A_49 = arith.constant 125 : i32
      %dma_wait3A_50 = arith.constant 0 : i32
      %dma_wait3A_51 = arith.constant 0 : i32
      %dma_wait3A_52 = tpu.memref_slice %arg5[%dma_wait3A_50, %dma_wait3A_51] : memref<10240x128xf32, #tpu.memory_space<hbm>> -> memref<10240x128xf32, #tpu.memory_space<hbm>>
      tpu.wait_indirect_dma semaphore(%arg38 : memref<!tpu.dma_semaphore, #tpu.memory_space<semaphore_mem>>) src(%dma_wait3A_52 : memref<10240x128xf32, #tpu.memory_space<hbm>>) dst(%arg18 : memref<80x128xf32, #tpu.memory_space<vmem>>)
      %dma_wait3A_53 = arith.constant 0 : i32
      %dma_wait3A_54 = arith.constant 0 : i32
      %dma_wait3A_55 = tpu.memref_slice %arg4[%dma_wait3A_53, %dma_wait3A_54] : memref<10240x8xf32, #tpu.memory_space<hbm>> -> memref<10240x8xf32, #tpu.memory_space<hbm>>
      tpu.wait_indirect_dma semaphore(%arg38 : memref<!tpu.dma_semaphore, #tpu.memory_space<semaphore_mem>>) src(%dma_wait3A_55 : memref<10240x8xf32, #tpu.memory_space<hbm>>) dst(%arg20 : memref<80x8xf32, #tpu.memory_space<vmem>>)
      %dma_wait3A_56 = arith.constant 0 : i32
      %dma_wait3A_57 = arith.constant 0 : i32
      %dma_wait3A_58 = tpu.memref_slice %arg4[%dma_wait3A_56, %dma_wait3A_57] : memref<10240x8xf32, #tpu.memory_space<hbm>> -> memref<10240x8xf32, #tpu.memory_space<hbm>>
      tpu.wait_indirect_dma semaphore(%arg38 : memref<!tpu.dma_semaphore, #tpu.memory_space<semaphore_mem>>) src(%dma_wait3A_58 : memref<10240x8xf32, #tpu.memory_space<hbm>>) dst(%arg22 : memref<80x8xf32, #tpu.memory_space<vmem>>)
      %dma_wait3A_59 = arith.constant 0 : i32
      %dma_wait3A_60 = tpu.memref_slice %arg2[%dma_wait3A_59] : memref<320160xi32, #tpu.memory_space<hbm>> -> memref<80xi32, #tpu.memory_space<hbm>>
      %dma_wait3A_61 = arith.constant 0 : i32
      %dma_wait3A_62 = tpu.memref_slice %arg2[%dma_wait3A_61] : memref<320160xi32, #tpu.memory_space<hbm>> -> memref<80xi32, #tpu.memory_space<hbm>>
      tpu.wait_dma2 semaphore(%arg37 : memref<!tpu.dma_semaphore, #tpu.memory_space<semaphore_mem>>) src(%dma_wait3A_62 : memref<80xi32, #tpu.memory_space<hbm>>) dst(%arg31 : memref<80xi32, #tpu.memory_space<vmem>>)
      %dma_wait3A_63 = arith.constant 0 : i32
      %dma_wait3A_64 = tpu.memref_slice %arg3[%dma_wait3A_63] : memref<320160xi32, #tpu.memory_space<hbm>> -> memref<80xi32, #tpu.memory_space<hbm>>
      %dma_wait3A_65 = arith.constant 0 : i32
      %dma_wait3A_66 = tpu.memref_slice %arg3[%dma_wait3A_65] : memref<320160xi32, #tpu.memory_space<hbm>> -> memref<80xi32, #tpu.memory_space<hbm>>
      tpu.wait_dma2 semaphore(%arg37 : memref<!tpu.dma_semaphore, #tpu.memory_space<semaphore_mem>>) src(%dma_wait3A_66 : memref<80xi32, #tpu.memory_space<hbm>>) dst(%arg33 : memref<80xi32, #tpu.memory_space<vmem>>)
      %dma_wait3A_67 = arith.constant 0 : i32
      %dma_wait3A_68 = arith.constant 0 : i32
      %dma_wait3A_69 = tpu.memref_slice %arg15[%dma_wait3A_67, %dma_wait3A_68] : memref<10240x128xf32, #tpu.memory_space<vmem_shared>> -> memref<10240x128xf32, #tpu.memory_space<vmem_shared>>
      tpu.wait_indirect_dma semaphore(%arg41 : memref<!tpu.dma_semaphore, #tpu.memory_space<semaphore_mem>>) src(%arg19 : memref<80x128xf32, #tpu.memory_space<vmem>>) dst(%dma_wait3A_69 : memref<10240x128xf32, #tpu.memory_space<vmem_shared>>)
      %dma_wait3A_70 = arith.constant 0 : i32
      %dma_wait3A_71 = arith.constant 0 : i32
      %dma_wait3A_72 = tpu.memref_slice %arg16[%dma_wait3A_70, %dma_wait3A_71] : memref<10240x8xf32, #tpu.memory_space<vmem_shared>> -> memref<10240x8xf32, #tpu.memory_space<vmem_shared>>
      tpu.wait_indirect_dma semaphore(%arg41 : memref<!tpu.dma_semaphore, #tpu.memory_space<semaphore_mem>>) src(%arg25 : memref<80x8xf32, #tpu.memory_space<vmem>>) dst(%dma_wait3A_72 : memref<10240x8xf32, #tpu.memory_space<vmem_shared>>)
      %barrier3A_73 = arith.constant 0 : index
      tpu.barrier barrier_id(%barrier3A_73)
      "tpu.region"() ({
        %run_scoped3A = tpu.sem_alloc : memref<!tpu.dma_semaphore, #tpu.memory_space<semaphore_mem>>
        %dma_start3A_74 = arith.constant 0 : i32
        %dma_start3A_75 = tpu.memref_slice %arg11[%mul3A_0, %dma_start3A_74] : memref<10240x128xf32, #tpu.memory_space<hbm>> -> memref<640x128xf32, #tpu.memory_space<hbm>>
        %dma_start3A_76 = arith.constant 0 : i32
        %dma_start3A_77 = tpu.memref_slice %arg15[%mul3A_0, %dma_start3A_76] : memref<10240x128xf32, #tpu.memory_space<vmem_shared>> -> memref<640x128xf32, #tpu.memory_space<vmem_shared>>
        tpu.enqueue_dma source(%dma_start3A_77 : memref<640x128xf32, #tpu.memory_space<vmem_shared>>) target(%dma_start3A_75 : memref<640x128xf32, #tpu.memory_space<hbm>>) target_semaphore(%run_scoped3A : memref<!tpu.dma_semaphore, #tpu.memory_space<semaphore_mem>>)
        %dma_wait3A_78 = arith.constant 0 : i32
        %dma_wait3A_79 = tpu.memref_slice %arg11[%mul3A_0, %dma_wait3A_78] : memref<10240x128xf32, #tpu.memory_space<hbm>> -> memref<640x128xf32, #tpu.memory_space<hbm>>
        %dma_wait3A_80 = arith.constant 0 : i32
        %dma_wait3A_81 = tpu.memref_slice %arg15[%mul3A_0, %dma_wait3A_80] : memref<10240x128xf32, #tpu.memory_space<vmem_shared>> -> memref<640x128xf32, #tpu.memory_space<vmem_shared>>
        tpu.wait_dma2 semaphore(%run_scoped3A : memref<!tpu.dma_semaphore, #tpu.memory_space<semaphore_mem>>) src(%dma_wait3A_81 : memref<640x128xf32, #tpu.memory_space<vmem_shared>>) dst(%dma_wait3A_79 : memref<640x128xf32, #tpu.memory_space<hbm>>)
        tpu.yield
      }) : () -> ()
      "tpu.region"() ({
        %run_scoped3A = tpu.sem_alloc : memref<!tpu.dma_semaphore, #tpu.memory_space<semaphore_mem>>
        %dma_start3A_74 = arith.constant 0 : i32
        %dma_start3A_75 = tpu.memref_slice %arg12[%mul3A_0, %dma_start3A_74] : memref<10240x8xf32, #tpu.memory_space<hbm>> -> memref<640x8xf32, #tpu.memory_space<hbm>>
        %dma_start3A_76 = arith.constant 0 : i32
        %dma_start3A_77 = tpu.memref_slice %arg16[%mul3A_0, %dma_start3A_76] : memref<10240x8xf32, #tpu.memory_space<vmem_shared>> -> memref<640x8xf32, #tpu.memory_space<vmem_shared>>
        tpu.enqueue_dma source(%dma_start3A_77 : memref<640x8xf32, #tpu.memory_space<vmem_shared>>) target(%dma_start3A_75 : memref<640x8xf32, #tpu.memory_space<hbm>>) target_semaphore(%run_scoped3A : memref<!tpu.dma_semaphore, #tpu.memory_space<semaphore_mem>>)
        %dma_wait3A_78 = arith.constant 0 : i32
        %dma_wait3A_79 = tpu.memref_slice %arg12[%mul3A_0, %dma_wait3A_78] : memref<10240x8xf32, #tpu.memory_space<hbm>> -> memref<640x8xf32, #tpu.memory_space<hbm>>
        %dma_wait3A_80 = arith.constant 0 : i32
        %dma_wait3A_81 = tpu.memref_slice %arg16[%mul3A_0, %dma_wait3A_80] : memref<10240x8xf32, #tpu.memory_space<vmem_shared>> -> memref<640x8xf32, #tpu.memory_space<vmem_shared>>
        tpu.wait_dma2 semaphore(%run_scoped3A : memref<!tpu.dma_semaphore, #tpu.memory_space<semaphore_mem>>) src(%dma_wait3A_81 : memref<640x8xf32, #tpu.memory_space<vmem_shared>>) dst(%dma_wait3A_79 : memref<640x8xf32, #tpu.memory_space<hbm>>)
        tpu.yield
      }) : () -> ()
    } else {
    }
    %eq3A_3 = arith.constant 1 : i32
    %eq3A_4 = arith.cmpi eq, %arg0, %eq3A_3 : i32
    %convert_element_type3A_5 = arith.extui %eq3A_4 : i1 to i32
    %cond3A_6 = arith.constant 0 : i32
    %cond3A_7 = arith.cmpi ne, %convert_element_type3A_5, %cond3A_6 : i32
    scf.if %cond3A_7 {
      "tpu.region"() ({
        %run_scoped3A = tpu.sem_alloc : memref<!tpu.dma_semaphore, #tpu.memory_space<semaphore_mem>>
        %dma_start3A_104 = arith.constant 0 : i32
        %dma_start3A_105 = tpu.memref_slice %arg15[%mul3A_0, %dma_start3A_104] : memref<10240x128xf32, #tpu.memory_space<vmem_shared>> -> memref<640x128xf32, #tpu.memory_space<vmem_shared>>
        %dma_start3A_106 = arith.constant 0 : i32
        %dma_start3A_107 = tpu.memref_slice %arg9[%mul3A_0, %dma_start3A_106] : memref<10240x128xf32, #tpu.memory_space<hbm>> -> memref<640x128xf32, #tpu.memory_space<hbm>>
        tpu.enqueue_dma source(%dma_start3A_107 : memref<640x128xf32, #tpu.memory_space<hbm>>) target(%dma_start3A_105 : memref<640x128xf32, #tpu.memory_space<vmem_shared>>) target_semaphore(%run_scoped3A : memref<!tpu.dma_semaphore, #tpu.memory_space<semaphore_mem>>)
        %dma_wait3A_108 = arith.constant 0 : i32
        %dma_wait3A_109 = tpu.memref_slice %arg15[%mul3A_0, %dma_wait3A_108] : memref<10240x128xf32, #tpu.memory_space<vmem_shared>> -> memref<640x128xf32, #tpu.memory_space<vmem_shared>>
        %dma_wait3A_110 = arith.constant 0 : i32
        %dma_wait3A_111 = tpu.memref_slice %arg9[%mul3A_0, %dma_wait3A_110] : memref<10240x128xf32, #tpu.memory_space<hbm>> -> memref<640x128xf32, #tpu.memory_space<hbm>>
        tpu.wait_dma2 semaphore(%run_scoped3A : memref<!tpu.dma_semaphore, #tpu.memory_space<semaphore_mem>>) src(%dma_wait3A_111 : memref<640x128xf32, #tpu.memory_space<hbm>>) dst(%dma_wait3A_109 : memref<640x128xf32, #tpu.memory_space<vmem_shared>>)
        tpu.yield
      }) : () -> ()
      "tpu.region"() ({
        %run_scoped3A = tpu.sem_alloc : memref<!tpu.dma_semaphore, #tpu.memory_space<semaphore_mem>>
        %dma_start3A_104 = arith.constant 0 : i32
        %dma_start3A_105 = tpu.memref_slice %arg16[%mul3A_0, %dma_start3A_104] : memref<10240x8xf32, #tpu.memory_space<vmem_shared>> -> memref<640x8xf32, #tpu.memory_space<vmem_shared>>
        %dma_start3A_106 = arith.constant 0 : i32
        %dma_start3A_107 = tpu.memref_slice %arg10[%mul3A_0, %dma_start3A_106] : memref<10240x8xf32, #tpu.memory_space<hbm>> -> memref<640x8xf32, #tpu.memory_space<hbm>>
        tpu.enqueue_dma source(%dma_start3A_107 : memref<640x8xf32, #tpu.memory_space<hbm>>) target(%dma_start3A_105 : memref<640x8xf32, #tpu.memory_space<vmem_shared>>) target_semaphore(%run_scoped3A : memref<!tpu.dma_semaphore, #tpu.memory_space<semaphore_mem>>)
        %dma_wait3A_108 = arith.constant 0 : i32
        %dma_wait3A_109 = tpu.memref_slice %arg16[%mul3A_0, %dma_wait3A_108] : memref<10240x8xf32, #tpu.memory_space<vmem_shared>> -> memref<640x8xf32, #tpu.memory_space<vmem_shared>>
        %dma_wait3A_110 = arith.constant 0 : i32
        %dma_wait3A_111 = tpu.memref_slice %arg10[%mul3A_0, %dma_wait3A_110] : memref<10240x8xf32, #tpu.memory_space<hbm>> -> memref<640x8xf32, #tpu.memory_space<hbm>>
        tpu.wait_dma2 semaphore(%run_scoped3A : memref<!tpu.dma_semaphore, #tpu.memory_space<semaphore_mem>>) src(%dma_wait3A_111 : memref<640x8xf32, #tpu.memory_space<hbm>>) dst(%dma_wait3A_109 : memref<640x8xf32, #tpu.memory_space<vmem_shared>>)
        tpu.yield
      }) : () -> ()
      %scan3A = arith.constant 0 : i32
      %scan3A_8 = arith.constant 0 : i32
      %scan3A_9 = arith.constant 5 : i32
      %scan3A_10 = arith.addi %scan3A_8, %scan3A_9 : i32
      %scan3A_11 = arith.constant 1 : i32
      scf.for %scan3A_104 = %scan3A_8 to %scan3A_10 step %scan3A_11  : i32 {
        %mul3A_105 = arith.constant 16 : i32
        %mul3A_106 = arith.muli %scan3A_104, %mul3A_105 : i32
        %add3A_107 = vector.broadcast %mul3A_106 : i32 to vector<16xi32>
        %add3A_108 = arith.addi %iota3A, %add3A_107 : vector<16xi32>
        %broadcast_in_dim3A = arith.constant 0 : i32
        %broadcast_in_dim3A_109 = vector.broadcast %broadcast_in_dim3A : i32 to vector<16xi32>
        %broadcast_in_dim3A_110 = arith.constant 1.000000e+00 : f32
        %broadcast_in_dim3A_111 = vector.broadcast %broadcast_in_dim3A_110 : f32 to vector<16xf32>
        tpu.vector_store_idx %arg26[%add3A_108, %broadcast_in_dim3A_109], %broadcast_in_dim3A_111 : memref<80x8xf32, #tpu.memory_space<vmem>>[vector<16xi32>, vector<16xi32>], vector<16xf32>,
        %mul3A_112 = arith.constant 16 : i32
        %mul3A_113 = arith.muli %scan3A_104, %mul3A_112 : i32
        %add3A_114 = vector.broadcast %mul3A_113 : i32 to vector<16xi32>
        %add3A_115 = arith.addi %iota3A, %add3A_114 : vector<16xi32>
        %broadcast_in_dim3A_116 = arith.constant 1 : i32
        %broadcast_in_dim3A_117 = vector.broadcast %broadcast_in_dim3A_116 : i32 to vector<16xi32>
        %broadcast_in_dim3A_118 = arith.constant 1.000000e+00 : f32
        %broadcast_in_dim3A_119 = vector.broadcast %broadcast_in_dim3A_118 : f32 to vector<16xf32>
        tpu.vector_store_idx %arg26[%add3A_115, %broadcast_in_dim3A_117], %broadcast_in_dim3A_119 : memref<80x8xf32, #tpu.memory_space<vmem>>[vector<16xi32>, vector<16xi32>], vector<16xf32>,
        %mul3A_120 = arith.constant 16 : i32
        %mul3A_121 = arith.muli %scan3A_104, %mul3A_120 : i32
        %add3A_122 = vector.broadcast %mul3A_121 : i32 to vector<16xi32>
        %add3A_123 = arith.addi %iota3A, %add3A_122 : vector<16xi32>
        %broadcast_in_dim3A_124 = arith.constant 2 : i32
        %broadcast_in_dim3A_125 = vector.broadcast %broadcast_in_dim3A_124 : i32 to vector<16xi32>
        %broadcast_in_dim3A_126 = arith.constant 1.000000e+00 : f32
        %broadcast_in_dim3A_127 = vector.broadcast %broadcast_in_dim3A_126 : f32 to vector<16xf32>
        tpu.vector_store_idx %arg26[%add3A_123, %broadcast_in_dim3A_125], %broadcast_in_dim3A_127 : memref<80x8xf32, #tpu.memory_space<vmem>>[vector<16xi32>, vector<16xi32>], vector<16xf32>,
        %mul3A_128 = arith.constant 16 : i32
        %mul3A_129 = arith.muli %scan3A_104, %mul3A_128 : i32
        %add3A_130 = vector.broadcast %mul3A_129 : i32 to vector<16xi32>
        %add3A_131 = arith.addi %iota3A, %add3A_130 : vector<16xi32>
        %broadcast_in_dim3A_132 = arith.constant 3 : i32
        %broadcast_in_dim3A_133 = vector.broadcast %broadcast_in_dim3A_132 : i32 to vector<16xi32>
        %broadcast_in_dim3A_134 = arith.constant 1.000000e+00 : f32
        %broadcast_in_dim3A_135 = vector.broadcast %broadcast_in_dim3A_134 : f32 to vector<16xf32>
        tpu.vector_store_idx %arg26[%add3A_131, %broadcast_in_dim3A_133], %broadcast_in_dim3A_135 : memref<80x8xf32, #tpu.memory_space<vmem>>[vector<16xi32>, vector<16xi32>], vector<16xf32>,
        %mul3A_136 = arith.constant 16 : i32
        %mul3A_137 = arith.muli %scan3A_104, %mul3A_136 : i32
        %add3A_138 = vector.broadcast %mul3A_137 : i32 to vector<16xi32>
        %add3A_139 = arith.addi %iota3A, %add3A_138 : vector<16xi32>
        %broadcast_in_dim3A_140 = arith.constant 4 : i32
        %broadcast_in_dim3A_141 = vector.broadcast %broadcast_in_dim3A_140 : i32 to vector<16xi32>
        %broadcast_in_dim3A_142 = arith.constant 1.000000e+00 : f32
        %broadcast_in_dim3A_143 = vector.broadcast %broadcast_in_dim3A_142 : f32 to vector<16xf32>
        tpu.vector_store_idx %arg26[%add3A_139, %broadcast_in_dim3A_141], %broadcast_in_dim3A_143 : memref<80x8xf32, #tpu.memory_space<vmem>>[vector<16xi32>, vector<16xi32>], vector<16xf32>,
        %mul3A_144 = arith.constant 16 : i32
        %mul3A_145 = arith.muli %scan3A_104, %mul3A_144 : i32
        %add3A_146 = vector.broadcast %mul3A_145 : i32 to vector<16xi32>
        %add3A_147 = arith.addi %iota3A, %add3A_146 : vector<16xi32>
        %broadcast_in_dim3A_148 = arith.constant 5 : i32
        %broadcast_in_dim3A_149 = vector.broadcast %broadcast_in_dim3A_148 : i32 to vector<16xi32>
        %broadcast_in_dim3A_150 = arith.constant 1.000000e+00 : f32
        %broadcast_in_dim3A_151 = vector.broadcast %broadcast_in_dim3A_150 : f32 to vector<16xf32>
        tpu.vector_store_idx %arg26[%add3A_147, %broadcast_in_dim3A_149], %broadcast_in_dim3A_151 : memref<80x8xf32, #tpu.memory_space<vmem>>[vector<16xi32>, vector<16xi32>], vector<16xf32>,
        %mul3A_152 = arith.constant 16 : i32
        %mul3A_153 = arith.muli %scan3A_104, %mul3A_152 : i32
        %add3A_154 = vector.broadcast %mul3A_153 : i32 to vector<16xi32>
        %add3A_155 = arith.addi %iota3A, %add3A_154 : vector<16xi32>
        %broadcast_in_dim3A_156 = arith.constant 6 : i32
        %broadcast_in_dim3A_157 = vector.broadcast %broadcast_in_dim3A_156 : i32 to vector<16xi32>
        %broadcast_in_dim3A_158 = arith.constant 1.000000e+00 : f32
        %broadcast_in_dim3A_159 = vector.broadcast %broadcast_in_dim3A_158 : f32 to vector<16xf32>
        tpu.vector_store_idx %arg26[%add3A_155, %broadcast_in_dim3A_157], %broadcast_in_dim3A_159 : memref<80x8xf32, #tpu.memory_space<vmem>>[vector<16xi32>, vector<16xi32>], vector<16xf32>,
        %mul3A_160 = arith.constant 16 : i32
        %mul3A_161 = arith.muli %scan3A_104, %mul3A_160 : i32
        %add3A_162 = vector.broadcast %mul3A_161 : i32 to vector<16xi32>
        %add3A_163 = arith.addi %iota3A, %add3A_162 : vector<16xi32>
        %broadcast_in_dim3A_164 = arith.constant 7 : i32
        %broadcast_in_dim3A_165 = vector.broadcast %broadcast_in_dim3A_164 : i32 to vector<16xi32>
        %broadcast_in_dim3A_166 = arith.constant 1.000000e+00 : f32
        %broadcast_in_dim3A_167 = vector.broadcast %broadcast_in_dim3A_166 : f32 to vector<16xf32>
        tpu.vector_store_idx %arg26[%add3A_163, %broadcast_in_dim3A_165], %broadcast_in_dim3A_167 : memref<80x8xf32, #tpu.memory_space<vmem>>[vector<16xi32>, vector<16xi32>], vector<16xf32>,
      }
      %scan3A_12 = arith.constant 5 : i32
      %barrier3A = arith.constant 0 : index
      tpu.barrier barrier_id(%barrier3A)
      %mul3A_13 = arith.constant 20000 : i32
      %mul3A_14 = arith.muli %arg1, %mul3A_13 : i32
      %add3A = arith.constant 0 : i32
      %add3A_15 = arith.addi %mul3A_14, %add3A : i32
      %dma_start3A = tpu.memref_slice %arg3[%add3A_15] : memref<320160xi32, #tpu.memory_space<hbm>> -> memref<80xi32, #tpu.memory_space<hbm>>
      %dma_start3A_16 = tpu.memref_slice %arg3[%add3A_15] : memref<320160xi32, #tpu.memory_space<hbm>> -> memref<80xi32, #tpu.memory_space<hbm>>
      tpu.enqueue_dma source(%dma_start3A_16 : memref<80xi32, #tpu.memory_space<hbm>>) target(%arg32 : memref<80xi32, #tpu.memory_space<vmem>>) target_semaphore(%arg36 : memref<!tpu.dma_semaphore, #tpu.memory_space<semaphore_mem>>)
      %mul3A_17 = arith.constant 20000 : i32
      %mul3A_18 = arith.muli %arg1, %mul3A_17 : i32
      %add3A_19 = arith.constant 80 : i32
      %add3A_20 = arith.addi %mul3A_18, %add3A_19 : i32
      %dma_start3A_21 = tpu.memref_slice %arg3[%add3A_20] : memref<320160xi32, #tpu.memory_space<hbm>> -> memref<80xi32, #tpu.memory_space<hbm>>
      %dma_start3A_22 = tpu.memref_slice %arg3[%add3A_20] : memref<320160xi32, #tpu.memory_space<hbm>> -> memref<80xi32, #tpu.memory_space<hbm>>
      tpu.enqueue_dma source(%dma_start3A_22 : memref<80xi32, #tpu.memory_space<hbm>>) target(%arg33 : memref<80xi32, #tpu.memory_space<vmem>>) target_semaphore(%arg37 : memref<!tpu.dma_semaphore, #tpu.memory_space<semaphore_mem>>)
      %scan3A_23 = arith.constant 0 : i32
      %scan3A_24 = arith.constant 0 : i32
      %scan3A_25 = arith.constant 125 : i32
      %scan3A_26 = arith.addi %scan3A_24, %scan3A_25 : i32
      %scan3A_27 = arith.constant 1 : i32
      scf.for %scan3A_104 = %scan3A_24 to %scan3A_26 step %scan3A_27  : i32 {
        %mul3A_105 = arith.constant 2 : i32
        %mul3A_106 = arith.muli %mul3A_105, %scan3A_104 : i32
        %add3A_107 = arith.constant 0 : i32
        %add3A_108 = arith.addi %mul3A_106, %add3A_107 : i32
        %dma_wait3A_109 = arith.constant 0 : i32
        %dma_wait3A_110 = tpu.memref_slice %arg3[%dma_wait3A_109] : memref<320160xi32, #tpu.memory_space<hbm>> -> memref<80xi32, #tpu.memory_space<hbm>>
        %dma_wait3A_111 = arith.constant 0 : i32
        %dma_wait3A_112 = tpu.memref_slice %arg3[%dma_wait3A_111] : memref<320160xi32, #tpu.memory_space<hbm>> -> memref<80xi32, #tpu.memory_space<hbm>>
        tpu.wait_dma2 semaphore(%arg36 : memref<!tpu.dma_semaphore, #tpu.memory_space<semaphore_mem>>) src(%dma_wait3A_112 : memref<80xi32, #tpu.memory_space<hbm>>) dst(%arg32 : memref<80xi32, #tpu.memory_space<vmem>>)
        %gt3A = arith.constant 0 : i32
        %gt3A_113 = arith.cmpi sgt, %scan3A_104, %gt3A : i32
        %convert_element_type3A_114 = arith.extui %gt3A_113 : i1 to i32
        %cond3A_115 = arith.constant 0 : i32
        %cond3A_116 = arith.cmpi ne, %convert_element_type3A_114, %cond3A_115 : i32
        scf.if %cond3A_116 {
          %dma_wait3A_192 = arith.constant 0 : i32
          %dma_wait3A_193 = arith.constant 0 : i32
          %dma_wait3A_194 = tpu.memref_slice %arg16[%dma_wait3A_192, %dma_wait3A_193] : memref<10240x8xf32, #tpu.memory_space<vmem_shared>> -> memref<10240x8xf32, #tpu.memory_space<vmem_shared>>
          tpu.wait_indirect_dma semaphore(%arg40 : memref<!tpu.dma_semaphore, #tpu.memory_space<semaphore_mem>>) src(%arg26 : memref<80x8xf32, #tpu.memory_space<vmem>>) dst(%dma_wait3A_194 : memref<10240x8xf32, #tpu.memory_space<vmem_shared>>)
        } else {
        }
        %get3A = arith.constant 0 : index
        %get3A_117 = tpu.vector_load %arg32[%get3A] {strides = array<i32>} : memref<80xi32, #tpu.memory_space<vmem>>, vector<16xi32>,
        %swap3A = arith.constant 0 : index
        %swap3A_118 = tpu.vector_load %arg34[%swap3A] {strides = array<i32>} : memref<80xi32, #tpu.memory_space<vmem>>, vector<16xi32>,
        tpu.vector_store %arg34[%swap3A], %get3A_117 {strides = array<i32>} : memref<80xi32, #tpu.memory_space<vmem>>, vector<16xi32>,
        %get3A_119 = arith.constant 16 : index
        %get3A_120 = tpu.vector_load %arg32[%get3A_119] {strides = array<i32>} : memref<80xi32, #tpu.memory_space<vmem>>, vector<16xi32>,
        %swap3A_121 = arith.constant 16 : index
        %swap3A_122 = tpu.vector_load %arg34[%swap3A_121] {strides = array<i32>} : memref<80xi32, #tpu.memory_space<vmem>>, vector<16xi32>,
        tpu.vector_store %arg34[%swap3A_121], %get3A_120 {strides = array<i32>} : memref<80xi32, #tpu.memory_space<vmem>>, vector<16xi32>,
        %get3A_123 = arith.constant 32 : index
        %get3A_124 = tpu.vector_load %arg32[%get3A_123] {strides = array<i32>} : memref<80xi32, #tpu.memory_space<vmem>>, vector<16xi32>,
        %swap3A_125 = arith.constant 32 : index
        %swap3A_126 = tpu.vector_load %arg34[%swap3A_125] {strides = array<i32>} : memref<80xi32, #tpu.memory_space<vmem>>, vector<16xi32>,
        tpu.vector_store %arg34[%swap3A_125], %get3A_124 {strides = array<i32>} : memref<80xi32, #tpu.memory_space<vmem>>, vector<16xi32>,
        %get3A_127 = arith.constant 48 : index
        %get3A_128 = tpu.vector_load %arg32[%get3A_127] {strides = array<i32>} : memref<80xi32, #tpu.memory_space<vmem>>, vector<16xi32>,
        %swap3A_129 = arith.constant 48 : index
        %swap3A_130 = tpu.vector_load %arg34[%swap3A_129] {strides = array<i32>} : memref<80xi32, #tpu.memory_space<vmem>>, vector<16xi32>,
        tpu.vector_store %arg34[%swap3A_129], %get3A_128 {strides = array<i32>} : memref<80xi32, #tpu.memory_space<vmem>>, vector<16xi32>,
        %get3A_131 = arith.constant 64 : index
        %get3A_132 = tpu.vector_load %arg32[%get3A_131] {strides = array<i32>} : memref<80xi32, #tpu.memory_space<vmem>>, vector<16xi32>,
        %swap3A_133 = arith.constant 64 : index
        %swap3A_134 = tpu.vector_load %arg34[%swap3A_133] {strides = array<i32>} : memref<80xi32, #tpu.memory_space<vmem>>, vector<16xi32>,
        tpu.vector_store %arg34[%swap3A_133], %get3A_132 {strides = array<i32>} : memref<80xi32, #tpu.memory_space<vmem>>, vector<16xi32>,
        %add3A_135 = arith.constant 2 : i32
        %add3A_136 = arith.addi %add3A_108, %add3A_135 : i32
        %mul3A_137 = arith.constant 20000 : i32
        %mul3A_138 = arith.muli %arg1, %mul3A_137 : i32
        %mul3A_139 = arith.constant 80 : i32
        %mul3A_140 = arith.muli %add3A_136, %mul3A_139 : i32
        %add3A_141 = arith.addi %mul3A_138, %mul3A_140 : i32
        %dma_start3A_142 = tpu.memref_slice %arg3[%add3A_141] : memref<320160xi32, #tpu.memory_space<hbm>> -> memref<80xi32, #tpu.memory_space<hbm>>
        %dma_start3A_143 = tpu.memref_slice %arg3[%add3A_141] : memref<320160xi32, #tpu.memory_space<hbm>> -> memref<80xi32, #tpu.memory_space<hbm>>
        tpu.enqueue_dma source(%dma_start3A_143 : memref<80xi32, #tpu.memory_space<hbm>>) target(%arg32 : memref<80xi32, #tpu.memory_space<vmem>>) target_semaphore(%arg36 : memref<!tpu.dma_semaphore, #tpu.memory_space<semaphore_mem>>)
        %dma_start3A_144 = arith.constant 0 : i32
        %dma_start3A_145 = arith.constant 0 : i32
        %dma_start3A_146 = tpu.memref_slice %arg16[%dma_start3A_144, %dma_start3A_145] : memref<10240x8xf32, #tpu.memory_space<vmem_shared>> -> memref<10240x8xf32, #tpu.memory_space<vmem_shared>>
        tpu.enqueue_indirect_dma source(%arg26 : memref<80x8xf32, #tpu.memory_space<vmem>>) target(%dma_start3A_146 : memref<10240x8xf32, #tpu.memory_space<vmem_shared>>) offsets(%arg34 : memref<80xi32, #tpu.memory_space<vmem>>) semaphore(%arg40 : memref<!tpu.dma_semaphore, #tpu.memory_space<semaphore_mem>>) {add = true}
        %mul3A_147 = arith.constant 2 : i32
        %mul3A_148 = arith.muli %mul3A_147, %scan3A_104 : i32
        %add3A_149 = arith.constant 1 : i32
        %add3A_150 = arith.addi %mul3A_148, %add3A_149 : i32
        %dma_wait3A_151 = arith.constant 0 : i32
        %dma_wait3A_152 = tpu.memref_slice %arg3[%dma_wait3A_151] : memref<320160xi32, #tpu.memory_space<hbm>> -> memref<80xi32, #tpu.memory_space<hbm>>
        %dma_wait3A_153 = arith.constant 0 : i32
        %dma_wait3A_154 = tpu.memref_slice %arg3[%dma_wait3A_153] : memref<320160xi32, #tpu.memory_space<hbm>> -> memref<80xi32, #tpu.memory_space<hbm>>
        tpu.wait_dma2 semaphore(%arg37 : memref<!tpu.dma_semaphore, #tpu.memory_space<semaphore_mem>>) src(%dma_wait3A_154 : memref<80xi32, #tpu.memory_space<hbm>>) dst(%arg33 : memref<80xi32, #tpu.memory_space<vmem>>)
        %gt3A_155 = arith.constant 0 : i32
        %gt3A_156 = arith.cmpi sgt, %scan3A_104, %gt3A_155 : i32
        %convert_element_type3A_157 = arith.extui %gt3A_156 : i1 to i32
        %cond3A_158 = arith.constant 0 : i32
        %cond3A_159 = arith.cmpi ne, %convert_element_type3A_157, %cond3A_158 : i32
        scf.if %cond3A_159 {
          %dma_wait3A_192 = arith.constant 0 : i32
          %dma_wait3A_193 = arith.constant 0 : i32
          %dma_wait3A_194 = tpu.memref_slice %arg16[%dma_wait3A_192, %dma_wait3A_193] : memref<10240x8xf32, #tpu.memory_space<vmem_shared>> -> memref<10240x8xf32, #tpu.memory_space<vmem_shared>>
          tpu.wait_indirect_dma semaphore(%arg41 : memref<!tpu.dma_semaphore, #tpu.memory_space<semaphore_mem>>) src(%arg26 : memref<80x8xf32, #tpu.memory_space<vmem>>) dst(%dma_wait3A_194 : memref<10240x8xf32, #tpu.memory_space<vmem_shared>>)
        } else {
        }
        %get3A_160 = arith.constant 0 : index
        %get3A_161 = tpu.vector_load %arg33[%get3A_160] {strides = array<i32>} : memref<80xi32, #tpu.memory_space<vmem>>, vector<16xi32>,
        %swap3A_162 = arith.constant 0 : index
        %swap3A_163 = tpu.vector_load %arg35[%swap3A_162] {strides = array<i32>} : memref<80xi32, #tpu.memory_space<vmem>>, vector<16xi32>,
        tpu.vector_store %arg35[%swap3A_162], %get3A_161 {strides = array<i32>} : memref<80xi32, #tpu.memory_space<vmem>>, vector<16xi32>,
        %get3A_164 = arith.constant 16 : index
        %get3A_165 = tpu.vector_load %arg33[%get3A_164] {strides = array<i32>} : memref<80xi32, #tpu.memory_space<vmem>>, vector<16xi32>,
        %swap3A_166 = arith.constant 16 : index
        %swap3A_167 = tpu.vector_load %arg35[%swap3A_166] {strides = array<i32>} : memref<80xi32, #tpu.memory_space<vmem>>, vector<16xi32>,
        tpu.vector_store %arg35[%swap3A_166], %get3A_165 {strides = array<i32>} : memref<80xi32, #tpu.memory_space<vmem>>, vector<16xi32>,
        %get3A_168 = arith.constant 32 : index
        %get3A_169 = tpu.vector_load %arg33[%get3A_168] {strides = array<i32>} : memref<80xi32, #tpu.memory_space<vmem>>, vector<16xi32>,
        %swap3A_170 = arith.constant 32 : index
        %swap3A_171 = tpu.vector_load %arg35[%swap3A_170] {strides = array<i32>} : memref<80xi32, #tpu.memory_space<vmem>>, vector<16xi32>,
        tpu.vector_store %arg35[%swap3A_170], %get3A_169 {strides = array<i32>} : memref<80xi32, #tpu.memory_space<vmem>>, vector<16xi32>,
        %get3A_172 = arith.constant 48 : index
        %get3A_173 = tpu.vector_load %arg33[%get3A_172] {strides = array<i32>} : memref<80xi32, #tpu.memory_space<vmem>>, vector<16xi32>,
        %swap3A_174 = arith.constant 48 : index
        %swap3A_175 = tpu.vector_load %arg35[%swap3A_174] {strides = array<i32>} : memref<80xi32, #tpu.memory_space<vmem>>, vector<16xi32>,
        tpu.vector_store %arg35[%swap3A_174], %get3A_173 {strides = array<i32>} : memref<80xi32, #tpu.memory_space<vmem>>, vector<16xi32>,
        %get3A_176 = arith.constant 64 : index
        %get3A_177 = tpu.vector_load %arg33[%get3A_176] {strides = array<i32>} : memref<80xi32, #tpu.memory_space<vmem>>, vector<16xi32>,
        %swap3A_178 = arith.constant 64 : index
        %swap3A_179 = tpu.vector_load %arg35[%swap3A_178] {strides = array<i32>} : memref<80xi32, #tpu.memory_space<vmem>>, vector<16xi32>,
        tpu.vector_store %arg35[%swap3A_178], %get3A_177 {strides = array<i32>} : memref<80xi32, #tpu.memory_space<vmem>>, vector<16xi32>,
        %add3A_180 = arith.constant 2 : i32
        %add3A_181 = arith.addi %add3A_150, %add3A_180 : i32
        %mul3A_182 = arith.constant 20000 : i32
        %mul3A_183 = arith.muli %arg1, %mul3A_182 : i32
        %mul3A_184 = arith.constant 80 : i32
        %mul3A_185 = arith.muli %add3A_181, %mul3A_184 : i32
        %add3A_186 = arith.addi %mul3A_183, %mul3A_185 : i32
        %dma_start3A_187 = tpu.memref_slice %arg3[%add3A_186] : memref<320160xi32, #tpu.memory_space<hbm>> -> memref<80xi32, #tpu.memory_space<hbm>>
        %dma_start3A_188 = tpu.memref_slice %arg3[%add3A_186] : memref<320160xi32, #tpu.memory_space<hbm>> -> memref<80xi32, #tpu.memory_space<hbm>>
        tpu.enqueue_dma source(%dma_start3A_188 : memref<80xi32, #tpu.memory_space<hbm>>) target(%arg33 : memref<80xi32, #tpu.memory_space<vmem>>) target_semaphore(%arg37 : memref<!tpu.dma_semaphore, #tpu.memory_space<semaphore_mem>>)
        %dma_start3A_189 = arith.constant 0 : i32
        %dma_start3A_190 = arith.constant 0 : i32
        %dma_start3A_191 = tpu.memref_slice %arg16[%dma_start3A_189, %dma_start3A_190] : memref<10240x8xf32, #tpu.memory_space<vmem_shared>> -> memref<10240x8xf32, #tpu.memory_space<vmem_shared>>
        tpu.enqueue_indirect_dma source(%arg26 : memref<80x8xf32, #tpu.memory_space<vmem>>) target(%dma_start3A_191 : memref<10240x8xf32, #tpu.memory_space<vmem_shared>>) offsets(%arg35 : memref<80xi32, #tpu.memory_space<vmem>>) semaphore(%arg41 : memref<!tpu.dma_semaphore, #tpu.memory_space<semaphore_mem>>) {add = true}
      }
      %scan3A_28 = arith.constant 125 : i32
      %dma_wait3A = arith.constant 0 : i32
      %dma_wait3A_29 = tpu.memref_slice %arg3[%dma_wait3A] : memref<320160xi32, #tpu.memory_space<hbm>> -> memref<80xi32, #tpu.memory_space<hbm>>
      %dma_wait3A_30 = arith.constant 0 : i32
      %dma_wait3A_31 = tpu.memref_slice %arg3[%dma_wait3A_30] : memref<320160xi32, #tpu.memory_space<hbm>> -> memref<80xi32, #tpu.memory_space<hbm>>
      tpu.wait_dma2 semaphore(%arg36 : memref<!tpu.dma_semaphore, #tpu.memory_space<semaphore_mem>>) src(%dma_wait3A_31 : memref<80xi32, #tpu.memory_space<hbm>>) dst(%arg32 : memref<80xi32, #tpu.memory_space<vmem>>)
      %dma_wait3A_32 = arith.constant 0 : i32
      %dma_wait3A_33 = arith.constant 0 : i32
      %dma_wait3A_34 = tpu.memref_slice %arg16[%dma_wait3A_32, %dma_wait3A_33] : memref<10240x8xf32, #tpu.memory_space<vmem_shared>> -> memref<10240x8xf32, #tpu.memory_space<vmem_shared>>
      tpu.wait_indirect_dma semaphore(%arg40 : memref<!tpu.dma_semaphore, #tpu.memory_space<semaphore_mem>>) src(%arg26 : memref<80x8xf32, #tpu.memory_space<vmem>>) dst(%dma_wait3A_34 : memref<10240x8xf32, #tpu.memory_space<vmem_shared>>)
      %dma_wait3A_35 = arith.constant 0 : i32
      %dma_wait3A_36 = tpu.memref_slice %arg3[%dma_wait3A_35] : memref<320160xi32, #tpu.memory_space<hbm>> -> memref<80xi32, #tpu.memory_space<hbm>>
      %dma_wait3A_37 = arith.constant 0 : i32
      %dma_wait3A_38 = tpu.memref_slice %arg3[%dma_wait3A_37] : memref<320160xi32, #tpu.memory_space<hbm>> -> memref<80xi32, #tpu.memory_space<hbm>>
      tpu.wait_dma2 semaphore(%arg37 : memref<!tpu.dma_semaphore, #tpu.memory_space<semaphore_mem>>) src(%dma_wait3A_38 : memref<80xi32, #tpu.memory_space<hbm>>) dst(%arg33 : memref<80xi32, #tpu.memory_space<vmem>>)
      %dma_wait3A_39 = arith.constant 0 : i32
      %dma_wait3A_40 = arith.constant 0 : i32
      %dma_wait3A_41 = tpu.memref_slice %arg16[%dma_wait3A_39, %dma_wait3A_40] : memref<10240x8xf32, #tpu.memory_space<vmem_shared>> -> memref<10240x8xf32, #tpu.memory_space<vmem_shared>>
      tpu.wait_indirect_dma semaphore(%arg41 : memref<!tpu.dma_semaphore, #tpu.memory_space<semaphore_mem>>) src(%arg26 : memref<80x8xf32, #tpu.memory_space<vmem>>) dst(%dma_wait3A_41 : memref<10240x8xf32, #tpu.memory_space<vmem_shared>>)
      %barrier3A_42 = arith.constant 0 : index
      tpu.barrier barrier_id(%barrier3A_42)
      %eq3A_43 = arith.constant 0 : i32
      %eq3A_44 = arith.cmpi eq, %arg1, %eq3A_43 : i32
      %convert_element_type3A_45 = arith.extui %eq3A_44 : i1 to i32
      %cond3A_46 = arith.constant 0 : i32
      %cond3A_47 = arith.cmpi ne, %convert_element_type3A_45, %cond3A_46 : i32
      scf.if %cond3A_47 {
        "tpu.region"() ({
          %run_scoped3A = tpu.sem_alloc : memref<!tpu.dma_semaphore, #tpu.memory_space<semaphore_mem>>
          tpu.enqueue_dma source(%arg16 : memref<10240x8xf32, #tpu.memory_space<vmem_shared>>) target(%arg14 : memref<10240x8xf32, #tpu.memory_space<hbm>>) target_semaphore(%run_scoped3A : memref<!tpu.dma_semaphore, #tpu.memory_space<semaphore_mem>>)
          tpu.wait_dma2 semaphore(%run_scoped3A : memref<!tpu.dma_semaphore, #tpu.memory_space<semaphore_mem>>) src(%arg16 : memref<10240x8xf32, #tpu.memory_space<vmem_shared>>) dst(%arg14 : memref<10240x8xf32, #tpu.memory_space<hbm>>)
          tpu.yield
        }) : () -> ()
      } else {
      }
      "tpu.region"() ({
        %run_scoped3A = tpu.sem_alloc : memref<!tpu.dma_semaphore, #tpu.memory_space<semaphore_mem>>
        %dma_start3A_104 = arith.constant 0 : i32
        %dma_start3A_105 = tpu.memref_slice %arg16[%mul3A_0, %dma_start3A_104] : memref<10240x8xf32, #tpu.memory_space<vmem_shared>> -> memref<640x8xf32, #tpu.memory_space<vmem_shared>>
        %dma_start3A_106 = arith.constant 0 : i32
        %dma_start3A_107 = tpu.memref_slice %arg16[%mul3A_0, %dma_start3A_106] : memref<10240x8xf32, #tpu.memory_space<vmem_shared>> -> memref<640x8xf32, #tpu.memory_space<vmem_shared>>
        tpu.enqueue_dma source(%dma_start3A_107 : memref<640x8xf32, #tpu.memory_space<vmem_shared>>) target(%arg28 : memref<640x8xf32, #tpu.memory_space<vmem>>) target_semaphore(%run_scoped3A : memref<!tpu.dma_semaphore, #tpu.memory_space<semaphore_mem>>)
        %dma_wait3A_108 = arith.constant 0 : i32
        %dma_wait3A_109 = tpu.memref_slice %arg16[%mul3A_0, %dma_wait3A_108] : memref<10240x8xf32, #tpu.memory_space<vmem_shared>> -> memref<640x8xf32, #tpu.memory_space<vmem_shared>>
        %dma_wait3A_110 = arith.constant 0 : i32
        %dma_wait3A_111 = tpu.memref_slice %arg16[%mul3A_0, %dma_wait3A_110] : memref<10240x8xf32, #tpu.memory_space<vmem_shared>> -> memref<640x8xf32, #tpu.memory_space<vmem_shared>>
        tpu.wait_dma2 semaphore(%run_scoped3A : memref<!tpu.dma_semaphore, #tpu.memory_space<semaphore_mem>>) src(%dma_wait3A_111 : memref<640x8xf32, #tpu.memory_space<vmem_shared>>) dst(%arg28 : memref<640x8xf32, #tpu.memory_space<vmem>>)
        tpu.yield
      }) : () -> ()
      %scan3A_48 = arith.constant 0 : i32
      %scan3A_49 = arith.constant 0 : i32
      %scan3A_50 = arith.constant 40 : i32
      %scan3A_51 = arith.addi %scan3A_49, %scan3A_50 : i32
      %scan3A_52 = arith.constant 1 : i32
      scf.for %scan3A_104 = %scan3A_49 to %scan3A_51 step %scan3A_52  : i32 {
        %mul3A_105 = arith.constant 16 : i32
        %mul3A_106 = arith.muli %scan3A_104, %mul3A_105 : i32
        %add3A_107 = vector.broadcast %mul3A_106 : i32 to vector<16xi32>
        %add3A_108 = arith.addi %iota3A, %add3A_107 : vector<16xi32>
        %broadcast_in_dim3A = arith.constant 0 : i32
        %broadcast_in_dim3A_109 = vector.broadcast %broadcast_in_dim3A : i32 to vector<16xi32>
        %gather3A = tpu.vector_load_idx %arg28[%add3A_108, %broadcast_in_dim3A_109] : memref<640x8xf32, #tpu.memory_space<vmem>>[vector<16xi32>, vector<16xi32>], vector<16xf32>,
        %add3A_110 = arith.constant 1.000000e+00 : f32
        %add3A_111 = vector.broadcast %add3A_110 : f32 to vector<16xf32>
        %add3A_112 = arith.addf %gather3A, %add3A_111 : vector<16xf32>
        %bitcast3A = vector.bitcast %add3A_112 : vector<16xf32> to vector<16xi32>
        %shift_right_arithmetic3A = arith.constant 1 : i32
        %shift_right_arithmetic3A_113 = vector.broadcast %shift_right_arithmetic3A : i32 to vector<16xi32>
        %shift_right_arithmetic3A_114 = arith.shrsi %bitcast3A, %shift_right_arithmetic3A_113 : vector<16xi32>
        %sub3A = arith.constant 1597463007 : i32
        %sub3A_115 = vector.broadcast %sub3A : i32 to vector<16xi32>
        %sub3A_116 = arith.subi %sub3A_115, %shift_right_arithmetic3A_114 : vector<16xi32>
        %bitcast3A_117 = vector.bitcast %sub3A_116 : vector<16xi32> to vector<16xf32>
        %mul3A_118 = arith.constant 5.000000e-01 : f32
        %mul3A_119 = vector.broadcast %mul3A_118 : f32 to vector<16xf32>
        %mul3A_120 = arith.mulf %mul3A_119, %add3A_112 : vector<16xf32>
        %mul3A_121 = arith.mulf %bitcast3A_117, %bitcast3A_117 : vector<16xf32>
        %mul3A_122 = arith.mulf %mul3A_120, %mul3A_121 : vector<16xf32>
        %sub3A_123 = arith.constant 1.500000e+00 : f32
        %sub3A_124 = vector.broadcast %sub3A_123 : f32 to vector<16xf32>
        %sub3A_125 = arith.subf %sub3A_124, %mul3A_122 : vector<16xf32>
        %mul3A_126 = arith.mulf %bitcast3A_117, %sub3A_125 : vector<16xf32>
        %mul3A_127 = arith.constant 5.000000e-01 : f32
        %mul3A_128 = vector.broadcast %mul3A_127 : f32 to vector<16xf32>
        %mul3A_129 = arith.mulf %mul3A_128, %add3A_112 : vector<16xf32>
        %mul3A_130 = arith.mulf %mul3A_126, %mul3A_126 : vector<16xf32>
        %mul3A_131 = arith.mulf %mul3A_129, %mul3A_130 : vector<16xf32>
        %sub3A_132 = arith.constant 1.500000e+00 : f32
        %sub3A_133 = vector.broadcast %sub3A_132 : f32 to vector<16xf32>
        %sub3A_134 = arith.subf %sub3A_133, %mul3A_131 : vector<16xf32>
        %mul3A_135 = arith.mulf %mul3A_126, %sub3A_134 : vector<16xf32>
        %mul3A_136 = arith.constant 5.000000e-01 : f32
        %mul3A_137 = vector.broadcast %mul3A_136 : f32 to vector<16xf32>
        %mul3A_138 = arith.mulf %mul3A_137, %add3A_112 : vector<16xf32>
        %mul3A_139 = arith.mulf %mul3A_135, %mul3A_135 : vector<16xf32>
        %mul3A_140 = arith.mulf %mul3A_138, %mul3A_139 : vector<16xf32>
        %sub3A_141 = arith.constant 1.500000e+00 : f32
        %sub3A_142 = vector.broadcast %sub3A_141 : f32 to vector<16xf32>
        %sub3A_143 = arith.subf %sub3A_142, %mul3A_140 : vector<16xf32>
        %mul3A_144 = arith.mulf %mul3A_135, %sub3A_143 : vector<16xf32>
        tpu.vector_store_idx %arg29[%add3A_108], %mul3A_144 : memref<640xf32, #tpu.memory_space<vmem>>[vector<16xi32>], vector<16xf32>,
      }
      %scan3A_53 = arith.constant 40 : i32
      "tpu.region"() ({
        %run_scoped3A = tpu.sem_alloc : memref<!tpu.dma_semaphore, #tpu.memory_space<semaphore_mem>>
        %dma_start3A_104 = tpu.memref_slice %arg17[%mul3A_0] : memref<10240xf32, #tpu.memory_space<vmem_shared>> -> memref<640xf32, #tpu.memory_space<vmem_shared>>
        %dma_start3A_105 = tpu.memref_slice %arg17[%mul3A_0] : memref<10240xf32, #tpu.memory_space<vmem_shared>> -> memref<640xf32, #tpu.memory_space<vmem_shared>>
        tpu.enqueue_dma source(%arg29 : memref<640xf32, #tpu.memory_space<vmem>>) target(%dma_start3A_105 : memref<640xf32, #tpu.memory_space<vmem_shared>>) target_semaphore(%run_scoped3A : memref<!tpu.dma_semaphore, #tpu.memory_space<semaphore_mem>>)
        %dma_wait3A_106 = tpu.memref_slice %arg17[%mul3A_0] : memref<10240xf32, #tpu.memory_space<vmem_shared>> -> memref<640xf32, #tpu.memory_space<vmem_shared>>
        %dma_wait3A_107 = tpu.memref_slice %arg17[%mul3A_0] : memref<10240xf32, #tpu.memory_space<vmem_shared>> -> memref<640xf32, #tpu.memory_space<vmem_shared>>
        tpu.wait_dma2 semaphore(%run_scoped3A : memref<!tpu.dma_semaphore, #tpu.memory_space<semaphore_mem>>) src(%arg29 : memref<640xf32, #tpu.memory_space<vmem>>) dst(%dma_wait3A_107 : memref<640xf32, #tpu.memory_space<vmem_shared>>)
        tpu.yield
      }) : () -> ()
      %barrier3A_54 = arith.constant 0 : index
      tpu.barrier barrier_id(%barrier3A_54)
      "tpu.region"() ({
        %run_scoped3A = tpu.sem_alloc : memref<!tpu.dma_semaphore, #tpu.memory_space<semaphore_mem>>
        tpu.enqueue_dma source(%arg17 : memref<10240xf32, #tpu.memory_space<vmem_shared>>) target(%arg27 : memref<10240xf32, #tpu.memory_space<vmem>>) target_semaphore(%run_scoped3A : memref<!tpu.dma_semaphore, #tpu.memory_space<semaphore_mem>>)
        tpu.wait_dma2 semaphore(%run_scoped3A : memref<!tpu.dma_semaphore, #tpu.memory_space<semaphore_mem>>) src(%arg17 : memref<10240xf32, #tpu.memory_space<vmem_shared>>) dst(%arg27 : memref<10240xf32, #tpu.memory_space<vmem>>)
        tpu.yield
      }) : () -> ()
      %iota3A_55 = tpu.iota {dimensions = array<i32: 0>} : vector<16xi32>
      %mul3A_56 = arith.constant 20000 : i32
      %mul3A_57 = arith.muli %arg1, %mul3A_56 : i32
      %add3A_58 = arith.constant 0 : i32
      %add3A_59 = arith.addi %mul3A_57, %add3A_58 : i32
      %dma_start3A_60 = tpu.memref_slice %arg2[%add3A_59] : memref<320160xi32, #tpu.memory_space<hbm>> -> memref<80xi32, #tpu.memory_space<hbm>>
      %dma_start3A_61 = tpu.memref_slice %arg2[%add3A_59] : memref<320160xi32, #tpu.memory_space<hbm>> -> memref<80xi32, #tpu.memory_space<hbm>>
      tpu.enqueue_dma source(%dma_start3A_61 : memref<80xi32, #tpu.memory_space<hbm>>) target(%arg30 : memref<80xi32, #tpu.memory_space<vmem>>) target_semaphore(%arg36 : memref<!tpu.dma_semaphore, #tpu.memory_space<semaphore_mem>>)
      %dma_start3A_62 = tpu.memref_slice %arg3[%add3A_59] : memref<320160xi32, #tpu.memory_space<hbm>> -> memref<80xi32, #tpu.memory_space<hbm>>
      %dma_start3A_63 = tpu.memref_slice %arg3[%add3A_59] : memref<320160xi32, #tpu.memory_space<hbm>> -> memref<80xi32, #tpu.memory_space<hbm>>
      tpu.enqueue_dma source(%dma_start3A_63 : memref<80xi32, #tpu.memory_space<hbm>>) target(%arg32 : memref<80xi32, #tpu.memory_space<vmem>>) target_semaphore(%arg36 : memref<!tpu.dma_semaphore, #tpu.memory_space<semaphore_mem>>)
      %dma_wait3A_64 = arith.constant 0 : i32
      %dma_wait3A_65 = tpu.memref_slice %arg2[%dma_wait3A_64] : memref<320160xi32, #tpu.memory_space<hbm>> -> memref<80xi32, #tpu.memory_space<hbm>>
      %dma_wait3A_66 = arith.constant 0 : i32
      %dma_wait3A_67 = tpu.memref_slice %arg2[%dma_wait3A_66] : memref<320160xi32, #tpu.memory_space<hbm>> -> memref<80xi32, #tpu.memory_space<hbm>>
      tpu.wait_dma2 semaphore(%arg36 : memref<!tpu.dma_semaphore, #tpu.memory_space<semaphore_mem>>) src(%dma_wait3A_67 : memref<80xi32, #tpu.memory_space<hbm>>) dst(%arg30 : memref<80xi32, #tpu.memory_space<vmem>>)
      %dma_wait3A_68 = arith.constant 0 : i32
      %dma_wait3A_69 = tpu.memref_slice %arg3[%dma_wait3A_68] : memref<320160xi32, #tpu.memory_space<hbm>> -> memref<80xi32, #tpu.memory_space<hbm>>
      %dma_wait3A_70 = arith.constant 0 : i32
      %dma_wait3A_71 = tpu.memref_slice %arg3[%dma_wait3A_70] : memref<320160xi32, #tpu.memory_space<hbm>> -> memref<80xi32, #tpu.memory_space<hbm>>
      tpu.wait_dma2 semaphore(%arg36 : memref<!tpu.dma_semaphore, #tpu.memory_space<semaphore_mem>>) src(%dma_wait3A_71 : memref<80xi32, #tpu.memory_space<hbm>>) dst(%arg32 : memref<80xi32, #tpu.memory_space<vmem>>)
      %dma_start3A_72 = arith.constant 0 : i32
      %dma_start3A_73 = arith.constant 0 : i32
      %dma_start3A_74 = tpu.memref_slice %arg6[%dma_start3A_72, %dma_start3A_73] : memref<10240x128xf32, #tpu.memory_space<hbm>> -> memref<10240x128xf32, #tpu.memory_space<hbm>>
      tpu.enqueue_indirect_dma source(%dma_start3A_74 : memref<10240x128xf32, #tpu.memory_space<hbm>>) target(%arg18 : memref<80x128xf32, #tpu.memory_space<vmem>>) offsets(%arg30 : memref<80xi32, #tpu.memory_space<vmem>>) semaphore(%arg38 : memref<!tpu.dma_semaphore, #tpu.memory_space<semaphore_mem>>)
      %mul3A_75 = arith.constant 20000 : i32
      %mul3A_76 = arith.muli %arg1, %mul3A_75 : i32
      %add3A_77 = arith.constant 80 : i32
      %add3A_78 = arith.addi %mul3A_76, %add3A_77 : i32
      %dma_start3A_79 = tpu.memref_slice %arg2[%add3A_78] : memref<320160xi32, #tpu.memory_space<hbm>> -> memref<80xi32, #tpu.memory_space<hbm>>
      %dma_start3A_80 = tpu.memref_slice %arg2[%add3A_78] : memref<320160xi32, #tpu.memory_space<hbm>> -> memref<80xi32, #tpu.memory_space<hbm>>
      tpu.enqueue_dma source(%dma_start3A_80 : memref<80xi32, #tpu.memory_space<hbm>>) target(%arg31 : memref<80xi32, #tpu.memory_space<vmem>>) target_semaphore(%arg37 : memref<!tpu.dma_semaphore, #tpu.memory_space<semaphore_mem>>)
      %dma_start3A_81 = tpu.memref_slice %arg3[%add3A_78] : memref<320160xi32, #tpu.memory_space<hbm>> -> memref<80xi32, #tpu.memory_space<hbm>>
      %dma_start3A_82 = tpu.memref_slice %arg3[%add3A_78] : memref<320160xi32, #tpu.memory_space<hbm>> -> memref<80xi32, #tpu.memory_space<hbm>>
      tpu.enqueue_dma source(%dma_start3A_82 : memref<80xi32, #tpu.memory_space<hbm>>) target(%arg33 : memref<80xi32, #tpu.memory_space<vmem>>) target_semaphore(%arg37 : memref<!tpu.dma_semaphore, #tpu.memory_space<semaphore_mem>>)
      %scan3A_83 = arith.constant 0 : i32
      %scan3A_84 = arith.constant 0 : i32
      %scan3A_85 = arith.constant 125 : i32
      %scan3A_86 = arith.addi %scan3A_84, %scan3A_85 : i32
      %scan3A_87 = arith.constant 1 : i32
      scf.for %scan3A_104 = %scan3A_84 to %scan3A_86 step %scan3A_87  : i32 {
        %mul3A_105 = arith.constant 2 : i32
        %mul3A_106 = arith.muli %mul3A_105, %scan3A_104 : i32
        %add3A_107 = arith.constant 0 : i32
        %add3A_108 = arith.addi %mul3A_106, %add3A_107 : i32
        %gt3A = arith.constant 0 : i32
        %gt3A_109 = arith.cmpi sgt, %scan3A_104, %gt3A : i32
        %convert_element_type3A_110 = arith.extui %gt3A_109 : i1 to i32
        %cond3A_111 = arith.constant 0 : i32
        %cond3A_112 = arith.cmpi ne, %convert_element_type3A_110, %cond3A_111 : i32
        scf.if %cond3A_112 {
          %dma_wait3A_297 = arith.constant 0 : i32
          %dma_wait3A_298 = arith.constant 0 : i32
          %dma_wait3A_299 = tpu.memref_slice %arg15[%dma_wait3A_297, %dma_wait3A_298] : memref<10240x128xf32, #tpu.memory_space<vmem_shared>> -> memref<10240x128xf32, #tpu.memory_space<vmem_shared>>
          tpu.wait_indirect_dma semaphore(%arg41 : memref<!tpu.dma_semaphore, #tpu.memory_space<semaphore_mem>>) src(%arg19 : memref<80x128xf32, #tpu.memory_space<vmem>>) dst(%dma_wait3A_299 : memref<10240x128xf32, #tpu.memory_space<vmem_shared>>)
        } else {
        }
        %dma_wait3A_113 = arith.constant 0 : i32
        %dma_wait3A_114 = tpu.memref_slice %arg2[%dma_wait3A_113] : memref<320160xi32, #tpu.memory_space<hbm>> -> memref<80xi32, #tpu.memory_space<hbm>>
        %dma_wait3A_115 = arith.constant 0 : i32
        %dma_wait3A_116 = tpu.memref_slice %arg2[%dma_wait3A_115] : memref<320160xi32, #tpu.memory_space<hbm>> -> memref<80xi32, #tpu.memory_space<hbm>>
        tpu.wait_dma2 semaphore(%arg37 : memref<!tpu.dma_semaphore, #tpu.memory_space<semaphore_mem>>) src(%dma_wait3A_116 : memref<80xi32, #tpu.memory_space<hbm>>) dst(%arg31 : memref<80xi32, #tpu.memory_space<vmem>>)
        %dma_wait3A_117 = arith.constant 0 : i32
        %dma_wait3A_118 = tpu.memref_slice %arg3[%dma_wait3A_117] : memref<320160xi32, #tpu.memory_space<hbm>> -> memref<80xi32, #tpu.memory_space<hbm>>
        %dma_wait3A_119 = arith.constant 0 : i32
        %dma_wait3A_120 = tpu.memref_slice %arg3[%dma_wait3A_119] : memref<320160xi32, #tpu.memory_space<hbm>> -> memref<80xi32, #tpu.memory_space<hbm>>
        tpu.wait_dma2 semaphore(%arg37 : memref<!tpu.dma_semaphore, #tpu.memory_space<semaphore_mem>>) src(%dma_wait3A_120 : memref<80xi32, #tpu.memory_space<hbm>>) dst(%arg33 : memref<80xi32, #tpu.memory_space<vmem>>)
        %dma_start3A_121 = arith.constant 0 : i32
        %dma_start3A_122 = arith.constant 0 : i32
        %dma_start3A_123 = tpu.memref_slice %arg6[%dma_start3A_121, %dma_start3A_122] : memref<10240x128xf32, #tpu.memory_space<hbm>> -> memref<10240x128xf32, #tpu.memory_space<hbm>>
        tpu.enqueue_indirect_dma source(%dma_start3A_123 : memref<10240x128xf32, #tpu.memory_space<hbm>>) target(%arg19 : memref<80x128xf32, #tpu.memory_space<vmem>>) offsets(%arg31 : memref<80xi32, #tpu.memory_space<vmem>>) semaphore(%arg39 : memref<!tpu.dma_semaphore, #tpu.memory_space<semaphore_mem>>)
        %dma_wait3A_124 = arith.constant 0 : i32
        %dma_wait3A_125 = arith.constant 0 : i32
        %dma_wait3A_126 = tpu.memref_slice %arg6[%dma_wait3A_124, %dma_wait3A_125] : memref<10240x128xf32, #tpu.memory_space<hbm>> -> memref<10240x128xf32, #tpu.memory_space<hbm>>
        tpu.wait_indirect_dma semaphore(%arg38 : memref<!tpu.dma_semaphore, #tpu.memory_space<semaphore_mem>>) src(%dma_wait3A_126 : memref<10240x128xf32, #tpu.memory_space<hbm>>) dst(%arg18 : memref<80x128xf32, #tpu.memory_space<vmem>>)
        %get3A = arith.constant 0 : index
        %get3A_127 = tpu.vector_load %arg32[%get3A] {strides = array<i32>} : memref<80xi32, #tpu.memory_space<vmem>>, vector<16xi32>,
        %swap3A = arith.constant 0 : index
        %swap3A_128 = tpu.vector_load %arg34[%swap3A] {strides = array<i32>} : memref<80xi32, #tpu.memory_space<vmem>>, vector<16xi32>,
        tpu.vector_store %arg34[%swap3A], %get3A_127 {strides = array<i32>} : memref<80xi32, #tpu.memory_space<vmem>>, vector<16xi32>,
        %get3A_129 = arith.constant 16 : index
        %get3A_130 = tpu.vector_load %arg32[%get3A_129] {strides = array<i32>} : memref<80xi32, #tpu.memory_space<vmem>>, vector<16xi32>,
        %swap3A_131 = arith.constant 16 : index
        %swap3A_132 = tpu.vector_load %arg34[%swap3A_131] {strides = array<i32>} : memref<80xi32, #tpu.memory_space<vmem>>, vector<16xi32>,
        tpu.vector_store %arg34[%swap3A_131], %get3A_130 {strides = array<i32>} : memref<80xi32, #tpu.memory_space<vmem>>, vector<16xi32>,
        %get3A_133 = arith.constant 32 : index
        %get3A_134 = tpu.vector_load %arg32[%get3A_133] {strides = array<i32>} : memref<80xi32, #tpu.memory_space<vmem>>, vector<16xi32>,
        %swap3A_135 = arith.constant 32 : index
        %swap3A_136 = tpu.vector_load %arg34[%swap3A_135] {strides = array<i32>} : memref<80xi32, #tpu.memory_space<vmem>>, vector<16xi32>,
        tpu.vector_store %arg34[%swap3A_135], %get3A_134 {strides = array<i32>} : memref<80xi32, #tpu.memory_space<vmem>>, vector<16xi32>,
        %get3A_137 = arith.constant 48 : index
        %get3A_138 = tpu.vector_load %arg32[%get3A_137] {strides = array<i32>} : memref<80xi32, #tpu.memory_space<vmem>>, vector<16xi32>,
        %swap3A_139 = arith.constant 48 : index
        %swap3A_140 = tpu.vector_load %arg34[%swap3A_139] {strides = array<i32>} : memref<80xi32, #tpu.memory_space<vmem>>, vector<16xi32>,
        tpu.vector_store %arg34[%swap3A_139], %get3A_138 {strides = array<i32>} : memref<80xi32, #tpu.memory_space<vmem>>, vector<16xi32>,
        %get3A_141 = arith.constant 64 : index
        %get3A_142 = tpu.vector_load %arg32[%get3A_141] {strides = array<i32>} : memref<80xi32, #tpu.memory_space<vmem>>, vector<16xi32>,
        %swap3A_143 = arith.constant 64 : index
        %swap3A_144 = tpu.vector_load %arg34[%swap3A_143] {strides = array<i32>} : memref<80xi32, #tpu.memory_space<vmem>>, vector<16xi32>,
        tpu.vector_store %arg34[%swap3A_143], %get3A_142 {strides = array<i32>} : memref<80xi32, #tpu.memory_space<vmem>>, vector<16xi32>,
        %add3A_145 = arith.constant 0 : i32
        %add3A_146 = vector.broadcast %add3A_145 : i32 to vector<16xi32>
        %add3A_147 = arith.addi %iota3A_55, %add3A_146 : vector<16xi32>
        %get3A_148 = arith.constant 0 : index
        %get3A_149 = tpu.vector_load %arg30[%get3A_148] {strides = array<i32>} : memref<80xi32, #tpu.memory_space<vmem>>, vector<16xi32>,
        %gather3A = tpu.vector_load_idx %arg27[%get3A_149] : memref<10240xf32, #tpu.memory_space<vmem>>[vector<16xi32>], vector<16xf32>,
        %broadcast_in_dim3A = arith.constant 0 : i32
        %broadcast_in_dim3A_150 = vector.broadcast %broadcast_in_dim3A : i32 to vector<16xi32>
        tpu.vector_store_idx %arg24[%add3A_147, %broadcast_in_dim3A_150], %gather3A : memref<80x8xf32, #tpu.memory_space<vmem>>[vector<16xi32>, vector<16xi32>], vector<16xf32>,
        %add3A_151 = arith.constant 16 : i32
        %add3A_152 = vector.broadcast %add3A_151 : i32 to vector<16xi32>
        %add3A_153 = arith.addi %iota3A_55, %add3A_152 : vector<16xi32>
        %get3A_154 = arith.constant 16 : index
        %get3A_155 = tpu.vector_load %arg30[%get3A_154] {strides = array<i32>} : memref<80xi32, #tpu.memory_space<vmem>>, vector<16xi32>,
        %gather3A_156 = tpu.vector_load_idx %arg27[%get3A_155] : memref<10240xf32, #tpu.memory_space<vmem>>[vector<16xi32>], vector<16xf32>,
        %broadcast_in_dim3A_157 = arith.constant 0 : i32
        %broadcast_in_dim3A_158 = vector.broadcast %broadcast_in_dim3A_157 : i32 to vector<16xi32>
        tpu.vector_store_idx %arg24[%add3A_153, %broadcast_in_dim3A_158], %gather3A_156 : memref<80x8xf32, #tpu.memory_space<vmem>>[vector<16xi32>, vector<16xi32>], vector<16xf32>,
        %add3A_159 = arith.constant 32 : i32
        %add3A_160 = vector.broadcast %add3A_159 : i32 to vector<16xi32>
        %add3A_161 = arith.addi %iota3A_55, %add3A_160 : vector<16xi32>
        %get3A_162 = arith.constant 32 : index
        %get3A_163 = tpu.vector_load %arg30[%get3A_162] {strides = array<i32>} : memref<80xi32, #tpu.memory_space<vmem>>, vector<16xi32>,
        %gather3A_164 = tpu.vector_load_idx %arg27[%get3A_163] : memref<10240xf32, #tpu.memory_space<vmem>>[vector<16xi32>], vector<16xf32>,
        %broadcast_in_dim3A_165 = arith.constant 0 : i32
        %broadcast_in_dim3A_166 = vector.broadcast %broadcast_in_dim3A_165 : i32 to vector<16xi32>
        tpu.vector_store_idx %arg24[%add3A_161, %broadcast_in_dim3A_166], %gather3A_164 : memref<80x8xf32, #tpu.memory_space<vmem>>[vector<16xi32>, vector<16xi32>], vector<16xf32>,
        %add3A_167 = arith.constant 48 : i32
        %add3A_168 = vector.broadcast %add3A_167 : i32 to vector<16xi32>
        %add3A_169 = arith.addi %iota3A_55, %add3A_168 : vector<16xi32>
        %get3A_170 = arith.constant 48 : index
        %get3A_171 = tpu.vector_load %arg30[%get3A_170] {strides = array<i32>} : memref<80xi32, #tpu.memory_space<vmem>>, vector<16xi32>,
        %gather3A_172 = tpu.vector_load_idx %arg27[%get3A_171] : memref<10240xf32, #tpu.memory_space<vmem>>[vector<16xi32>], vector<16xf32>,
        %broadcast_in_dim3A_173 = arith.constant 0 : i32
        %broadcast_in_dim3A_174 = vector.broadcast %broadcast_in_dim3A_173 : i32 to vector<16xi32>
        tpu.vector_store_idx %arg24[%add3A_169, %broadcast_in_dim3A_174], %gather3A_172 : memref<80x8xf32, #tpu.memory_space<vmem>>[vector<16xi32>, vector<16xi32>], vector<16xf32>,
        %add3A_175 = arith.constant 64 : i32
        %add3A_176 = vector.broadcast %add3A_175 : i32 to vector<16xi32>
        %add3A_177 = arith.addi %iota3A_55, %add3A_176 : vector<16xi32>
        %get3A_178 = arith.constant 64 : index
        %get3A_179 = tpu.vector_load %arg30[%get3A_178] {strides = array<i32>} : memref<80xi32, #tpu.memory_space<vmem>>, vector<16xi32>,
        %gather3A_180 = tpu.vector_load_idx %arg27[%get3A_179] : memref<10240xf32, #tpu.memory_space<vmem>>[vector<16xi32>], vector<16xf32>,
        %broadcast_in_dim3A_181 = arith.constant 0 : i32
        %broadcast_in_dim3A_182 = vector.broadcast %broadcast_in_dim3A_181 : i32 to vector<16xi32>
        tpu.vector_store_idx %arg24[%add3A_177, %broadcast_in_dim3A_182], %gather3A_180 : memref<80x8xf32, #tpu.memory_space<vmem>>[vector<16xi32>, vector<16xi32>], vector<16xf32>,
        %parallel_loop3A = arith.constant 0 : i32
        %parallel_loop3A_183 = arith.constant 128 : i32
        %parallel_loop3A_184 = arith.constant 1 : i32
        scf.for %parallel_loop3A_297 = %parallel_loop3A to %parallel_loop3A_183 step %parallel_loop3A_184  : i32 {
          %parallel_loop3A_298 = arith.constant 0 : i32
          %parallel_loop3A_299 = vector.broadcast %parallel_loop3A_298 : i32 to vector<16xi32>
          %parallel_loop3A_300 = arith.addi %iota3A_55, %parallel_loop3A_299 : vector<16xi32>
          %parallel_loop3A_301 = arith.constant 0 : i32
          %parallel_loop3A_302 = vector.broadcast %parallel_loop3A_301 : i32 to vector<16xi32>
          %parallel_loop3A_303 = tpu.vector_load_idx %arg24[%parallel_loop3A_300, %parallel_loop3A_302] : memref<80x8xf32, #tpu.memory_space<vmem>>[vector<16xi32>, vector<16xi32>], vector<16xf32>,
          %parallel_loop3A_304 = vector.broadcast %parallel_loop3A_297 : i32 to vector<16xi32>
          %parallel_loop3A_305 = tpu.vector_load_idx %arg18[%parallel_loop3A_300, %parallel_loop3A_304] : memref<80x128xf32, #tpu.memory_space<vmem>>[vector<16xi32>, vector<16xi32>], vector<16xf32>,
          %parallel_loop3A_306 = vector.broadcast %parallel_loop3A_297 : i32 to vector<16xi32>
          %parallel_loop3A_307 = arith.mulf %parallel_loop3A_305, %parallel_loop3A_303 : vector<16xf32>
          tpu.vector_store_idx %arg18[%parallel_loop3A_300, %parallel_loop3A_306], %parallel_loop3A_307 : memref<80x128xf32, #tpu.memory_space<vmem>>[vector<16xi32>, vector<16xi32>], vector<16xf32>,
          %parallel_loop3A_308 = arith.constant 16 : i32
          %parallel_loop3A_309 = vector.broadcast %parallel_loop3A_308 : i32 to vector<16xi32>
          %parallel_loop3A_310 = arith.addi %iota3A_55, %parallel_loop3A_309 : vector<16xi32>
          %parallel_loop3A_311 = arith.constant 0 : i32
          %parallel_loop3A_312 = vector.broadcast %parallel_loop3A_311 : i32 to vector<16xi32>
          %parallel_loop3A_313 = tpu.vector_load_idx %arg24[%parallel_loop3A_310, %parallel_loop3A_312] : memref<80x8xf32, #tpu.memory_space<vmem>>[vector<16xi32>, vector<16xi32>], vector<16xf32>,
          %parallel_loop3A_314 = vector.broadcast %parallel_loop3A_297 : i32 to vector<16xi32>
          %parallel_loop3A_315 = tpu.vector_load_idx %arg18[%parallel_loop3A_310, %parallel_loop3A_314] : memref<80x128xf32, #tpu.memory_space<vmem>>[vector<16xi32>, vector<16xi32>], vector<16xf32>,
          %parallel_loop3A_316 = vector.broadcast %parallel_loop3A_297 : i32 to vector<16xi32>
          %parallel_loop3A_317 = arith.mulf %parallel_loop3A_315, %parallel_loop3A_313 : vector<16xf32>
          tpu.vector_store_idx %arg18[%parallel_loop3A_310, %parallel_loop3A_316], %parallel_loop3A_317 : memref<80x128xf32, #tpu.memory_space<vmem>>[vector<16xi32>, vector<16xi32>], vector<16xf32>,
          %parallel_loop3A_318 = arith.constant 32 : i32
          %parallel_loop3A_319 = vector.broadcast %parallel_loop3A_318 : i32 to vector<16xi32>
          %parallel_loop3A_320 = arith.addi %iota3A_55, %parallel_loop3A_319 : vector<16xi32>
          %parallel_loop3A_321 = arith.constant 0 : i32
          %parallel_loop3A_322 = vector.broadcast %parallel_loop3A_321 : i32 to vector<16xi32>
          %parallel_loop3A_323 = tpu.vector_load_idx %arg24[%parallel_loop3A_320, %parallel_loop3A_322] : memref<80x8xf32, #tpu.memory_space<vmem>>[vector<16xi32>, vector<16xi32>], vector<16xf32>,
          %parallel_loop3A_324 = vector.broadcast %parallel_loop3A_297 : i32 to vector<16xi32>
          %parallel_loop3A_325 = tpu.vector_load_idx %arg18[%parallel_loop3A_320, %parallel_loop3A_324] : memref<80x128xf32, #tpu.memory_space<vmem>>[vector<16xi32>, vector<16xi32>], vector<16xf32>,
          %parallel_loop3A_326 = vector.broadcast %parallel_loop3A_297 : i32 to vector<16xi32>
          %parallel_loop3A_327 = arith.mulf %parallel_loop3A_325, %parallel_loop3A_323 : vector<16xf32>
          tpu.vector_store_idx %arg18[%parallel_loop3A_320, %parallel_loop3A_326], %parallel_loop3A_327 : memref<80x128xf32, #tpu.memory_space<vmem>>[vector<16xi32>, vector<16xi32>], vector<16xf32>,
          %parallel_loop3A_328 = arith.constant 48 : i32
          %parallel_loop3A_329 = vector.broadcast %parallel_loop3A_328 : i32 to vector<16xi32>
          %parallel_loop3A_330 = arith.addi %iota3A_55, %parallel_loop3A_329 : vector<16xi32>
          %parallel_loop3A_331 = arith.constant 0 : i32
          %parallel_loop3A_332 = vector.broadcast %parallel_loop3A_331 : i32 to vector<16xi32>
          %parallel_loop3A_333 = tpu.vector_load_idx %arg24[%parallel_loop3A_330, %parallel_loop3A_332] : memref<80x8xf32, #tpu.memory_space<vmem>>[vector<16xi32>, vector<16xi32>], vector<16xf32>,
          %parallel_loop3A_334 = vector.broadcast %parallel_loop3A_297 : i32 to vector<16xi32>
          %parallel_loop3A_335 = tpu.vector_load_idx %arg18[%parallel_loop3A_330, %parallel_loop3A_334] : memref<80x128xf32, #tpu.memory_space<vmem>>[vector<16xi32>, vector<16xi32>], vector<16xf32>,
          %parallel_loop3A_336 = vector.broadcast %parallel_loop3A_297 : i32 to vector<16xi32>
          %parallel_loop3A_337 = arith.mulf %parallel_loop3A_335, %parallel_loop3A_333 : vector<16xf32>
          tpu.vector_store_idx %arg18[%parallel_loop3A_330, %parallel_loop3A_336], %parallel_loop3A_337 : memref<80x128xf32, #tpu.memory_space<vmem>>[vector<16xi32>, vector<16xi32>], vector<16xf32>,
          %parallel_loop3A_338 = arith.constant 64 : i32
          %parallel_loop3A_339 = vector.broadcast %parallel_loop3A_338 : i32 to vector<16xi32>
          %parallel_loop3A_340 = arith.addi %iota3A_55, %parallel_loop3A_339 : vector<16xi32>
          %parallel_loop3A_341 = arith.constant 0 : i32
          %parallel_loop3A_342 = vector.broadcast %parallel_loop3A_341 : i32 to vector<16xi32>
          %parallel_loop3A_343 = tpu.vector_load_idx %arg24[%parallel_loop3A_340, %parallel_loop3A_342] : memref<80x8xf32, #tpu.memory_space<vmem>>[vector<16xi32>, vector<16xi32>], vector<16xf32>,
          %parallel_loop3A_344 = vector.broadcast %parallel_loop3A_297 : i32 to vector<16xi32>
          %parallel_loop3A_345 = tpu.vector_load_idx %arg18[%parallel_loop3A_340, %parallel_loop3A_344] : memref<80x128xf32, #tpu.memory_space<vmem>>[vector<16xi32>, vector<16xi32>], vector<16xf32>,
          %parallel_loop3A_346 = vector.broadcast %parallel_loop3A_297 : i32 to vector<16xi32>
          %parallel_loop3A_347 = arith.mulf %parallel_loop3A_345, %parallel_loop3A_343 : vector<16xf32>
          tpu.vector_store_idx %arg18[%parallel_loop3A_340, %parallel_loop3A_346], %parallel_loop3A_347 : memref<80x128xf32, #tpu.memory_space<vmem>>[vector<16xi32>, vector<16xi32>], vector<16xf32>,
        } {sc.loop_unroll_factor = 1 : i64, sc.parallel_access}
        %add3A_185 = arith.constant 2 : i32
        %add3A_186 = arith.addi %add3A_108, %add3A_185 : i32
        %mul3A_187 = arith.constant 20000 : i32
        %mul3A_188 = arith.muli %arg1, %mul3A_187 : i32
        %mul3A_189 = arith.constant 80 : i32
        %mul3A_190 = arith.muli %add3A_186, %mul3A_189 : i32
        %add3A_191 = arith.addi %mul3A_188, %mul3A_190 : i32
        %dma_start3A_192 = tpu.memref_slice %arg2[%add3A_191] : memref<320160xi32, #tpu.memory_space<hbm>> -> memref<80xi32, #tpu.memory_space<hbm>>
        %dma_start3A_193 = tpu.memref_slice %arg2[%add3A_191] : memref<320160xi32, #tpu.memory_space<hbm>> -> memref<80xi32, #tpu.memory_space<hbm>>
        tpu.enqueue_dma source(%dma_start3A_193 : memref<80xi32, #tpu.memory_space<hbm>>) target(%arg30 : memref<80xi32, #tpu.memory_space<vmem>>) target_semaphore(%arg36 : memref<!tpu.dma_semaphore, #tpu.memory_space<semaphore_mem>>)
        %dma_start3A_194 = tpu.memref_slice %arg3[%add3A_191] : memref<320160xi32, #tpu.memory_space<hbm>> -> memref<80xi32, #tpu.memory_space<hbm>>
        %dma_start3A_195 = tpu.memref_slice %arg3[%add3A_191] : memref<320160xi32, #tpu.memory_space<hbm>> -> memref<80xi32, #tpu.memory_space<hbm>>
        tpu.enqueue_dma source(%dma_start3A_195 : memref<80xi32, #tpu.memory_space<hbm>>) target(%arg32 : memref<80xi32, #tpu.memory_space<vmem>>) target_semaphore(%arg36 : memref<!tpu.dma_semaphore, #tpu.memory_space<semaphore_mem>>)
        %dma_start3A_196 = arith.constant 0 : i32
        %dma_start3A_197 = arith.constant 0 : i32
        %dma_start3A_198 = tpu.memref_slice %arg15[%dma_start3A_196, %dma_start3A_197] : memref<10240x128xf32, #tpu.memory_space<vmem_shared>> -> memref<10240x128xf32, #tpu.memory_space<vmem_shared>>
        tpu.enqueue_indirect_dma source(%arg18 : memref<80x128xf32, #tpu.memory_space<vmem>>) target(%dma_start3A_198 : memref<10240x128xf32, #tpu.memory_space<vmem_shared>>) offsets(%arg34 : memref<80xi32, #tpu.memory_space<vmem>>) semaphore(%arg40 : memref<!tpu.dma_semaphore, #tpu.memory_space<semaphore_mem>>) {add = true}
        %mul3A_199 = arith.constant 2 : i32
        %mul3A_200 = arith.muli %mul3A_199, %scan3A_104 : i32
        %add3A_201 = arith.constant 1 : i32
        %add3A_202 = arith.addi %mul3A_200, %add3A_201 : i32
        %dma_wait3A_203 = arith.constant 0 : i32
        %dma_wait3A_204 = arith.constant 0 : i32
        %dma_wait3A_205 = tpu.memref_slice %arg15[%dma_wait3A_203, %dma_wait3A_204] : memref<10240x128xf32, #tpu.memory_space<vmem_shared>> -> memref<10240x128xf32, #tpu.memory_space<vmem_shared>>
        tpu.wait_indirect_dma semaphore(%arg40 : memref<!tpu.dma_semaphore, #tpu.memory_space<semaphore_mem>>) src(%arg18 : memref<80x128xf32, #tpu.memory_space<vmem>>) dst(%dma_wait3A_205 : memref<10240x128xf32, #tpu.memory_space<vmem_shared>>)
        %dma_wait3A_206 = arith.constant 0 : i32
        %dma_wait3A_207 = tpu.memref_slice %arg2[%dma_wait3A_206] : memref<320160xi32, #tpu.memory_space<hbm>> -> memref<80xi32, #tpu.memory_space<hbm>>
        %dma_wait3A_208 = arith.constant 0 : i32
        %dma_wait3A_209 = tpu.memref_slice %arg2[%dma_wait3A_208] : memref<320160xi32, #tpu.memory_space<hbm>> -> memref<80xi32, #tpu.memory_space<hbm>>
        tpu.wait_dma2 semaphore(%arg36 : memref<!tpu.dma_semaphore, #tpu.memory_space<semaphore_mem>>) src(%dma_wait3A_209 : memref<80xi32, #tpu.memory_space<hbm>>) dst(%arg30 : memref<80xi32, #tpu.memory_space<vmem>>)
        %dma_wait3A_210 = arith.constant 0 : i32
        %dma_wait3A_211 = tpu.memref_slice %arg3[%dma_wait3A_210] : memref<320160xi32, #tpu.memory_space<hbm>> -> memref<80xi32, #tpu.memory_space<hbm>>
        %dma_wait3A_212 = arith.constant 0 : i32
        %dma_wait3A_213 = tpu.memref_slice %arg3[%dma_wait3A_212] : memref<320160xi32, #tpu.memory_space<hbm>> -> memref<80xi32, #tpu.memory_space<hbm>>
        tpu.wait_dma2 semaphore(%arg36 : memref<!tpu.dma_semaphore, #tpu.memory_space<semaphore_mem>>) src(%dma_wait3A_213 : memref<80xi32, #tpu.memory_space<hbm>>) dst(%arg32 : memref<80xi32, #tpu.memory_space<vmem>>)
        %dma_start3A_214 = arith.constant 0 : i32
        %dma_start3A_215 = arith.constant 0 : i32
        %dma_start3A_216 = tpu.memref_slice %arg6[%dma_start3A_214, %dma_start3A_215] : memref<10240x128xf32, #tpu.memory_space<hbm>> -> memref<10240x128xf32, #tpu.memory_space<hbm>>
        tpu.enqueue_indirect_dma source(%dma_start3A_216 : memref<10240x128xf32, #tpu.memory_space<hbm>>) target(%arg18 : memref<80x128xf32, #tpu.memory_space<vmem>>) offsets(%arg30 : memref<80xi32, #tpu.memory_space<vmem>>) semaphore(%arg38 : memref<!tpu.dma_semaphore, #tpu.memory_space<semaphore_mem>>)
        %dma_wait3A_217 = arith.constant 0 : i32
        %dma_wait3A_218 = arith.constant 0 : i32
        %dma_wait3A_219 = tpu.memref_slice %arg6[%dma_wait3A_217, %dma_wait3A_218] : memref<10240x128xf32, #tpu.memory_space<hbm>> -> memref<10240x128xf32, #tpu.memory_space<hbm>>
        tpu.wait_indirect_dma semaphore(%arg39 : memref<!tpu.dma_semaphore, #tpu.memory_space<semaphore_mem>>) src(%dma_wait3A_219 : memref<10240x128xf32, #tpu.memory_space<hbm>>) dst(%arg19 : memref<80x128xf32, #tpu.memory_space<vmem>>)
        %get3A_220 = arith.constant 0 : index
        %get3A_221 = tpu.vector_load %arg33[%get3A_220] {strides = array<i32>} : memref<80xi32, #tpu.memory_space<vmem>>, vector<16xi32>,
        %swap3A_222 = arith.constant 0 : index
        %swap3A_223 = tpu.vector_load %arg35[%swap3A_222] {strides = array<i32>} : memref<80xi32, #tpu.memory_space<vmem>>, vector<16xi32>,
        tpu.vector_store %arg35[%swap3A_222], %get3A_221 {strides = array<i32>} : memref<80xi32, #tpu.memory_space<vmem>>, vector<16xi32>,
        %get3A_224 = arith.constant 16 : index
        %get3A_225 = tpu.vector_load %arg33[%get3A_224] {strides = array<i32>} : memref<80xi32, #tpu.memory_space<vmem>>, vector<16xi32>,
        %swap3A_226 = arith.constant 16 : index
        %swap3A_227 = tpu.vector_load %arg35[%swap3A_226] {strides = array<i32>} : memref<80xi32, #tpu.memory_space<vmem>>, vector<16xi32>,
        tpu.vector_store %arg35[%swap3A_226], %get3A_225 {strides = array<i32>} : memref<80xi32, #tpu.memory_space<vmem>>, vector<16xi32>,
        %get3A_228 = arith.constant 32 : index
        %get3A_229 = tpu.vector_load %arg33[%get3A_228] {strides = array<i32>} : memref<80xi32, #tpu.memory_space<vmem>>, vector<16xi32>,
        %swap3A_230 = arith.constant 32 : index
        %swap3A_231 = tpu.vector_load %arg35[%swap3A_230] {strides = array<i32>} : memref<80xi32, #tpu.memory_space<vmem>>, vector<16xi32>,
        tpu.vector_store %arg35[%swap3A_230], %get3A_229 {strides = array<i32>} : memref<80xi32, #tpu.memory_space<vmem>>, vector<16xi32>,
        %get3A_232 = arith.constant 48 : index
        %get3A_233 = tpu.vector_load %arg33[%get3A_232] {strides = array<i32>} : memref<80xi32, #tpu.memory_space<vmem>>, vector<16xi32>,
        %swap3A_234 = arith.constant 48 : index
        %swap3A_235 = tpu.vector_load %arg35[%swap3A_234] {strides = array<i32>} : memref<80xi32, #tpu.memory_space<vmem>>, vector<16xi32>,
        tpu.vector_store %arg35[%swap3A_234], %get3A_233 {strides = array<i32>} : memref<80xi32, #tpu.memory_space<vmem>>, vector<16xi32>,
        %get3A_236 = arith.constant 64 : index
        %get3A_237 = tpu.vector_load %arg33[%get3A_236] {strides = array<i32>} : memref<80xi32, #tpu.memory_space<vmem>>, vector<16xi32>,
        %swap3A_238 = arith.constant 64 : index
        %swap3A_239 = tpu.vector_load %arg35[%swap3A_238] {strides = array<i32>} : memref<80xi32, #tpu.memory_space<vmem>>, vector<16xi32>,
        tpu.vector_store %arg35[%swap3A_238], %get3A_237 {strides = array<i32>} : memref<80xi32, #tpu.memory_space<vmem>>, vector<16xi32>,
        %add3A_240 = arith.constant 0 : i32
        %add3A_241 = vector.broadcast %add3A_240 : i32 to vector<16xi32>
        %add3A_242 = arith.addi %iota3A_55, %add3A_241 : vector<16xi32>
        %get3A_243 = arith.constant 0 : index
        %get3A_244 = tpu.vector_load %arg31[%get3A_243] {strides = array<i32>} : memref<80xi32, #tpu.memory_space<vmem>>, vector<16xi32>,
        %gather3A_245 = tpu.vector_load_idx %arg27[%get3A_244] : memref<10240xf32, #tpu.memory_space<vmem>>[vector<16xi32>], vector<16xf32>,
        %broadcast_in_dim3A_246 = arith.constant 0 : i32
        %broadcast_in_dim3A_247 = vector.broadcast %broadcast_in_dim3A_246 : i32 to vector<16xi32>
        tpu.vector_store_idx %arg25[%add3A_242, %broadcast_in_dim3A_247], %gather3A_245 : memref<80x8xf32, #tpu.memory_space<vmem>>[vector<16xi32>, vector<16xi32>], vector<16xf32>,
        %add3A_248 = arith.constant 16 : i32
        %add3A_249 = vector.broadcast %add3A_248 : i32 to vector<16xi32>
        %add3A_250 = arith.addi %iota3A_55, %add3A_249 : vector<16xi32>
        %get3A_251 = arith.constant 16 : index
        %get3A_252 = tpu.vector_load %arg31[%get3A_251] {strides = array<i32>} : memref<80xi32, #tpu.memory_space<vmem>>, vector<16xi32>,
        %gather3A_253 = tpu.vector_load_idx %arg27[%get3A_252] : memref<10240xf32, #tpu.memory_space<vmem>>[vector<16xi32>], vector<16xf32>,
        %broadcast_in_dim3A_254 = arith.constant 0 : i32
        %broadcast_in_dim3A_255 = vector.broadcast %broadcast_in_dim3A_254 : i32 to vector<16xi32>
        tpu.vector_store_idx %arg25[%add3A_250, %broadcast_in_dim3A_255], %gather3A_253 : memref<80x8xf32, #tpu.memory_space<vmem>>[vector<16xi32>, vector<16xi32>], vector<16xf32>,
        %add3A_256 = arith.constant 32 : i32
        %add3A_257 = vector.broadcast %add3A_256 : i32 to vector<16xi32>
        %add3A_258 = arith.addi %iota3A_55, %add3A_257 : vector<16xi32>
        %get3A_259 = arith.constant 32 : index
        %get3A_260 = tpu.vector_load %arg31[%get3A_259] {strides = array<i32>} : memref<80xi32, #tpu.memory_space<vmem>>, vector<16xi32>,
        %gather3A_261 = tpu.vector_load_idx %arg27[%get3A_260] : memref<10240xf32, #tpu.memory_space<vmem>>[vector<16xi32>], vector<16xf32>,
        %broadcast_in_dim3A_262 = arith.constant 0 : i32
        %broadcast_in_dim3A_263 = vector.broadcast %broadcast_in_dim3A_262 : i32 to vector<16xi32>
        tpu.vector_store_idx %arg25[%add3A_258, %broadcast_in_dim3A_263], %gather3A_261 : memref<80x8xf32, #tpu.memory_space<vmem>>[vector<16xi32>, vector<16xi32>], vector<16xf32>,
        %add3A_264 = arith.constant 48 : i32
        %add3A_265 = vector.broadcast %add3A_264 : i32 to vector<16xi32>
        %add3A_266 = arith.addi %iota3A_55, %add3A_265 : vector<16xi32>
        %get3A_267 = arith.constant 48 : index
        %get3A_268 = tpu.vector_load %arg31[%get3A_267] {strides = array<i32>} : memref<80xi32, #tpu.memory_space<vmem>>, vector<16xi32>,
        %gather3A_269 = tpu.vector_load_idx %arg27[%get3A_268] : memref<10240xf32, #tpu.memory_space<vmem>>[vector<16xi32>], vector<16xf32>,
        %broadcast_in_dim3A_270 = arith.constant 0 : i32
        %broadcast_in_dim3A_271 = vector.broadcast %broadcast_in_dim3A_270 : i32 to vector<16xi32>
        tpu.vector_store_idx %arg25[%add3A_266, %broadcast_in_dim3A_271], %gather3A_269 : memref<80x8xf32, #tpu.memory_space<vmem>>[vector<16xi32>, vector<16xi32>], vector<16xf32>,
        %add3A_272 = arith.constant 64 : i32
        %add3A_273 = vector.broadcast %add3A_272 : i32 to vector<16xi32>
        %add3A_274 = arith.addi %iota3A_55, %add3A_273 : vector<16xi32>
        %get3A_275 = arith.constant 64 : index
        %get3A_276 = tpu.vector_load %arg31[%get3A_275] {strides = array<i32>} : memref<80xi32, #tpu.memory_space<vmem>>, vector<16xi32>,
        %gather3A_277 = tpu.vector_load_idx %arg27[%get3A_276] : memref<10240xf32, #tpu.memory_space<vmem>>[vector<16xi32>], vector<16xf32>,
        %broadcast_in_dim3A_278 = arith.constant 0 : i32
        %broadcast_in_dim3A_279 = vector.broadcast %broadcast_in_dim3A_278 : i32 to vector<16xi32>
        tpu.vector_store_idx %arg25[%add3A_274, %broadcast_in_dim3A_279], %gather3A_277 : memref<80x8xf32, #tpu.memory_space<vmem>>[vector<16xi32>, vector<16xi32>], vector<16xf32>,
        %parallel_loop3A_280 = arith.constant 0 : i32
        %parallel_loop3A_281 = arith.constant 128 : i32
        %parallel_loop3A_282 = arith.constant 1 : i32
        scf.for %parallel_loop3A_297 = %parallel_loop3A_280 to %parallel_loop3A_281 step %parallel_loop3A_282  : i32 {
          %parallel_loop3A_298 = arith.constant 0 : i32
          %parallel_loop3A_299 = vector.broadcast %parallel_loop3A_298 : i32 to vector<16xi32>
          %parallel_loop3A_300 = arith.addi %iota3A_55, %parallel_loop3A_299 : vector<16xi32>
          %parallel_loop3A_301 = arith.constant 0 : i32
          %parallel_loop3A_302 = vector.broadcast %parallel_loop3A_301 : i32 to vector<16xi32>
          %parallel_loop3A_303 = tpu.vector_load_idx %arg25[%parallel_loop3A_300, %parallel_loop3A_302] : memref<80x8xf32, #tpu.memory_space<vmem>>[vector<16xi32>, vector<16xi32>], vector<16xf32>,
          %parallel_loop3A_304 = vector.broadcast %parallel_loop3A_297 : i32 to vector<16xi32>
          %parallel_loop3A_305 = tpu.vector_load_idx %arg19[%parallel_loop3A_300, %parallel_loop3A_304] : memref<80x128xf32, #tpu.memory_space<vmem>>[vector<16xi32>, vector<16xi32>], vector<16xf32>,
          %parallel_loop3A_306 = vector.broadcast %parallel_loop3A_297 : i32 to vector<16xi32>
          %parallel_loop3A_307 = arith.mulf %parallel_loop3A_305, %parallel_loop3A_303 : vector<16xf32>
          tpu.vector_store_idx %arg19[%parallel_loop3A_300, %parallel_loop3A_306], %parallel_loop3A_307 : memref<80x128xf32, #tpu.memory_space<vmem>>[vector<16xi32>, vector<16xi32>], vector<16xf32>,
          %parallel_loop3A_308 = arith.constant 16 : i32
          %parallel_loop3A_309 = vector.broadcast %parallel_loop3A_308 : i32 to vector<16xi32>
          %parallel_loop3A_310 = arith.addi %iota3A_55, %parallel_loop3A_309 : vector<16xi32>
          %parallel_loop3A_311 = arith.constant 0 : i32
          %parallel_loop3A_312 = vector.broadcast %parallel_loop3A_311 : i32 to vector<16xi32>
          %parallel_loop3A_313 = tpu.vector_load_idx %arg25[%parallel_loop3A_310, %parallel_loop3A_312] : memref<80x8xf32, #tpu.memory_space<vmem>>[vector<16xi32>, vector<16xi32>], vector<16xf32>,
          %parallel_loop3A_314 = vector.broadcast %parallel_loop3A_297 : i32 to vector<16xi32>
          %parallel_loop3A_315 = tpu.vector_load_idx %arg19[%parallel_loop3A_310, %parallel_loop3A_314] : memref<80x128xf32, #tpu.memory_space<vmem>>[vector<16xi32>, vector<16xi32>], vector<16xf32>,
          %parallel_loop3A_316 = vector.broadcast %parallel_loop3A_297 : i32 to vector<16xi32>
          %parallel_loop3A_317 = arith.mulf %parallel_loop3A_315, %parallel_loop3A_313 : vector<16xf32>
          tpu.vector_store_idx %arg19[%parallel_loop3A_310, %parallel_loop3A_316], %parallel_loop3A_317 : memref<80x128xf32, #tpu.memory_space<vmem>>[vector<16xi32>, vector<16xi32>], vector<16xf32>,
          %parallel_loop3A_318 = arith.constant 32 : i32
          %parallel_loop3A_319 = vector.broadcast %parallel_loop3A_318 : i32 to vector<16xi32>
          %parallel_loop3A_320 = arith.addi %iota3A_55, %parallel_loop3A_319 : vector<16xi32>
          %parallel_loop3A_321 = arith.constant 0 : i32
          %parallel_loop3A_322 = vector.broadcast %parallel_loop3A_321 : i32 to vector<16xi32>
          %parallel_loop3A_323 = tpu.vector_load_idx %arg25[%parallel_loop3A_320, %parallel_loop3A_322] : memref<80x8xf32, #tpu.memory_space<vmem>>[vector<16xi32>, vector<16xi32>], vector<16xf32>,
          %parallel_loop3A_324 = vector.broadcast %parallel_loop3A_297 : i32 to vector<16xi32>
          %parallel_loop3A_325 = tpu.vector_load_idx %arg19[%parallel_loop3A_320, %parallel_loop3A_324] : memref<80x128xf32, #tpu.memory_space<vmem>>[vector<16xi32>, vector<16xi32>], vector<16xf32>,
          %parallel_loop3A_326 = vector.broadcast %parallel_loop3A_297 : i32 to vector<16xi32>
          %parallel_loop3A_327 = arith.mulf %parallel_loop3A_325, %parallel_loop3A_323 : vector<16xf32>
          tpu.vector_store_idx %arg19[%parallel_loop3A_320, %parallel_loop3A_326], %parallel_loop3A_327 : memref<80x128xf32, #tpu.memory_space<vmem>>[vector<16xi32>, vector<16xi32>], vector<16xf32>,
          %parallel_loop3A_328 = arith.constant 48 : i32
          %parallel_loop3A_329 = vector.broadcast %parallel_loop3A_328 : i32 to vector<16xi32>
          %parallel_loop3A_330 = arith.addi %iota3A_55, %parallel_loop3A_329 : vector<16xi32>
          %parallel_loop3A_331 = arith.constant 0 : i32
          %parallel_loop3A_332 = vector.broadcast %parallel_loop3A_331 : i32 to vector<16xi32>
          %parallel_loop3A_333 = tpu.vector_load_idx %arg25[%parallel_loop3A_330, %parallel_loop3A_332] : memref<80x8xf32, #tpu.memory_space<vmem>>[vector<16xi32>, vector<16xi32>], vector<16xf32>,
          %parallel_loop3A_334 = vector.broadcast %parallel_loop3A_297 : i32 to vector<16xi32>
          %parallel_loop3A_335 = tpu.vector_load_idx %arg19[%parallel_loop3A_330, %parallel_loop3A_334] : memref<80x128xf32, #tpu.memory_space<vmem>>[vector<16xi32>, vector<16xi32>], vector<16xf32>,
          %parallel_loop3A_336 = vector.broadcast %parallel_loop3A_297 : i32 to vector<16xi32>
          %parallel_loop3A_337 = arith.mulf %parallel_loop3A_335, %parallel_loop3A_333 : vector<16xf32>
          tpu.vector_store_idx %arg19[%parallel_loop3A_330, %parallel_loop3A_336], %parallel_loop3A_337 : memref<80x128xf32, #tpu.memory_space<vmem>>[vector<16xi32>, vector<16xi32>], vector<16xf32>,
          %parallel_loop3A_338 = arith.constant 64 : i32
          %parallel_loop3A_339 = vector.broadcast %parallel_loop3A_338 : i32 to vector<16xi32>
          %parallel_loop3A_340 = arith.addi %iota3A_55, %parallel_loop3A_339 : vector<16xi32>
          %parallel_loop3A_341 = arith.constant 0 : i32
          %parallel_loop3A_342 = vector.broadcast %parallel_loop3A_341 : i32 to vector<16xi32>
          %parallel_loop3A_343 = tpu.vector_load_idx %arg25[%parallel_loop3A_340, %parallel_loop3A_342] : memref<80x8xf32, #tpu.memory_space<vmem>>[vector<16xi32>, vector<16xi32>], vector<16xf32>,
          %parallel_loop3A_344 = vector.broadcast %parallel_loop3A_297 : i32 to vector<16xi32>
          %parallel_loop3A_345 = tpu.vector_load_idx %arg19[%parallel_loop3A_340, %parallel_loop3A_344] : memref<80x128xf32, #tpu.memory_space<vmem>>[vector<16xi32>, vector<16xi32>], vector<16xf32>,
          %parallel_loop3A_346 = vector.broadcast %parallel_loop3A_297 : i32 to vector<16xi32>
          %parallel_loop3A_347 = arith.mulf %parallel_loop3A_345, %parallel_loop3A_343 : vector<16xf32>
          tpu.vector_store_idx %arg19[%parallel_loop3A_340, %parallel_loop3A_346], %parallel_loop3A_347 : memref<80x128xf32, #tpu.memory_space<vmem>>[vector<16xi32>, vector<16xi32>], vector<16xf32>,
        } {sc.loop_unroll_factor = 1 : i64, sc.parallel_access}
        %add3A_283 = arith.constant 2 : i32
        %add3A_284 = arith.addi %add3A_202, %add3A_283 : i32
        %mul3A_285 = arith.constant 20000 : i32
        %mul3A_286 = arith.muli %arg1, %mul3A_285 : i32
        %mul3A_287 = arith.constant 80 : i32
        %mul3A_288 = arith.muli %add3A_284, %mul3A_287 : i32
        %add3A_289 = arith.addi %mul3A_286, %mul3A_288 : i32
        %dma_start3A_290 = tpu.memref_slice %arg2[%add3A_289] : memref<320160xi32, #tpu.memory_space<hbm>> -> memref<80xi32, #tpu.memory_space<hbm>>
        %dma_start3A_291 = tpu.memref_slice %arg2[%add3A_289] : memref<320160xi32, #tpu.memory_space<hbm>> -> memref<80xi32, #tpu.memory_space<hbm>>
        tpu.enqueue_dma source(%dma_start3A_291 : memref<80xi32, #tpu.memory_space<hbm>>) target(%arg31 : memref<80xi32, #tpu.memory_space<vmem>>) target_semaphore(%arg37 : memref<!tpu.dma_semaphore, #tpu.memory_space<semaphore_mem>>)
        %dma_start3A_292 = tpu.memref_slice %arg3[%add3A_289] : memref<320160xi32, #tpu.memory_space<hbm>> -> memref<80xi32, #tpu.memory_space<hbm>>
        %dma_start3A_293 = tpu.memref_slice %arg3[%add3A_289] : memref<320160xi32, #tpu.memory_space<hbm>> -> memref<80xi32, #tpu.memory_space<hbm>>
        tpu.enqueue_dma source(%dma_start3A_293 : memref<80xi32, #tpu.memory_space<hbm>>) target(%arg33 : memref<80xi32, #tpu.memory_space<vmem>>) target_semaphore(%arg37 : memref<!tpu.dma_semaphore, #tpu.memory_space<semaphore_mem>>)
        %dma_start3A_294 = arith.constant 0 : i32
        %dma_start3A_295 = arith.constant 0 : i32
        %dma_start3A_296 = tpu.memref_slice %arg15[%dma_start3A_294, %dma_start3A_295] : memref<10240x128xf32, #tpu.memory_space<vmem_shared>> -> memref<10240x128xf32, #tpu.memory_space<vmem_shared>>
        tpu.enqueue_indirect_dma source(%arg19 : memref<80x128xf32, #tpu.memory_space<vmem>>) target(%dma_start3A_296 : memref<10240x128xf32, #tpu.memory_space<vmem_shared>>) offsets(%arg35 : memref<80xi32, #tpu.memory_space<vmem>>) semaphore(%arg41 : memref<!tpu.dma_semaphore, #tpu.memory_space<semaphore_mem>>) {add = true}
      }
      %scan3A_88 = arith.constant 125 : i32
      %dma_wait3A_89 = arith.constant 0 : i32
      %dma_wait3A_90 = arith.constant 0 : i32
      %dma_wait3A_91 = tpu.memref_slice %arg6[%dma_wait3A_89, %dma_wait3A_90] : memref<10240x128xf32, #tpu.memory_space<hbm>> -> memref<10240x128xf32, #tpu.memory_space<hbm>>
      tpu.wait_indirect_dma semaphore(%arg38 : memref<!tpu.dma_semaphore, #tpu.memory_space<semaphore_mem>>) src(%dma_wait3A_91 : memref<10240x128xf32, #tpu.memory_space<hbm>>) dst(%arg18 : memref<80x128xf32, #tpu.memory_space<vmem>>)
      %dma_wait3A_92 = arith.constant 0 : i32
      %dma_wait3A_93 = tpu.memref_slice %arg2[%dma_wait3A_92] : memref<320160xi32, #tpu.memory_space<hbm>> -> memref<80xi32, #tpu.memory_space<hbm>>
      %dma_wait3A_94 = arith.constant 0 : i32
      %dma_wait3A_95 = tpu.memref_slice %arg2[%dma_wait3A_94] : memref<320160xi32, #tpu.memory_space<hbm>> -> memref<80xi32, #tpu.memory_space<hbm>>
      tpu.wait_dma2 semaphore(%arg37 : memref<!tpu.dma_semaphore, #tpu.memory_space<semaphore_mem>>) src(%dma_wait3A_95 : memref<80xi32, #tpu.memory_space<hbm>>) dst(%arg31 : memref<80xi32, #tpu.memory_space<vmem>>)
      %dma_wait3A_96 = arith.constant 0 : i32
      %dma_wait3A_97 = tpu.memref_slice %arg3[%dma_wait3A_96] : memref<320160xi32, #tpu.memory_space<hbm>> -> memref<80xi32, #tpu.memory_space<hbm>>
      %dma_wait3A_98 = arith.constant 0 : i32
      %dma_wait3A_99 = tpu.memref_slice %arg3[%dma_wait3A_98] : memref<320160xi32, #tpu.memory_space<hbm>> -> memref<80xi32, #tpu.memory_space<hbm>>
      tpu.wait_dma2 semaphore(%arg37 : memref<!tpu.dma_semaphore, #tpu.memory_space<semaphore_mem>>) src(%dma_wait3A_99 : memref<80xi32, #tpu.memory_space<hbm>>) dst(%arg33 : memref<80xi32, #tpu.memory_space<vmem>>)
      %dma_wait3A_100 = arith.constant 0 : i32
      %dma_wait3A_101 = arith.constant 0 : i32
      %dma_wait3A_102 = tpu.memref_slice %arg15[%dma_wait3A_100, %dma_wait3A_101] : memref<10240x128xf32, #tpu.memory_space<vmem_shared>> -> memref<10240x128xf32, #tpu.memory_space<vmem_shared>>
      tpu.wait_indirect_dma semaphore(%arg41 : memref<!tpu.dma_semaphore, #tpu.memory_space<semaphore_mem>>) src(%arg19 : memref<80x128xf32, #tpu.memory_space<vmem>>) dst(%dma_wait3A_102 : memref<10240x128xf32, #tpu.memory_space<vmem_shared>>)
      %barrier3A_103 = arith.constant 0 : index
      tpu.barrier barrier_id(%barrier3A_103)
      "tpu.region"() ({
        %run_scoped3A = tpu.sem_alloc : memref<!tpu.dma_semaphore, #tpu.memory_space<semaphore_mem>>
        %dma_start3A_104 = arith.constant 0 : i32
        %dma_start3A_105 = tpu.memref_slice %arg13[%mul3A_0, %dma_start3A_104] : memref<10240x128xf32, #tpu.memory_space<hbm>> -> memref<640x128xf32, #tpu.memory_space<hbm>>
        %dma_start3A_106 = arith.constant 0 : i32
        %dma_start3A_107 = tpu.memref_slice %arg15[%mul3A_0, %dma_start3A_106] : memref<10240x128xf32, #tpu.memory_space<vmem_shared>> -> memref<640x128xf32, #tpu.memory_space<vmem_shared>>
        tpu.enqueue_dma source(%dma_start3A_107 : memref<640x128xf32, #tpu.memory_space<vmem_shared>>) target(%dma_start3A_105 : memref<640x128xf32, #tpu.memory_space<hbm>>) target_semaphore(%run_scoped3A : memref<!tpu.dma_semaphore, #tpu.memory_space<semaphore_mem>>)
        %dma_wait3A_108 = arith.constant 0 : i32
        %dma_wait3A_109 = tpu.memref_slice %arg13[%mul3A_0, %dma_wait3A_108] : memref<10240x128xf32, #tpu.memory_space<hbm>> -> memref<640x128xf32, #tpu.memory_space<hbm>>
        %dma_wait3A_110 = arith.constant 0 : i32
        %dma_wait3A_111 = tpu.memref_slice %arg15[%mul3A_0, %dma_wait3A_110] : memref<10240x128xf32, #tpu.memory_space<vmem_shared>> -> memref<640x128xf32, #tpu.memory_space<vmem_shared>>
        tpu.wait_dma2 semaphore(%run_scoped3A : memref<!tpu.dma_semaphore, #tpu.memory_space<semaphore_mem>>) src(%dma_wait3A_111 : memref<640x128xf32, #tpu.memory_space<vmem_shared>>) dst(%dma_wait3A_109 : memref<640x128xf32, #tpu.memory_space<hbm>>)
        tpu.yield
      }) : () -> ()
    } else {
    }
    return
  }
}

module attributes {stable_mosaic.version = 14 : i64} {
  func.func @_tc_pre_body(%arg0: i32, %arg1: memref<1024x128xf32, #tpu.memory_space<vmem>>, %arg2: memref<128x128xf32, #tpu.memory_space<vmem>>, %arg3: memref<128x4xf32, #tpu.memory_space<vmem>>, %arg4: memref<128x4xf32, #tpu.memory_space<vmem>>, %arg5: memref<4x128xf32, #tpu.memory_space<vmem>>, %arg6: memref<128x128xf32, #tpu.memory_space<vmem>>, %arg7: memref<1024x128xf32, #tpu.memory_space<vmem>>, %arg8: memref<1024x8xf32, #tpu.memory_space<vmem>>, %arg9: memref<1024x8xf32, #tpu.memory_space<vmem>>, %arg10: memref<1024x128xf32, #tpu.memory_space<vmem>>, %arg11: memref<1024x128xf32, #tpu.memory_space<vmem>>) attributes {dimension_semantics = [#tpu.dimension_semantics<arbitrary>], iteration_bounds = array<i64: 10>, scalar_prefetch = 0 : i64, scratch_operands = 0 : i64, tpu.core_type = #tpu.core_type<tc>, window_params = [{transform_indices = @transform_0, window_bounds = array<i64: 1024, 128>}, {pipeline_mode = #tpu.pipeline_mode<synchronous>, transform_indices = @transform_1, window_bounds = array<i64: 128, 128>}, {pipeline_mode = #tpu.pipeline_mode<synchronous>, transform_indices = @transform_2, window_bounds = array<i64: 128, 4>}, {pipeline_mode = #tpu.pipeline_mode<synchronous>, transform_indices = @transform_3, window_bounds = array<i64: 128, 4>}, {pipeline_mode = #tpu.pipeline_mode<synchronous>, transform_indices = @transform_4, window_bounds = array<i64: 4, 128>}, {pipeline_mode = #tpu.pipeline_mode<synchronous>, transform_indices = @transform_5, window_bounds = array<i64: 128, 128>}, {transform_indices = @transform_6, window_bounds = array<i64: 1024, 128>}, {transform_indices = @transform_7, window_bounds = array<i64: 1024, 8>}, {transform_indices = @transform_8, window_bounds = array<i64: 1024, 8>}, {transform_indices = @transform_9, window_bounds = array<i64: 1024, 128>}, {transform_indices = @transform_10, window_bounds = array<i64: 1024, 128>}]} {
    %get3A = arith.constant 0 : index
    %get3A_0 = arith.constant 0 : index
    %get3A_1 = vector.load %arg1[%get3A, %get3A_0] : memref<1024x128xf32, #tpu.memory_space<vmem>>, vector<1024x128xf32>
    %get3A_2 = arith.constant 0 : index
    %get3A_3 = arith.constant 0 : index
    %get3A_4 = vector.load %arg2[%get3A_2, %get3A_3] : memref<128x128xf32, #tpu.memory_space<vmem>>, vector<128x128xf32>
    %dot_general3A = arith.constant dense<0.000000e+00> : vector<1024x128xf32>
    %dot_general3A_5 = tpu.matmul %get3A_1, %get3A_4, %dot_general3A {dimension_numbers = #tpu.dot_dimension_numbers<[1], [0], [0], [1], [0, 0, 1, 1], [], []>, transpose_lhs_hint = false} : vector<1024x128xf32>, vector<128x128xf32>, vector<1024x128xf32> -> vector<1024x128xf32>
    %get3A_6 = arith.constant 0 : index
    %get3A_7 = arith.constant 0 : index
    %get3A_8 = vector.load %arg3[%get3A_6, %get3A_7] : memref<128x4xf32, #tpu.memory_space<vmem>>, vector<128x4xf32>
    %dot_general3A_9 = arith.constant dense<0.000000e+00> : vector<1024x4xf32>
    %dot_general3A_10 = tpu.matmul %dot_general3A_5, %get3A_8, %dot_general3A_9 {dimension_numbers = #tpu.dot_dimension_numbers<[1], [0], [0], [1], [0, 0, 1, 1], [], []>, transpose_lhs_hint = false} : vector<1024x128xf32>, vector<128x4xf32>, vector<1024x4xf32> -> vector<1024x4xf32>
    %get3A_11 = arith.constant 0 : index
    %get3A_12 = arith.constant 0 : index
    %get3A_13 = vector.load %arg4[%get3A_11, %get3A_12] : memref<128x4xf32, #tpu.memory_space<vmem>>, vector<128x4xf32>
    %dot_general3A_14 = arith.constant dense<0.000000e+00> : vector<1024x4xf32>
    %dot_general3A_15 = tpu.matmul %dot_general3A_5, %get3A_13, %dot_general3A_14 {dimension_numbers = #tpu.dot_dimension_numbers<[1], [0], [0], [1], [0, 0, 1, 1], [], []>, transpose_lhs_hint = false} : vector<1024x128xf32>, vector<128x4xf32>, vector<1024x4xf32> -> vector<1024x4xf32>
    %add3A = arith.addf %dot_general3A_10, %dot_general3A_15 : vector<1024x4xf32>
    %gt3A = arith.constant 0.000000e+00 : f32
    %gt3A_16 = vector.broadcast %gt3A : f32 to vector<1024x4xf32>
    %gt3A_17 = arith.cmpf ogt, %add3A, %gt3A_16 : vector<1024x4xf32>
    %mul3A = arith.constant 2.000000e-01 : f32
    %mul3A_18 = vector.broadcast %mul3A : f32 to vector<1024x4xf32>
    %mul3A_19 = arith.mulf %mul3A_18, %add3A : vector<1024x4xf32>
    %select_n3A = arith.select %gt3A_17, %add3A, %mul3A_19 : vector<1024x4xi1>, vector<1024x4xf32>
    %exp3A = math.exp %select_n3A : vector<1024x4xf32>
    %swap3A = arith.constant 0 : index
    %swap3A_20 = arith.constant 0 : index
    %swap3A_21 = vector.load %arg7[%swap3A, %swap3A_20] : memref<1024x128xf32, #tpu.memory_space<vmem>>, vector<1024x128xf32>
    tpu.vector_store %arg7[%swap3A, %swap3A_20], %dot_general3A_5 {strides = array<i32>} : memref<1024x128xf32, #tpu.memory_space<vmem>>, vector<1024x128xf32>,
    %concatenate3A = tpu.concatenate %dot_general3A_10, %dot_general3A_15 in 1 : vector<1024x4xf32>, vector<1024x4xf32> -> vector<1024x8xf32>
    %swap3A_22 = arith.constant 0 : index
    %swap3A_23 = arith.constant 0 : index
    %swap3A_24 = vector.load %arg8[%swap3A_22, %swap3A_23] : memref<1024x8xf32, #tpu.memory_space<vmem>>, vector<1024x8xf32>
    tpu.vector_store %arg8[%swap3A_22, %swap3A_23], %concatenate3A {strides = array<i32>} : memref<1024x8xf32, #tpu.memory_space<vmem>>, vector<1024x8xf32>,
    %broadcast_in_dim3A = arith.constant 0.000000e+00 : f32
    %broadcast_in_dim3A_25 = vector.broadcast %broadcast_in_dim3A : f32 to vector<1024x4xf32>
    %concatenate3A_26 = tpu.concatenate %exp3A, %broadcast_in_dim3A_25 in 1 : vector<1024x4xf32>, vector<1024x4xf32> -> vector<1024x8xf32>
    %swap3A_27 = arith.constant 0 : index
    %swap3A_28 = arith.constant 0 : index
    %swap3A_29 = vector.load %arg9[%swap3A_27, %swap3A_28] : memref<1024x8xf32, #tpu.memory_space<vmem>>, vector<1024x8xf32>
    tpu.vector_store %arg9[%swap3A_27, %swap3A_28], %concatenate3A_26 {strides = array<i32>} : memref<1024x8xf32, #tpu.memory_space<vmem>>, vector<1024x8xf32>,
    %get3A_30 = arith.constant 0 : index
    %get3A_31 = arith.constant 0 : index
    %get3A_32 = vector.load %arg5[%get3A_30, %get3A_31] : memref<4x128xf32, #tpu.memory_space<vmem>>, vector<4x128xf32>
    %dot_general3A_33 = arith.constant dense<0.000000e+00> : vector<1024x128xf32>
    %dot_general3A_34 = tpu.matmul %exp3A, %get3A_32, %dot_general3A_33 {dimension_numbers = #tpu.dot_dimension_numbers<[1], [0], [0], [1], [0, 0, 1, 1], [], []>, transpose_lhs_hint = false} : vector<1024x4xf32>, vector<4x128xf32>, vector<1024x128xf32> -> vector<1024x128xf32>
    %mul3A_35 = arith.mulf %dot_general3A_34, %dot_general3A_5 : vector<1024x128xf32>
    %swap3A_36 = arith.constant 0 : index
    %swap3A_37 = arith.constant 0 : index
    %swap3A_38 = vector.load %arg10[%swap3A_36, %swap3A_37] : memref<1024x128xf32, #tpu.memory_space<vmem>>, vector<1024x128xf32>
    tpu.vector_store %arg10[%swap3A_36, %swap3A_37], %mul3A_35 {strides = array<i32>} : memref<1024x128xf32, #tpu.memory_space<vmem>>, vector<1024x128xf32>,
    %get3A_39 = arith.constant 0 : index
    %get3A_40 = arith.constant 0 : index
    %get3A_41 = vector.load %arg6[%get3A_39, %get3A_40] : memref<128x128xf32, #tpu.memory_space<vmem>>, vector<128x128xf32>
    %dot_general3A_42 = arith.constant dense<0.000000e+00> : vector<1024x128xf32>
    %dot_general3A_43 = tpu.matmul %get3A_1, %get3A_41, %dot_general3A_42 {dimension_numbers = #tpu.dot_dimension_numbers<[1], [0], [0], [1], [0, 0, 1, 1], [], []>, transpose_lhs_hint = false} : vector<1024x128xf32>, vector<128x128xf32>, vector<1024x128xf32> -> vector<1024x128xf32>
    %swap3A_44 = arith.constant 0 : index
    %swap3A_45 = arith.constant 0 : index
    %swap3A_46 = vector.load %arg11[%swap3A_44, %swap3A_45] : memref<1024x128xf32, #tpu.memory_space<vmem>>, vector<1024x128xf32>
    tpu.vector_store %arg11[%swap3A_44, %swap3A_45], %dot_general3A_43 {strides = array<i32>} : memref<1024x128xf32, #tpu.memory_space<vmem>>, vector<1024x128xf32>,
    return
  }
  func.func @transform_0(%arg0: i32) -> (i32, i32) {
    %c0_i32 = arith.constant 0 : i32
    %c0_i32_0 = arith.constant 0 : i32
    return %arg0, %c0_i32 : i32, i32
  }
  func.func @transform_1(%arg0: i32) -> (i32, i32) {
    %c0_i32 = arith.constant 0 : i32
    %c0_i32_0 = arith.constant 0 : i32
    %c0_i32_1 = arith.constant 0 : i32
    return %c0_i32, %c0_i32_0 : i32, i32
  }
  func.func @transform_2(%arg0: i32) -> (i32, i32) {
    %c0_i32 = arith.constant 0 : i32
    %c0_i32_0 = arith.constant 0 : i32
    %c0_i32_1 = arith.constant 0 : i32
    return %c0_i32, %c0_i32_0 : i32, i32
  }
  func.func @transform_3(%arg0: i32) -> (i32, i32) {
    %c0_i32 = arith.constant 0 : i32
    %c0_i32_0 = arith.constant 0 : i32
    %c0_i32_1 = arith.constant 0 : i32
    return %c0_i32, %c0_i32_0 : i32, i32
  }
  func.func @transform_4(%arg0: i32) -> (i32, i32) {
    %c0_i32 = arith.constant 0 : i32
    %c0_i32_0 = arith.constant 0 : i32
    %c0_i32_1 = arith.constant 0 : i32
    return %c0_i32, %c0_i32_0 : i32, i32
  }
  func.func @transform_5(%arg0: i32) -> (i32, i32) {
    %c0_i32 = arith.constant 0 : i32
    %c0_i32_0 = arith.constant 0 : i32
    %c0_i32_1 = arith.constant 0 : i32
    return %c0_i32, %c0_i32_0 : i32, i32
  }
  func.func @transform_6(%arg0: i32) -> (i32, i32) {
    %c0_i32 = arith.constant 0 : i32
    %c0_i32_0 = arith.constant 0 : i32
    return %arg0, %c0_i32 : i32, i32
  }
  func.func @transform_7(%arg0: i32) -> (i32, i32) {
    %c0_i32 = arith.constant 0 : i32
    %c0_i32_0 = arith.constant 0 : i32
    return %arg0, %c0_i32 : i32, i32
  }
  func.func @transform_8(%arg0: i32) -> (i32, i32) {
    %c0_i32 = arith.constant 0 : i32
    %c0_i32_0 = arith.constant 0 : i32
    return %arg0, %c0_i32 : i32, i32
  }
  func.func @transform_9(%arg0: i32) -> (i32, i32) {
    %c0_i32 = arith.constant 0 : i32
    %c0_i32_0 = arith.constant 0 : i32
    return %arg0, %c0_i32 : i32, i32
  }
  func.func @transform_10(%arg0: i32) -> (i32, i32) {
    %c0_i32 = arith.constant 0 : i32
    %c0_i32_0 = arith.constant 0 : i32
    return %arg0, %c0_i32 : i32, i32
  }
}

module attributes {stable_mosaic.version = 14 : i64} {
  func.func @_tc_post_body(%arg0: i32, %arg1: memref<1024x128xf32, #tpu.memory_space<vmem>>, %arg2: memref<1024x8xf32, #tpu.memory_space<vmem>>, %arg3: memref<1024x128xf32, #tpu.memory_space<vmem>>, %arg4: memref<1024x8xf32, #tpu.memory_space<vmem>>, %arg5: memref<1024x128xf32, #tpu.memory_space<vmem>>, %arg6: memref<1024x128xf32, #tpu.memory_space<vmem>>, %arg7: memref<4x128xf32, #tpu.memory_space<vmem>>, %arg8: memref<128x2xf32, #tpu.memory_space<vmem>>, %arg9: memref<128x2xf32, #tpu.memory_space<vmem>>, %arg10: memref<1x2xf32, #tpu.memory_space<vmem>>, %arg11: memref<1x128xf32, #tpu.memory_space<vmem>>, %arg12: memref<1x128xf32, #tpu.memory_space<vmem>>, %arg13: memref<1x128xf32, #tpu.memory_space<vmem>>, %arg14: memref<1x128xf32, #tpu.memory_space<vmem>>, %arg15: memref<1024x128xf32, #tpu.memory_space<vmem>>) attributes {dimension_semantics = [#tpu.dimension_semantics<arbitrary>], iteration_bounds = array<i64: 10>, scalar_prefetch = 0 : i64, scratch_operands = 0 : i64, tpu.core_type = #tpu.core_type<tc>, window_params = [{transform_indices = @transform_0, window_bounds = array<i64: 1024, 128>}, {transform_indices = @transform_1, window_bounds = array<i64: 1024, 8>}, {transform_indices = @transform_2, window_bounds = array<i64: 1024, 128>}, {transform_indices = @transform_3, window_bounds = array<i64: 1024, 8>}, {transform_indices = @transform_4, window_bounds = array<i64: 1024, 128>}, {transform_indices = @transform_5, window_bounds = array<i64: 1024, 128>}, {pipeline_mode = #tpu.pipeline_mode<synchronous>, transform_indices = @transform_6, window_bounds = array<i64: 4, 128>}, {pipeline_mode = #tpu.pipeline_mode<synchronous>, transform_indices = @transform_7, window_bounds = array<i64: 128, 2>}, {pipeline_mode = #tpu.pipeline_mode<synchronous>, transform_indices = @transform_8, window_bounds = array<i64: 128, 2>}, {pipeline_mode = #tpu.pipeline_mode<synchronous>, transform_indices = @transform_9, window_bounds = array<i64: 1, 2>}, {pipeline_mode = #tpu.pipeline_mode<synchronous>, transform_indices = @transform_10, window_bounds = array<i64: 1, 128>}, {pipeline_mode = #tpu.pipeline_mode<synchronous>, transform_indices = @transform_11, window_bounds = array<i64: 1, 128>}, {pipeline_mode = #tpu.pipeline_mode<synchronous>, transform_indices = @transform_12, window_bounds = array<i64: 1, 128>}, {pipeline_mode = #tpu.pipeline_mode<synchronous>, transform_indices = @transform_13, window_bounds = array<i64: 1, 128>}, {transform_indices = @transform_14, window_bounds = array<i64: 1024, 128>}]} {
    %get3A = arith.constant 0 : index
    %get3A_0 = arith.constant 0 : index
    %get3A_1 = vector.load %arg2[%get3A, %get3A_0] : memref<1024x8xf32, #tpu.memory_space<vmem>>, vector<1024x4xf32>
    %add3A = arith.constant 1.000000e-16 : f32
    %add3A_2 = vector.broadcast %add3A : f32 to vector<1024x4xf32>
    %add3A_3 = arith.addf %get3A_1, %add3A_2 : vector<1024x4xf32>
    %get3A_4 = arith.constant 0 : index
    %get3A_5 = arith.constant 0 : index
    %get3A_6 = vector.load %arg7[%get3A_4, %get3A_5] : memref<4x128xf32, #tpu.memory_space<vmem>>, vector<4x128xf32>
    %dot_general3A = arith.constant dense<0.000000e+00> : vector<1024x128xf32>
    %dot_general3A_7 = tpu.matmul %add3A_3, %get3A_6, %dot_general3A {dimension_numbers = #tpu.dot_dimension_numbers<[1], [0], [0], [1], [0, 0, 1, 1], [], []>, transpose_lhs_hint = false} : vector<1024x4xf32>, vector<4x128xf32>, vector<1024x128xf32> -> vector<1024x128xf32>
    %get3A_8 = arith.constant 0 : index
    %get3A_9 = arith.constant 0 : index
    %get3A_10 = vector.load %arg1[%get3A_8, %get3A_9] : memref<1024x128xf32, #tpu.memory_space<vmem>>, vector<1024x128xf32>
    %div3A = arith.divf %get3A_10, %dot_general3A_7 : vector<1024x128xf32>
    %get3A_11 = arith.constant 0 : index
    %get3A_12 = arith.constant 0 : index
    %get3A_13 = vector.load %arg11[%get3A_11, %get3A_12] : memref<1x128xf32, #tpu.memory_space<vmem>>, vector<1x128xf32>
    %add3A_14 = vector.broadcast %get3A_13 : vector<1x128xf32> to vector<1024x128xf32>
    %add3A_15 = arith.addf %div3A, %add3A_14 : vector<1024x128xf32>
    %get3A_16 = arith.constant 0 : index
    %get3A_17 = arith.constant 0 : index
    %get3A_18 = vector.load %arg4[%get3A_16, %get3A_17] : memref<1024x8xf32, #tpu.memory_space<vmem>>, vector<1024x1xf32>
    %add3A_19 = arith.constant 1.000000e+00 : f32
    %add3A_20 = vector.broadcast %add3A_19 : f32 to vector<1024x1xf32>
    %add3A_21 = arith.addf %get3A_18, %add3A_20 : vector<1024x1xf32>
    %rsqrt3A = math.rsqrt %add3A_21 : vector<1024x1xf32>
    %get3A_22 = arith.constant 0 : index
    %get3A_23 = arith.constant 0 : index
    %get3A_24 = vector.load %arg5[%get3A_22, %get3A_23] : memref<1024x128xf32, #tpu.memory_space<vmem>>, vector<1024x128xf32>
    %get3A_25 = arith.constant 0 : index
    %get3A_26 = arith.constant 0 : index
    %get3A_27 = vector.load %arg3[%get3A_25, %get3A_26] : memref<1024x128xf32, #tpu.memory_space<vmem>>, vector<1024x128xf32>
    %mul3A = vector.broadcast %rsqrt3A : vector<1024x1xf32> to vector<1024x128xf32>
    %mul3A_28 = arith.mulf %mul3A, %get3A_27 : vector<1024x128xf32>
    %mul3A_29 = arith.mulf %rsqrt3A, %rsqrt3A : vector<1024x1xf32>
    %mul3A_30 = vector.broadcast %mul3A_29 : vector<1024x1xf32> to vector<1024x128xf32>
    %mul3A_31 = arith.mulf %mul3A_30, %get3A_24 : vector<1024x128xf32>
    %add3A_32 = arith.addf %mul3A_28, %mul3A_31 : vector<1024x128xf32>
    %get3A_33 = arith.constant 0 : index
    %get3A_34 = arith.constant 0 : index
    %get3A_35 = vector.load %arg12[%get3A_33, %get3A_34] : memref<1x128xf32, #tpu.memory_space<vmem>>, vector<1x128xf32>
    %add3A_36 = vector.broadcast %get3A_35 : vector<1x128xf32> to vector<1024x128xf32>
    %add3A_37 = arith.addf %add3A_32, %add3A_36 : vector<1024x128xf32>
    %get3A_38 = arith.constant 0 : index
    %get3A_39 = arith.constant 0 : index
    %get3A_40 = vector.load %arg8[%get3A_38, %get3A_39] : memref<128x2xf32, #tpu.memory_space<vmem>>, vector<128x1xf32>
    %dot_general3A_41 = arith.constant dense<0.000000e+00> : vector<1024x1xf32>
    %dot_general3A_42 = tpu.matmul %add3A_15, %get3A_40, %dot_general3A_41 {dimension_numbers = #tpu.dot_dimension_numbers<[1], [0], [0], [1], [0, 0, 1, 1], [], []>, transpose_lhs_hint = false} : vector<1024x128xf32>, vector<128x1xf32>, vector<1024x1xf32> -> vector<1024x1xf32>
    %get3A_43 = arith.constant 0 : index
    %get3A_44 = arith.constant 0 : index
    %get3A_45 = vector.load %arg9[%get3A_43, %get3A_44] : memref<128x2xf32, #tpu.memory_space<vmem>>, vector<128x1xf32>
    %dot_general3A_46 = arith.constant dense<0.000000e+00> : vector<1024x1xf32>
    %dot_general3A_47 = tpu.matmul %add3A_37, %get3A_45, %dot_general3A_46 {dimension_numbers = #tpu.dot_dimension_numbers<[1], [0], [0], [1], [0, 0, 1, 1], [], []>, transpose_lhs_hint = false} : vector<1024x128xf32>, vector<128x1xf32>, vector<1024x1xf32> -> vector<1024x1xf32>
    %add3A_48 = arith.addf %dot_general3A_42, %dot_general3A_47 : vector<1024x1xf32>
    %get3A_49 = arith.constant 0 : index
    %get3A_50 = arith.constant 0 : index
    %get3A_51 = vector.load %arg10[%get3A_49, %get3A_50] : memref<1x2xf32, #tpu.memory_space<vmem>>, vector<1x1xf32>
    %get3A_52 = vector.extract %get3A_51[0, 0] : f32 from vector<1x1xf32>
    %add3A_53 = vector.broadcast %get3A_52 : f32 to vector<1024x1xf32>
    %add3A_54 = arith.addf %add3A_48, %add3A_53 : vector<1024x1xf32>
    %get3A_55 = arith.constant 0 : index
    %get3A_56 = arith.constant 1 : index
    %get3A_57 = vector.load %arg8[%get3A_55, %get3A_56] : memref<128x2xf32, #tpu.memory_space<vmem>>, vector<128x1xf32>
    %dot_general3A_58 = arith.constant dense<0.000000e+00> : vector<1024x1xf32>
    %dot_general3A_59 = tpu.matmul %add3A_15, %get3A_57, %dot_general3A_58 {dimension_numbers = #tpu.dot_dimension_numbers<[1], [0], [0], [1], [0, 0, 1, 1], [], []>, transpose_lhs_hint = false} : vector<1024x128xf32>, vector<128x1xf32>, vector<1024x1xf32> -> vector<1024x1xf32>
    %get3A_60 = arith.constant 0 : index
    %get3A_61 = arith.constant 1 : index
    %get3A_62 = vector.load %arg9[%get3A_60, %get3A_61] : memref<128x2xf32, #tpu.memory_space<vmem>>, vector<128x1xf32>
    %dot_general3A_63 = arith.constant dense<0.000000e+00> : vector<1024x1xf32>
    %dot_general3A_64 = tpu.matmul %add3A_37, %get3A_62, %dot_general3A_63 {dimension_numbers = #tpu.dot_dimension_numbers<[1], [0], [0], [1], [0, 0, 1, 1], [], []>, transpose_lhs_hint = false} : vector<1024x128xf32>, vector<128x1xf32>, vector<1024x1xf32> -> vector<1024x1xf32>
    %add3A_65 = arith.addf %dot_general3A_59, %dot_general3A_64 : vector<1024x1xf32>
    %get3A_66 = arith.constant 0 : index
    %get3A_67 = arith.constant 1 : index
    %get3A_68 = vector.load %arg10[%get3A_66, %get3A_67] : memref<1x2xf32, #tpu.memory_space<vmem>>, vector<1x1xf32>
    %get3A_69 = vector.extract %get3A_68[0, 0] : f32 from vector<1x1xf32>
    %add3A_70 = vector.broadcast %get3A_69 : f32 to vector<1024x1xf32>
    %add3A_71 = arith.addf %add3A_65, %add3A_70 : vector<1024x1xf32>
    %sub3A = arith.subf %add3A_71, %add3A_54 : vector<1024x1xf32>
    %exp3A = math.exp %sub3A : vector<1024x1xf32>
    %add3A_72 = arith.constant 1.000000e+00 : f32
    %add3A_73 = vector.broadcast %add3A_72 : f32 to vector<1024x1xf32>
    %add3A_74 = arith.addf %add3A_73, %exp3A : vector<1024x1xf32>
    %div3A_75 = arith.constant 1.000000e+00 : f32
    %div3A_76 = vector.broadcast %div3A_75 : f32 to vector<1024x1xf32>
    %div3A_77 = arith.divf %div3A_76, %add3A_74 : vector<1024x1xf32>
    %sub3A_78 = arith.constant 1.000000e+00 : f32
    %sub3A_79 = vector.broadcast %sub3A_78 : f32 to vector<1024x1xf32>
    %sub3A_80 = arith.subf %sub3A_79, %div3A_77 : vector<1024x1xf32>
    %mul3A_81 = vector.broadcast %div3A_77 : vector<1024x1xf32> to vector<1024x128xf32>
    %mul3A_82 = arith.mulf %mul3A_81, %add3A_15 : vector<1024x128xf32>
    %mul3A_83 = vector.broadcast %sub3A_80 : vector<1024x1xf32> to vector<1024x128xf32>
    %mul3A_84 = arith.mulf %mul3A_83, %add3A_37 : vector<1024x128xf32>
    %add3A_85 = arith.addf %mul3A_82, %mul3A_84 : vector<1024x128xf32>
    %get3A_86 = arith.constant 0 : index
    %get3A_87 = arith.constant 0 : index
    %get3A_88 = vector.load %arg6[%get3A_86, %get3A_87] : memref<1024x128xf32, #tpu.memory_space<vmem>>, vector<1024x128xf32>
    %add3A_89 = arith.addf %add3A_85, %get3A_88 : vector<1024x128xf32>
    %reduce_sum3A = arith.constant dense<0.000000e+00> : vector<1024xf32>
    %reduce_sum3A_90 = vector.multi_reduction <add>, %add3A_89, %reduce_sum3A [1] : vector<1024x128xf32> to vector<1024xf32>
    %broadcast_in_dim3A = vector.shape_cast %reduce_sum3A_90 : vector<1024xf32> to vector<1024x1xf32>
    %div3A_91 = arith.constant 1.280000e+02 : f32
    %div3A_92 = vector.broadcast %div3A_91 : f32 to vector<1024x1xf32>
    %div3A_93 = arith.divf %broadcast_in_dim3A, %div3A_92 : vector<1024x1xf32>
    %sub3A_94 = vector.broadcast %div3A_93 : vector<1024x1xf32> to vector<1024x128xf32>
    %sub3A_95 = arith.subf %add3A_89, %sub3A_94 : vector<1024x128xf32>
    %mul3A_96 = arith.mulf %sub3A_95, %sub3A_95 : vector<1024x128xf32>
    %reduce_sum3A_97 = arith.constant dense<0.000000e+00> : vector<1024xf32>
    %reduce_sum3A_98 = vector.multi_reduction <add>, %mul3A_96, %reduce_sum3A_97 [1] : vector<1024x128xf32> to vector<1024xf32>
    %broadcast_in_dim3A_99 = vector.shape_cast %reduce_sum3A_98 : vector<1024xf32> to vector<1024x1xf32>
    %div3A_100 = arith.constant 1.280000e+02 : f32
    %div3A_101 = vector.broadcast %div3A_100 : f32 to vector<1024x1xf32>
    %div3A_102 = arith.divf %broadcast_in_dim3A_99, %div3A_101 : vector<1024x1xf32>
    %get3A_103 = arith.constant 0 : index
    %get3A_104 = arith.constant 0 : index
    %get3A_105 = vector.load %arg13[%get3A_103, %get3A_104] : memref<1x128xf32, #tpu.memory_space<vmem>>, vector<1x128xf32>
    %mul3A_106 = vector.broadcast %get3A_105 : vector<1x128xf32> to vector<1024x128xf32>
    %mul3A_107 = arith.mulf %mul3A_106, %sub3A_95 : vector<1024x128xf32>
    %add3A_108 = arith.constant 9.99999974E-6 : f32
    %add3A_109 = vector.broadcast %add3A_108 : f32 to vector<1024x1xf32>
    %add3A_110 = arith.addf %div3A_102, %add3A_109 : vector<1024x1xf32>
    %rsqrt3A_111 = math.rsqrt %add3A_110 : vector<1024x1xf32>
    %mul3A_112 = vector.broadcast %rsqrt3A_111 : vector<1024x1xf32> to vector<1024x128xf32>
    %mul3A_113 = arith.mulf %mul3A_107, %mul3A_112 : vector<1024x128xf32>
    %get3A_114 = arith.constant 0 : index
    %get3A_115 = arith.constant 0 : index
    %get3A_116 = vector.load %arg14[%get3A_114, %get3A_115] : memref<1x128xf32, #tpu.memory_space<vmem>>, vector<1x128xf32>
    %add3A_117 = vector.broadcast %get3A_116 : vector<1x128xf32> to vector<1024x128xf32>
    %add3A_118 = arith.addf %mul3A_113, %add3A_117 : vector<1024x128xf32>
    %swap3A = arith.constant 0 : index
    %swap3A_119 = arith.constant 0 : index
    %swap3A_120 = vector.load %arg15[%swap3A, %swap3A_119] : memref<1024x128xf32, #tpu.memory_space<vmem>>, vector<1024x128xf32>
    tpu.vector_store %arg15[%swap3A, %swap3A_119], %add3A_118 {strides = array<i32>} : memref<1024x128xf32, #tpu.memory_space<vmem>>, vector<1024x128xf32>,
    return
  }
  func.func @transform_0(%arg0: i32) -> (i32, i32) {
    %c0_i32 = arith.constant 0 : i32
    %c0_i32_0 = arith.constant 0 : i32
    return %arg0, %c0_i32 : i32, i32
  }
  func.func @transform_1(%arg0: i32) -> (i32, i32) {
    %c0_i32 = arith.constant 0 : i32
    %c0_i32_0 = arith.constant 0 : i32
    return %arg0, %c0_i32 : i32, i32
  }
  func.func @transform_2(%arg0: i32) -> (i32, i32) {
    %c0_i32 = arith.constant 0 : i32
    %c0_i32_0 = arith.constant 0 : i32
    return %arg0, %c0_i32 : i32, i32
  }
  func.func @transform_3(%arg0: i32) -> (i32, i32) {
    %c0_i32 = arith.constant 0 : i32
    %c0_i32_0 = arith.constant 0 : i32
    return %arg0, %c0_i32 : i32, i32
  }
  func.func @transform_4(%arg0: i32) -> (i32, i32) {
    %c0_i32 = arith.constant 0 : i32
    %c0_i32_0 = arith.constant 0 : i32
    return %arg0, %c0_i32 : i32, i32
  }
  func.func @transform_5(%arg0: i32) -> (i32, i32) {
    %c0_i32 = arith.constant 0 : i32
    %c0_i32_0 = arith.constant 0 : i32
    return %arg0, %c0_i32 : i32, i32
  }
  func.func @transform_6(%arg0: i32) -> (i32, i32) {
    %c0_i32 = arith.constant 0 : i32
    %c0_i32_0 = arith.constant 0 : i32
    %c0_i32_1 = arith.constant 0 : i32
    return %c0_i32, %c0_i32_0 : i32, i32
  }
  func.func @transform_7(%arg0: i32) -> (i32, i32) {
    %c0_i32 = arith.constant 0 : i32
    %c0_i32_0 = arith.constant 0 : i32
    %c0_i32_1 = arith.constant 0 : i32
    return %c0_i32, %c0_i32_0 : i32, i32
  }
  func.func @transform_8(%arg0: i32) -> (i32, i32) {
    %c0_i32 = arith.constant 0 : i32
    %c0_i32_0 = arith.constant 0 : i32
    %c0_i32_1 = arith.constant 0 : i32
    return %c0_i32, %c0_i32_0 : i32, i32
  }
  func.func @transform_9(%arg0: i32) -> (i32, i32) {
    %c0_i32 = arith.constant 0 : i32
    %c0_i32_0 = arith.constant 0 : i32
    %c0_i32_1 = arith.constant 0 : i32
    return %c0_i32, %c0_i32_0 : i32, i32
  }
  func.func @transform_10(%arg0: i32) -> (i32, i32) {
    %c0_i32 = arith.constant 0 : i32
    %c0_i32_0 = arith.constant 0 : i32
    %c0_i32_1 = arith.constant 0 : i32
    return %c0_i32, %c0_i32_0 : i32, i32
  }
  func.func @transform_11(%arg0: i32) -> (i32, i32) {
    %c0_i32 = arith.constant 0 : i32
    %c0_i32_0 = arith.constant 0 : i32
    %c0_i32_1 = arith.constant 0 : i32
    return %c0_i32, %c0_i32_0 : i32, i32
  }
  func.func @transform_12(%arg0: i32) -> (i32, i32) {
    %c0_i32 = arith.constant 0 : i32
    %c0_i32_0 = arith.constant 0 : i32
    %c0_i32_1 = arith.constant 0 : i32
    return %c0_i32, %c0_i32_0 : i32, i32
  }
  func.func @transform_13(%arg0: i32) -> (i32, i32) {
    %c0_i32 = arith.constant 0 : i32
    %c0_i32_0 = arith.constant 0 : i32
    %c0_i32_1 = arith.constant 0 : i32
    return %c0_i32, %c0_i32_0 : i32, i32
  }
  func.func @transform_14(%arg0: i32) -> (i32, i32) {
    %c0_i32 = arith.constant 0 : i32
    %c0_i32_0 = arith.constant 0 : i32
    return %arg0, %c0_i32 : i32, i32
  }
}

</mosaic_0001>

<sc_bundles>
// kernel: kernel.5.cloned.1.call-start
scs
__scs_entry_jumppad:
0x0: {  	(pc) =	sbr.rel $0x88, $3  }
0x1: {  	(tag) =	ssettag $0x0;
	lr =	simm.s32 $0x1  }
0x2: {  	[smem:$0x3F95] =	sst lr;
	_ =	strace $0xD0000000  }
0x3: {  	_ = 	snop  }
0x4: {  	_ = 	snop  }
0x5: {  	_ = 	snop  }
0x6: {  	_ = 	snop  }
0x7: {  	_ = 	snop  }
__scs_overlays_trampoline_lowered:
0x8: {  	[smem:$0x3FA4] =	sst s0  }
0x9: {  	[smem:$0x3FA5] =	sst s1  }
0xa: {  	[smem:$0x3FA6] =	sst s2  }
0xb: {  	[smem:$0x3FA7] =	sst s3  }
0xc: {  	[smem:$0x3FA8] =	sst s4  }
0xd: {  	[smem:$0x3FA9] =	sst s5  }
0xe: {  	[smem:$0x3FAA] =	sst s6  }
0xf: {  	[smem:$0x3FAB] =	sst s7  }
0x10: {  	[smem:$0x3FAC] =	sst s8  }
0x11: {  	[smem:$0x3FAD] =	sst s9;
	s0 =	simm.s32 @!p0 $0x0  }
0x12: {  	s1 =	sld [smem:$0x3F93];
	s0 =	simm.s32 @p0 $0x1  }
0x13: {  	[smem:$0x3FAE] =	sst s0;
	s0 =	simm.s32 @!p1 $0x0  }
0x14: {  	s2 =	sld [smem:$0x3F92];
	s0 =	simm.s32 @p1 $0x1  }
0x15: {  	[smem:$0x3FAF] =	sst s0;
	s0 =	simm.s32 @!p2 $0x0  }
0x16: {  	s3 =	sld [smem:$0x3FDB];
	s0 =	simm.s32 @p2 $0x1  }
0x17: {  	s4 =	simm.s32 $0x1BF5;
	[smem:$0x3FB1] =	sst s0  }
0x18: {  	s0 =	sld [smem:$0x3F94];
	_ =	swait.ge [sflag:s4], $0x0  }
0x19: {  	s7 =	sld [smem:$0x3F95]  }
0x1a: {  	s8 =	sadd.s32 $0xFFFFE003, lr  }
0x1b: {  	s9 =	sadd.s32 $0xFFFFFEF7, lr;
	s5 =	simm.s32 $0xFFFFFFFF;
	p2 =	slt.u32 s8, $0xFFFFF086  }
0x1c: {  	p1 =	slt.u32 s9, $0xF7A;
	s5 =	simm.s32 @!p2 $0x0  }
0x1d: {  	s5 =	simm.s32 @p1 $0x1;
	p0 =	seq.s32 s7, s2  }
0x1e: {  	s7 =	smul.u32 @!p0 $0xF7A, s2;
	p2 =	seq.s32 @!p0 s5, $0x0  }
0x1f: {  	s9 =	smul.u32 $0xF7A, s1;
	s8 =	simm.s32 @!p0 $0x1BF5;
	p2 =	por !p2, p0  }
0x20: {  	[sflag:s8] =	ssyncset.s32 @!p0 $0xFFFFF086;
	s6 =	sadd.s32 @!p0 s3, s7;
	s7 =	simm.s32 @!p0 $0x108  }
0x21: {  	s3 =	sadd.s32 s3, s9;
	s6 =	sadd.s32 @!p0 $0x88, s6;
	s7 =	simm.s32 @p2 $0x1082  }
0x22: {  	[simem:s7], [sflag:s8] =	dma.local @!p0 [hbm:s6], $0xF7A  }
0x23: {  	s9 =	sor.u32 $0xD0000000, s2;
	s6 =	simm.s32 $0x108;
	_ =	swait.ge @!p0 [sflag:s8], $0x0  }
0x24: {  	s3 =	sadd.s32 $0x88, s3;
	s6 =	simm.s32 @!p1 $0x1082;
	[sflag:s4] =	ssyncset.s32 $0xFFFFF086  }
0x25: {  	[simem:s6], [sflag:s4] =	dma.local [hbm:s3], $0xF7A  }
0x26: {  	[smem:$0x3F95] =	sst s1;
	(tag) =	ssettag s2;
	_ =	strace s9  }
0x27: {  	s1 =	sld [smem:$0x3FA5]  }
0x28: {  	s2 =	sld [smem:$0x3FA6]  }
0x29: {  	s4 =	sld [smem:$0x3FA8]  }
0x2a: {  	p0 =	seq.s32 s5, $0x0;
	s5 =	sld [smem:$0x3FA9]  }
0x2b: {  	s6 =	sld [smem:$0x3FAA]  }
0x2c: {  	s7 =	sld [smem:$0x3FAB]  }
0x2d: {  	s3 =	simm.s32 $0x108;
	s8 =	sld [smem:$0x3FAC]  }
0x2e: {  	s3 =	simm.s32 @!p0 $0x1082;
	s9 =	sld [smem:$0x3FAD]  }
0x2f: {  	lr =	sadd.s32 s0, s3;
	s0 =	sld [smem:$0x3FA4]  }
0x30: {  	s3 =	sld [smem:$0x3FA7]  }
0x31: {  	[smem:$0x3FB0] =	sst s10  }
0x32: {  	s10 =	sld [smem:$0x3FAE];
	_ =	sdelay $0x3  }
0x33: {  	p0 =	seq.s32 s10, $0x1;
	s10 =	sld [smem:$0x3FB0];
	_ =	sdelay $0x3  }
0x34: {  	[smem:$0x3FB0] =	sst s10  }
0x35: {  	s10 =	sld [smem:$0x3FAF];
	_ =	sdelay $0x3  }
0x36: {  	p1 =	seq.s32 s10, $0x1;
	s10 =	sld [smem:$0x3FB0];
	_ =	sdelay $0x3  }
0x37: {  	[smem:$0x3FB0] =	sst s10  }
0x38: {  	s10 =	sld [smem:$0x3FB1]  }
0x39: {  	_ = 	snop;
	(pc) =	sbr.ind lr, $3  }
0x3a: {  	_ = 	snop  }
0x3b: {  	_ = 	snop  }
0x3c: {  	p2 =	seq.s32 s10, $0x1;
	s10 =	sld [smem:$0x3FB0]  }
0x3d: {  	_ =	shalt  }
0x3e: {  	_ =	shalt  }
0x3f: {  	_ =	shalt  }
0x40: {  	_ =	shalt  }
0x41: {  	_ =	shalt  }
0x42: {  	_ =	shalt  }
0x43: {  	_ =	shalt  }
0x44: {  	_ =	shalt  }
0x45: {  	_ =	shalt  }
0x46: {  	_ =	shalt  }
0x47: {  	_ =	shalt  }
0x48: {  	_ =	shalt  }
0x49: {  	_ =	shalt  }
0x4a: {  	_ =	shalt  }
0x4b: {  	_ =	shalt  }
0x4c: {  	_ =	shalt  }
0x4d: {  	_ =	shalt  }
0x4e: {  	_ =	shalt  }
0x4f: {  	_ =	shalt  }
0x50: {  	_ =	shalt  }
0x51: {  	_ =	shalt  }
0x52: {  	_ =	shalt  }
0x53: {  	_ =	shalt  }
0x54: {  	_ =	shalt  }
0x55: {  	_ =	shalt  }
0x56: {  	_ =	shalt  }
0x57: {  	_ =	shalt  }
0x58: {  	_ =	shalt  }
0x59: {  	_ =	shalt  }
0x5a: {  	_ =	shalt  }
0x5b: {  	_ =	shalt  }
0x5c: {  	_ =	shalt  }
0x5d: {  	_ =	shalt  }
0x5e: {  	_ =	shalt  }
0x5f: {  	_ =	shalt  }
0x60: {  	_ =	shalt  }
0x61: {  	_ =	shalt  }
0x62: {  	_ =	shalt  }
0x63: {  	_ =	shalt  }
0x64: {  	_ =	shalt  }
0x65: {  	_ =	shalt  }
0x66: {  	_ =	shalt  }
0x67: {  	_ =	shalt  }
0x68: {  	_ =	shalt  }
0x69: {  	_ =	shalt  }
0x6a: {  	_ =	shalt  }
0x6b: {  	_ =	shalt  }
0x6c: {  	_ =	shalt  }
0x6d: {  	_ =	shalt  }
0x6e: {  	_ =	shalt  }
0x6f: {  	_ =	shalt  }
0x70: {  	_ =	shalt  }
0x71: {  	_ =	shalt  }
0x72: {  	_ =	shalt  }
0x73: {  	_ =	shalt  }
0x74: {  	_ =	shalt  }
0x75: {  	_ =	shalt  }
0x76: {  	_ =	shalt  }
0x77: {  	_ =	shalt  }
0x78: {  	_ =	shalt  }
0x79: {  	_ =	shalt  }
0x7a: {  	_ =	shalt  }
0x7b: {  	_ =	shalt  }
0x7c: {  	_ =	shalt  }
0x7d: {  	_ =	shalt  }
0x7e: {  	_ =	shalt  }
0x7f: {  	_ =	shalt  }
0x80: {  	_ =	shalt  }
0x81: {  	_ =	shalt  }
0x82: {  	_ =	shalt  }
0x83: {  	_ =	shalt  }
0x84: {  	_ =	shalt  }
0x85: {  	_ =	shalt  }
0x86: {  	_ =	shalt  }
0x87: {  	_ =	shalt  }
.Lfunc_end0:
.L_simem_size_0:
called_computation_lowered:
.L_overlay_start_0:
0x88: {  	s2 =	sld [smem:$0x3FD9]  }
0x89: {  	s3 =	sld [smem:$0x3FFE];
	_ =	sdelay $0x1  }
0x8a: {  	s1 =	srdreg.scid  }
0x8b: {  	s0 =	sand.u32 $0x1, s1  }
0x8c: {  	s17 =	sshll.u32 s0, $0xA;
	s2 =	sadd.s32 s3, s2  }
0x8d: {  	s2 =	sadd.s32 s2, s17  }
0x8e: {  	[smem:$0x3FBC] =	sst s2  }
0x8f: {  	_ = 	snop  }
0x90: {  	s2 =	sld [smem:$0x3FD0];
	(tm) =	ssettm $0x1  }
0x91: {  	s18 =	sld [smem:$0x3FFB];
	_ =	sdelay $0x3  }
0x92: {  	_ =	strace s18  }
0x93: {  	s3 =	sld [smem:$0x3FFC];
	_ =	sdelay $0x3  }
0x94: {  	_ =	strace s3  }
0x95: {  	s3 =	sld [smem:$0x3FFD];
	_ =	sdelay $0x3  }
0x96: {  	_ =	strace s3  }
0x97: {  	_ =	strace $0x8FFFFFFF  }
0x98: {  	s19 =	sld [smem:$0x3FDB];
	_ =	sdelay $0x1  }
0x99: {  	s4 =	simm.s32 $_scs_section_size  }
0x9a: {  	s5 =	simm.s32 $_size__tile_overlayer_lowered;
	s6 =	simm.s32 $_tile_overlayer_lowered  }
0x9b: {  	s22 =	simm.s32 $0x1BFF;
	s21 =	sshll.u32 s6, $0x1;
	s3 =	sadd.s32 s4, s19  }
0x9c: {  	s7 =	simm.s32 $0x0;
	s20 =	sshll.u32 s5, $0x1;
	s5 =	sadd.s32 s21, s3  }
0x9d: {  	[timem:s7], [sflag:s22] =	dma.local [hbm:s5], s20  }
0x9e: {  	_ =	swait.ge [sflag:s22], s20  }
0x9f: {  	s4 =	ssub.s32 $0x0, s20;
	[sflag:s22] =	ssyncset.done $0x0  }
0xa0: {  	[sflag:s22] =	ssyncadd.s32 s4;
	_ =	sdelay $0x1  }
0xa1: {  	s23 =	simm.s32 $0x1B8B  }
0xa2: {  	_ =	swait.ge [sflag:s23], $0x1  }
0xa3: {  	[sflag:s23] =	ssyncset.done $0x0  }
0xa4: {  	s25 =	simm.s32 $0x1B8E;
	s24 =	sld [smem:$0x3FFE];
	[sflag:s23] =	ssyncadd.s32 $0xFFFFFFFF  }
0xa5: {  	s26 =	simm.s32 $execute0_lowered;
	[smem:$0x3FD2] =	sst s25  }
0xa6: {  	s5 =	sshll.u32 s26, $0x1;
	_ =	strace $0x80000046;
	[dreg:$0x1] =	wrdreg $0xFFFFFFFF  }
0xa7: {  	s28 =	simm.s32 $_size_execute0_lowered;
	s3 =	sadd.s32 s3, s5;
	[dreg:$0x0] =	wrdreg $0x0  }
0xa8: {  	s5 =	sshll.u32 s28, $0x1;
	[dreg:$0x2] =	wrdreg s3  }
0xa9: {  	[dreg:$0x3] =	wrdreg s5  }
0xaa: {  	[dreg:$0x4] =	wrdreg $0xC0  }
0xab: {  	_ =	task [dreg:s7], $0x5FFFF  }
0xac: {  	[dreg:$0x1] =	wrdreg $0xFFFFFFFF  }
0xad: {  	[dreg:$0x0] =	wrdreg $0x60  }
0xae: {  	[dreg:$0x2] =	wrdreg s2  }
0xaf: {  	[dreg:$0x3] =	wrdreg s24  }
0xb0: {  	[dreg:$0x4] =	wrdreg $0x0  }
0xb1: {  	[dreg:$0x5] =	wrdreg $0x140000  }
0xb2: {  	[dreg:$0x6] =	wrdreg $0x154000  }
0xb3: {  	[dreg:$0x7] =	wrdreg $0x9  }
0xb4: {  	_ =	task.clear_ibuf [dreg:s7], $0x8FFFF;
	_ =	strace $0x90000046  }
0xb5: {  	s29 =	simm.s32 $0x9;
	_ =	strace $0x80000048  }
0xb6: {  	_ =	swait.ge [sflag:s29], $0x1  }
0xb7: {  	[sflag:s29] =	ssyncadd.s32 $0xFFFFFFFF  }
0xb8: {  	_ =	strace $0x90000048  }
0xb9: {  	_ =	sfence  }
0xba: {  	s30 =	sld [smem:$0x0];
	_ =	sdelay $0x2  }
0xbb: {  	s31 =	sshll.u32 s1, $0xD;
	s1 =	sshrl.u32 s1, $0x2  }
0xbc: {  	s3 =	sand.u32 $0x4000, s31;
	s1 =	sadd.s32 s1, s30  }
0xbd: {  	s0 =	sor.u32 s3, s0;
	s1 =	sshll.u32 s1, $0x11  }
0xbe: {  	s0 =	sor.u32 s1, s0  }
0xbf: {  	s0 =	sadd.s32 $0x8F2B, s0  }
0xc0: {  	[sflag:s0] =	ssyncadd.remote.s32 $0x1  }
0xc1: {  	_ =	sfence.sel $0xFFFF  }
0xc2: {  	[dreg:$0x0] =	wrdreg $0xFFFFFFFF;
	(pc) =	sbr.abs _section_cstart, $3  }
0xc3: {  	[dreg:$0x1] =	wrdreg $0xFFFFFFFF  }
0xc4: {  	_ =	task.clear_ibuf [dreg:s7], $0x2FFFF;
	_ =	strace $0x9FFFFFFF  }
0xc5: {  	(tm) =	ssettm $0x7FFFFFFF  }
tec
execute0_lowered:
.L_overlay_start_1:
0x0: {  	(tag) =	ssettag $0x1  }
0x1: {  	s7 =	rddreg [dreg:$0x0]  }
0x2: {  	s0 =	rddreg [dreg:$0x1]  }
0x3: {  	s8 =	rddreg [dreg:$0x2]  }
0x4: {  	s3 =	rddreg [dreg:$0x3]  }
0x5: {  	s12 =	rddreg [dreg:$0x4];
	s5 =	simm.s32 $0x0  }
0x6: {  	s13 =	stileid.u32;
	s20 =	srdreg.scid;
	s29 =	simm.s32 $0x7  }
0x7: {  	s28 =	simm.s32 $0x5;
	s30 =	simm.s32 $0x6;
	s31 =	simm.s32 $0x1E000  }
0x8: {  	[smem:$0x7FF] =	sst s5;
	s1 =	smul.u32 $0x1400, s13;
	s14 =	sadd.s32 $0xA7200, s0  }
0x9: {  	s2 =	sadd.s32 $0xA2200, s0;
	s18 =	smul.u32 $0x14000, s13;
	s4 =	sadd.s32 $0x52200, s0  }
0xa: {  	s11 =	smul.u32 $0x4E20, s13;
	_ =	strace $0x80000047;
	[dreg:$0x7] =	wrdreg s2  }
0xb: {  	s19 =	sadd.s32 $0x2A200, s0;
	s26 =	smul.u32 $0xA00, s13;
	[dreg:$0x8] =	wrdreg s4  }
0xc: {  	p1 =	sne.s32 s13, $0x0;
	[dreg:$0x9] =	wrdreg s19;
	s4 =	sand.u32 $0x1, s20  }
0xd: {  	v0 =	vlaneseq.u32;
	[dreg:$0x6] =	wrdreg s14;
	s6 =	sshrl.u32 s1, $0x3;
	s9 =	sshrl.u32 s18, $0x3  }
0xe: {  	v1 =	vmul.u32 $0x8, v0;
	s10 =	ssub.s32 $0x2, s4;
	p0 =	seq.s32 s4, $0x1;
	s2 =	sadd.s32 s18, s8  }
0xf: {  	s1 =	sadd.s32 s1, s3;
	s23 =	sshrl.u32 s11, $0x3;
	[dreg:$0xb] =	wrdreg s2  }
0x10: {  	s15 =	sadd.s32 $0xF0, s11;
	v13 =	vor.u32 $0x4, v1;
	s6 =	sadd.s32 s6, s0;
	[dreg:$0xc] =	wrdreg s1  }
0x11: {  	s9 =	sadd.s32 s9, s0;
	s0 =	sadd.s32 $0xDB800, s0;
	[tilespmem:$0x1FEA0] =	vst v13;
	v13 =	vor.u32 $0x5, v1;
	[dreg:$0x13] =	wrdreg s15  }
0x12: {  	s16 =	sshrl.u32 s26, $0x2;
	s24 =	sadd.s32 s7, s23;
	[dreg:$0xa] =	wrdreg s0;
	[tilespmem:$0x1FEB0] =	vst v13;
	v13 =	vor.u32 $0x6, v1  }
0x13: {  	s4 =	simm.s32 $0x4;
	s1 =	sadd.s32 s14, s23;
	[dreg:$0xe] =	wrdreg s24;
	[tilespmem:$0x1FEC0] =	vst v13;
	v13 =	vor.u32 $0x7, v1  }
0x14: {  	s25 =	sadd.s32 $0xA, s23;
	s22 =	sadd.s32 $0xA4A00, s6;
	[dreg:$0xf] =	wrdreg s1;
	[tilespmem:$0x1FED0] =	vst v13;
	v13 =	vor.u32 $0x84, v1  }
0x15: {  	s21 =	sshrl.u32 s10, $0x1;
	s7 =	sadd.s32 s7, s25;
	[dreg:$0xd] =	wrdreg s22;
	[tilespmem:$0x1FEE0] =	vst v13;
	v13 =	vor.u32 $0x85, v1  }
0x16: {  	s26 =	sshrl.u32 s15, $0x3;
	s8 =	sadd.s32 s14, s25;
	[dreg:$0x10] =	wrdreg s7;
	[tilespmem:$0x1FEF0] =	vst v13;
	v13 =	vor.u32 $0x86, v1  }
0x17: {  	s2 =	simm.s32 $0x1A680;
	s17 =	sadd.s32 $0xDE000, s6;
	[dreg:$0x11] =	wrdreg s8;
	[tilespmem:$0x1FF00] =	vst v13;
	v13 =	vor.u32 $0x87, v1  }
0x18: {  	s0 =	ssub.s32 s10, s21;
	s18 =	sadd.s32 $0xD9000, s6;
	[dreg:$0x14] =	wrdreg s17;
	[tilespmem:$0x1FF10] =	vst v13;
	v13 =	vor.u32 $0x104, v1  }
0x19: {  	s10 =	sadd.s32 $0xA0, s11;
	s1 =	sadd.s32 s16, s12;
	[dreg:$0x15] =	wrdreg s18;
	[tilespmem:$0x1FF20] =	vst v13;
	v13 =	vor.u32 $0x105, v1  }
0x1a: {  	s19 =	sadd.s32 $0x7A200, s9;
	s20 =	sadd.s32 $0xE0800, s9;
	[dreg:$0x16] =	wrdreg s1;
	[tilespmem:$0x1FF30] =	vst v13;
	v13 =	vor.u32 $0x106, v1  }
0x1b: {  	v3 =	vmul.u32 $0x80, v0;
	s21 =	sadd.s32 $0xB1000, s9;
	s24 =	smul.u32 $0x9C4, s13;
	[dreg:$0x17] =	wrdreg s19;
	[tilespmem:$0x1FF40] =	vst v13;
	v13 =	vor.u32 $0x107, v1  }
0x1c: {  	v4 =	vor.u32 $0xFFFFFFF8, v0;
	v5 =	vor.u32 $0x80, v1;
	s11 =	simm.s32 $0x1B580;
	s6 =	simm.s32 $0x1F400;
	[dreg:$0x18] =	wrdreg s20;
	[tilespmem:$0x1FF50] =	vst v13;
	v13 =	vor.u32 $0x184, v1  }
0x1d: {  	v6 =	vor.u32 $0x100, v1;
	v7 =	vor.u32 $0x180, v1;
	s12 =	simm.s32 $0x1F6D0;
	s13 =	simm.s32 $0x17E80;
	[dreg:$0x19] =	wrdreg s21;
	[tilespmem:$0x1FF60] =	vst v13;
	v13 =	vor.u32 $0x185, v1  }
0x1e: {  	v8 =	vor.u32 $0x200, v1;
	v9 =	vor.u32 $0x800, v3;
	s16 =	simm.s32 $0x3;
	s22 =	sadd.s32 $0x108800, s9;
	[dreg:$0x12] =	wrdreg s10;
	[tilespmem:$0x1FF70] =	vst v13;
	v13 =	vor.u32 $0x186, v1  }
0x1f: {  	v10 =	vor.u32 $0x1000, v3;
	v11 =	vor.u32 $0x1800, v3;
	s23 =	sshrl.u32 s10, $0x3;
	s0 =	smax.u32 s0, $0x1;
	s21 =	simm.s32 $0x1F770;
	[tilespmem:$0x1FF80] =	vst v13;
	v13 =	vor.u32 $0x187, v1  }
0x20: {  	v2 =	vimm.f32 $1.000000000e+00;
	v12 =	vor.u32 $0x2000, v3;
	s17 =	simm.s32 $0x15680;
	s18 =	simm.s32 $0x1B080;
	s1 =	simm.s32 $0x1B300;
	[tilespmem:$0x1FF90] =	vst v13;
	v13 =	vor.u32 $0x204, v1  }
0x21: {  	v36 =	vor.u32 $0x3, v1;
	v37 =	vor.u32 $0x81, v1;
	s19 =	simm.s32 $0x1AB80;
	s20 =	simm.s32 $0x1A900;
	s9 =	simm.s32 $0x1AE00;
	[tilespmem:$0x1FFA0] =	vst v13;
	v13 =	vor.u32 $0x205, v1  }
.Ltmp0:
0x22: {  	v38 =	vor.u32 $0x82, v1;
	v39 =	vor.u32 $0x83, v1;
	s8 =	simm.s32 $0x0;
	[dreg:$0x1a] =	wrdreg s22;
	[tilespmem:$0x1FFB0] =	vst v13;
	v13 =	vor.u32 $0x206, v1;
	(pc) =	sbr.rel .LBB2_1-.Ltmp0, $4  }
0x23: {  	v40 =	vor.u32 $0x101, v1;
	v41 =	vor.u32 $0x102, v1;
	[dreg:$0x1b] =	wrdreg s0;
	s25 =	sadd.s32 s14, s23;
	s0 =	sadd.s32 s14, s26;
	[tilespmem:$0x1FFC0] =	vst v13;
	v13 =	vor.u32 $0x207, v1  }
0x24: {  	v42 =	vor.u32 $0x103, v1;
	v43 =	vor.u32 $0x181, v1;
	s22 =	simm.s32 $0x1;
	s23 =	simm.s32 $0x50;
	[dreg:$0x1c] =	wrdreg s25;
	[tilespmem:$0x1FFD0] =	vst v13;
	v13 =	vor.u32 $0x1, v1  }
0x25: {  	v44 =	vor.u32 $0x182, v1;
	v45 =	vor.u32 $0x183, v1;
	s26 =	simm.s32 $0x1F810;
	[dreg:$0x1d] =	wrdreg s0;
	s0 =	sadd.s32 s24, s14;
	[tilespmem:$0x1FFE0] =	vst v13;
	v13 =	vor.u32 $0x2, v1  }
0x26: {  	v46 =	vor.u32 $0x201, v1;
	v47 =	vor.u32 $0x202, v1;
	v48 =	vor.u32 $0x203, v1;
	s14 =	simm.s32 $0x1F720;
	s24 =	simm.s32 $0x1F7C0;
	s25 =	simm.s32 $0x2;
	[tilespmem:$0x1FFF0] =	vst v13  }
.LBB2_22:
0x27: {  	s8 =	sadd.s32 $0x1, s8;
	s7 =	rddreg [dreg:$0x1b]  }
0x28: {  	p2 =	sne.s32 s8, s7  }
.Ltmp1:
0x29: {  	_ = 	snop;
	(pc) =	sbr.rel @!p2 .LBB2_23-.Ltmp1, $1  }
0x2a: {  	_ =	sdelay $0x3  }
.LBB2_1:
.Ltmp2:
0x2b: {  	(pc) =	sbr.rel @!p0 .LBB2_2-.Ltmp2, $4  }
0x2c: {  	s7 =	stileid.u32;
	s15 =	rddreg [dreg:$0xb]  }
0x2d: {  	[dreg:$0x1e] =	wrdreg s8;
	s10 =	sshll.u32 s7, $0x6;
	s8 =	sshrl.u32 s15, $0x3  }
0x2e: {  	s10 =	sor.u32 $0x1C07, s10;
	[smem:$0x7FD] =	sst s8  }
0x2f: {  	[dreg:$0x1f] =	wrdreg s10  }
0x30: {  	s7 =	rddreg [dreg:$0x19];
	s15 =	simm.s32 $0x0  }
0x31: {  	[spmem:s8], [sflag:s10] =	dma.local [hbm:s7], $0x2800  }
0x32: {  	v13 =	vmov s15;
	_ =	swait.ge [sflag:s29], $0x2800  }
0x33: {  	v13 =	vshll.u32 v13, $0x3;
	[sflag:s29] =	ssyncset.done $0x0;
	s8 =	rddreg [dreg:$0xc]  }
0x34: {  	v13 =	vor.u32 v1, v13;
	s15 =	rddreg [dreg:$0x15];
	[sflag:s29] =	ssyncadd.s32 $0xFFFFD800;
	s7 =	sshrl.u32 s8, $0x3  }
0x35: {  	v15 =	vor.u32 $0x1, v13;
	[spmem:s7], [sflag:s10] =	dma.local [hbm:s15], $0x280  }
0x36: {  	v18 =	vor.u32 $0x2, v13;
	_ =	swait.ge [sflag:s29], $0x280  }
0x37: {  	v16 =	vor.u32 $0x3, v13;
	[sflag:s29] =	ssyncset.done $0x0  }
0x38: {  	v17 =	vor.u32 $0x4, v13;
	[sflag:s29] =	ssyncadd.s32 $0xFFFFFD80  }
0x39: {  	v14 =	vor.u32 $0x6, v13;
	v19 =	vor.u32 $0x5, v13;
	s10 =	simm.s32 $0x10;
	[tilespmem:v13+s11+$0x0] =	vst.idx.msk $0xffff, v2  }
.LBB2_10:
0x3a: {  	v20 =	vmov s10;
	p2 =	sne.s32 s10, $0x40;
	s10 =	sadd.s32 $0x10, s10;
	[tilespmem:v15+s11+$0x0] =	vst.idx.msk $0xffff, v2  }
0x3b: {  	v15 =	vshll.u32 v20, $0x3;
	[tilespmem:v18+s11+$0x0] =	vst.idx.msk $0xffff, v2;
	v20 =	vor.u32 $0x7, v13  }
0x3c: {  	v13 =	vor.u32 v1, v15;
	[tilespmem:v16+s11+$0x0] =	vst.idx.msk $0xffff, v2  }
.Ltmp3:
0x3d: {  	v15 =	vor.u32 $0x1, v13;
	v21 =	vor.u32 $0x6, v13;
	[tilespmem:v17+s11+$0x0] =	vst.idx.msk $0xffff, v2;
	(pc) =	sbr.rel @p2 .LBB2_10-.Ltmp3, $4  }
0x3e: {  	v18 =	vor.u32 $0x2, v13;
	[tilespmem:v19+s11+$0x0] =	vst.idx.msk $0xffff, v2  }
0x3f: {  	v16 =	vor.u32 $0x3, v13;
	[tilespmem:v14+s11+$0x0] =	vst.idx.msk $0xffff, v2;
	v14 =	vmov v21  }
0x40: {  	v17 =	vor.u32 $0x4, v13;
	[tilespmem:v20+s11+$0x0] =	vst.idx.msk $0xffff, v2  }
0x41: {  	v19 =	vor.u32 $0x5, v13;
	[tilespmem:v13+s11+$0x0] =	vst.idx.msk $0xffff, v2  }
0x42: {  	_ =	sdelay $0x3  }
0x43: {  	[tilespmem:v15+s11+$0x0] =	vst.idx.msk $0xffff, v2  }
0x44: {  	v13 =	vor.u32 $0x7, v13;
	[tilespmem:v18+s11+$0x0] =	vst.idx.msk $0xffff, v2  }
0x45: {  	[tilespmem:v16+s11+$0x0] =	vst.idx.msk $0xffff, v2  }
0x46: {  	[tilespmem:v17+s11+$0x0] =	vst.idx.msk $0xffff, v2  }
0x47: {  	[tilespmem:v19+s11+$0x0] =	vst.idx.msk $0xffff, v2  }
0x48: {  	[tilespmem:v14+s11+$0x0] =	vst.idx.msk $0xffff, v2  }
0x49: {  	[tilespmem:v13+s11+$0x0] =	vst.idx.msk $0xffff, v2  }
0x4a: {  	[bflag:$0x0] =	sbarrier.arrive $0xFFFF  }
0x4b: {  	s7 =	rddreg [dreg:$0xf]  }
0x4c: {  	[tilespmem:s14], [sflag:$0x1] =	stream.linear.gather [hbm4b:s7+s5], $0x50, $0x38;
	[tilespmem:$0x1F860] =	vst v63  }
0x4d: {  	s10 =	rddreg [dreg:$0x11]  }
0x4e: {  	[tilespmem:s21], [sflag:$0x2] =	stream.linear.gather [hbm4b:s10+s5], $0x50, $0x38;
	[tilespmem:$0x1F860] =	vst v63  }
0x4f: {  	_ =	swait.ge [sflag:s22], $0x50  }
0x50: {  	[sflag:s22] =	ssyncset.done $0x0  }
0x51: {  	[sflag:s22] =	ssyncadd.s32 $0xFFFFFFB0  }
0x52: {  	v13 =	vld [tilespmem:$0x1F720]  }
0x53: {  	v14 =	vld [tilespmem:$0x1F730]  }
0x54: {  	v15 =	vld [tilespmem:$0x1F740]  }
0x55: {  	v16 =	vld [tilespmem:$0x1F750]  }
0x56: {  	v17 =	vld [tilespmem:$0x1F760]  }
0x57: {  	[tilespmem:$0x1F7C0] =	vst v13  }
0x58: {  	[tilespmem:$0x1F7D0] =	vst v14  }
0x59: {  	[tilespmem:$0x1F7E0] =	vst v15  }
0x5a: {  	[tilespmem:$0x1F7F0] =	vst v16  }
0x5b: {  	s15 =	rddreg [dreg:$0x1c];
	[tilespmem:$0x1F800] =	vst v17  }
0x5c: {  	[tilespmem:s14], [sflag:$0x1] =	stream.linear.gather [hbm4b:s15+s5], $0x50, $0x38;
	[tilespmem:$0x1F860] =	vst v63  }
0x5d: {  	_ = 	snop  }
0x5e: {  	[spmem:s3] =	stream.indirect.scatter.add.f32 [tilespmem:s11], [sflag:$0x5], $0x8, s24, s23, $0xb8;
	[tilespmem:$0x1F860] =	vst v63  }
0x5f: {  	_ =	swait.ge [sflag:s25], $0x50  }
0x60: {  	[sflag:s25] =	ssyncset.done $0x0  }
0x61: {  	[sflag:s25] =	ssyncadd.s32 $0xFFFFFFB0  }
0x62: {  	v13 =	vld [tilespmem:$0x1F770]  }
0x63: {  	v14 =	vld [tilespmem:$0x1F780]  }
0x64: {  	v15 =	vld [tilespmem:$0x1F790]  }
0x65: {  	v16 =	vld [tilespmem:$0x1F7A0]  }
0x66: {  	v17 =	vld [tilespmem:$0x1F7B0]  }
0x67: {  	[tilespmem:$0x1F810] =	vst v13  }
0x68: {  	[tilespmem:$0x1F820] =	vst v14  }
0x69: {  	[tilespmem:$0x1F830] =	vst v15  }
0x6a: {  	[tilespmem:$0x1F840] =	vst v16  }
0x6b: {  	s8 =	rddreg [dreg:$0x1d];
	[tilespmem:$0x1F850] =	vst v17  }
0x6c: {  	[tilespmem:s21], [sflag:$0x2] =	stream.linear.gather [hbm4b:s8+s5], $0x50, $0x38;
	[tilespmem:$0x1F860] =	vst v63  }
0x6d: {  	_ = 	snop  }
0x6e: {  	[spmem:s3] =	stream.indirect.scatter.add.f32 [tilespmem:s11], [sflag:$0x6], $0x8, s26, s23, $0xb8;
	[tilespmem:$0x1F860] =	vst v63  }
0x6f: {  	_ =	swait.ge [sflag:s22], $0x50  }
0x70: {  	[sflag:s22] =	ssyncset.done $0x0  }
0x71: {  	[sflag:s22] =	ssyncadd.s32 $0xFFFFFFB0  }
0x72: {  	_ =	swait.ge [sflag:s28], $0x280  }
0x73: {  	[sflag:s28] =	ssyncset.done $0x0  }
0x74: {  	[sflag:s28] =	ssyncadd.s32 $0xFFFFFD80  }
0x75: {  	v13 =	vld [tilespmem:$0x1F760]  }
0x76: {  	v14 =	vld [tilespmem:$0x1F750]  }
0x77: {  	v15 =	vld [tilespmem:$0x1F720]  }
0x78: {  	v16 =	vld [tilespmem:$0x1F740]  }
0x79: {  	v17 =	vld [tilespmem:$0x1F730]  }
0x7a: {  	[tilespmem:$0x1F800] =	vst v13  }
0x7b: {  	[tilespmem:$0x1F7F0] =	vst v14  }
0x7c: {  	[tilespmem:$0x1F7C0] =	vst v15  }
0x7d: {  	s15 =	sadd.s32 $0xFFFFF650, s0;
	[tilespmem:$0x1F7E0] =	vst v16  }
0x7e: {  	s10 =	sadd.s32 $0x9D8, s15;
	[tilespmem:$0x1F7D0] =	vst v17  }
0x7f: {  	[tilespmem:s14], [sflag:$0x1] =	stream.linear.gather [hbm4b:s10+s5], $0x50, $0x38;
	[tilespmem:$0x1F860] =	vst v63  }
0x80: {  	_ = 	snop  }
0x81: {  	[spmem:s3] =	stream.indirect.scatter.add.f32 [tilespmem:s11], [sflag:$0x5], $0x8, s24, s23, $0xb8;
	[tilespmem:$0x1F860] =	vst v63  }
0x82: {  	_ =	swait.ge [sflag:s25], $0x50  }
0x83: {  	[sflag:s25] =	ssyncset.done $0x0  }
0x84: {  	[sflag:s25] =	ssyncadd.s32 $0xFFFFFFB0  }
0x85: {  	_ =	swait.ge [sflag:s30], $0x280  }
0x86: {  	[sflag:s30] =	ssyncset.done $0x0  }
0x87: {  	[sflag:s30] =	ssyncadd.s32 $0xFFFFFD80  }
0x88: {  	v13 =	vld [tilespmem:$0x1F770]  }
0x89: {  	v14 =	vld [tilespmem:$0x1F7B0]  }
0x8a: {  	v15 =	vld [tilespmem:$0x1F780]  }
0x8b: {  	s10 =	simm.s32 $0xFFFFF664;
	v16 =	vld [tilespmem:$0x1F7A0]  }
.LBB2_12:
0x8c: {  	p2 =	sne.s32 s10, $0xFFFFFFEC;
	v17 =	vld [tilespmem:$0x1F790];
	s7 =	smov.u32 s10;
	s10 =	sadd.s32 $0x14, s10  }
0x8d: {  	[tilespmem:$0x1F810] =	vst v13  }
0x8e: {  	[tilespmem:$0x1F850] =	vst v14  }
0x8f: {  	[tilespmem:$0x1F820] =	vst v15  }
0x90: {  	s8 =	sadd.s32 $0x9E2, s15;
	[tilespmem:$0x1F840] =	vst v16  }
0x91: {  	[tilespmem:$0x1F830] =	vst v17  }
0x92: {  	[tilespmem:s21], [sflag:$0x2] =	stream.linear.gather [hbm4b:s8+s5], $0x50, $0x38;
	[tilespmem:$0x1F860] =	vst v63  }
0x93: {  	_ = 	snop  }
0x94: {  	[spmem:s3] =	stream.indirect.scatter.add.f32 [tilespmem:s11], [sflag:$0x6], $0x8, s26, s23, $0xb8;
	[tilespmem:$0x1F860] =	vst v63  }
0x95: {  	_ =	swait.ge [sflag:s22], $0x50  }
0x96: {  	[sflag:s22] =	ssyncset.done $0x0  }
0x97: {  	[sflag:s22] =	ssyncadd.s32 $0xFFFFFFB0  }
0x98: {  	_ =	swait.ge [sflag:s28], $0x280  }
0x99: {  	[sflag:s28] =	ssyncset.done $0x0  }
0x9a: {  	[sflag:s28] =	ssyncadd.s32 $0xFFFFFD80  }
0x9b: {  	v13 =	vld [tilespmem:$0x1F760]  }
0x9c: {  	v14 =	vld [tilespmem:$0x1F750]  }
0x9d: {  	v15 =	vld [tilespmem:$0x1F720]  }
0x9e: {  	v16 =	vld [tilespmem:$0x1F740]  }
0x9f: {  	v17 =	vld [tilespmem:$0x1F730]  }
0xa0: {  	[tilespmem:$0x1F800] =	vst v13  }
0xa1: {  	[tilespmem:$0x1F7F0] =	vst v14  }
0xa2: {  	[tilespmem:$0x1F7C0] =	vst v15  }
0xa3: {  	s15 =	sadd.s32 s7, s0;
	[tilespmem:$0x1F7E0] =	vst v16  }
0xa4: {  	s7 =	sadd.s32 $0x9D8, s15;
	[tilespmem:$0x1F7D0] =	vst v17  }
0xa5: {  	[tilespmem:s14], [sflag:$0x1] =	stream.linear.gather [hbm4b:s7+s5], $0x50, $0x38;
	[tilespmem:$0x1F860] =	vst v63  }
0xa6: {  	_ = 	snop  }
0xa7: {  	[spmem:s3] =	stream.indirect.scatter.add.f32 [tilespmem:s11], [sflag:$0x5], $0x8, s24, s23, $0xb8;
	[tilespmem:$0x1F860] =	vst v63  }
0xa8: {  	_ =	swait.ge [sflag:s25], $0x50  }
0xa9: {  	[sflag:s25] =	ssyncset.done $0x0  }
0xaa: {  	[sflag:s25] =	ssyncadd.s32 $0xFFFFFFB0  }
0xab: {  	_ =	swait.ge [sflag:s30], $0x280  }
0xac: {  	[sflag:s30] =	ssyncset.done $0x0  }
.Ltmp4:
0xad: {  	[sflag:s30] =	ssyncadd.s32 $0xFFFFFD80;
	(pc) =	sbr.rel @p2 .LBB2_12-.Ltmp4, $4  }
0xae: {  	v13 =	vld [tilespmem:$0x1F770]  }
0xaf: {  	v14 =	vld [tilespmem:$0x1F7B0]  }
0xb0: {  	v15 =	vld [tilespmem:$0x1F780]  }
0xb1: {  	v16 =	vld [tilespmem:$0x1F7A0]  }
0xb2: {  	v17 =	vld [tilespmem:$0x1F790]  }
0xb3: {  	[tilespmem:$0x1F810] =	vst v13  }
0xb4: {  	[tilespmem:$0x1F850] =	vst v14  }
0xb5: {  	[tilespmem:$0x1F820] =	vst v15  }
0xb6: {  	[tilespmem:$0x1F840] =	vst v16  }
0xb7: {  	s7 =	sadd.s32 $0x9E2, s15;
	[tilespmem:$0x1F830] =	vst v17  }
0xb8: {  	[tilespmem:s21], [sflag:$0x2] =	stream.linear.gather [hbm4b:s7+s5], $0x50, $0x38;
	[tilespmem:$0x1F860] =	vst v63  }
0xb9: {  	_ = 	snop  }
0xba: {  	[spmem:s3] =	stream.indirect.scatter.add.f32 [tilespmem:s11], [sflag:$0x6], $0x8, s26, s23, $0xb8;
	[tilespmem:$0x1F860] =	vst v63  }
0xbb: {  	_ =	swait.ge [sflag:s22], $0x50  }
0xbc: {  	[sflag:s22] =	ssyncset.done $0x0  }
0xbd: {  	[sflag:s22] =	ssyncadd.s32 $0xFFFFFFB0  }
0xbe: {  	_ =	swait.ge [sflag:s28], $0x280  }
0xbf: {  	[sflag:s28] =	ssyncset.done $0x0  }
0xc0: {  	[sflag:s28] =	ssyncadd.s32 $0xFFFFFD80  }
0xc1: {  	_ =	swait.ge [sflag:s25], $0x50  }
0xc2: {  	[sflag:s25] =	ssyncset.done $0x0  }
0xc3: {  	[sflag:s25] =	ssyncadd.s32 $0xFFFFFFB0  }
0xc4: {  	_ =	swait.ge [sflag:s30], $0x280  }
0xc5: {  	[sflag:s30] =	ssyncset.done $0x0  }
0xc6: {  	[sflag:s30] =	ssyncadd.s32 $0xFFFFFD80  }
0xc7: {  	[bflag:$0x0] =	sbarrier.arrive $0xFFFF  }
0xc8: {  	s8 =	rddreg [dreg:$0xa]  }
0xc9: {  	s7 =	sshrl.u32 @!p1 s3, $0x3;
	s10 =	rddreg [dreg:$0x1f]  }
0xca: {  	[hbm:s8], [sflag:s10] =	dma.local @!p1 [spmem:s7], $0x2800  }
0xcb: {  	s7 =	simm.s32 @!p1 $0x7  }
0xcc: {  	s15 =	simm.s32 $0x0;
	_ =	swait.ge @!p1 [sflag:s7], $0x2800  }
0xcd: {  	v15 =	vor.u32 s15, v0;
	[sflag:s7] =	ssyncset.done @!p1 $0x0  }
0xce: {  	v13 =	vshll.u32 v15, $0x3;
	s10 =	rddreg [dreg:$0xc];
	[sflag:s7] =	ssyncadd.s32 @!p1 $0xFFFFD800  }
0xcf: {  	[tilespmem:s31], [sflag:$0x7] =	stream.linear.gather [spmem:s10], $0x1400, $0x38;
	[tilespmem:$0x1F860] =	vst v63  }
0xd0: {  	_ =	swait.ge [sflag:s29], $0x1400  }
0xd1: {  	[sflag:s29] =	ssyncset.done $0x0  }
0xd2: {  	[sflag:s29] =	ssyncadd.s32 $0xFFFFEC00  }
0xd3: {  	v13 =	vld.idx.msk [tilespmem:v13+s31+$0x0], $0xffff;
	_ =	sdelay $0x4  }
0xd4: {  	v13 =	vadd.f32 $1.000000000e+00, v13;
	_ =	sdelay $0x1  }
0xd5: {  	v14 =	vshra.s32 v13, $0x1  }
0xd6: {  	v14 =	vsub.s32 $0x5F3759DF, v14  }
0xd7: {  	v13 =	vmul.f32 $5.000000000e-01, v13;
	v16 =	vmul.f32 v14, v14;
	_ =	sdelay $0x1  }
0xd8: {  	v16 =	vmul.f32 v16, v13;
	_ =	sdelay $0x1  }
0xd9: {  	v16 =	vsub.f32 $1.500000000e+00, v16;
	_ =	sdelay $0x1  }
0xda: {  	v14 =	vmul.f32 v14, v16;
	_ =	sdelay $0x1  }
0xdb: {  	v16 =	vmul.f32 v14, v14;
	_ =	sdelay $0x1  }
0xdc: {  	v16 =	vmul.f32 v16, v13;
	_ =	sdelay $0x1  }
0xdd: {  	v16 =	vsub.f32 $1.500000000e+00, v16;
	_ =	sdelay $0x1  }
0xde: {  	v14 =	vmul.f32 v16, v14;
	_ =	sdelay $0x1  }
0xdf: {  	v16 =	vmul.f32 v14, v14;
	_ =	sdelay $0x1  }
0xe0: {  	s15 =	simm.s32 $0x10;
	v16 =	vmul.f32 v16, v13  }
0xe1: {  	v15 =	vand.u32 v4, v15;
	s10 =	simm.s32 $0x20;
	v13 =	vor.u32 s15, v0  }
.LBB2_14:
0xe2: {  	p2 =	sne.s32 s10, $0x270;
	v17 =	vshll.u32 v13, $0x3;
	v16 =	vsub.f32 $1.500000000e+00, v16;
	_ =	sdelay $0x1  }
0xe3: {  	v14 =	vmul.f32 v16, v14;
	_ =	sdelay $0x1  }
0xe4: {  	[tilespmem:v15+s6+$0x0] =	vst.idx.msk $0xffff, v14  }
0xe5: {  	v14 =	vld.idx.msk [tilespmem:v17+s31+$0x0], $0xffff;
	_ =	sdelay $0x5  }
0xe6: {  	v14 =	vadd.f32 $1.000000000e+00, v14;
	_ =	sdelay $0x1  }
0xe7: {  	v15 =	vshra.s32 v14, $0x1  }
0xe8: {  	v15 =	vsub.s32 $0x5F3759DF, v15  }
0xe9: {  	v16 =	vmul.f32 $5.000000000e-01, v14;
	v14 =	vmul.f32 v15, v15;
	_ =	sdelay $0x1  }
0xea: {  	v14 =	vmul.f32 v14, v16;
	_ =	sdelay $0x1  }
0xeb: {  	v14 =	vsub.f32 $1.500000000e+00, v14;
	_ =	sdelay $0x1  }
0xec: {  	v14 =	vmul.f32 v15, v14;
	_ =	sdelay $0x1  }
0xed: {  	v15 =	vmul.f32 v14, v14;
	_ =	sdelay $0x1  }
0xee: {  	v15 =	vmul.f32 v15, v16;
	_ =	sdelay $0x1  }
0xef: {  	v15 =	vsub.f32 $1.500000000e+00, v15;
	_ =	sdelay $0x1  }
0xf0: {  	v14 =	vmul.f32 v15, v14  }
.Ltmp5:
0xf1: {  	(pc) =	sbr.rel @p2 .LBB2_14-.Ltmp5, $3  }
0xf2: {  	v15 =	vmul.f32 v14, v14;
	_ =	sdelay $0x1  }
0xf3: {  	v16 =	vmul.f32 v15, v16  }
0xf4: {  	v15 =	vand.u32 v4, v13;
	v13 =	vor.u32 s10, v0;
	s10 =	sadd.s32 $0x10, s10  }
0xf5: {  	v17 =	vshll.u32 v13, $0x3;
	v16 =	vsub.f32 $1.500000000e+00, v16;
	_ =	sdelay $0x1  }
0xf6: {  	v14 =	vmul.f32 v16, v14;
	_ =	sdelay $0x1  }
0xf7: {  	[tilespmem:v15+s6+$0x0] =	vst.idx.msk $0xffff, v14  }
0xf8: {  	v14 =	vld.idx.msk [tilespmem:v17+s31+$0x0], $0xffff;
	_ =	sdelay $0x4  }
0xf9: {  	v14 =	vadd.f32 $1.000000000e+00, v14;
	_ =	sdelay $0x1  }
0xfa: {  	v15 =	vshra.s32 v14, $0x1  }
0xfb: {  	v15 =	vsub.s32 $0x5F3759DF, v15  }
0xfc: {  	v14 =	vmul.f32 $5.000000000e-01, v14;
	v63 =	vmul.f32 v15, v15;
	_ =	sdelay $0x1  }
0xfd: {  	v16 =	vmul.f32 v63, v14;
	_ =	sdelay $0x1  }
0xfe: {  	v16 =	vsub.f32 $1.500000000e+00, v16;
	_ =	sdelay $0x1  }
0xff: {  	v15 =	vmul.f32 v15, v16;
	_ =	sdelay $0x1  }
0x100: {  	v16 =	vmul.f32 v15, v15;
	_ =	sdelay $0x1  }
0x101: {  	v16 =	vmul.f32 v16, v14;
	_ =	sdelay $0x1  }
0x102: {  	v16 =	vsub.f32 $1.500000000e+00, v16;
	_ =	sdelay $0x1  }
0x103: {  	v15 =	vmul.f32 v16, v15;
	_ =	sdelay $0x1  }
0x104: {  	v16 =	vmul.f32 v15, v15;
	_ =	sdelay $0x1  }
0x105: {  	v14 =	vmul.f32 v16, v14  }
0x106: {  	v13 =	vand.u32 v4, v13  }
0x107: {  	v14 =	vsub.f32 $1.500000000e+00, v14;
	_ =	sdelay $0x1  }
0x108: {  	v14 =	vmul.f32 v14, v15;
	_ =	sdelay $0x1  }
0x109: {  	s7 =	rddreg [dreg:$0x16];
	[tilespmem:v13+s6+$0x0] =	vst.idx.msk $0xffff, v14  }
0x10a: {  	[spmem:s7] =	stream.linear.scatter [tilespmem:s6], [sflag:$0x7], $0x280, $0x38;
	[tilespmem:$0x1F860] =	vst v63  }
0x10b: {  	_ =	swait.ge [sflag:s29], $0x280  }
0x10c: {  	[sflag:s29] =	ssyncset.done $0x0  }
0x10d: {  	[sflag:s29] =	ssyncadd.s32 $0xFFFFFD80  }
0x10e: {  	[bflag:$0x0] =	sbarrier.arrive $0xFFFF  }
0x10f: {  	s8 =	simm.s32 $0x1B800;
	s10 =	rddreg [dreg:$0x4]  }
0x110: {  	[tilespmem:s8], [sflag:$0x7] =	stream.linear.gather [spmem:s10], $0x2800, $0x38;
	[tilespmem:$0x1F860] =	vst v63  }
0x111: {  	_ =	swait.ge [sflag:s29], $0x2800  }
0x112: {  	s10 =	simm.s32 $0x0;
	[sflag:s29] =	ssyncset.done $0x0  }
0x113: {  	s8 =	simm.s32 $0x1F680;
	s15 =	rddreg [dreg:$0xe];
	[sflag:s29] =	ssyncadd.s32 $0xFFFFD800  }
0x114: {  	[tilespmem:s8], [sflag:$0x1] =	stream.linear.gather [hbm4b:s15+s10], $0x50, $0x38;
	[tilespmem:$0x1F860] =	vst v63  }
0x115: {  	s15 =	rddreg [dreg:$0xf]  }
0x116: {  	[tilespmem:s14], [sflag:$0x1] =	stream.linear.gather [hbm4b:s15+s10], $0x50, $0x38;
	[tilespmem:$0x1F860] =	vst v63  }
0x117: {  	_ =	swait.ge [sflag:s22], $0x50  }
0x118: {  	[sflag:s22] =	ssyncset.done $0x0  }
0x119: {  	[sflag:s22] =	ssyncadd.s32 $0xFFFFFFB0  }
0x11a: {  	_ =	swait.ge [sflag:s22], $0x50  }
0x11b: {  	[sflag:s22] =	ssyncset.done $0x0  }
0x11c: {  	s15 =	rddreg [dreg:$0x9];
	[sflag:s22] =	ssyncadd.s32 $0xFFFFFFB0  }
0x11d: {  	[tilespmem:s17], [sflag:$0x3] =	stream.indirect.gather [hbm4b:s15+s23], $0x80, s8, s23, $0xb8;
	[tilespmem:$0x1F860] =	vst v63  }
0x11e: {  	s8 =	rddreg [dreg:$0x10]  }
0x11f: {  	[tilespmem:s12], [sflag:$0x2] =	stream.linear.gather [hbm4b:s8+s10], $0x50, $0x38;
	[tilespmem:$0x1F860] =	vst v63  }
0x120: {  	s29 =	simm.s32 $0x0;
	s15 =	rddreg [dreg:$0x11]  }
0x121: {  	[tilespmem:s21], [sflag:$0x2] =	stream.linear.gather [hbm4b:s15+s10], $0x50, $0x38;
	[tilespmem:$0x1F860] =	vst v63  }
.LBB2_16:
0x122: {  	p2 =	seq.s32 s29, $0x0  }
0x123: {  	s7 =	simm.s32 @!p2 $0x6  }
0x124: {  	_ =	swait.ge @!p2 [sflag:s7], $0x2800  }
0x125: {  	[sflag:s7] =	ssyncset.done @!p2 $0x0  }
0x126: {  	[sflag:s7] =	ssyncadd.s32 @!p2 $0xFFFFD800  }
0x127: {  	_ =	swait.ge [sflag:s25], $0x50  }
0x128: {  	[sflag:s25] =	ssyncset.done $0x0  }
0x129: {  	[sflag:s25] =	ssyncadd.s32 $0xFFFFFFB0  }
0x12a: {  	_ =	swait.ge [sflag:s25], $0x50  }
0x12b: {  	[sflag:s25] =	ssyncset.done $0x0  }
0x12c: {  	s10 =	rddreg [dreg:$0x9];
	[sflag:s25] =	ssyncadd.s32 $0xFFFFFFB0  }
0x12d: {  	[tilespmem:s13], [sflag:$0x4] =	stream.indirect.gather [hbm4b:s10+s23], $0x80, s12, s23, $0xb8;
	[tilespmem:$0x1F860] =	vst v63  }
0x12e: {  	_ =	swait.ge [sflag:s16], $0x2800  }
0x12f: {  	[sflag:s16] =	ssyncset.done $0x0  }
0x130: {  	[sflag:s16] =	ssyncadd.s32 $0xFFFFD800  }
0x131: {  	v13 =	vld [tilespmem:$0x1F720]  }
0x132: {  	v14 =	vld [tilespmem:$0x1F730]  }
0x133: {  	v15 =	vld [tilespmem:$0x1F740]  }
0x134: {  	v16 =	vld [tilespmem:$0x1F680]  }
0x135: {  	v17 =	vld [tilespmem:$0x1F750]  }
0x136: {  	v18 =	vld [tilespmem:$0x1F760]  }
0x137: {  	[tilespmem:$0x1F7C0] =	vst v13  }
0x138: {  	[tilespmem:$0x1F7D0] =	vst v14  }
0x139: {  	[tilespmem:$0x1F7E0] =	vst v15  }
0x13a: {  	[tilespmem:$0x1F7F0] =	vst v17  }
0x13b: {  	s12 =	simm.s32 $0x1B800;
	[tilespmem:$0x1F800] =	vst v18  }
0x13c: {  	v13 =	vld.idx.msk [tilespmem:v16+s12+$0x0], $0xffff;
	_ =	sdelay $0x4  }
0x13d: {  	[tilespmem:v1+s18+$0x0] =	vst.idx.msk $0xffff, v13  }
0x13e: {  	v13 =	vld [tilespmem:$0x1F690];
	_ =	sdelay $0x7  }
0x13f: {  	v13 =	vld.idx.msk [tilespmem:v13+s12+$0x0], $0xffff;
	_ =	sdelay $0x4  }
0x140: {  	[tilespmem:v5+s18+$0x0] =	vst.idx.msk $0xffff, v13  }
0x141: {  	v13 =	vld [tilespmem:$0x1F6A0];
	_ =	sdelay $0x7  }
0x142: {  	v13 =	vld.idx.msk [tilespmem:v13+s12+$0x0], $0xffff;
	_ =	sdelay $0x4  }
0x143: {  	[tilespmem:v6+s18+$0x0] =	vst.idx.msk $0xffff, v13  }
0x144: {  	v13 =	vld [tilespmem:$0x1F6B0];
	_ =	sdelay $0x7  }
0x145: {  	v13 =	vld.idx.msk [tilespmem:v13+s12+$0x0], $0xffff;
	_ =	sdelay $0x4  }
0x146: {  	[tilespmem:v7+s18+$0x0] =	vst.idx.msk $0xffff, v13  }
0x147: {  	v13 =	vld [tilespmem:$0x1F6C0];
	_ =	sdelay $0x4  }
0x148: {  	s8 =	simm.s32 $0x0  }
0x149: {  	v14 =	vmov s8  }
0x14a: {  	v14 =	vand.u32 $0x7F, v14  }
0x14b: {  	v14 =	vbroadcast v14, $0x0;
	v13 =	vld.idx.msk [tilespmem:v13+s12+$0x0], $0xffff;
	_ =	sdelay $0x1  }
0x14c: {  	v15 =	vor.u32 v3, v14;
	_ =	sdelay $0x1  }
0x14d: {  	s15 =	simm.s32 $0x1  }
0x14e: {  	[tilespmem:v8+s18+$0x0] =	vst.idx.msk $0xffff, v13;
	v13 =	vmov s15  }
0x14f: {  	v16 =	vld.idx.msk [tilespmem:v1+s18+$0x0], $0xffff;
	v13 =	vand.u32 $0x7F, v13  }
0x150: {  	v17 =	vld.idx.msk [tilespmem:v15+s17+$0x0], $0xffff;
	v50 =	vbroadcast v13, $0x0;
	_ =	sdelay $0x1  }
0x151: {  	v13 =	vor.u32 v3, v50;
	_ =	sdelay $0x1  }
0x152: {  	s8 =	simm.s32 $0x2;
	v18 =	vor.u32 v9, v14  }
0x153: {  	v16 =	vmul.f32 v17, v16;
	v17 =	vmov s8  }
0x154: {  	v19 =	vld.idx.msk [tilespmem:v1+s18+$0x0], $0xffff;
	v17 =	vand.u32 $0x7F, v17  }
0x155: {  	[tilespmem:v15+s17+$0x0] =	vst.idx.msk $0xffff, v16;
	v49 =	vbroadcast v17, $0x0;
	v15 =	vld.idx.msk [tilespmem:v13+s17+$0x0], $0xffff  }
0x156: {  	v16 =	vld.idx.msk [tilespmem:v5+s18+$0x0], $0xffff  }
0x157: {  	v17 =	vld.idx.msk [tilespmem:v18+s17+$0x0], $0xffff;
	v20 =	vor.u32 v3, v49;
	_ =	sdelay $0x1  }
0x158: {  	v21 =	vor.u32 v9, v50  }
0x159: {  	s10 =	simm.s32 $0x3;
	v15 =	vmul.f32 v15, v19  }
0x15a: {  	v23 =	vor.u32 v10, v14;
	v22 =	vld.idx.msk [tilespmem:v1+s18+$0x0], $0xffff;
	v19 =	vmov s10  }
0x15b: {  	v16 =	vmul.f32 v17, v16;
	v19 =	vand.u32 $0x7F, v19;
	[tilespmem:v13+s17+$0x0] =	vst.idx.msk $0xffff, v15;
	v13 =	vld.idx.msk [tilespmem:v20+s17+$0x0], $0xffff  }
0x15c: {  	v51 =	vbroadcast v19, $0x0;
	v15 =	vld.idx.msk [tilespmem:v5+s18+$0x0], $0xffff  }
0x15d: {  	[tilespmem:v18+s17+$0x0] =	vst.idx.msk $0xffff, v16;
	v17 =	vld.idx.msk [tilespmem:v21+s17+$0x0], $0xffff  }
0x15e: {  	v18 =	vld.idx.msk [tilespmem:v6+s18+$0x0], $0xffff;
	v16 =	vor.u32 v3, v51  }
0x15f: {  	v19 =	vld.idx.msk [tilespmem:v23+s17+$0x0], $0xffff;
	_ =	sdelay $0x1  }
0x160: {  	v25 =	vor.u32 v10, v50;
	v13 =	vmul.f32 v13, v22  }
0x161: {  	v24 =	vor.u32 v9, v49;
	v22 =	vld.idx.msk [tilespmem:v1+s18+$0x0], $0xffff;
	v15 =	vmul.f32 v17, v15  }
0x162: {  	s12 =	simm.s32 $0x4;
	[tilespmem:v20+s17+$0x0] =	vst.idx.msk $0xffff, v13;
	v17 =	vld.idx.msk [tilespmem:v16+s17+$0x0], $0xffff  }
0x163: {  	v18 =	vmul.f32 v19, v18;
	v13 =	vmov s12;
	v26 =	vld.idx.msk [tilespmem:v5+s18+$0x0], $0xffff;
	[tilespmem:v21+s17+$0x0] =	vst.idx.msk $0xffff, v15  }
0x164: {  	v13 =	vand.u32 $0x7F, v13;
	v15 =	vld.idx.msk [tilespmem:v6+s18+$0x0], $0xffff  }
0x165: {  	v20 =	vor.u32 v11, v14;
	[tilespmem:v23+s17+$0x0] =	vst.idx.msk $0xffff, v18;
	v52 =	vbroadcast v13, $0x0;
	v18 =	vld.idx.msk [tilespmem:v25+s17+$0x0], $0xffff  }
0x166: {  	v19 =	vld.idx.msk [tilespmem:v24+s17+$0x0], $0xffff  }
0x167: {  	v27 =	vld.idx.msk [tilespmem:v1+s18+$0x0], $0xffff;
	v21 =	vor.u32 v3, v52  }
0x168: {  	v62 =	vld.idx.msk [tilespmem:v1+s18+$0x0], $0xffff;
	v13 =	vmul.f32 v17, v22;
	v17 =	vor.u32 v9, v51  }
0x169: {  	v23 =	vld.idx.msk [tilespmem:v7+s18+$0x0], $0xffff  }
0x16a: {  	v22 =	vld.idx.msk [tilespmem:v20+s17+$0x0], $0xffff;
	[tilespmem:v16+s17+$0x0] =	vst.idx.msk $0xffff, v13;
	v15 =	vmul.f32 v18, v15  }
0x16b: {  	s15 =	simm.s32 $0x5;
	v59 =	vor.u32 v10, v49;
	v16 =	vmul.f32 v19, v26;
	v35 =	vld.idx.msk [tilespmem:v5+s18+$0x0], $0xffff  }
0x16c: {  	v13 =	vor.u32 v11, v50;
	v28 =	vld.idx.msk [tilespmem:v21+s17+$0x0], $0xffff;
	[tilespmem:v25+s17+$0x0] =	vst.idx.msk $0xffff, v15;
	v15 =	vmov s15  }
0x16d: {  	v53 =	vor.u32 v12, v14;
	[tilespmem:v24+s17+$0x0] =	vst.idx.msk $0xffff, v16;
	v29 =	vld.idx.msk [tilespmem:v17+s17+$0x0], $0xffff;
	v15 =	vand.u32 $0x7F, v15  }
0x16e: {  	v16 =	vld.idx.msk [tilespmem:v6+s18+$0x0], $0xffff;
	v54 =	vbroadcast v15, $0x0  }
0x16f: {  	v60 =	vld.idx.msk [tilespmem:v7+s18+$0x0], $0xffff;
	v14 =	vmul.f32 v22, v23  }
0x170: {  	v19 =	vld.idx.msk [tilespmem:v59+s17+$0x0], $0xffff;
	v23 =	vor.u32 v3, v54  }
0x171: {  	v61 =	vor.u32 v9, v52;
	v18 =	vld.idx.msk [tilespmem:v13+s17+$0x0], $0xffff;
	[tilespmem:v20+s17+$0x0] =	vst.idx.msk $0xffff, v14;
	v20 =	vmul.f32 v28, v27  }
0x172: {  	v57 =	vor.u32 v11, v49;
	v56 =	vor.u32 v11, v51;
	v14 =	vld.idx.msk [tilespmem:v53+s17+$0x0], $0xffff  }
0x173: {  	v55 =	vor.u32 v11, v52;
	v15 =	vld.idx.msk [tilespmem:v8+s18+$0x0], $0xffff;
	v58 =	vor.u32 v11, v54;
	[tilespmem:v21+s17+$0x0] =	vst.idx.msk $0xffff, v20  }
0x174: {  	s10 =	simm.s32 $0x6;
	v63 =	vmul.f32 v29, v35;
	v20 =	vor.u32 v10, v51;
	v21 =	vmov v23;
	v22 =	vld.idx.msk [tilespmem:v5+s18+$0x0], $0xffff  }
.LBB2_17:
0x175: {  	v24 =	vmov s10;
	p2 =	sne.s32 s10, $0x7F;
	s10 =	sadd.s32 $0x1, s10;
	v25 =	vld.idx.msk [tilespmem:v23+s17+$0x0], $0xffff;
	v19 =	vmul.f32 v19, v16  }
0x176: {  	v26 =	vor.u32 v12, v50;
	v50 =	vmov v49;
	v23 =	vand.u32 $0x7F, v24;
	v24 =	vld.idx.msk [tilespmem:v61+s17+$0x0], $0xffff;
	[tilespmem:v17+s17+$0x0] =	vst.idx.msk $0xffff, v63  }
0x177: {  	v49 =	vmovc v51;
	v51 =	vmov v52;
	v52 =	vmov v54;
	v16 =	vld.idx.msk [tilespmem:v6+s18+$0x0], $0xffff;
	[tilespmem:v59+s17+$0x0] =	vst.idx.msk $0xffff, v19;
	v54 =	vbroadcast v23, $0x0  }
0x178: {  	v27 =	vmul.f32 v18, v60;
	v17 =	vmovc v61;
	v15 =	vmul.f32 v14, v15;
	v59 =	vmov v20;
	v60 =	vld.idx.msk [tilespmem:v7+s18+$0x0], $0xffff  }
0x179: {  	v23 =	vor.u32 v3, v54;
	v28 =	vor.u32 v11, v54;
	v19 =	vld.idx.msk [tilespmem:v20+s17+$0x0], $0xffff  }
.Ltmp6:
0x17a: {  	v18 =	vld.idx.msk [tilespmem:v57+s17+$0x0], $0xffff;
	[tilespmem:v13+s17+$0x0] =	vst.idx.msk $0xffff, v27;
	v13 =	vmovc v57;
	v57 =	vmov v56;
	v56 =	vmov v55;
	v55 =	vmov v58;
	(pc) =	sbr.rel @p2 .LBB2_17-.Ltmp6, $4  }
0x17b: {  	v61 =	vor.u32 v9, v52;
	v20 =	vmul.f32 v25, v62;
	v14 =	vld.idx.msk [tilespmem:v26+s17+$0x0], $0xffff;
	[tilespmem:v53+s17+$0x0] =	vst.idx.msk $0xffff, v15  }
0x17c: {  	v58 =	vmov v28;
	v63 =	vmul.f32 v24, v22;
	v53 =	vmov v26;
	v15 =	vld.idx.msk [tilespmem:v8+s18+$0x0], $0xffff  }
0x17d: {  	v62 =	vld.idx.msk [tilespmem:v1+s18+$0x0], $0xffff;
	[tilespmem:v21+s17+$0x0] =	vst.idx.msk $0xffff, v20;
	v21 =	vmov v23  }
0x17e: {  	v20 =	vor.u32 v10, v51;
	v22 =	vld.idx.msk [tilespmem:v5+s18+$0x0], $0xffff  }
0x17f: {  	_ =	sdelay $0x3  }
0x180: {  	v23 =	vld.idx.msk [tilespmem:v23+s17+$0x0], $0xffff;
	_ =	sdelay $0x3  }
0x181: {  	v24 =	vor.u32 v9, v54  }
0x182: {  	v23 =	vmul.f32 v23, v62;
	_ =	sdelay $0x1  }
0x183: {  	v25 =	vld.idx.msk [tilespmem:v61+s17+$0x0], $0xffff;
	[tilespmem:v21+s17+$0x0] =	vst.idx.msk $0xffff, v23  }
0x184: {  	v21 =	vld.idx.msk [tilespmem:v5+s18+$0x0], $0xffff  }
0x185: {  	v23 =	vld.idx.msk [tilespmem:v24+s17+$0x0], $0xffff  }
0x186: {  	v26 =	vor.u32 v10, v52;
	_ =	sdelay $0x1  }
0x187: {  	[tilespmem:v17+s17+$0x0] =	vst.idx.msk $0xffff, v63;
	v17 =	vmul.f32 v25, v22  }
0x188: {  	v35 =	vor.u32 v10, v54;
	v22 =	vld.idx.msk [tilespmem:v6+s18+$0x0], $0xffff  }
0x189: {  	[tilespmem:v61+s17+$0x0] =	vst.idx.msk $0xffff, v17;
	v17 =	vld.idx.msk [tilespmem:v20+s17+$0x0], $0xffff;
	v21 =	vmul.f32 v23, v21  }
0x18a: {  	v16 =	vmul.f32 v19, v16;
	v19 =	vor.u32 v12, v50;
	v27 =	vld.idx.msk [tilespmem:v26+s17+$0x0], $0xffff  }
0x18b: {  	v23 =	vld.idx.msk [tilespmem:v6+s18+$0x0], $0xffff;
	[tilespmem:v24+s17+$0x0] =	vst.idx.msk $0xffff, v21  }
0x18c: {  	[tilespmem:v59+s17+$0x0] =	vst.idx.msk $0xffff, v16;
	v16 =	vmul.f32 v18, v60;
	v21 =	vld.idx.msk [tilespmem:v6+s18+$0x0], $0xffff  }
0x18d: {  	v18 =	vld.idx.msk [tilespmem:v35+s17+$0x0], $0xffff  }
0x18e: {  	v50 =	vld.idx.msk [tilespmem:v7+s18+$0x0], $0xffff;
	[tilespmem:v13+s17+$0x0] =	vst.idx.msk $0xffff, v16;
	v17 =	vmul.f32 v17, v22  }
0x18f: {  	v13 =	vld.idx.msk [tilespmem:v19+s17+$0x0], $0xffff  }
0x190: {  	v22 =	vld.idx.msk [tilespmem:v57+s17+$0x0], $0xffff;
	[tilespmem:v20+s17+$0x0] =	vst.idx.msk $0xffff, v17;
	v16 =	vmul.f32 v27, v23  }
0x191: {  	v17 =	vld.idx.msk [tilespmem:v7+s18+$0x0], $0xffff  }
0x192: {  	v20 =	vld.idx.msk [tilespmem:v56+s17+$0x0], $0xffff;
	[tilespmem:v26+s17+$0x0] =	vst.idx.msk $0xffff, v16;
	v16 =	vmul.f32 v18, v21  }
0x193: {  	v18 =	vor.u32 v12, v49;
	v21 =	vld.idx.msk [tilespmem:v7+s18+$0x0], $0xffff  }
0x194: {  	v23 =	vld.idx.msk [tilespmem:v55+s17+$0x0], $0xffff;
	[tilespmem:v35+s17+$0x0] =	vst.idx.msk $0xffff, v16  }
0x195: {  	v16 =	vmul.f32 v22, v50;
	v22 =	vor.u32 v12, v51;
	v51 =	vld.idx.msk [tilespmem:v7+s18+$0x0], $0xffff  }
0x196: {  	v25 =	vld.idx.msk [tilespmem:v58+s17+$0x0], $0xffff  }
0x197: {  	v59 =	vld.idx.msk [tilespmem:v8+s18+$0x0], $0xffff;
	[tilespmem:v57+s17+$0x0] =	vst.idx.msk $0xffff, v16;
	v16 =	vmul.f32 v20, v17;
	v17 =	vor.u32 v12, v52  }
0x198: {  	v20 =	vld.idx.msk [tilespmem:v18+s17+$0x0], $0xffff  }
0x199: {  	v60 =	vld.idx.msk [tilespmem:v8+s18+$0x0], $0xffff;
	[tilespmem:v56+s17+$0x0] =	vst.idx.msk $0xffff, v16;
	v16 =	vmul.f32 v23, v21;
	v21 =	vor.u32 v12, v54  }
0x19a: {  	v23 =	vld.idx.msk [tilespmem:v22+s17+$0x0], $0xffff  }
0x19b: {  	v28 =	vld.idx.msk [tilespmem:v8+s18+$0x0], $0xffff;
	[tilespmem:v55+s17+$0x0] =	vst.idx.msk $0xffff, v16;
	v16 =	vmul.f32 v25, v51  }
0x19c: {  	v61 =	vld.idx.msk [tilespmem:v17+s17+$0x0], $0xffff  }
0x19d: {  	v14 =	vmul.f32 v14, v15;
	v62 =	vld.idx.msk [tilespmem:v8+s18+$0x0], $0xffff;
	[tilespmem:v58+s17+$0x0] =	vst.idx.msk $0xffff, v16  }
0x19e: {  	v13 =	vmul.f32 v13, v59;
	v16 =	vld.idx.msk [tilespmem:v21+s17+$0x0], $0xffff  }
0x19f: {  	[tilespmem:v53+s17+$0x0] =	vst.idx.msk $0xffff, v14;
	v14 =	vmul.f32 v20, v60;
	v15 =	vld.idx.msk [tilespmem:v8+s18+$0x0], $0xffff  }
0x1a0: {  	[tilespmem:v19+s17+$0x0] =	vst.idx.msk $0xffff, v13;
	v13 =	vmul.f32 v23, v28  }
0x1a1: {  	[tilespmem:v18+s17+$0x0] =	vst.idx.msk $0xffff, v14  }
0x1a2: {  	s10 =	smul.u32 $0xA0, s29;
	[tilespmem:v22+s17+$0x0] =	vst.idx.msk $0xffff, v13  }
0x1a3: {  	v14 =	vmul.f32 v61, v62;
	s7 =	rddreg [dreg:$0x12]  }
0x1a4: {  	v13 =	vmul.f32 v16, v15;
	s7 =	sadd.s32 s10, s7  }
0x1a5: {  	s8 =	rddreg [dreg:$0x0];
	[tilespmem:v17+s17+$0x0] =	vst.idx.msk $0xffff, v14;
	s7 =	sshrl.u32 s7, $0x3  }
0x1a6: {  	s15 =	simm.s32 $0x0;
	s12 =	simm.s32 $0x1F680;
	[tilespmem:v21+s17+$0x0] =	vst.idx.msk $0xffff, v13;
	s8 =	sadd.s32 s8, s7  }
0x1a7: {  	[tilespmem:s12], [sflag:$0x1] =	stream.linear.gather [hbm4b:s8+s15], $0x50, $0x38;
	[tilespmem:$0x1F860] =	vst v63  }
0x1a8: {  	s8 =	rddreg [dreg:$0x6]  }
0x1a9: {  	s7 =	sadd.s32 s8, s7  }
0x1aa: {  	[tilespmem:s14], [sflag:$0x1] =	stream.linear.gather [hbm4b:s7+s15], $0x50, $0x38;
	[tilespmem:$0x1F860] =	vst v63  }
0x1ab: {  	s8 =	rddreg [dreg:$0x2]  }
0x1ac: {  	[spmem:s8] =	stream.indirect.scatter.add.f32 [tilespmem:s17], [sflag:$0x5], $0x80, s24, s23, $0xb8;
	[tilespmem:$0x1F860] =	vst v63  }
0x1ad: {  	_ =	swait.ge [sflag:s28], $0x2800  }
0x1ae: {  	[sflag:s28] =	ssyncset.done $0x0  }
0x1af: {  	[sflag:s28] =	ssyncadd.s32 $0xFFFFD800  }
0x1b0: {  	_ =	swait.ge [sflag:s22], $0x50  }
0x1b1: {  	[sflag:s22] =	ssyncset.done $0x0  }
0x1b2: {  	[sflag:s22] =	ssyncadd.s32 $0xFFFFFFB0  }
0x1b3: {  	_ =	swait.ge [sflag:s22], $0x50  }
0x1b4: {  	[sflag:s22] =	ssyncset.done $0x0  }
0x1b5: {  	s8 =	rddreg [dreg:$0x9];
	[sflag:s22] =	ssyncadd.s32 $0xFFFFFFB0  }
0x1b6: {  	[tilespmem:s17], [sflag:$0x3] =	stream.indirect.gather [hbm4b:s8+s23], $0x80, s12, s23, $0xb8;
	[tilespmem:$0x1F860] =	vst v63  }
0x1b7: {  	_ =	swait.ge [sflag:s4], $0x2800  }
0x1b8: {  	[sflag:s4] =	ssyncset.done $0x0  }
0x1b9: {  	[sflag:s4] =	ssyncadd.s32 $0xFFFFD800  }
0x1ba: {  	v13 =	vld [tilespmem:$0x1F770]  }
0x1bb: {  	v14 =	vld [tilespmem:$0x1F780]  }
0x1bc: {  	v15 =	vld [tilespmem:$0x1F790]  }
0x1bd: {  	v16 =	vld [tilespmem:$0x1F6D0]  }
0x1be: {  	v17 =	vld [tilespmem:$0x1F7A0]  }
0x1bf: {  	v18 =	vld [tilespmem:$0x1F7B0]  }
0x1c0: {  	[tilespmem:$0x1F810] =	vst v13  }
0x1c1: {  	[tilespmem:$0x1F820] =	vst v14  }
0x1c2: {  	[tilespmem:$0x1F830] =	vst v15  }
0x1c3: {  	[tilespmem:$0x1F840] =	vst v17  }
0x1c4: {  	s8 =	simm.s32 $0x1B800;
	[tilespmem:$0x1F850] =	vst v18  }
0x1c5: {  	v13 =	vld.idx.msk [tilespmem:v16+s8+$0x0], $0xffff;
	_ =	sdelay $0x4  }
0x1c6: {  	[tilespmem:v1+s1+$0x0] =	vst.idx.msk $0xffff, v13  }
0x1c7: {  	v13 =	vld [tilespmem:$0x1F6E0];
	_ =	sdelay $0x7  }
0x1c8: {  	v13 =	vld.idx.msk [tilespmem:v13+s8+$0x0], $0xffff;
	_ =	sdelay $0x4  }
0x1c9: {  	[tilespmem:v5+s1+$0x0] =	vst.idx.msk $0xffff, v13  }
0x1ca: {  	v13 =	vld [tilespmem:$0x1F6F0];
	_ =	sdelay $0x7  }
0x1cb: {  	v13 =	vld.idx.msk [tilespmem:v13+s8+$0x0], $0xffff;
	_ =	sdelay $0x4  }
0x1cc: {  	[tilespmem:v6+s1+$0x0] =	vst.idx.msk $0xffff, v13  }
0x1cd: {  	v13 =	vld [tilespmem:$0x1F700];
	_ =	sdelay $0x7  }
0x1ce: {  	v13 =	vld.idx.msk [tilespmem:v13+s8+$0x0], $0xffff;
	_ =	sdelay $0x4  }
0x1cf: {  	[tilespmem:v7+s1+$0x0] =	vst.idx.msk $0xffff, v13  }
0x1d0: {  	v13 =	vld [tilespmem:$0x1F710];
	_ =	sdelay $0x5  }
0x1d1: {  	v14 =	vmov s15  }
0x1d2: {  	v14 =	vand.u32 $0x7F, v14  }
0x1d3: {  	v14 =	vbroadcast v14, $0x0;
	v13 =	vld.idx.msk [tilespmem:v13+s8+$0x0], $0xffff;
	_ =	sdelay $0x1  }
0x1d4: {  	v15 =	vor.u32 v3, v14;
	_ =	sdelay $0x1  }
0x1d5: {  	s12 =	simm.s32 $0x1  }
0x1d6: {  	[tilespmem:v8+s1+$0x0] =	vst.idx.msk $0xffff, v13;
	v13 =	vmov s12  }
0x1d7: {  	v16 =	vld.idx.msk [tilespmem:v1+s1+$0x0], $0xffff;
	v13 =	vand.u32 $0x7F, v13  }
0x1d8: {  	v17 =	vld.idx.msk [tilespmem:v15+s13+$0x0], $0xffff;
	v50 =	vbroadcast v13, $0x0;
	_ =	sdelay $0x1  }
0x1d9: {  	v13 =	vor.u32 v3, v50;
	_ =	sdelay $0x1  }
0x1da: {  	s15 =	simm.s32 $0x2;
	v18 =	vor.u32 v9, v14  }
0x1db: {  	v16 =	vmul.f32 v17, v16;
	v17 =	vmov s15  }
0x1dc: {  	v19 =	vld.idx.msk [tilespmem:v1+s1+$0x0], $0xffff;
	v17 =	vand.u32 $0x7F, v17  }
0x1dd: {  	[tilespmem:v15+s13+$0x0] =	vst.idx.msk $0xffff, v16;
	v49 =	vbroadcast v17, $0x0;
	v15 =	vld.idx.msk [tilespmem:v13+s13+$0x0], $0xffff  }
0x1de: {  	v16 =	vld.idx.msk [tilespmem:v5+s1+$0x0], $0xffff  }
0x1df: {  	v17 =	vld.idx.msk [tilespmem:v18+s13+$0x0], $0xffff;
	v20 =	vor.u32 v3, v49;
	_ =	sdelay $0x1  }
0x1e0: {  	v21 =	vor.u32 v9, v50  }
0x1e1: {  	s8 =	simm.s32 $0x3;
	v15 =	vmul.f32 v15, v19  }
0x1e2: {  	v23 =	vor.u32 v10, v14;
	v22 =	vld.idx.msk [tilespmem:v1+s1+$0x0], $0xffff;
	v19 =	vmov s8  }
0x1e3: {  	v16 =	vmul.f32 v17, v16;
	v19 =	vand.u32 $0x7F, v19;
	[tilespmem:v13+s13+$0x0] =	vst.idx.msk $0xffff, v15;
	v13 =	vld.idx.msk [tilespmem:v20+s13+$0x0], $0xffff  }
0x1e4: {  	v51 =	vbroadcast v19, $0x0;
	v15 =	vld.idx.msk [tilespmem:v5+s1+$0x0], $0xffff  }
0x1e5: {  	[tilespmem:v18+s13+$0x0] =	vst.idx.msk $0xffff, v16;
	v17 =	vld.idx.msk [tilespmem:v21+s13+$0x0], $0xffff  }
0x1e6: {  	v18 =	vld.idx.msk [tilespmem:v6+s1+$0x0], $0xffff;
	v16 =	vor.u32 v3, v51  }
0x1e7: {  	v19 =	vld.idx.msk [tilespmem:v23+s13+$0x0], $0xffff;
	_ =	sdelay $0x1  }
0x1e8: {  	v32 =	vor.u32 v10, v50;
	v13 =	vmul.f32 v13, v22  }
0x1e9: {  	v63 =	vor.u32 v9, v49;
	v22 =	vld.idx.msk [tilespmem:v1+s1+$0x0], $0xffff;
	v15 =	vmul.f32 v17, v15  }
0x1ea: {  	s12 =	simm.s32 $0x4;
	[tilespmem:v20+s13+$0x0] =	vst.idx.msk $0xffff, v13;
	v17 =	vld.idx.msk [tilespmem:v16+s13+$0x0], $0xffff  }
0x1eb: {  	v18 =	vmul.f32 v19, v18;
	v13 =	vmov s12;
	v33 =	vld.idx.msk [tilespmem:v5+s1+$0x0], $0xffff;
	[tilespmem:v21+s13+$0x0] =	vst.idx.msk $0xffff, v15  }
0x1ec: {  	v13 =	vand.u32 $0x7F, v13;
	v15 =	vld.idx.msk [tilespmem:v6+s1+$0x0], $0xffff  }
0x1ed: {  	v20 =	vor.u32 v11, v14;
	[tilespmem:v23+s13+$0x0] =	vst.idx.msk $0xffff, v18;
	v52 =	vbroadcast v13, $0x0;
	v18 =	vld.idx.msk [tilespmem:v32+s13+$0x0], $0xffff  }
0x1ee: {  	v19 =	vld.idx.msk [tilespmem:v63+s13+$0x0], $0xffff  }
0x1ef: {  	v34 =	vld.idx.msk [tilespmem:v1+s1+$0x0], $0xffff;
	v21 =	vor.u32 v3, v52  }
0x1f0: {  	v62 =	vld.idx.msk [tilespmem:v1+s1+$0x0], $0xffff;
	v13 =	vmul.f32 v17, v22;
	v17 =	vor.u32 v9, v51  }
0x1f1: {  	v23 =	vld.idx.msk [tilespmem:v7+s1+$0x0], $0xffff  }
0x1f2: {  	v22 =	vld.idx.msk [tilespmem:v20+s13+$0x0], $0xffff;
	[tilespmem:v16+s13+$0x0] =	vst.idx.msk $0xffff, v13;
	v15 =	vmul.f32 v18, v15  }
0x1f3: {  	s15 =	simm.s32 $0x5;
	v59 =	vor.u32 v10, v49;
	v16 =	vmul.f32 v19, v33;
	v35 =	vld.idx.msk [tilespmem:v5+s1+$0x0], $0xffff  }
0x1f4: {  	v13 =	vor.u32 v11, v50;
	v58 =	vld.idx.msk [tilespmem:v21+s13+$0x0], $0xffff;
	[tilespmem:v32+s13+$0x0] =	vst.idx.msk $0xffff, v15;
	v15 =	vmov s15  }
0x1f5: {  	v53 =	vor.u32 v12, v14;
	[tilespmem:v63+s13+$0x0] =	vst.idx.msk $0xffff, v16;
	v29 =	vld.idx.msk [tilespmem:v17+s13+$0x0], $0xffff;
	v15 =	vand.u32 $0x7F, v15  }
0x1f6: {  	v16 =	vld.idx.msk [tilespmem:v6+s1+$0x0], $0xffff;
	v54 =	vbroadcast v15, $0x0  }
0x1f7: {  	v60 =	vld.idx.msk [tilespmem:v7+s1+$0x0], $0xffff;
	v14 =	vmul.f32 v22, v23  }
0x1f8: {  	v19 =	vld.idx.msk [tilespmem:v59+s13+$0x0], $0xffff;
	v23 =	vor.u32 v3, v54  }
0x1f9: {  	v61 =	vor.u32 v9, v52;
	v18 =	vld.idx.msk [tilespmem:v13+s13+$0x0], $0xffff;
	[tilespmem:v20+s13+$0x0] =	vst.idx.msk $0xffff, v14;
	v20 =	vmul.f32 v58, v34  }
0x1fa: {  	v57 =	vor.u32 v11, v49;
	v56 =	vor.u32 v11, v51;
	v14 =	vld.idx.msk [tilespmem:v53+s13+$0x0], $0xffff  }
0x1fb: {  	v55 =	vor.u32 v11, v52;
	v15 =	vld.idx.msk [tilespmem:v8+s1+$0x0], $0xffff;
	v58 =	vor.u32 v11, v54;
	[tilespmem:v21+s13+$0x0] =	vst.idx.msk $0xffff, v20  }
0x1fc: {  	s15 =	simm.s32 $0x6;
	v63 =	vmul.f32 v29, v35;
	v20 =	vor.u32 v10, v51;
	v21 =	vmov v23;
	v22 =	vld.idx.msk [tilespmem:v5+s1+$0x0], $0xffff  }
.LBB2_19:
0x1fd: {  	v24 =	vmov s15;
	p2 =	sne.s32 s15, $0x7F;
	s15 =	sadd.s32 $0x1, s15;
	v25 =	vld.idx.msk [tilespmem:v23+s13+$0x0], $0xffff;
	v19 =	vmul.f32 v19, v16  }
0x1fe: {  	v26 =	vor.u32 v12, v50;
	v50 =	vmov v49;
	v23 =	vand.u32 $0x7F, v24;
	v24 =	vld.idx.msk [tilespmem:v61+s13+$0x0], $0xffff;
	[tilespmem:v17+s13+$0x0] =	vst.idx.msk $0xffff, v63  }
0x1ff: {  	v49 =	vmovc v51;
	v51 =	vmov v52;
	v52 =	vmov v54;
	v16 =	vld.idx.msk [tilespmem:v6+s1+$0x0], $0xffff;
	[tilespmem:v59+s13+$0x0] =	vst.idx.msk $0xffff, v19;
	v54 =	vbroadcast v23, $0x0  }
0x200: {  	v27 =	vmul.f32 v18, v60;
	v17 =	vmovc v61;
	v15 =	vmul.f32 v14, v15;
	v59 =	vmov v20;
	v60 =	vld.idx.msk [tilespmem:v7+s1+$0x0], $0xffff  }
0x201: {  	v23 =	vor.u32 v3, v54;
	v28 =	vor.u32 v11, v54;
	v19 =	vld.idx.msk [tilespmem:v20+s13+$0x0], $0xffff  }
.Ltmp7:
0x202: {  	v18 =	vld.idx.msk [tilespmem:v57+s13+$0x0], $0xffff;
	[tilespmem:v13+s13+$0x0] =	vst.idx.msk $0xffff, v27;
	v13 =	vmovc v57;
	v57 =	vmov v56;
	v56 =	vmov v55;
	v55 =	vmov v58;
	(pc) =	sbr.rel @p2 .LBB2_19-.Ltmp7, $4  }
0x203: {  	v61 =	vor.u32 v9, v52;
	v20 =	vmul.f32 v25, v62;
	v14 =	vld.idx.msk [tilespmem:v26+s13+$0x0], $0xffff;
	[tilespmem:v53+s13+$0x0] =	vst.idx.msk $0xffff, v15  }
0x204: {  	v58 =	vmov v28;
	v63 =	vmul.f32 v24, v22;
	v53 =	vmov v26;
	v15 =	vld.idx.msk [tilespmem:v8+s1+$0x0], $0xffff  }
0x205: {  	v62 =	vld.idx.msk [tilespmem:v1+s1+$0x0], $0xffff;
	[tilespmem:v21+s13+$0x0] =	vst.idx.msk $0xffff, v20;
	v21 =	vmov v23  }
0x206: {  	v20 =	vor.u32 v10, v51;
	v22 =	vld.idx.msk [tilespmem:v5+s1+$0x0], $0xffff  }
0x207: {  	_ =	sdelay $0x3  }
0x208: {  	v23 =	vld.idx.msk [tilespmem:v23+s13+$0x0], $0xffff;
	_ =	sdelay $0x3  }
0x209: {  	v24 =	vor.u32 v9, v54  }
0x20a: {  	v23 =	vmul.f32 v23, v62;
	_ =	sdelay $0x1  }
0x20b: {  	v25 =	vld.idx.msk [tilespmem:v61+s13+$0x0], $0xffff;
	[tilespmem:v21+s13+$0x0] =	vst.idx.msk $0xffff, v23  }
0x20c: {  	v21 =	vld.idx.msk [tilespmem:v5+s1+$0x0], $0xffff  }
0x20d: {  	v23 =	vld.idx.msk [tilespmem:v24+s13+$0x0], $0xffff;
	_ =	sdelay $0x1  }
0x20e: {  	v26 =	vor.u32 v10, v52;
	[tilespmem:v17+s13+$0x0] =	vst.idx.msk $0xffff, v63  }
0x20f: {  	v32 =	vld.idx.msk [tilespmem:v6+s1+$0x0], $0xffff;
	v31 =	vmul.f32 v25, v22  }
0x210: {  	v33 =	vor.u32 v10, v54;
	v34 =	vld.idx.msk [tilespmem:v20+s13+$0x0], $0xffff  }
0x211: {  	[tilespmem:v61+s13+$0x0] =	vst.idx.msk $0xffff, v31;
	v21 =	vmul.f32 v23, v21  }
0x212: {  	v35 =	vld.idx.msk [tilespmem:v6+s1+$0x0], $0xffff  }
0x213: {  	v16 =	vmul.f32 v19, v16;
	v27 =	vld.idx.msk [tilespmem:v26+s13+$0x0], $0xffff;
	[tilespmem:v24+s13+$0x0] =	vst.idx.msk $0xffff, v21  }
0x214: {  	v21 =	vld.idx.msk [tilespmem:v6+s1+$0x0], $0xffff  }
0x215: {  	v19 =	vor.u32 v12, v50;
	[tilespmem:v59+s13+$0x0] =	vst.idx.msk $0xffff, v16;
	v17 =	vmul.f32 v34, v32;
	v61 =	vld.idx.msk [tilespmem:v33+s13+$0x0], $0xffff  }
0x216: {  	v63 =	vld.idx.msk [tilespmem:v57+s13+$0x0], $0xffff  }
0x217: {  	v60 =	vmul.f32 v18, v60;
	v62 =	vld.idx.msk [tilespmem:v7+s1+$0x0], $0xffff;
	[tilespmem:v20+s13+$0x0] =	vst.idx.msk $0xffff, v17  }
0x218: {  	v17 =	vld.idx.msk [tilespmem:v7+s1+$0x0], $0xffff;
	v28 =	vmul.f32 v27, v35  }
0x219: {  	[tilespmem:v13+s13+$0x0] =	vst.idx.msk $0xffff, v60;
	v20 =	vld.idx.msk [tilespmem:v56+s13+$0x0], $0xffff  }
0x21a: {  	v13 =	vld.idx.msk [tilespmem:v19+s13+$0x0], $0xffff;
	[tilespmem:v26+s13+$0x0] =	vst.idx.msk $0xffff, v28;
	v29 =	vmul.f32 v61, v21  }
0x21b: {  	v30 =	vld.idx.msk [tilespmem:v7+s1+$0x0], $0xffff  }
0x21c: {  	v31 =	vld.idx.msk [tilespmem:v55+s13+$0x0], $0xffff;
	[tilespmem:v33+s13+$0x0] =	vst.idx.msk $0xffff, v29  }
0x21d: {  	v18 =	vor.u32 v12, v49;
	v32 =	vmul.f32 v63, v62;
	v34 =	vld.idx.msk [tilespmem:v7+s1+$0x0], $0xffff  }
0x21e: {  	v49 =	vmul.f32 v20, v17;
	v33 =	vor.u32 v12, v51;
	v25 =	vld.idx.msk [tilespmem:v58+s13+$0x0], $0xffff  }
0x21f: {  	v50 =	vor.u32 v12, v52;
	[tilespmem:v57+s13+$0x0] =	vst.idx.msk $0xffff, v32;
	v35 =	vld.idx.msk [tilespmem:v8+s1+$0x0], $0xffff  }
0x220: {  	v52 =	vld.idx.msk [tilespmem:v8+s1+$0x0], $0xffff;
	[tilespmem:v56+s13+$0x0] =	vst.idx.msk $0xffff, v49  }
0x221: {  	v59 =	vor.u32 v12, v54;
	v28 =	vld.idx.msk [tilespmem:v8+s1+$0x0], $0xffff;
	v57 =	vmul.f32 v31, v30  }
0x222: {  	v51 =	vld.idx.msk [tilespmem:v18+s13+$0x0], $0xffff  }
0x223: {  	[tilespmem:v55+s13+$0x0] =	vst.idx.msk $0xffff, v57;
	v60 =	vld.idx.msk [tilespmem:v33+s13+$0x0], $0xffff;
	v61 =	vmul.f32 v25, v34  }
0x224: {  	v62 =	vld.idx.msk [tilespmem:v50+s13+$0x0], $0xffff  }
0x225: {  	v14 =	vmul.f32 v14, v15;
	v63 =	vld.idx.msk [tilespmem:v8+s1+$0x0], $0xffff;
	[tilespmem:v58+s13+$0x0] =	vst.idx.msk $0xffff, v61  }
0x226: {  	v13 =	vmul.f32 v13, v35;
	v16 =	vld.idx.msk [tilespmem:v59+s13+$0x0], $0xffff  }
0x227: {  	[tilespmem:v53+s13+$0x0] =	vst.idx.msk $0xffff, v14;
	v14 =	vmul.f32 v51, v52;
	v15 =	vld.idx.msk [tilespmem:v8+s1+$0x0], $0xffff  }
0x228: {  	[tilespmem:v19+s13+$0x0] =	vst.idx.msk $0xffff, v13;
	v13 =	vmul.f32 v60, v28  }
0x229: {  	[tilespmem:v18+s13+$0x0] =	vst.idx.msk $0xffff, v14  }
0x22a: {  	[tilespmem:v33+s13+$0x0] =	vst.idx.msk $0xffff, v13  }
0x22b: {  	v14 =	vmul.f32 v62, v63;
	s7 =	rddreg [dreg:$0x13]  }
0x22c: {  	v13 =	vmul.f32 v16, v15;
	s7 =	sadd.s32 s10, s7  }
0x22d: {  	s8 =	rddreg [dreg:$0x0];
	s29 =	sadd.s32 $0x1, s29;
	[tilespmem:v50+s13+$0x0] =	vst.idx.msk $0xffff, v14;
	s7 =	sshrl.u32 s7, $0x3  }
0x22e: {  	s12 =	simm.s32 $0x1F6D0;
	p2 =	sne.s32 s29, $0x7D;
	[tilespmem:v59+s13+$0x0] =	vst.idx.msk $0xffff, v13;
	s8 =	sadd.s32 s8, s7  }
0x22f: {  	[tilespmem:s12], [sflag:$0x2] =	stream.linear.gather [hbm4b:s8+s5], $0x50, $0x38;
	[tilespmem:$0x1F860] =	vst v63  }
.Ltmp8:
0x230: {  	s10 =	rddreg [dreg:$0x6];
	(pc) =	sbr.rel @p2 .LBB2_16-.Ltmp8, $4  }
0x231: {  	s7 =	sadd.s32 s10, s7  }
0x232: {  	[tilespmem:s21], [sflag:$0x2] =	stream.linear.gather [hbm4b:s7+s5], $0x50, $0x38;
	[tilespmem:$0x1F860] =	vst v63  }
0x233: {  	s15 =	rddreg [dreg:$0x2]  }
0x234: {  	[spmem:s15] =	stream.indirect.scatter.add.f32 [tilespmem:s13], [sflag:$0x6], $0x80, s26, s23, $0xb8;
	[tilespmem:$0x1F860] =	vst v63  }
0x235: {  	_ =	swait.ge [sflag:s16], $0x2800  }
0x236: {  	[sflag:s16] =	ssyncset.done $0x0  }
0x237: {  	[sflag:s16] =	ssyncadd.s32 $0xFFFFD800  }
0x238: {  	_ =	swait.ge [sflag:s25], $0x50  }
0x239: {  	[sflag:s25] =	ssyncset.done $0x0  }
0x23a: {  	[sflag:s25] =	ssyncadd.s32 $0xFFFFFFB0  }
0x23b: {  	_ =	swait.ge [sflag:s25], $0x50  }
0x23c: {  	[sflag:s25] =	ssyncset.done $0x0  }
0x23d: {  	[sflag:s25] =	ssyncadd.s32 $0xFFFFFFB0  }
0x23e: {  	_ =	swait.ge [sflag:s30], $0x2800  }
0x23f: {  	[sflag:s30] =	ssyncset.done $0x0  }
0x240: {  	[sflag:s30] =	ssyncadd.s32 $0xFFFFD800  }
0x241: {  	[bflag:$0x0] =	sbarrier.arrive $0xFFFF  }
0x242: {  	s10 =	sld [smem:$0x7FD]  }
0x243: {  	s7 =	rddreg [dreg:$0x1a]  }
.Ltmp9:
0x244: {  	s29 =	simm.s32 $0x7;
	s8 =	rddreg [dreg:$0x1f];
	(pc) =	sbr.rel .LBB2_22-.Ltmp9, $4  }
0x245: {  	[hbm:s7], [sflag:s8] =	dma.local [spmem:s10], $0x2800  }
0x246: {  	_ =	swait.ge [sflag:s29], $0x2800  }
0x247: {  	[sflag:s29] =	ssyncset.done $0x0  }
0x248: {  	s8 =	rddreg [dreg:$0x1e];
	[sflag:s29] =	ssyncadd.s32 $0xFFFFD800  }
.LBB2_2:
0x249: {  	s7 =	rddreg [dreg:$0x17]  }
0x24a: {  	[spmem:s8], [sflag:s10] =	dma.local [hbm:s7], $0x2800  }
0x24b: {  	_ =	swait.ge [sflag:s29], $0x2800  }
0x24c: {  	s15 =	rddreg [dreg:$0xc]  }
0x24d: {  	[sflag:s29] =	ssyncset.done $0x0;
	s7 =	sshrl.u32 s15, $0x3;
	s15 =	rddreg [dreg:$0xd]  }
0x24e: {  	[sflag:s29] =	ssyncadd.s32 $0xFFFFD800;
	[smem:$0x7FC] =	sst s7  }
0x24f: {  	[spmem:s7], [sflag:s10] =	dma.local [hbm:s15], $0x280  }
0x250: {  	_ =	swait.ge [sflag:s29], $0x280  }
0x251: {  	v13 =	vld [tilespmem:$0x1FEA0];
	_ =	sdelay $0x5  }
0x252: {  	[sflag:s29] =	ssyncset.done $0x0  }
0x253: {  	v14 =	vimm.f32 $0.0e+00;
	[sflag:s29] =	ssyncadd.s32 $0xFFFFFD80  }
0x254: {  	[tilespmem:v13+s18+$0x0] =	vst.idx.msk $0xffff, v14  }
0x255: {  	[tilespmem:v13+s1+$0x0] =	vst.idx.msk $0xffff, v14;
	v13 =	vld [tilespmem:$0x1FEB0];
	_ =	sdelay $0x7  }
0x256: {  	[tilespmem:v13+s18+$0x0] =	vst.idx.msk $0xffff, v14  }
0x257: {  	[tilespmem:v13+s1+$0x0] =	vst.idx.msk $0xffff, v14;
	v13 =	vld [tilespmem:$0x1FEC0];
	_ =	sdelay $0x7  }
0x258: {  	[tilespmem:v13+s18+$0x0] =	vst.idx.msk $0xffff, v14  }
0x259: {  	[tilespmem:v13+s1+$0x0] =	vst.idx.msk $0xffff, v14;
	v13 =	vld [tilespmem:$0x1FED0];
	_ =	sdelay $0x7  }
0x25a: {  	[tilespmem:v13+s18+$0x0] =	vst.idx.msk $0xffff, v14  }
0x25b: {  	[tilespmem:v13+s1+$0x0] =	vst.idx.msk $0xffff, v14;
	v13 =	vld [tilespmem:$0x1FEE0];
	_ =	sdelay $0x7  }
0x25c: {  	[tilespmem:v13+s18+$0x0] =	vst.idx.msk $0xffff, v14  }
0x25d: {  	[tilespmem:v13+s1+$0x0] =	vst.idx.msk $0xffff, v14;
	v13 =	vld [tilespmem:$0x1FEF0];
	_ =	sdelay $0x7  }
0x25e: {  	[tilespmem:v13+s18+$0x0] =	vst.idx.msk $0xffff, v14  }
0x25f: {  	[tilespmem:v13+s1+$0x0] =	vst.idx.msk $0xffff, v14;
	v13 =	vld [tilespmem:$0x1FF00];
	_ =	sdelay $0x7  }
0x260: {  	[tilespmem:v13+s18+$0x0] =	vst.idx.msk $0xffff, v14  }
0x261: {  	[tilespmem:v13+s1+$0x0] =	vst.idx.msk $0xffff, v14;
	v13 =	vld [tilespmem:$0x1FF10];
	_ =	sdelay $0x7  }
0x262: {  	[tilespmem:v13+s18+$0x0] =	vst.idx.msk $0xffff, v14  }
0x263: {  	[tilespmem:v13+s1+$0x0] =	vst.idx.msk $0xffff, v14;
	v13 =	vld [tilespmem:$0x1FF20];
	_ =	sdelay $0x7  }
0x264: {  	[tilespmem:v13+s18+$0x0] =	vst.idx.msk $0xffff, v14  }
0x265: {  	[tilespmem:v13+s1+$0x0] =	vst.idx.msk $0xffff, v14;
	v13 =	vld [tilespmem:$0x1FF30];
	_ =	sdelay $0x7  }
0x266: {  	[tilespmem:v13+s18+$0x0] =	vst.idx.msk $0xffff, v14  }
0x267: {  	[tilespmem:v13+s1+$0x0] =	vst.idx.msk $0xffff, v14;
	v13 =	vld [tilespmem:$0x1FF40];
	_ =	sdelay $0x7  }
0x268: {  	[tilespmem:v13+s18+$0x0] =	vst.idx.msk $0xffff, v14  }
0x269: {  	[tilespmem:v13+s1+$0x0] =	vst.idx.msk $0xffff, v14;
	v13 =	vld [tilespmem:$0x1FF50];
	_ =	sdelay $0x7  }
0x26a: {  	[tilespmem:v13+s18+$0x0] =	vst.idx.msk $0xffff, v14  }
0x26b: {  	[tilespmem:v13+s1+$0x0] =	vst.idx.msk $0xffff, v14;
	v13 =	vld [tilespmem:$0x1FF60];
	_ =	sdelay $0x7  }
0x26c: {  	[tilespmem:v13+s18+$0x0] =	vst.idx.msk $0xffff, v14  }
0x26d: {  	[tilespmem:v13+s1+$0x0] =	vst.idx.msk $0xffff, v14;
	v13 =	vld [tilespmem:$0x1FF70];
	_ =	sdelay $0x7  }
0x26e: {  	[tilespmem:v13+s18+$0x0] =	vst.idx.msk $0xffff, v14  }
0x26f: {  	[tilespmem:v13+s1+$0x0] =	vst.idx.msk $0xffff, v14;
	v13 =	vld [tilespmem:$0x1FF80];
	_ =	sdelay $0x7  }
0x270: {  	[tilespmem:v13+s18+$0x0] =	vst.idx.msk $0xffff, v14  }
0x271: {  	[tilespmem:v13+s1+$0x0] =	vst.idx.msk $0xffff, v14;
	v13 =	vld [tilespmem:$0x1FF90];
	_ =	sdelay $0x7  }
0x272: {  	[tilespmem:v13+s18+$0x0] =	vst.idx.msk $0xffff, v14  }
0x273: {  	[tilespmem:v13+s1+$0x0] =	vst.idx.msk $0xffff, v14;
	v13 =	vld [tilespmem:$0x1FFA0];
	_ =	sdelay $0x7  }
0x274: {  	[tilespmem:v13+s18+$0x0] =	vst.idx.msk $0xffff, v14  }
0x275: {  	[tilespmem:v13+s1+$0x0] =	vst.idx.msk $0xffff, v14;
	v13 =	vld [tilespmem:$0x1FFB0];
	_ =	sdelay $0x7  }
0x276: {  	[tilespmem:v13+s18+$0x0] =	vst.idx.msk $0xffff, v14  }
0x277: {  	[tilespmem:v13+s1+$0x0] =	vst.idx.msk $0xffff, v14;
	v13 =	vld [tilespmem:$0x1FFC0];
	_ =	sdelay $0x7  }
0x278: {  	[tilespmem:v13+s18+$0x0] =	vst.idx.msk $0xffff, v14  }
0x279: {  	[tilespmem:v13+s1+$0x0] =	vst.idx.msk $0xffff, v14;
	v13 =	vld [tilespmem:$0x1FFD0];
	_ =	sdelay $0x7  }
0x27a: {  	[tilespmem:v13+s18+$0x0] =	vst.idx.msk $0xffff, v14  }
0x27b: {  	[tilespmem:v13+s1+$0x0] =	vst.idx.msk $0xffff, v14  }
0x27c: {  	[bflag:$0x0] =	sbarrier.arrive $0xFFFF  }
0x27d: {  	s8 =	simm.s32 $0x1F680;
	s10 =	simm.s32 $0x0;
	s15 =	rddreg [dreg:$0xe]  }
0x27e: {  	[tilespmem:s8], [sflag:$0x1] =	stream.linear.gather [hbm4b:s15+s10], $0x50, $0x38;
	[tilespmem:$0x1F860] =	vst v63  }
0x27f: {  	s29 =	rddreg [dreg:$0xf]  }
0x280: {  	[tilespmem:s14], [sflag:$0x1] =	stream.linear.gather [hbm4b:s29+s10], $0x50, $0x38;
	[tilespmem:$0x1F860] =	vst v63  }
0x281: {  	_ =	swait.ge [sflag:s22], $0x50  }
0x282: {  	[sflag:s22] =	ssyncset.done $0x0  }
0x283: {  	[sflag:s22] =	ssyncadd.s32 $0xFFFFFFB0  }
0x284: {  	_ =	swait.ge [sflag:s22], $0x50  }
0x285: {  	[sflag:s22] =	ssyncset.done $0x0  }
0x286: {  	s15 =	rddreg [dreg:$0x8];
	[sflag:s22] =	ssyncadd.s32 $0xFFFFFFB0  }
0x287: {  	[tilespmem:s17], [sflag:$0x3] =	stream.indirect.gather [hbm4b:s15+s23], $0x80, s8, s23, $0xb8;
	[tilespmem:$0x1F860] =	vst v63  }
0x288: {  	s29 =	rddreg [dreg:$0x7]  }
0x289: {  	[tilespmem:s2], [sflag:$0x3] =	stream.indirect.gather [hbm4b:s29+s23], $0x8, s8, s23, $0xb8;
	[tilespmem:$0x1F860] =	vst v63  }
0x28a: {  	_ = 	snop  }
0x28b: {  	[tilespmem:s19], [sflag:$0x3] =	stream.indirect.gather [hbm4b:s29+s23], $0x8, s14, s23, $0xb8;
	[tilespmem:$0x1F860] =	vst v63  }
0x28c: {  	s15 =	rddreg [dreg:$0x10]  }
0x28d: {  	[tilespmem:s12], [sflag:$0x2] =	stream.linear.gather [hbm4b:s15+s10], $0x50, $0x38;
	[tilespmem:$0x1F860] =	vst v63  }
0x28e: {  	s29 =	rddreg [dreg:$0x11]  }
0x28f: {  	[tilespmem:s21], [sflag:$0x2] =	stream.linear.gather [hbm4b:s29+s10], $0x50, $0x38;
	[tilespmem:$0x1F860] =	vst v63  }
0x290: {  	s10 =	simm.s32 $0x0  }
.LBB2_3:
0x291: {  	p2 =	seq.s32 s10, $0x0  }
0x292: {  	s15 =	simm.s32 @!p2 $0x6  }
0x293: {  	_ =	swait.ge @!p2 [sflag:s15], $0x2800  }
0x294: {  	[sflag:s15] =	ssyncset.done @!p2 $0x0  }
0x295: {  	[sflag:s15] =	ssyncadd.s32 @!p2 $0xFFFFD800  }
0x296: {  	_ =	swait.ge @!p2 [sflag:s15], $0x280  }
0x297: {  	[sflag:s15] =	ssyncset.done @!p2 $0x0  }
0x298: {  	[sflag:s15] =	ssyncadd.s32 @!p2 $0xFFFFFD80  }
0x299: {  	_ =	swait.ge [sflag:s25], $0x50  }
0x29a: {  	[sflag:s25] =	ssyncset.done $0x0  }
0x29b: {  	[sflag:s25] =	ssyncadd.s32 $0xFFFFFFB0  }
0x29c: {  	_ =	swait.ge [sflag:s25], $0x50  }
0x29d: {  	[sflag:s25] =	ssyncset.done $0x0  }
0x29e: {  	s7 =	rddreg [dreg:$0x8];
	[sflag:s25] =	ssyncadd.s32 $0xFFFFFFB0  }
0x29f: {  	[tilespmem:s13], [sflag:$0x4] =	stream.indirect.gather [hbm4b:s7+s23], $0x80, s12, s23, $0xb8;
	[tilespmem:$0x1F860] =	vst v63  }
0x2a0: {  	s8 =	rddreg [dreg:$0x7]  }
0x2a1: {  	[tilespmem:s20], [sflag:$0x4] =	stream.indirect.gather [hbm4b:s8+s23], $0x8, s12, s23, $0xb8;
	[tilespmem:$0x1F860] =	vst v63  }
0x2a2: {  	_ = 	snop  }
0x2a3: {  	[tilespmem:s9], [sflag:$0x4] =	stream.indirect.gather [hbm4b:s8+s23], $0x8, s21, s23, $0xb8;
	[tilespmem:$0x1F860] =	vst v63  }
0x2a4: {  	_ =	swait.ge [sflag:s16], $0x2800  }
0x2a5: {  	[sflag:s16] =	ssyncset.done $0x0  }
0x2a6: {  	[sflag:s16] =	ssyncadd.s32 $0xFFFFD800  }
0x2a7: {  	_ =	swait.ge [sflag:s16], $0x280  }
0x2a8: {  	[sflag:s16] =	ssyncset.done $0x0  }
0x2a9: {  	[sflag:s16] =	ssyncadd.s32 $0xFFFFFD80  }
0x2aa: {  	_ =	swait.ge [sflag:s16], $0x280  }
0x2ab: {  	[sflag:s16] =	ssyncset.done $0x0  }
0x2ac: {  	[sflag:s16] =	ssyncadd.s32 $0xFFFFFD80  }
0x2ad: {  	v14 =	vld [tilespmem:$0x1F730];
	_ =	sdelay $0x1  }
0x2ae: {  	v13 =	vld [tilespmem:$0x1F720]  }
0x2af: {  	v15 =	vld [tilespmem:$0x1F740]  }
0x2b0: {  	v16 =	vld [tilespmem:$0x1F750]  }
0x2b1: {  	[tilespmem:$0x1F7D0] =	vst v14;
	v14 =	vld [tilespmem:$0x1FEA0]  }
0x2b2: {  	v17 =	vld [tilespmem:$0x1F760];
	_ =	sdelay $0x1  }
0x2b3: {  	[tilespmem:$0x1F7C0] =	vst v13  }
0x2b4: {  	[tilespmem:$0x1F7E0] =	vst v15  }
0x2b5: {  	[tilespmem:$0x1F7F0] =	vst v16  }
0x2b6: {  	[tilespmem:$0x1F800] =	vst v17  }
0x2b7: {  	v13 =	vld.idx.msk [tilespmem:v1+s2+$0x0], $0xffff  }
0x2b8: {  	v14 =	vld.idx.msk [tilespmem:v14+s19+$0x0], $0xffff;
	_ =	sdelay $0x4  }
0x2b9: {  	v13 =	vadd.f32 v14, v13;
	_ =	sdelay $0x1  }
0x2ba: {  	v14 =	vmul.f32 $2.000000030e-01, v13  }
0x2bb: {  	vm0 =	vgt.f32 v13, $0.0e+00  }
0x2bc: {  	v13 =	vsel vm0, v13, v14  }
0x2bd: {  	v13 =	vmul.f32 $1.442695020e+00, v13;
	_ =	sdelay $0x1  }
0x2be: {  	(erf) = vpow2.f32 v13;
	_ =	sdelay $0x2  }
0x2bf: {  	v15 =	vld [tilespmem:$0x1FFE0]  }
0x2c0: {  	v14 =	vld [tilespmem:$0x1FEB0];
	_ =	sdelay $0x4  }
0x2c1: {  	v13 =	vpop (erf)  }
0x2c2: {  	[tilespmem:v1+s18+$0x0] =	vst.idx.msk $0xffff, v13  }
0x2c3: {  	v13 =	vld.idx.msk [tilespmem:v15+s2+$0x0], $0xffff  }
0x2c4: {  	v14 =	vld.idx.msk [tilespmem:v14+s19+$0x0], $0xffff;
	_ =	sdelay $0x4  }
0x2c5: {  	v13 =	vadd.f32 v14, v13;
	_ =	sdelay $0x1  }
0x2c6: {  	v14 =	vmul.f32 $2.000000030e-01, v13  }
0x2c7: {  	vm9 =	vgt.f32 v13, $0.0e+00  }
0x2c8: {  	v13 =	vsel vm9, v13, v14  }
0x2c9: {  	v13 =	vmul.f32 $1.442695020e+00, v13;
	_ =	sdelay $0x1  }
0x2ca: {  	(erf) = vpow2.f32 v13;
	_ =	sdelay $0x8  }
0x2cb: {  	v14 =	vld [tilespmem:$0x1FEC0];
	v13 =	vpop (erf)  }
0x2cc: {  	[tilespmem:v15+s18+$0x0] =	vst.idx.msk $0xffff, v13;
	v15 =	vld [tilespmem:$0x1FFF0];
	_ =	sdelay $0x6  }
0x2cd: {  	v14 =	vld.idx.msk [tilespmem:v14+s19+$0x0], $0xffff  }
0x2ce: {  	v13 =	vld.idx.msk [tilespmem:v15+s2+$0x0], $0xffff;
	_ =	sdelay $0x4  }
0x2cf: {  	v13 =	vadd.f32 v14, v13;
	_ =	sdelay $0x1  }
0x2d0: {  	v14 =	vmul.f32 $2.000000030e-01, v13  }
0x2d1: {  	vm10 =	vgt.f32 v13, $0.0e+00  }
0x2d2: {  	v13 =	vsel vm10, v13, v14  }
0x2d3: {  	v13 =	vmul.f32 $1.442695020e+00, v13;
	_ =	sdelay $0x1  }
0x2d4: {  	(erf) = vpow2.f32 v13;
	_ =	sdelay $0x3  }
0x2d5: {  	v14 =	vld [tilespmem:$0x1FED0];
	_ =	sdelay $0x4  }
0x2d6: {  	v13 =	vpop (erf)  }
0x2d7: {  	[tilespmem:v15+s18+$0x0] =	vst.idx.msk $0xffff, v13  }
0x2d8: {  	v13 =	vld.idx.msk [tilespmem:v36+s2+$0x0], $0xffff  }
0x2d9: {  	v14 =	vld.idx.msk [tilespmem:v14+s19+$0x0], $0xffff;
	_ =	sdelay $0x4  }
0x2da: {  	v13 =	vadd.f32 v14, v13;
	_ =	sdelay $0x1  }
0x2db: {  	v14 =	vmul.f32 $2.000000030e-01, v13  }
0x2dc: {  	vm11 =	vgt.f32 v13, $0.0e+00  }
0x2dd: {  	v13 =	vsel vm11, v13, v14  }
0x2de: {  	v13 =	vmul.f32 $1.442695020e+00, v13;
	_ =	sdelay $0x1  }
0x2df: {  	(erf) = vpow2.f32 v13;
	_ =	sdelay $0x3  }
0x2e0: {  	v14 =	vld [tilespmem:$0x1FEE0];
	_ =	sdelay $0x4  }
0x2e1: {  	v13 =	vpop (erf)  }
0x2e2: {  	[tilespmem:v36+s18+$0x0] =	vst.idx.msk $0xffff, v13  }
0x2e3: {  	v13 =	vld.idx.msk [tilespmem:v5+s2+$0x0], $0xffff  }
0x2e4: {  	v14 =	vld.idx.msk [tilespmem:v14+s19+$0x0], $0xffff;
	_ =	sdelay $0x4  }
0x2e5: {  	v13 =	vadd.f32 v14, v13;
	_ =	sdelay $0x1  }
0x2e6: {  	v14 =	vmul.f32 $2.000000030e-01, v13  }
0x2e7: {  	vm12 =	vgt.f32 v13, $0.0e+00  }
0x2e8: {  	v13 =	vsel vm12, v13, v14  }
0x2e9: {  	v13 =	vmul.f32 $1.442695020e+00, v13;
	_ =	sdelay $0x1  }
0x2ea: {  	(erf) = vpow2.f32 v13;
	_ =	sdelay $0x3  }
0x2eb: {  	v14 =	vld [tilespmem:$0x1FEF0];
	_ =	sdelay $0x4  }
0x2ec: {  	v13 =	vpop (erf)  }
0x2ed: {  	[tilespmem:v5+s18+$0x0] =	vst.idx.msk $0xffff, v13  }
0x2ee: {  	v13 =	vld.idx.msk [tilespmem:v37+s2+$0x0], $0xffff  }
0x2ef: {  	v14 =	vld.idx.msk [tilespmem:v14+s19+$0x0], $0xffff;
	_ =	sdelay $0x4  }
0x2f0: {  	v13 =	vadd.f32 v14, v13;
	_ =	sdelay $0x1  }
0x2f1: {  	v14 =	vmul.f32 $2.000000030e-01, v13  }
0x2f2: {  	vm13 =	vgt.f32 v13, $0.0e+00  }
0x2f3: {  	v13 =	vsel vm13, v13, v14  }
0x2f4: {  	v13 =	vmul.f32 $1.442695020e+00, v13;
	_ =	sdelay $0x1  }
0x2f5: {  	(erf) = vpow2.f32 v13;
	_ =	sdelay $0x3  }
0x2f6: {  	v14 =	vld [tilespmem:$0x1FF00];
	_ =	sdelay $0x4  }
0x2f7: {  	v13 =	vpop (erf)  }
0x2f8: {  	[tilespmem:v37+s18+$0x0] =	vst.idx.msk $0xffff, v13  }
0x2f9: {  	v13 =	vld.idx.msk [tilespmem:v38+s2+$0x0], $0xffff  }
0x2fa: {  	v14 =	vld.idx.msk [tilespmem:v14+s19+$0x0], $0xffff;
	_ =	sdelay $0x4  }
0x2fb: {  	v13 =	vadd.f32 v14, v13;
	_ =	sdelay $0x1  }
0x2fc: {  	v14 =	vmul.f32 $2.000000030e-01, v13  }
0x2fd: {  	vm14 =	vgt.f32 v13, $0.0e+00  }
0x2fe: {  	v13 =	vsel vm14, v13, v14  }
0x2ff: {  	v13 =	vmul.f32 $1.442695020e+00, v13;
	_ =	sdelay $0x1  }
0x300: {  	(erf) = vpow2.f32 v13;
	_ =	sdelay $0x3  }
0x301: {  	v14 =	vld [tilespmem:$0x1FF10];
	_ =	sdelay $0x4  }
0x302: {  	v13 =	vpop (erf)  }
0x303: {  	[tilespmem:v38+s18+$0x0] =	vst.idx.msk $0xffff, v13  }
0x304: {  	v13 =	vld.idx.msk [tilespmem:v39+s2+$0x0], $0xffff  }
0x305: {  	v14 =	vld.idx.msk [tilespmem:v14+s19+$0x0], $0xffff;
	_ =	sdelay $0x4  }
0x306: {  	v13 =	vadd.f32 v14, v13;
	_ =	sdelay $0x1  }
0x307: {  	v14 =	vmul.f32 $2.000000030e-01, v13  }
0x308: {  	vm15 =	vgt.f32 v13, $0.0e+00  }
0x309: {  	v13 =	vsel vm15, v13, v14  }
0x30a: {  	v13 =	vmul.f32 $1.442695020e+00, v13;
	_ =	sdelay $0x1  }
0x30b: {  	(erf) = vpow2.f32 v13;
	_ =	sdelay $0x3  }
0x30c: {  	v14 =	vld [tilespmem:$0x1FF20];
	_ =	sdelay $0x4  }
0x30d: {  	v13 =	vpop (erf)  }
0x30e: {  	[tilespmem:v39+s18+$0x0] =	vst.idx.msk $0xffff, v13  }
0x30f: {  	v13 =	vld.idx.msk [tilespmem:v6+s2+$0x0], $0xffff  }
0x310: {  	v14 =	vld.idx.msk [tilespmem:v14+s19+$0x0], $0xffff;
	_ =	sdelay $0x4  }
0x311: {  	v13 =	vadd.f32 v14, v13;
	_ =	sdelay $0x1  }
0x312: {  	v14 =	vmul.f32 $2.000000030e-01, v13  }
0x313: {  	vm4 =	vgt.f32 v13, $0.0e+00  }
0x314: {  	v13 =	vsel vm4, v13, v14  }
0x315: {  	v13 =	vmul.f32 $1.442695020e+00, v13;
	_ =	sdelay $0x1  }
0x316: {  	(erf) = vpow2.f32 v13;
	_ =	sdelay $0x3  }
0x317: {  	v14 =	vld [tilespmem:$0x1FF30];
	_ =	sdelay $0x4  }
0x318: {  	v13 =	vpop (erf)  }
0x319: {  	[tilespmem:v6+s18+$0x0] =	vst.idx.msk $0xffff, v13  }
0x31a: {  	v13 =	vld.idx.msk [tilespmem:v40+s2+$0x0], $0xffff  }
0x31b: {  	v14 =	vld.idx.msk [tilespmem:v14+s19+$0x0], $0xffff;
	_ =	sdelay $0x4  }
0x31c: {  	v13 =	vadd.f32 v14, v13;
	_ =	sdelay $0x1  }
0x31d: {  	v14 =	vmul.f32 $2.000000030e-01, v13  }
0x31e: {  	vm5 =	vgt.f32 v13, $0.0e+00  }
0x31f: {  	v13 =	vsel vm5, v13, v14  }
0x320: {  	v13 =	vmul.f32 $1.442695020e+00, v13;
	_ =	sdelay $0x1  }
0x321: {  	(erf) = vpow2.f32 v13;
	_ =	sdelay $0x3  }
0x322: {  	v14 =	vld [tilespmem:$0x1FF40];
	_ =	sdelay $0x4  }
0x323: {  	v13 =	vpop (erf)  }
0x324: {  	[tilespmem:v40+s18+$0x0] =	vst.idx.msk $0xffff, v13  }
0x325: {  	v13 =	vld.idx.msk [tilespmem:v41+s2+$0x0], $0xffff  }
0x326: {  	v14 =	vld.idx.msk [tilespmem:v14+s19+$0x0], $0xffff;
	_ =	sdelay $0x4  }
0x327: {  	v13 =	vadd.f32 v14, v13;
	_ =	sdelay $0x1  }
0x328: {  	v14 =	vmul.f32 $2.000000030e-01, v13  }
0x329: {  	vm6 =	vgt.f32 v13, $0.0e+00  }
0x32a: {  	v13 =	vsel vm6, v13, v14  }
0x32b: {  	v13 =	vmul.f32 $1.442695020e+00, v13;
	_ =	sdelay $0x1  }
0x32c: {  	(erf) = vpow2.f32 v13;
	_ =	sdelay $0x3  }
0x32d: {  	v14 =	vld [tilespmem:$0x1FF50];
	_ =	sdelay $0x4  }
0x32e: {  	v13 =	vpop (erf)  }
0x32f: {  	[tilespmem:v41+s18+$0x0] =	vst.idx.msk $0xffff, v13  }
0x330: {  	v13 =	vld.idx.msk [tilespmem:v42+s2+$0x0], $0xffff  }
0x331: {  	v14 =	vld.idx.msk [tilespmem:v14+s19+$0x0], $0xffff;
	_ =	sdelay $0x4  }
0x332: {  	v13 =	vadd.f32 v14, v13;
	_ =	sdelay $0x1  }
0x333: {  	v14 =	vmul.f32 $2.000000030e-01, v13  }
0x334: {  	vm7 =	vgt.f32 v13, $0.0e+00  }
0x335: {  	v13 =	vsel vm7, v13, v14  }
0x336: {  	v13 =	vmul.f32 $1.442695020e+00, v13;
	_ =	sdelay $0x1  }
0x337: {  	(erf) = vpow2.f32 v13;
	_ =	sdelay $0x3  }
0x338: {  	v14 =	vld [tilespmem:$0x1FF60];
	_ =	sdelay $0x4  }
0x339: {  	v13 =	vpop (erf)  }
0x33a: {  	[tilespmem:v42+s18+$0x0] =	vst.idx.msk $0xffff, v13  }
0x33b: {  	v13 =	vld.idx.msk [tilespmem:v7+s2+$0x0], $0xffff  }
0x33c: {  	v14 =	vld.idx.msk [tilespmem:v14+s19+$0x0], $0xffff;
	_ =	sdelay $0x4  }
0x33d: {  	v13 =	vadd.f32 v14, v13;
	_ =	sdelay $0x1  }
0x33e: {  	v14 =	vmul.f32 $2.000000030e-01, v13  }
0x33f: {  	vm8 =	vgt.f32 v13, $0.0e+00  }
0x340: {  	v13 =	vsel vm8, v13, v14  }
0x341: {  	v13 =	vmul.f32 $1.442695020e+00, v13;
	_ =	sdelay $0x1  }
0x342: {  	(erf) = vpow2.f32 v13;
	_ =	sdelay $0x3  }
0x343: {  	v14 =	vld [tilespmem:$0x1FF70];
	_ =	sdelay $0x4  }
0x344: {  	v13 =	vpop (erf)  }
0x345: {  	[tilespmem:v7+s18+$0x0] =	vst.idx.msk $0xffff, v13  }
0x346: {  	v13 =	vld.idx.msk [tilespmem:v43+s2+$0x0], $0xffff  }
0x347: {  	v14 =	vld.idx.msk [tilespmem:v14+s19+$0x0], $0xffff;
	_ =	sdelay $0x4  }
0x348: {  	v13 =	vadd.f32 v14, v13;
	_ =	sdelay $0x1  }
0x349: {  	v14 =	vmul.f32 $2.000000030e-01, v13  }
0x34a: {  	vm9 =	vgt.f32 v13, $0.0e+00  }
0x34b: {  	v13 =	vsel vm9, v13, v14  }
0x34c: {  	v13 =	vmul.f32 $1.442695020e+00, v13;
	_ =	sdelay $0x1  }
0x34d: {  	(erf) = vpow2.f32 v13;
	_ =	sdelay $0x3  }
0x34e: {  	v14 =	vld [tilespmem:$0x1FF80];
	_ =	sdelay $0x4  }
0x34f: {  	v13 =	vpop (erf)  }
0x350: {  	[tilespmem:v43+s18+$0x0] =	vst.idx.msk $0xffff, v13  }
0x351: {  	v13 =	vld.idx.msk [tilespmem:v44+s2+$0x0], $0xffff  }
0x352: {  	v14 =	vld.idx.msk [tilespmem:v14+s19+$0x0], $0xffff;
	_ =	sdelay $0x4  }
0x353: {  	v13 =	vadd.f32 v14, v13;
	_ =	sdelay $0x1  }
0x354: {  	v14 =	vmul.f32 $2.000000030e-01, v13  }
0x355: {  	vm10 =	vgt.f32 v13, $0.0e+00  }
0x356: {  	v13 =	vsel vm10, v13, v14  }
0x357: {  	v13 =	vmul.f32 $1.442695020e+00, v13;
	_ =	sdelay $0x1  }
0x358: {  	(erf) = vpow2.f32 v13;
	_ =	sdelay $0x3  }
0x359: {  	v14 =	vld [tilespmem:$0x1FF90];
	_ =	sdelay $0x4  }
0x35a: {  	v13 =	vpop (erf)  }
0x35b: {  	[tilespmem:v44+s18+$0x0] =	vst.idx.msk $0xffff, v13  }
0x35c: {  	v13 =	vld.idx.msk [tilespmem:v45+s2+$0x0], $0xffff  }
0x35d: {  	v14 =	vld.idx.msk [tilespmem:v14+s19+$0x0], $0xffff;
	_ =	sdelay $0x4  }
0x35e: {  	v13 =	vadd.f32 v14, v13;
	_ =	sdelay $0x1  }
0x35f: {  	v14 =	vmul.f32 $2.000000030e-01, v13  }
0x360: {  	vm11 =	vgt.f32 v13, $0.0e+00  }
0x361: {  	v13 =	vsel vm11, v13, v14  }
0x362: {  	v13 =	vmul.f32 $1.442695020e+00, v13;
	_ =	sdelay $0x1  }
0x363: {  	(erf) = vpow2.f32 v13;
	_ =	sdelay $0x3  }
0x364: {  	v14 =	vld [tilespmem:$0x1FFA0];
	_ =	sdelay $0x4  }
0x365: {  	v13 =	vpop (erf)  }
0x366: {  	[tilespmem:v45+s18+$0x0] =	vst.idx.msk $0xffff, v13  }
0x367: {  	v13 =	vld.idx.msk [tilespmem:v8+s2+$0x0], $0xffff  }
0x368: {  	v14 =	vld.idx.msk [tilespmem:v14+s19+$0x0], $0xffff;
	_ =	sdelay $0x4  }
0x369: {  	v13 =	vadd.f32 v14, v13;
	_ =	sdelay $0x1  }
0x36a: {  	v14 =	vmul.f32 $2.000000030e-01, v13  }
0x36b: {  	vm12 =	vgt.f32 v13, $0.0e+00  }
0x36c: {  	v13 =	vsel vm12, v13, v14  }
0x36d: {  	v13 =	vmul.f32 $1.442695020e+00, v13;
	_ =	sdelay $0x1  }
0x36e: {  	(erf) = vpow2.f32 v13;
	_ =	sdelay $0x3  }
0x36f: {  	v14 =	vld [tilespmem:$0x1FFB0];
	_ =	sdelay $0x4  }
0x370: {  	v13 =	vpop (erf)  }
0x371: {  	[tilespmem:v8+s18+$0x0] =	vst.idx.msk $0xffff, v13  }
0x372: {  	v13 =	vld.idx.msk [tilespmem:v46+s2+$0x0], $0xffff  }
0x373: {  	v14 =	vld.idx.msk [tilespmem:v14+s19+$0x0], $0xffff;
	_ =	sdelay $0x4  }
0x374: {  	v13 =	vadd.f32 v14, v13;
	_ =	sdelay $0x1  }
0x375: {  	v14 =	vmul.f32 $2.000000030e-01, v13  }
0x376: {  	vm13 =	vgt.f32 v13, $0.0e+00  }
0x377: {  	v13 =	vsel vm13, v13, v14  }
0x378: {  	v13 =	vmul.f32 $1.442695020e+00, v13;
	_ =	sdelay $0x1  }
0x379: {  	(erf) = vpow2.f32 v13;
	_ =	sdelay $0x3  }
0x37a: {  	v14 =	vld [tilespmem:$0x1FFC0];
	_ =	sdelay $0x4  }
0x37b: {  	v13 =	vpop (erf)  }
0x37c: {  	[tilespmem:v46+s18+$0x0] =	vst.idx.msk $0xffff, v13  }
0x37d: {  	v13 =	vld.idx.msk [tilespmem:v47+s2+$0x0], $0xffff  }
0x37e: {  	v14 =	vld.idx.msk [tilespmem:v14+s19+$0x0], $0xffff;
	_ =	sdelay $0x4  }
0x37f: {  	v13 =	vadd.f32 v14, v13;
	_ =	sdelay $0x1  }
0x380: {  	v14 =	vmul.f32 $2.000000030e-01, v13  }
0x381: {  	vm14 =	vgt.f32 v13, $0.0e+00  }
0x382: {  	v13 =	vsel vm14, v13, v14  }
0x383: {  	v13 =	vmul.f32 $1.442695020e+00, v13;
	_ =	sdelay $0x1  }
0x384: {  	(erf) = vpow2.f32 v13;
	_ =	sdelay $0x3  }
0x385: {  	v14 =	vld [tilespmem:$0x1FFD0];
	_ =	sdelay $0x4  }
0x386: {  	v13 =	vpop (erf)  }
0x387: {  	[tilespmem:v47+s18+$0x0] =	vst.idx.msk $0xffff, v13  }
0x388: {  	v13 =	vld.idx.msk [tilespmem:v48+s2+$0x0], $0xffff  }
0x389: {  	v14 =	vld.idx.msk [tilespmem:v14+s19+$0x0], $0xffff;
	_ =	sdelay $0x4  }
0x38a: {  	v13 =	vadd.f32 v14, v13;
	_ =	sdelay $0x1  }
0x38b: {  	v14 =	vmul.f32 $2.000000030e-01, v13  }
0x38c: {  	vm15 =	vgt.f32 v13, $0.0e+00  }
0x38d: {  	v13 =	vsel vm15, v13, v14  }
0x38e: {  	v13 =	vmul.f32 $1.442695020e+00, v13;
	_ =	sdelay $0x1  }
0x38f: {  	(erf) = vpow2.f32 v13  }
0x390: {  	s12 =	simm.s32 $0x0  }
0x391: {  	s29 =	simm.s32 $0x0;
	v13 =	vmov s12  }
0x392: {  	v14 =	vmov s29;
	v13 =	vand.u32 $0x7, v13  }
0x393: {  	v14 =	vand.u32 $0x7F, v14;
	v13 =	vbroadcast v13, $0x0  }
0x394: {  	v15 =	vbroadcast v14, $0x0  }
0x395: {  	v14 =	vor.u32 v1, v13  }
0x396: {  	s8 =	simm.s32 $0x0;
	v16 =	vor.u32 v3, v15  }
0x397: {  	v17 =	vmov s8;
	s29 =	simm.s32 $0x1  }
0x398: {  	v17 =	vand.u32 $0x7, v17;
	v18 =	vmov s29;
	v19 =	vpop (erf)  }
0x399: {  	v60 =	vbroadcast v17, $0x0;
	v18 =	vand.u32 $0x7F, v18;
	[tilespmem:v48+s18+$0x0] =	vst.idx.msk $0xffff, v19  }
0x39a: {  	v61 =	vbroadcast v18, $0x0;
	v14 =	vld.idx.msk [tilespmem:v14+s18+$0x0], $0xffff  }
0x39b: {  	v17 =	vor.u32 v1, v60;
	v18 =	vld.idx.msk [tilespmem:v16+s17+$0x0], $0xffff  }
0x39c: {  	v19 =	vor.u32 v3, v61;
	_ =	sdelay $0x1  }
0x39d: {  	s12 =	simm.s32 $0x0;
	v21 =	vor.u32 v9, v15  }
0x39e: {  	s7 =	simm.s32 $0x2;
	v20 =	vmov s12;
	v23 =	vor.u32 v5, v13  }
0x39f: {  	v22 =	vmov s7;
	v20 =	vand.u32 $0x7, v20;
	v17 =	vld.idx.msk [tilespmem:v17+s18+$0x0], $0xffff;
	v14 =	vmul.f32 v18, v14  }
0x3a0: {  	v52 =	vbroadcast v20, $0x0;
	v18 =	vand.u32 $0x7F, v22;
	v22 =	vld.idx.msk [tilespmem:v19+s17+$0x0], $0xffff  }
0x3a1: {  	v49 =	vbroadcast v18, $0x0;
	[tilespmem:v16+s17+$0x0] =	vst.idx.msk $0xffff, v14  }
0x3a2: {  	v14 =	vor.u32 v1, v52;
	v18 =	vld.idx.msk [tilespmem:v21+s17+$0x0], $0xffff  }
0x3a3: {  	v16 =	vor.u32 v3, v49;
	v20 =	vld.idx.msk [tilespmem:v23+s18+$0x0], $0xffff  }
0x3a4: {  	s8 =	simm.s32 $0x0;
	v53 =	vor.u32 v5, v60;
	s12 =	simm.s32 $0x3;
	v23 =	vor.u32 v9, v61  }
0x3a5: {  	v50 =	vmov s12;
	v17 =	vmul.f32 v22, v17;
	v22 =	vmov s8  }
0x3a6: {  	v51 =	vand.u32 $0x7F, v50;
	v55 =	vor.u32 v6, v13;
	v22 =	vand.u32 $0x7, v22  }
0x3a7: {  	v51 =	vbroadcast v51, $0x0;
	v14 =	vld.idx.msk [tilespmem:v14+s18+$0x0], $0xffff;
	v50 =	vbroadcast v22, $0x0;
	v22 =	vor.u32 v10, v15  }
0x3a8: {  	[tilespmem:v19+s17+$0x0] =	vst.idx.msk $0xffff, v17;
	v54 =	vld.idx.msk [tilespmem:v16+s17+$0x0], $0xffff;
	v18 =	vmul.f32 v18, v20  }
0x3a9: {  	v19 =	vor.u32 v3, v51;
	v20 =	vld.idx.msk [tilespmem:v23+s17+$0x0], $0xffff  }
0x3aa: {  	s7 =	simm.s32 $0x0;
	v56 =	vld.idx.msk [tilespmem:v53+s18+$0x0], $0xffff;
	v17 =	vor.u32 v1, v50;
	[tilespmem:v21+s17+$0x0] =	vst.idx.msk $0xffff, v18  }
0x3ab: {  	v27 =	vmov s7;
	v21 =	vor.u32 v9, v49;
	v55 =	vld.idx.msk [tilespmem:v55+s18+$0x0], $0xffff  }
0x3ac: {  	v63 =	vor.u32 v6, v60;
	v58 =	vor.u32 v10, v61;
	v57 =	vor.u32 v5, v52;
	s8 =	simm.s32 $0x4;
	v18 =	vld.idx.msk [tilespmem:v22+s17+$0x0], $0xffff  }
0x3ad: {  	v28 =	vmov s8;
	v53 =	vand.u32 $0x7, v27;
	v14 =	vmul.f32 v54, v14  }
0x3ae: {  	v29 =	vor.u32 v7, v13;
	v59 =	vand.u32 $0x7F, v28;
	v62 =	vld.idx.msk [tilespmem:v19+s17+$0x0], $0xffff;
	v54 =	vbroadcast v53, $0x0  }
0x3af: {  	v53 =	vbroadcast v59, $0x0;
	v17 =	vld.idx.msk [tilespmem:v17+s18+$0x0], $0xffff;
	[tilespmem:v16+s17+$0x0] =	vst.idx.msk $0xffff, v14;
	v14 =	vmul.f32 v20, v56  }
0x3b0: {  	v16 =	vor.u32 v1, v54;
	v20 =	vld.idx.msk [tilespmem:v21+s17+$0x0], $0xffff  }
0x3b1: {  	v24 =	vor.u32 v3, v53;
	v30 =	vld.idx.msk [tilespmem:v57+s18+$0x0], $0xffff;
	v18 =	vmul.f32 v18, v55;
	[tilespmem:v23+s17+$0x0] =	vst.idx.msk $0xffff, v14  }
0x3b2: {  	v23 =	vor.u32 v11, v15;
	v14 =	vld.idx.msk [tilespmem:v58+s17+$0x0], $0xffff  }
0x3b3: {  	s12 =	simm.s32 $0x0;
	v32 =	vor.u32 v5, v50;
	[tilespmem:v22+s17+$0x0] =	vst.idx.msk $0xffff, v18;
	v18 =	vld.idx.msk [tilespmem:v63+s18+$0x0], $0xffff  }
0x3b4: {  	v31 =	vmov s12;
	v22 =	vor.u32 v9, v51;
	v17 =	vmul.f32 v62, v17;
	v59 =	vld.idx.msk [tilespmem:v29+s18+$0x0], $0xffff  }
0x3b5: {  	s7 =	simm.s32 $0x5;
	v25 =	vor.u32 v10, v49;
	v56 =	vand.u32 $0x7, v31;
	v16 =	vld.idx.msk [tilespmem:v16+s18+$0x0], $0xffff  }
0x3b6: {  	v33 =	vmov s7;
	v56 =	vbroadcast v56, $0x0;
	v26 =	vld.idx.msk [tilespmem:v24+s17+$0x0], $0xffff;
	[tilespmem:v19+s17+$0x0] =	vst.idx.msk $0xffff, v17;
	v17 =	vor.u32 v6, v52  }
0x3b7: {  	v34 =	vor.u32 v7, v60;
	v62 =	vand.u32 $0x7F, v33;
	v19 =	vmul.f32 v20, v30;
	v27 =	vld.idx.msk [tilespmem:v23+s17+$0x0], $0xffff  }
0x3b8: {  	v55 =	vbroadcast v62, $0x0;
	v20 =	vor.u32 v1, v56;
	v29 =	vld.idx.msk [tilespmem:v32+s18+$0x0], $0xffff  }
0x3b9: {  	[tilespmem:v21+s17+$0x0] =	vst.idx.msk $0xffff, v19;
	v21 =	vor.u32 v11, v61;
	v18 =	vmul.f32 v14, v18;
	v28 =	vld.idx.msk [tilespmem:v22+s17+$0x0], $0xffff  }
0x3ba: {  	v19 =	vld.idx.msk [tilespmem:v25+s17+$0x0], $0xffff  }
0x3bb: {  	v57 =	vor.u32 v12, v15;
	v14 =	vor.u32 v3, v55;
	[tilespmem:v58+s17+$0x0] =	vst.idx.msk $0xffff, v18;
	v15 =	vld.idx.msk [tilespmem:v17+s18+$0x0], $0xffff  }
0x3bc: {  	v18 =	vld.idx.msk [tilespmem:v34+s18+$0x0], $0xffff  }
0x3bd: {  	v16 =	vmul.f32 v26, v16;
	v17 =	vmul.f32 v27, v59;
	v27 =	vld.idx.msk [tilespmem:v20+s18+$0x0], $0xffff  }
0x3be: {  	v13 =	vor.u32 v8, v13;
	s8 =	simm.s32 $0x6;
	v20 =	vld.idx.msk [tilespmem:v21+s17+$0x0], $0xffff  }
0x3bf: {  	s12 =	simm.s32 $0x0;
	v35 =	vmov s8;
	v63 =	vor.u32 v9, v53;
	[tilespmem:v24+s17+$0x0] =	vst.idx.msk $0xffff, v16  }
0x3c0: {  	v33 =	vmov s12;
	v16 =	vand.u32 $0x7F, v35;
	v35 =	vor.u32 v6, v50;
	[tilespmem:v23+s17+$0x0] =	vst.idx.msk $0xffff, v17;
	v23 =	vld.idx.msk [tilespmem:v14+s17+$0x0], $0xffff  }
0x3c1: {  	v62 =	vor.u32 v10, v51;
	v59 =	vbroadcast v16, $0x0;
	v17 =	vor.u32 v5, v54  }
0x3c2: {  	v28 =	vmul.f32 v28, v29;
	v15 =	vmul.f32 v19, v15;
	v19 =	vand.u32 $0x7, v33  }
0x3c3: {  	v30 =	vor.u32 v7, v52;
	v13 =	vld.idx.msk [tilespmem:v13+s18+$0x0], $0xffff;
	v58 =	vbroadcast v19, $0x0;
	v16 =	vmul.f32 v20, v18  }
0x3c4: {  	v34 =	vld.idx.msk [tilespmem:v57+s17+$0x0], $0xffff;
	[tilespmem:v22+s17+$0x0] =	vst.idx.msk $0xffff, v28;
	v22 =	vor.u32 v8, v60;
	v60 =	vor.u32 v12, v61  }
0x3c5: {  	v61 =	vld.idx.msk [tilespmem:v35+s18+$0x0], $0xffff;
	[tilespmem:v21+s17+$0x0] =	vst.idx.msk $0xffff, v16;
	v21 =	vmul.f32 v23, v27;
	v23 =	vor.u32 v1, v58  }
0x3c6: {  	v18 =	vld.idx.msk [tilespmem:v63+s17+$0x0], $0xffff;
	v20 =	vor.u32 v3, v59  }
0x3c7: {  	v19 =	vld.idx.msk [tilespmem:v17+s18+$0x0], $0xffff;
	v16 =	vor.u32 v11, v49  }
0x3c8: {  	[tilespmem:v25+s17+$0x0] =	vst.idx.msk $0xffff, v15;
	v17 =	vld.idx.msk [tilespmem:v62+s17+$0x0], $0xffff  }
0x3c9: {  	s15 =	simm.s32 $0x7;
	v15 =	vld.idx.msk [tilespmem:v30+s18+$0x0], $0xffff;
	v13 =	vmul.f32 v34, v13  }
.LBB2_4:
0x3ca: {  	s29 =	sshrl.u32 s15, $0x5;
	v24 =	vmov s15;
	p2 =	sne.s32 s15, $0x7F;
	s15 =	sadd.s32 $0x1, s15;
	v25 =	vld.idx.msk [tilespmem:v23+s18+$0x0], $0xffff;
	v26 =	vmovc v59;
	v27 =	vmovc v52;
	v52 =	vmov v50;
	v50 =	vmov v54  }
0x3cb: {  	v29 =	vor.u32 v9, v55;
	v54 =	vmovc v56;
	v23 =	vmov s29;
	v24 =	vand.u32 $0x7F, v24;
	v28 =	vld.idx.msk [tilespmem:v20+s17+$0x0], $0xffff;
	[tilespmem:v57+s17+$0x0] =	vst.idx.msk $0xffff, v13  }
0x3cc: {  	v56 =	vmovc v58;
	v31 =	vmovc v62;
	v13 =	vand.u32 $0x7, v23;
	v59 =	vbroadcast v24, $0x0;
	v24 =	vor.u32 v5, v54;
	v30 =	vld.idx.msk [tilespmem:v16+s17+$0x0], $0xffff  }
0x3cd: {  	v62 =	vor.u32 v10, v53;
	v33 =	vmovc v16;
	v58 =	vbroadcast v13, $0x0;
	v13 =	vor.u32 v7, v52;
	v32 =	vld.idx.msk [tilespmem:v22+s18+$0x0], $0xffff  }
0x3ce: {  	v34 =	vor.u32 v6, v50;
	v16 =	vor.u32 v3, v59;
	[tilespmem:v14+s17+$0x0] =	vst.idx.msk $0xffff, v21;
	v35 =	vld.idx.msk [tilespmem:v60+s17+$0x0], $0xffff  }
0x3cf: {  	v21 =	vmul.f32 v18, v19;
	v22 =	vmul.f32 v17, v61;
	v14 =	vmovc v20;
	v23 =	vor.u32 v1, v58  }
.Ltmp10:
0x3d0: {  	v57 =	vmov v60;
	v20 =	vmov v16;
	v18 =	vld.idx.msk [tilespmem:v29+s17+$0x0], $0xffff;
	(pc) =	sbr.rel @p2 .LBB2_4-.Ltmp10, $4  }
0x3d1: {  	v16 =	vor.u32 v11, v51;
	v19 =	vld.idx.msk [tilespmem:v24+s18+$0x0], $0xffff;
	[tilespmem:v63+s17+$0x0] =	vst.idx.msk $0xffff, v21;
	v63 =	vmov v29  }
0x3d2: {  	v21 =	vmul.f32 v28, v25;
	v24 =	vmul.f32 v30, v15;
	v17 =	vld.idx.msk [tilespmem:v62+s17+$0x0], $0xffff;
	[tilespmem:v31+s17+$0x0] =	vst.idx.msk $0xffff, v22  }
0x3d3: {  	v60 =	vor.u32 v12, v49;
	v49 =	vmovc v51;
	v51 =	vmov v53;
	v22 =	vor.u32 v8, v27;
	v15 =	vld.idx.msk [tilespmem:v13+s18+$0x0], $0xffff  }
0x3d4: {  	v53 =	vmov v55;
	v55 =	vmov v26;
	v13 =	vmul.f32 v35, v32;
	v61 =	vld.idx.msk [tilespmem:v34+s18+$0x0], $0xffff;
	[tilespmem:v33+s17+$0x0] =	vst.idx.msk $0xffff, v24  }
0x3d5: {  	_ =	sdelay $0x3  }
0x3d6: {  	v23 =	vld.idx.msk [tilespmem:v23+s18+$0x0], $0xffff  }
0x3d7: {  	v24 =	vld.idx.msk [tilespmem:v20+s17+$0x0], $0xffff  }
0x3d8: {  	v25 =	vor.u32 v9, v55  }
0x3d9: {  	v26 =	vor.u32 v5, v56  }
0x3da: {  	v27 =	vor.u32 v9, v59  }
0x3db: {  	v28 =	vor.u32 v5, v58  }
0x3dc: {  	[tilespmem:v14+s17+$0x0] =	vst.idx.msk $0xffff, v21;
	v14 =	vmul.f32 v24, v23  }
0x3dd: {  	v34 =	vor.u32 v6, v54;
	v21 =	vld.idx.msk [tilespmem:v25+s17+$0x0], $0xffff  }
0x3de: {  	v23 =	vld.idx.msk [tilespmem:v26+s18+$0x0], $0xffff;
	[tilespmem:v20+s17+$0x0] =	vst.idx.msk $0xffff, v14  }
0x3df: {  	v18 =	vmul.f32 v18, v19;
	v14 =	vor.u32 v10, v53;
	v20 =	vld.idx.msk [tilespmem:v27+s17+$0x0], $0xffff  }
0x3e0: {  	v35 =	vld.idx.msk [tilespmem:v28+s18+$0x0], $0xffff  }
0x3e1: {  	v22 =	vld.idx.msk [tilespmem:v22+s18+$0x0], $0xffff;
	v19 =	vor.u32 v10, v55;
	[tilespmem:v63+s17+$0x0] =	vst.idx.msk $0xffff, v18  }
0x3e2: {  	v29 =	vor.u32 v6, v56;
	v24 =	vld.idx.msk [tilespmem:v34+s18+$0x0], $0xffff  }
0x3e3: {  	v28 =	vld.idx.msk [tilespmem:v16+s17+$0x0], $0xffff;
	v18 =	vmul.f32 v21, v23;
	v21 =	vor.u32 v10, v59  }
0x3e4: {  	v31 =	vor.u32 v6, v58;
	v23 =	vld.idx.msk [tilespmem:v14+s17+$0x0], $0xffff  }
0x3e5: {  	v30 =	vld.idx.msk [tilespmem:v60+s17+$0x0], $0xffff;
	[tilespmem:v25+s17+$0x0] =	vst.idx.msk $0xffff, v18;
	v18 =	vor.u32 v7, v50;
	v20 =	vmul.f32 v20, v35  }
0x3e6: {  	v17 =	vmul.f32 v17, v61;
	v25 =	vor.u32 v11, v51;
	v26 =	vld.idx.msk [tilespmem:v19+s17+$0x0], $0xffff  }
0x3e7: {  	v29 =	vld.idx.msk [tilespmem:v29+s18+$0x0], $0xffff;
	[tilespmem:v27+s17+$0x0] =	vst.idx.msk $0xffff, v20;
	v20 =	vor.u32 v7, v54  }
0x3e8: {  	[tilespmem:v62+s17+$0x0] =	vst.idx.msk $0xffff, v17;
	v17 =	vor.u32 v11, v53;
	v15 =	vmul.f32 v28, v15;
	v27 =	vld.idx.msk [tilespmem:v21+s17+$0x0], $0xffff  }
0x3e9: {  	v32 =	vor.u32 v8, v52;
	v62 =	vld.idx.msk [tilespmem:v31+s18+$0x0], $0xffff;
	v23 =	vmul.f32 v23, v24  }
0x3ea: {  	v63 =	vor.u32 v7, v56;
	[tilespmem:v16+s17+$0x0] =	vst.idx.msk $0xffff, v15;
	v18 =	vld.idx.msk [tilespmem:v18+s18+$0x0], $0xffff  }
0x3eb: {  	v16 =	vor.u32 v11, v55;
	v15 =	vld.idx.msk [tilespmem:v25+s17+$0x0], $0xffff;
	[tilespmem:v14+s17+$0x0] =	vst.idx.msk $0xffff, v23  }
0x3ec: {  	v14 =	vmul.f32 v26, v29;
	v23 =	vor.u32 v7, v58;
	v20 =	vld.idx.msk [tilespmem:v20+s18+$0x0], $0xffff  }
0x3ed: {  	v26 =	vor.u32 v11, v59;
	v29 =	vor.u32 v12, v49;
	v49 =	vld.idx.msk [tilespmem:v17+s17+$0x0], $0xffff  }
0x3ee: {  	v31 =	vld.idx.msk [tilespmem:v32+s18+$0x0], $0xffff;
	[tilespmem:v19+s17+$0x0] =	vst.idx.msk $0xffff, v14;
	v14 =	vmul.f32 v27, v62  }
0x3ef: {  	v19 =	vor.u32 v8, v50;
	v24 =	vld.idx.msk [tilespmem:v63+s18+$0x0], $0xffff  }
0x3f0: {  	v52 =	vld.idx.msk [tilespmem:v16+s17+$0x0], $0xffff;
	[tilespmem:v21+s17+$0x0] =	vst.idx.msk $0xffff, v14;
	v14 =	vmul.f32 v15, v18;
	v15 =	vor.u32 v8, v54  }
0x3f1: {  	v21 =	vor.u32 v12, v53;
	v18 =	vld.idx.msk [tilespmem:v23+s18+$0x0], $0xffff  }
0x3f2: {  	v51 =	vor.u32 v12, v51;
	v23 =	vld.idx.msk [tilespmem:v26+s17+$0x0], $0xffff;
	[tilespmem:v25+s17+$0x0] =	vst.idx.msk $0xffff, v14;
	v14 =	vmul.f32 v49, v20  }
0x3f3: {  	v33 =	vld.idx.msk [tilespmem:v29+s17+$0x0], $0xffff;
	v20 =	vor.u32 v8, v56  }
0x3f4: {  	v56 =	vor.u32 v12, v55;
	v19 =	vld.idx.msk [tilespmem:v19+s18+$0x0], $0xffff;
	[tilespmem:v17+s17+$0x0] =	vst.idx.msk $0xffff, v14  }
0x3f5: {  	v14 =	vmul.f32 v52, v24;
	v17 =	vor.u32 v8, v58;
	v15 =	vld.idx.msk [tilespmem:v15+s18+$0x0], $0xffff  }
0x3f6: {  	v62 =	vor.u32 v12, v59;
	v63 =	vld.idx.msk [tilespmem:v21+s17+$0x0], $0xffff  }
0x3f7: {  	v61 =	vld.idx.msk [tilespmem:v51+s17+$0x0], $0xffff;
	[tilespmem:v16+s17+$0x0] =	vst.idx.msk $0xffff, v14;
	v14 =	vmul.f32 v23, v18  }
0x3f8: {  	[tilespmem:v57+s17+$0x0] =	vst.idx.msk $0xffff, v13;
	v16 =	vld.idx.msk [tilespmem:v20+s18+$0x0], $0xffff  }
0x3f9: {  	v13 =	vmul.f32 v33, v31;
	v18 =	vld.idx.msk [tilespmem:v56+s17+$0x0], $0xffff;
	[tilespmem:v26+s17+$0x0] =	vst.idx.msk $0xffff, v14  }
0x3fa: {  	v14 =	vld.idx.msk [tilespmem:v17+s18+$0x0], $0xffff;
	v17 =	vmul.f32 v30, v22  }
0x3fb: {  	[tilespmem:v29+s17+$0x0] =	vst.idx.msk $0xffff, v13;
	v20 =	vld.idx.msk [tilespmem:v62+s17+$0x0], $0xffff;
	v13 =	vmul.f32 v63, v15  }
0x3fc: {  	[tilespmem:v60+s17+$0x0] =	vst.idx.msk $0xffff, v17;
	v17 =	vmul.f32 v61, v19  }
0x3fd: {  	[tilespmem:v21+s17+$0x0] =	vst.idx.msk $0xffff, v13  }
0x3fe: {  	s29 =	smul.u32 $0xA0, s10;
	[tilespmem:v51+s17+$0x0] =	vst.idx.msk $0xffff, v17  }
0x3ff: {  	v15 =	vmul.f32 v18, v16;
	s7 =	rddreg [dreg:$0x12]  }
0x400: {  	v13 =	vmul.f32 v20, v14;
	s15 =	sadd.s32 s29, s7  }
0x401: {  	s8 =	rddreg [dreg:$0x0];
	[tilespmem:v56+s17+$0x0] =	vst.idx.msk $0xffff, v15;
	s7 =	sshrl.u32 s15, $0x3  }
0x402: {  	s12 =	simm.s32 $0x1F680;
	[tilespmem:v62+s17+$0x0] =	vst.idx.msk $0xffff, v13;
	s15 =	simm.s32 $0x0;
	s8 =	sadd.s32 s8, s7  }
0x403: {  	[tilespmem:s12], [sflag:$0x1] =	stream.linear.gather [hbm4b:s8+s15], $0x50, $0x38;
	[tilespmem:$0x1F860] =	vst v63  }
0x404: {  	s8 =	rddreg [dreg:$0x6]  }
0x405: {  	s7 =	sadd.s32 s8, s7  }
0x406: {  	[tilespmem:s14], [sflag:$0x1] =	stream.linear.gather [hbm4b:s7+s15], $0x50, $0x38;
	[tilespmem:$0x1F860] =	vst v63  }
0x407: {  	s8 =	rddreg [dreg:$0x2]  }
0x408: {  	[spmem:s8] =	stream.indirect.scatter.add.f32 [tilespmem:s17], [sflag:$0x5], $0x80, s24, s23, $0xb8;
	[tilespmem:$0x1F860] =	vst v63  }
0x409: {  	_ = 	snop  }
0x40a: {  	[spmem:s3] =	stream.indirect.scatter.add.f32 [tilespmem:s18], [sflag:$0x5], $0x8, s24, s23, $0xb8;
	[tilespmem:$0x1F860] =	vst v63  }
0x40b: {  	_ =	swait.ge [sflag:s28], $0x2800  }
0x40c: {  	[sflag:s28] =	ssyncset.done $0x0  }
0x40d: {  	[sflag:s28] =	ssyncadd.s32 $0xFFFFD800  }
0x40e: {  	_ =	swait.ge [sflag:s28], $0x280  }
0x40f: {  	[sflag:s28] =	ssyncset.done $0x0  }
0x410: {  	[sflag:s28] =	ssyncadd.s32 $0xFFFFFD80  }
0x411: {  	_ =	swait.ge [sflag:s22], $0x50  }
0x412: {  	[sflag:s22] =	ssyncset.done $0x0  }
0x413: {  	[sflag:s22] =	ssyncadd.s32 $0xFFFFFFB0  }
0x414: {  	_ =	swait.ge [sflag:s22], $0x50  }
0x415: {  	[sflag:s22] =	ssyncset.done $0x0  }
0x416: {  	s8 =	rddreg [dreg:$0x8];
	[sflag:s22] =	ssyncadd.s32 $0xFFFFFFB0  }
0x417: {  	[tilespmem:s17], [sflag:$0x3] =	stream.indirect.gather [hbm4b:s8+s23], $0x80, s12, s23, $0xb8;
	[tilespmem:$0x1F860] =	vst v63  }
0x418: {  	s8 =	rddreg [dreg:$0x7]  }
0x419: {  	[tilespmem:s2], [sflag:$0x3] =	stream.indirect.gather [hbm4b:s8+s23], $0x8, s12, s23, $0xb8;
	[tilespmem:$0x1F860] =	vst v63  }
0x41a: {  	_ = 	snop  }
0x41b: {  	[tilespmem:s19], [sflag:$0x3] =	stream.indirect.gather [hbm4b:s8+s23], $0x8, s14, s23, $0xb8;
	[tilespmem:$0x1F860] =	vst v63  }
0x41c: {  	_ =	swait.ge [sflag:s4], $0x2800  }
0x41d: {  	[sflag:s4] =	ssyncset.done $0x0  }
0x41e: {  	[sflag:s4] =	ssyncadd.s32 $0xFFFFD800  }
0x41f: {  	_ =	swait.ge [sflag:s4], $0x280  }
0x420: {  	[sflag:s4] =	ssyncset.done $0x0  }
0x421: {  	[sflag:s4] =	ssyncadd.s32 $0xFFFFFD80  }
0x422: {  	_ =	swait.ge [sflag:s4], $0x280  }
0x423: {  	[sflag:s4] =	ssyncset.done $0x0  }
0x424: {  	[sflag:s4] =	ssyncadd.s32 $0xFFFFFD80  }
0x425: {  	v14 =	vld [tilespmem:$0x1F780];
	_ =	sdelay $0x1  }
0x426: {  	v13 =	vld [tilespmem:$0x1F770]  }
0x427: {  	v15 =	vld [tilespmem:$0x1F790]  }
0x428: {  	v16 =	vld [tilespmem:$0x1F7A0]  }
0x429: {  	[tilespmem:$0x1F820] =	vst v14;
	v14 =	vld [tilespmem:$0x1FEA0]  }
0x42a: {  	v17 =	vld [tilespmem:$0x1F7B0];
	_ =	sdelay $0x1  }
0x42b: {  	[tilespmem:$0x1F810] =	vst v13  }
0x42c: {  	[tilespmem:$0x1F830] =	vst v15  }
0x42d: {  	[tilespmem:$0x1F840] =	vst v16  }
0x42e: {  	[tilespmem:$0x1F850] =	vst v17  }
0x42f: {  	v13 =	vld.idx.msk [tilespmem:v1+s20+$0x0], $0xffff  }
0x430: {  	v14 =	vld.idx.msk [tilespmem:v14+s9+$0x0], $0xffff;
	_ =	sdelay $0x4  }
0x431: {  	v13 =	vadd.f32 v14, v13;
	_ =	sdelay $0x1  }
0x432: {  	v14 =	vmul.f32 $2.000000030e-01, v13  }
0x433: {  	vm0 =	vgt.f32 v13, $0.0e+00  }
0x434: {  	v13 =	vsel vm0, v13, v14  }
0x435: {  	v13 =	vmul.f32 $1.442695020e+00, v13;
	_ =	sdelay $0x1  }
0x436: {  	(erf) = vpow2.f32 v13;
	_ =	sdelay $0x2  }
0x437: {  	v15 =	vld [tilespmem:$0x1FFE0]  }
0x438: {  	v14 =	vld [tilespmem:$0x1FEB0];
	_ =	sdelay $0x4  }
0x439: {  	v13 =	vpop (erf)  }
0x43a: {  	[tilespmem:v1+s1+$0x0] =	vst.idx.msk $0xffff, v13  }
0x43b: {  	v13 =	vld.idx.msk [tilespmem:v15+s20+$0x0], $0xffff  }
0x43c: {  	v14 =	vld.idx.msk [tilespmem:v14+s9+$0x0], $0xffff;
	_ =	sdelay $0x4  }
0x43d: {  	v13 =	vadd.f32 v14, v13;
	_ =	sdelay $0x1  }
0x43e: {  	v14 =	vmul.f32 $2.000000030e-01, v13  }
0x43f: {  	vm9 =	vgt.f32 v13, $0.0e+00  }
0x440: {  	v13 =	vsel vm9, v13, v14  }
0x441: {  	v13 =	vmul.f32 $1.442695020e+00, v13;
	_ =	sdelay $0x1  }
0x442: {  	(erf) = vpow2.f32 v13;
	_ =	sdelay $0x8  }
0x443: {  	v14 =	vld [tilespmem:$0x1FEC0];
	v13 =	vpop (erf)  }
0x444: {  	[tilespmem:v15+s1+$0x0] =	vst.idx.msk $0xffff, v13;
	v15 =	vld [tilespmem:$0x1FFF0];
	_ =	sdelay $0x6  }
0x445: {  	v14 =	vld.idx.msk [tilespmem:v14+s9+$0x0], $0xffff  }
0x446: {  	v13 =	vld.idx.msk [tilespmem:v15+s20+$0x0], $0xffff;
	_ =	sdelay $0x4  }
0x447: {  	v13 =	vadd.f32 v14, v13;
	_ =	sdelay $0x1  }
0x448: {  	v14 =	vmul.f32 $2.000000030e-01, v13  }
0x449: {  	vm10 =	vgt.f32 v13, $0.0e+00  }
0x44a: {  	v13 =	vsel vm10, v13, v14  }
0x44b: {  	v13 =	vmul.f32 $1.442695020e+00, v13;
	_ =	sdelay $0x1  }
0x44c: {  	(erf) = vpow2.f32 v13;
	_ =	sdelay $0x3  }
0x44d: {  	v14 =	vld [tilespmem:$0x1FED0];
	_ =	sdelay $0x4  }
0x44e: {  	v13 =	vpop (erf)  }
0x44f: {  	[tilespmem:v15+s1+$0x0] =	vst.idx.msk $0xffff, v13  }
0x450: {  	v13 =	vld.idx.msk [tilespmem:v36+s20+$0x0], $0xffff  }
0x451: {  	v14 =	vld.idx.msk [tilespmem:v14+s9+$0x0], $0xffff;
	_ =	sdelay $0x4  }
0x452: {  	v13 =	vadd.f32 v14, v13;
	_ =	sdelay $0x1  }
0x453: {  	v14 =	vmul.f32 $2.000000030e-01, v13  }
0x454: {  	vm11 =	vgt.f32 v13, $0.0e+00  }
0x455: {  	v13 =	vsel vm11, v13, v14  }
0x456: {  	v13 =	vmul.f32 $1.442695020e+00, v13;
	_ =	sdelay $0x1  }
0x457: {  	(erf) = vpow2.f32 v13;
	_ =	sdelay $0x3  }
0x458: {  	v14 =	vld [tilespmem:$0x1FEE0];
	_ =	sdelay $0x4  }
0x459: {  	v13 =	vpop (erf)  }
0x45a: {  	[tilespmem:v36+s1+$0x0] =	vst.idx.msk $0xffff, v13  }
0x45b: {  	v13 =	vld.idx.msk [tilespmem:v5+s20+$0x0], $0xffff  }
0x45c: {  	v14 =	vld.idx.msk [tilespmem:v14+s9+$0x0], $0xffff;
	_ =	sdelay $0x4  }
0x45d: {  	v13 =	vadd.f32 v14, v13;
	_ =	sdelay $0x1  }
0x45e: {  	v14 =	vmul.f32 $2.000000030e-01, v13  }
0x45f: {  	vm12 =	vgt.f32 v13, $0.0e+00  }
0x460: {  	v13 =	vsel vm12, v13, v14  }
0x461: {  	v13 =	vmul.f32 $1.442695020e+00, v13;
	_ =	sdelay $0x1  }
0x462: {  	(erf) = vpow2.f32 v13;
	_ =	sdelay $0x3  }
0x463: {  	v14 =	vld [tilespmem:$0x1FEF0];
	_ =	sdelay $0x4  }
0x464: {  	v13 =	vpop (erf)  }
0x465: {  	[tilespmem:v5+s1+$0x0] =	vst.idx.msk $0xffff, v13  }
0x466: {  	v13 =	vld.idx.msk [tilespmem:v37+s20+$0x0], $0xffff  }
0x467: {  	v14 =	vld.idx.msk [tilespmem:v14+s9+$0x0], $0xffff;
	_ =	sdelay $0x4  }
0x468: {  	v13 =	vadd.f32 v14, v13;
	_ =	sdelay $0x1  }
0x469: {  	v14 =	vmul.f32 $2.000000030e-01, v13  }
0x46a: {  	vm13 =	vgt.f32 v13, $0.0e+00  }
0x46b: {  	v13 =	vsel vm13, v13, v14  }
0x46c: {  	v13 =	vmul.f32 $1.442695020e+00, v13;
	_ =	sdelay $0x1  }
0x46d: {  	(erf) = vpow2.f32 v13;
	_ =	sdelay $0x3  }
0x46e: {  	v14 =	vld [tilespmem:$0x1FF00];
	_ =	sdelay $0x4  }
0x46f: {  	v13 =	vpop (erf)  }
0x470: {  	[tilespmem:v37+s1+$0x0] =	vst.idx.msk $0xffff, v13  }
0x471: {  	v13 =	vld.idx.msk [tilespmem:v38+s20+$0x0], $0xffff  }
0x472: {  	v14 =	vld.idx.msk [tilespmem:v14+s9+$0x0], $0xffff;
	_ =	sdelay $0x4  }
0x473: {  	v13 =	vadd.f32 v14, v13;
	_ =	sdelay $0x1  }
0x474: {  	v14 =	vmul.f32 $2.000000030e-01, v13  }
0x475: {  	vm14 =	vgt.f32 v13, $0.0e+00  }
0x476: {  	v13 =	vsel vm14, v13, v14  }
0x477: {  	v13 =	vmul.f32 $1.442695020e+00, v13;
	_ =	sdelay $0x1  }
0x478: {  	(erf) = vpow2.f32 v13;
	_ =	sdelay $0x3  }
0x479: {  	v14 =	vld [tilespmem:$0x1FF10];
	_ =	sdelay $0x4  }
0x47a: {  	v13 =	vpop (erf)  }
0x47b: {  	[tilespmem:v38+s1+$0x0] =	vst.idx.msk $0xffff, v13  }
0x47c: {  	v13 =	vld.idx.msk [tilespmem:v39+s20+$0x0], $0xffff  }
0x47d: {  	v14 =	vld.idx.msk [tilespmem:v14+s9+$0x0], $0xffff;
	_ =	sdelay $0x4  }
0x47e: {  	v13 =	vadd.f32 v14, v13;
	_ =	sdelay $0x1  }
0x47f: {  	v14 =	vmul.f32 $2.000000030e-01, v13  }
0x480: {  	vm15 =	vgt.f32 v13, $0.0e+00  }
0x481: {  	v13 =	vsel vm15, v13, v14  }
0x482: {  	v13 =	vmul.f32 $1.442695020e+00, v13;
	_ =	sdelay $0x1  }
0x483: {  	(erf) = vpow2.f32 v13;
	_ =	sdelay $0x3  }
0x484: {  	v14 =	vld [tilespmem:$0x1FF20];
	_ =	sdelay $0x4  }
0x485: {  	v13 =	vpop (erf)  }
0x486: {  	[tilespmem:v39+s1+$0x0] =	vst.idx.msk $0xffff, v13  }
0x487: {  	v13 =	vld.idx.msk [tilespmem:v6+s20+$0x0], $0xffff  }
0x488: {  	v14 =	vld.idx.msk [tilespmem:v14+s9+$0x0], $0xffff;
	_ =	sdelay $0x4  }
0x489: {  	v13 =	vadd.f32 v14, v13;
	_ =	sdelay $0x1  }
0x48a: {  	v14 =	vmul.f32 $2.000000030e-01, v13  }
0x48b: {  	vm4 =	vgt.f32 v13, $0.0e+00  }
0x48c: {  	v13 =	vsel vm4, v13, v14  }
0x48d: {  	v13 =	vmul.f32 $1.442695020e+00, v13;
	_ =	sdelay $0x1  }
0x48e: {  	(erf) = vpow2.f32 v13;
	_ =	sdelay $0x3  }
0x48f: {  	v14 =	vld [tilespmem:$0x1FF30];
	_ =	sdelay $0x4  }
0x490: {  	v13 =	vpop (erf)  }
0x491: {  	[tilespmem:v6+s1+$0x0] =	vst.idx.msk $0xffff, v13  }
0x492: {  	v13 =	vld.idx.msk [tilespmem:v40+s20+$0x0], $0xffff  }
0x493: {  	v14 =	vld.idx.msk [tilespmem:v14+s9+$0x0], $0xffff;
	_ =	sdelay $0x4  }
0x494: {  	v13 =	vadd.f32 v14, v13;
	_ =	sdelay $0x1  }
0x495: {  	v14 =	vmul.f32 $2.000000030e-01, v13  }
0x496: {  	vm5 =	vgt.f32 v13, $0.0e+00  }
0x497: {  	v13 =	vsel vm5, v13, v14  }
0x498: {  	v13 =	vmul.f32 $1.442695020e+00, v13;
	_ =	sdelay $0x1  }
0x499: {  	(erf) = vpow2.f32 v13;
	_ =	sdelay $0x3  }
0x49a: {  	v14 =	vld [tilespmem:$0x1FF40];
	_ =	sdelay $0x4  }
0x49b: {  	v13 =	vpop (erf)  }
0x49c: {  	[tilespmem:v40+s1+$0x0] =	vst.idx.msk $0xffff, v13  }
0x49d: {  	v13 =	vld.idx.msk [tilespmem:v41+s20+$0x0], $0xffff  }
0x49e: {  	v14 =	vld.idx.msk [tilespmem:v14+s9+$0x0], $0xffff;
	_ =	sdelay $0x4  }
0x49f: {  	v13 =	vadd.f32 v14, v13;
	_ =	sdelay $0x1  }
0x4a0: {  	v14 =	vmul.f32 $2.000000030e-01, v13  }
0x4a1: {  	vm6 =	vgt.f32 v13, $0.0e+00  }
0x4a2: {  	v13 =	vsel vm6, v13, v14  }
0x4a3: {  	v13 =	vmul.f32 $1.442695020e+00, v13;
	_ =	sdelay $0x1  }
0x4a4: {  	(erf) = vpow2.f32 v13;
	_ =	sdelay $0x3  }
0x4a5: {  	v14 =	vld [tilespmem:$0x1FF50];
	_ =	sdelay $0x4  }
0x4a6: {  	v13 =	vpop (erf)  }
0x4a7: {  	[tilespmem:v41+s1+$0x0] =	vst.idx.msk $0xffff, v13  }
0x4a8: {  	v13 =	vld.idx.msk [tilespmem:v42+s20+$0x0], $0xffff  }
0x4a9: {  	v14 =	vld.idx.msk [tilespmem:v14+s9+$0x0], $0xffff;
	_ =	sdelay $0x4  }
0x4aa: {  	v13 =	vadd.f32 v14, v13;
	_ =	sdelay $0x1  }
0x4ab: {  	v14 =	vmul.f32 $2.000000030e-01, v13  }
0x4ac: {  	vm7 =	vgt.f32 v13, $0.0e+00  }
0x4ad: {  	v13 =	vsel vm7, v13, v14  }
0x4ae: {  	v13 =	vmul.f32 $1.442695020e+00, v13;
	_ =	sdelay $0x1  }
0x4af: {  	(erf) = vpow2.f32 v13;
	_ =	sdelay $0x3  }
0x4b0: {  	v14 =	vld [tilespmem:$0x1FF60];
	_ =	sdelay $0x4  }
0x4b1: {  	v13 =	vpop (erf)  }
0x4b2: {  	[tilespmem:v42+s1+$0x0] =	vst.idx.msk $0xffff, v13  }
0x4b3: {  	v13 =	vld.idx.msk [tilespmem:v7+s20+$0x0], $0xffff  }
0x4b4: {  	v14 =	vld.idx.msk [tilespmem:v14+s9+$0x0], $0xffff;
	_ =	sdelay $0x4  }
0x4b5: {  	v13 =	vadd.f32 v14, v13;
	_ =	sdelay $0x1  }
0x4b6: {  	v14 =	vmul.f32 $2.000000030e-01, v13  }
0x4b7: {  	vm8 =	vgt.f32 v13, $0.0e+00  }
0x4b8: {  	v13 =	vsel vm8, v13, v14  }
0x4b9: {  	v13 =	vmul.f32 $1.442695020e+00, v13;
	_ =	sdelay $0x1  }
0x4ba: {  	(erf) = vpow2.f32 v13;
	_ =	sdelay $0x3  }
0x4bb: {  	v14 =	vld [tilespmem:$0x1FF70];
	_ =	sdelay $0x4  }
0x4bc: {  	v13 =	vpop (erf)  }
0x4bd: {  	[tilespmem:v7+s1+$0x0] =	vst.idx.msk $0xffff, v13  }
0x4be: {  	v13 =	vld.idx.msk [tilespmem:v43+s20+$0x0], $0xffff  }
0x4bf: {  	v14 =	vld.idx.msk [tilespmem:v14+s9+$0x0], $0xffff;
	_ =	sdelay $0x4  }
0x4c0: {  	v13 =	vadd.f32 v14, v13;
	_ =	sdelay $0x1  }
0x4c1: {  	v14 =	vmul.f32 $2.000000030e-01, v13  }
0x4c2: {  	vm9 =	vgt.f32 v13, $0.0e+00  }
0x4c3: {  	v13 =	vsel vm9, v13, v14  }
0x4c4: {  	v13 =	vmul.f32 $1.442695020e+00, v13;
	_ =	sdelay $0x1  }
0x4c5: {  	(erf) = vpow2.f32 v13;
	_ =	sdelay $0x3  }
0x4c6: {  	v14 =	vld [tilespmem:$0x1FF80];
	_ =	sdelay $0x4  }
0x4c7: {  	v13 =	vpop (erf)  }
0x4c8: {  	[tilespmem:v43+s1+$0x0] =	vst.idx.msk $0xffff, v13  }
0x4c9: {  	v13 =	vld.idx.msk [tilespmem:v44+s20+$0x0], $0xffff  }
0x4ca: {  	v14 =	vld.idx.msk [tilespmem:v14+s9+$0x0], $0xffff;
	_ =	sdelay $0x4  }
0x4cb: {  	v13 =	vadd.f32 v14, v13;
	_ =	sdelay $0x1  }
0x4cc: {  	v14 =	vmul.f32 $2.000000030e-01, v13  }
0x4cd: {  	vm10 =	vgt.f32 v13, $0.0e+00  }
0x4ce: {  	v13 =	vsel vm10, v13, v14  }
0x4cf: {  	v13 =	vmul.f32 $1.442695020e+00, v13;
	_ =	sdelay $0x1  }
0x4d0: {  	(erf) = vpow2.f32 v13;
	_ =	sdelay $0x3  }
0x4d1: {  	v14 =	vld [tilespmem:$0x1FF90];
	_ =	sdelay $0x4  }
0x4d2: {  	v13 =	vpop (erf)  }
0x4d3: {  	[tilespmem:v44+s1+$0x0] =	vst.idx.msk $0xffff, v13  }
0x4d4: {  	v13 =	vld.idx.msk [tilespmem:v45+s20+$0x0], $0xffff  }
0x4d5: {  	v14 =	vld.idx.msk [tilespmem:v14+s9+$0x0], $0xffff;
	_ =	sdelay $0x4  }
0x4d6: {  	v13 =	vadd.f32 v14, v13;
	_ =	sdelay $0x1  }
0x4d7: {  	v14 =	vmul.f32 $2.000000030e-01, v13  }
0x4d8: {  	vm11 =	vgt.f32 v13, $0.0e+00  }
0x4d9: {  	v13 =	vsel vm11, v13, v14  }
0x4da: {  	v13 =	vmul.f32 $1.442695020e+00, v13;
	_ =	sdelay $0x1  }
0x4db: {  	(erf) = vpow2.f32 v13;
	_ =	sdelay $0x3  }
0x4dc: {  	v14 =	vld [tilespmem:$0x1FFA0];
	_ =	sdelay $0x4  }
0x4dd: {  	v13 =	vpop (erf)  }
0x4de: {  	[tilespmem:v45+s1+$0x0] =	vst.idx.msk $0xffff, v13  }
0x4df: {  	v13 =	vld.idx.msk [tilespmem:v8+s20+$0x0], $0xffff  }
0x4e0: {  	v14 =	vld.idx.msk [tilespmem:v14+s9+$0x0], $0xffff;
	_ =	sdelay $0x4  }
0x4e1: {  	v13 =	vadd.f32 v14, v13;
	_ =	sdelay $0x1  }
0x4e2: {  	v14 =	vmul.f32 $2.000000030e-01, v13  }
0x4e3: {  	vm12 =	vgt.f32 v13, $0.0e+00  }
0x4e4: {  	v13 =	vsel vm12, v13, v14  }
0x4e5: {  	v13 =	vmul.f32 $1.442695020e+00, v13;
	_ =	sdelay $0x1  }
0x4e6: {  	(erf) = vpow2.f32 v13;
	_ =	sdelay $0x3  }
0x4e7: {  	v14 =	vld [tilespmem:$0x1FFB0];
	_ =	sdelay $0x4  }
0x4e8: {  	v13 =	vpop (erf)  }
0x4e9: {  	[tilespmem:v8+s1+$0x0] =	vst.idx.msk $0xffff, v13  }
0x4ea: {  	v13 =	vld.idx.msk [tilespmem:v46+s20+$0x0], $0xffff  }
0x4eb: {  	v14 =	vld.idx.msk [tilespmem:v14+s9+$0x0], $0xffff;
	_ =	sdelay $0x4  }
0x4ec: {  	v13 =	vadd.f32 v14, v13;
	_ =	sdelay $0x1  }
0x4ed: {  	v14 =	vmul.f32 $2.000000030e-01, v13  }
0x4ee: {  	vm13 =	vgt.f32 v13, $0.0e+00  }
0x4ef: {  	v13 =	vsel vm13, v13, v14  }
0x4f0: {  	v13 =	vmul.f32 $1.442695020e+00, v13;
	_ =	sdelay $0x1  }
0x4f1: {  	(erf) = vpow2.f32 v13;
	_ =	sdelay $0x3  }
0x4f2: {  	v14 =	vld [tilespmem:$0x1FFC0];
	_ =	sdelay $0x4  }
0x4f3: {  	v13 =	vpop (erf)  }
0x4f4: {  	[tilespmem:v46+s1+$0x0] =	vst.idx.msk $0xffff, v13  }
0x4f5: {  	v13 =	vld.idx.msk [tilespmem:v47+s20+$0x0], $0xffff  }
0x4f6: {  	v14 =	vld.idx.msk [tilespmem:v14+s9+$0x0], $0xffff;
	_ =	sdelay $0x4  }
0x4f7: {  	v13 =	vadd.f32 v14, v13;
	_ =	sdelay $0x1  }
0x4f8: {  	v14 =	vmul.f32 $2.000000030e-01, v13  }
0x4f9: {  	vm14 =	vgt.f32 v13, $0.0e+00  }
0x4fa: {  	v13 =	vsel vm14, v13, v14  }
0x4fb: {  	v13 =	vmul.f32 $1.442695020e+00, v13;
	_ =	sdelay $0x1  }
0x4fc: {  	(erf) = vpow2.f32 v13;
	_ =	sdelay $0x3  }
0x4fd: {  	v14 =	vld [tilespmem:$0x1FFD0];
	_ =	sdelay $0x4  }
0x4fe: {  	v13 =	vpop (erf)  }
0x4ff: {  	[tilespmem:v47+s1+$0x0] =	vst.idx.msk $0xffff, v13  }
0x500: {  	v13 =	vld.idx.msk [tilespmem:v48+s20+$0x0], $0xffff  }
0x501: {  	v14 =	vld.idx.msk [tilespmem:v14+s9+$0x0], $0xffff;
	_ =	sdelay $0x4  }
0x502: {  	v13 =	vadd.f32 v14, v13;
	_ =	sdelay $0x1  }
0x503: {  	v14 =	vmul.f32 $2.000000030e-01, v13  }
0x504: {  	vm15 =	vgt.f32 v13, $0.0e+00  }
0x505: {  	v13 =	vsel vm15, v13, v14  }
0x506: {  	v13 =	vmul.f32 $1.442695020e+00, v13;
	_ =	sdelay $0x1  }
0x507: {  	(erf) = vpow2.f32 v13  }
0x508: {  	s12 =	simm.s32 $0x0  }
0x509: {  	v13 =	vmov s12  }
0x50a: {  	v14 =	vmov s15;
	v13 =	vand.u32 $0x7, v13  }
0x50b: {  	v14 =	vand.u32 $0x7F, v14;
	v13 =	vbroadcast v13, $0x0  }
0x50c: {  	v15 =	vbroadcast v14, $0x0  }
0x50d: {  	v14 =	vor.u32 v1, v13  }
0x50e: {  	s8 =	simm.s32 $0x0;
	v17 =	vor.u32 v3, v15  }
0x50f: {  	v16 =	vmov s8;
	s12 =	simm.s32 $0x1  }
0x510: {  	v16 =	vand.u32 $0x7, v16;
	v18 =	vmov s12;
	v19 =	vpop (erf)  }
0x511: {  	v60 =	vbroadcast v16, $0x0;
	v18 =	vand.u32 $0x7F, v18;
	[tilespmem:v48+s1+$0x0] =	vst.idx.msk $0xffff, v19  }
0x512: {  	v61 =	vbroadcast v18, $0x0;
	v14 =	vld.idx.msk [tilespmem:v14+s1+$0x0], $0xffff  }
0x513: {  	v16 =	vor.u32 v1, v60;
	v18 =	vld.idx.msk [tilespmem:v17+s13+$0x0], $0xffff  }
0x514: {  	v19 =	vor.u32 v3, v61;
	_ =	sdelay $0x1  }
0x515: {  	s15 =	simm.s32 $0x0;
	v21 =	vor.u32 v9, v15  }
0x516: {  	s8 =	simm.s32 $0x2;
	v20 =	vmov s15;
	v23 =	vor.u32 v5, v13  }
0x517: {  	v22 =	vmov s8;
	v20 =	vand.u32 $0x7, v20;
	v16 =	vld.idx.msk [tilespmem:v16+s1+$0x0], $0xffff;
	v14 =	vmul.f32 v18, v14  }
0x518: {  	v52 =	vbroadcast v20, $0x0;
	v18 =	vand.u32 $0x7F, v22;
	v22 =	vld.idx.msk [tilespmem:v19+s13+$0x0], $0xffff  }
0x519: {  	v49 =	vbroadcast v18, $0x0;
	[tilespmem:v17+s13+$0x0] =	vst.idx.msk $0xffff, v14  }
0x51a: {  	v14 =	vor.u32 v1, v52;
	v18 =	vld.idx.msk [tilespmem:v21+s13+$0x0], $0xffff  }
0x51b: {  	s12 =	simm.s32 $0x0;
	v17 =	vor.u32 v3, v49;
	v20 =	vld.idx.msk [tilespmem:v23+s1+$0x0], $0xffff  }
0x51c: {  	v29 =	vor.u32 v5, v60;
	v23 =	vmov s12  }
0x51d: {  	s15 =	simm.s32 $0x3;
	v23 =	vand.u32 $0x7, v23;
	v16 =	vmul.f32 v22, v16;
	v22 =	vor.u32 v9, v61  }
0x51e: {  	v28 =	vmov s15;
	v50 =	vbroadcast v23, $0x0;
	v23 =	vor.u32 v10, v15  }
0x51f: {  	v24 =	vand.u32 $0x7F, v28;
	v31 =	vor.u32 v6, v13;
	v14 =	vld.idx.msk [tilespmem:v14+s1+$0x0], $0xffff  }
0x520: {  	v51 =	vbroadcast v24, $0x0;
	[tilespmem:v19+s13+$0x0] =	vst.idx.msk $0xffff, v16;
	v30 =	vld.idx.msk [tilespmem:v17+s13+$0x0], $0xffff;
	v18 =	vmul.f32 v18, v20  }
0x521: {  	s8 =	simm.s32 $0x0;
	v16 =	vor.u32 v1, v50;
	v25 =	vld.idx.msk [tilespmem:v29+s1+$0x0], $0xffff  }
0x522: {  	v32 =	vmov s8;
	v19 =	vor.u32 v3, v51;
	v20 =	vld.idx.msk [tilespmem:v22+s13+$0x0], $0xffff;
	[tilespmem:v21+s13+$0x0] =	vst.idx.msk $0xffff, v18  }
0x523: {  	v27 =	vand.u32 $0x7, v32;
	v21 =	vor.u32 v9, v49;
	v18 =	vld.idx.msk [tilespmem:v23+s13+$0x0], $0xffff  }
0x524: {  	v54 =	vbroadcast v27, $0x0;
	v33 =	vor.u32 v5, v52;
	s12 =	simm.s32 $0x4;
	v24 =	vld.idx.msk [tilespmem:v31+s1+$0x0], $0xffff  }
0x525: {  	v34 =	vmov s12;
	v29 =	vor.u32 v10, v61;
	v14 =	vmul.f32 v30, v14  }
0x526: {  	v56 =	vor.u32 v6, v60;
	v57 =	vor.u32 v7, v13;
	v28 =	vand.u32 $0x7F, v34;
	v16 =	vld.idx.msk [tilespmem:v16+s1+$0x0], $0xffff  }
0x527: {  	v53 =	vbroadcast v28, $0x0;
	v35 =	vld.idx.msk [tilespmem:v19+s13+$0x0], $0xffff;
	[tilespmem:v17+s13+$0x0] =	vst.idx.msk $0xffff, v14;
	v14 =	vmul.f32 v20, v25  }
0x528: {  	v17 =	vor.u32 v1, v54;
	v20 =	vld.idx.msk [tilespmem:v21+s13+$0x0], $0xffff  }
0x529: {  	v25 =	vor.u32 v3, v53;
	v18 =	vmul.f32 v18, v24;
	v24 =	vld.idx.msk [tilespmem:v33+s1+$0x0], $0xffff;
	[tilespmem:v22+s13+$0x0] =	vst.idx.msk $0xffff, v14  }
0x52a: {  	v28 =	vor.u32 v5, v50;
	v14 =	vld.idx.msk [tilespmem:v29+s13+$0x0], $0xffff  }
0x52b: {  	s15 =	simm.s32 $0x0;
	v22 =	vor.u32 v11, v15;
	[tilespmem:v23+s13+$0x0] =	vst.idx.msk $0xffff, v18;
	v18 =	vld.idx.msk [tilespmem:v56+s1+$0x0], $0xffff  }
0x52c: {  	v58 =	vmov s15;
	v16 =	vmul.f32 v35, v16;
	v23 =	vor.u32 v9, v51;
	v27 =	vld.idx.msk [tilespmem:v57+s1+$0x0], $0xffff  }
0x52d: {  	s8 =	simm.s32 $0x5;
	v26 =	vand.u32 $0x7, v58;
	v31 =	vor.u32 v10, v49;
	v17 =	vld.idx.msk [tilespmem:v17+s1+$0x0], $0xffff  }
0x52e: {  	v59 =	vmov s8;
	v56 =	vbroadcast v26, $0x0;
	[tilespmem:v19+s13+$0x0] =	vst.idx.msk $0xffff, v16;
	v16 =	vor.u32 v6, v52;
	v32 =	vld.idx.msk [tilespmem:v25+s13+$0x0], $0xffff  }
0x52f: {  	v62 =	vor.u32 v7, v60;
	v30 =	vand.u32 $0x7F, v59;
	v28 =	vld.idx.msk [tilespmem:v28+s1+$0x0], $0xffff;
	v19 =	vmul.f32 v20, v24  }
0x530: {  	v55 =	vbroadcast v30, $0x0;
	v20 =	vor.u32 v1, v56;
	v63 =	vld.idx.msk [tilespmem:v22+s13+$0x0], $0xffff  }
0x531: {  	v18 =	vmul.f32 v14, v18;
	v35 =	vld.idx.msk [tilespmem:v23+s13+$0x0], $0xffff;
	[tilespmem:v21+s13+$0x0] =	vst.idx.msk $0xffff, v19;
	v21 =	vor.u32 v11, v61  }
0x532: {  	v19 =	vld.idx.msk [tilespmem:v31+s13+$0x0], $0xffff  }
0x533: {  	v57 =	vor.u32 v12, v15;
	v14 =	vor.u32 v3, v55;
	v15 =	vld.idx.msk [tilespmem:v16+s1+$0x0], $0xffff;
	[tilespmem:v29+s13+$0x0] =	vst.idx.msk $0xffff, v18  }
0x534: {  	v13 =	vor.u32 v8, v13;
	v17 =	vmul.f32 v32, v17;
	v18 =	vld.idx.msk [tilespmem:v62+s1+$0x0], $0xffff  }
0x535: {  	s12 =	simm.s32 $0x6;
	v26 =	vld.idx.msk [tilespmem:v20+s1+$0x0], $0xffff;
	v16 =	vmul.f32 v63, v27  }
0x536: {  	s15 =	simm.s32 $0x0;
	v58 =	vmov s12;
	v33 =	vor.u32 v7, v52;
	[tilespmem:v25+s13+$0x0] =	vst.idx.msk $0xffff, v17;
	v20 =	vld.idx.msk [tilespmem:v21+s13+$0x0], $0xffff  }
0x537: {  	v59 =	vmov s15;
	v63 =	vor.u32 v9, v53;
	v17 =	vand.u32 $0x7F, v58;
	[tilespmem:v22+s13+$0x0] =	vst.idx.msk $0xffff, v16  }
0x538: {  	v16 =	vld.idx.msk [tilespmem:v14+s13+$0x0], $0xffff;
	v22 =	vor.u32 v5, v54;
	v15 =	vmul.f32 v19, v15;
	v19 =	vand.u32 $0x7, v59  }
0x539: {  	v24 =	vmul.f32 v35, v28;
	v35 =	vor.u32 v6, v50;
	v13 =	vld.idx.msk [tilespmem:v13+s1+$0x0], $0xffff;
	v58 =	vbroadcast v19, $0x0  }
0x53a: {  	v62 =	vor.u32 v10, v51;
	v59 =	vbroadcast v17, $0x0;
	v34 =	vld.idx.msk [tilespmem:v57+s13+$0x0], $0xffff;
	[tilespmem:v31+s13+$0x0] =	vst.idx.msk $0xffff, v15  }
0x53b: {  	[tilespmem:v23+s13+$0x0] =	vst.idx.msk $0xffff, v24;
	v23 =	vor.u32 v1, v58;
	v15 =	vld.idx.msk [tilespmem:v33+s1+$0x0], $0xffff;
	v17 =	vmul.f32 v20, v18  }
0x53c: {  	v18 =	vld.idx.msk [tilespmem:v63+s13+$0x0], $0xffff;
	v20 =	vor.u32 v3, v59  }
0x53d: {  	v19 =	vld.idx.msk [tilespmem:v22+s1+$0x0], $0xffff;
	[tilespmem:v21+s13+$0x0] =	vst.idx.msk $0xffff, v17;
	v21 =	vmul.f32 v16, v26;
	v16 =	vor.u32 v11, v49  }
0x53e: {  	v22 =	vor.u32 v8, v60;
	v60 =	vor.u32 v12, v61;
	v61 =	vld.idx.msk [tilespmem:v35+s1+$0x0], $0xffff  }
0x53f: {  	s15 =	simm.s32 $0x7;
	v17 =	vld.idx.msk [tilespmem:v62+s13+$0x0], $0xffff;
	v13 =	vmul.f32 v34, v13  }
.LBB2_6:
0x540: {  	s7 =	sshrl.u32 s15, $0x5;
	v24 =	vmov s15;
	p2 =	sne.s32 s15, $0x7F;
	s15 =	sadd.s32 $0x1, s15;
	v25 =	vld.idx.msk [tilespmem:v23+s1+$0x0], $0xffff;
	v26 =	vmovc v59;
	v27 =	vmovc v52;
	v52 =	vmov v50;
	v50 =	vmov v54  }
0x541: {  	v29 =	vor.u32 v9, v55;
	v54 =	vmovc v56;
	v23 =	vmov s7;
	v24 =	vand.u32 $0x7F, v24;
	v28 =	vld.idx.msk [tilespmem:v20+s13+$0x0], $0xffff;
	[tilespmem:v57+s13+$0x0] =	vst.idx.msk $0xffff, v13  }
0x542: {  	v56 =	vmovc v58;
	v31 =	vmovc v62;
	v13 =	vand.u32 $0x7, v23;
	v59 =	vbroadcast v24, $0x0;
	v24 =	vor.u32 v5, v54;
	v30 =	vld.idx.msk [tilespmem:v16+s13+$0x0], $0xffff  }
0x543: {  	v62 =	vor.u32 v10, v53;
	v33 =	vmovc v16;
	v58 =	vbroadcast v13, $0x0;
	v13 =	vor.u32 v7, v52;
	v32 =	vld.idx.msk [tilespmem:v22+s1+$0x0], $0xffff  }
0x544: {  	v34 =	vor.u32 v6, v50;
	v16 =	vor.u32 v3, v59;
	[tilespmem:v14+s13+$0x0] =	vst.idx.msk $0xffff, v21;
	v35 =	vld.idx.msk [tilespmem:v60+s13+$0x0], $0xffff  }
0x545: {  	v21 =	vmul.f32 v18, v19;
	v22 =	vmul.f32 v17, v61;
	v14 =	vmovc v20;
	v23 =	vor.u32 v1, v58  }
.Ltmp11:
0x546: {  	v57 =	vmov v60;
	v20 =	vmov v16;
	v18 =	vld.idx.msk [tilespmem:v29+s13+$0x0], $0xffff;
	(pc) =	sbr.rel @p2 .LBB2_6-.Ltmp11, $4  }
0x547: {  	v16 =	vor.u32 v11, v51;
	v19 =	vld.idx.msk [tilespmem:v24+s1+$0x0], $0xffff;
	[tilespmem:v63+s13+$0x0] =	vst.idx.msk $0xffff, v21;
	v63 =	vmov v29  }
0x548: {  	v21 =	vmul.f32 v28, v25;
	v24 =	vmul.f32 v30, v15;
	v17 =	vld.idx.msk [tilespmem:v62+s13+$0x0], $0xffff;
	[tilespmem:v31+s13+$0x0] =	vst.idx.msk $0xffff, v22  }
0x549: {  	v60 =	vor.u32 v12, v49;
	v49 =	vmovc v51;
	v51 =	vmov v53;
	v22 =	vor.u32 v8, v27;
	v15 =	vld.idx.msk [tilespmem:v13+s1+$0x0], $0xffff  }
0x54a: {  	v53 =	vmov v55;
	v55 =	vmov v26;
	v13 =	vmul.f32 v35, v32;
	v61 =	vld.idx.msk [tilespmem:v34+s1+$0x0], $0xffff;
	[tilespmem:v33+s13+$0x0] =	vst.idx.msk $0xffff, v24  }
0x54b: {  	_ =	sdelay $0x3  }
0x54c: {  	v23 =	vld.idx.msk [tilespmem:v23+s1+$0x0], $0xffff  }
0x54d: {  	v24 =	vld.idx.msk [tilespmem:v20+s13+$0x0], $0xffff  }
0x54e: {  	v25 =	vor.u32 v9, v55  }
0x54f: {  	v26 =	vor.u32 v5, v56  }
0x550: {  	v27 =	vor.u32 v9, v59  }
0x551: {  	v28 =	vor.u32 v5, v58  }
0x552: {  	[tilespmem:v14+s13+$0x0] =	vst.idx.msk $0xffff, v21;
	v14 =	vmul.f32 v24, v23  }
0x553: {  	v21 =	vld.idx.msk [tilespmem:v25+s13+$0x0], $0xffff  }
0x554: {  	v35 =	vld.idx.msk [tilespmem:v26+s1+$0x0], $0xffff;
	[tilespmem:v20+s13+$0x0] =	vst.idx.msk $0xffff, v14  }
0x555: {  	v33 =	vor.u32 v6, v54;
	v20 =	vld.idx.msk [tilespmem:v27+s13+$0x0], $0xffff  }
0x556: {  	v14 =	vor.u32 v10, v53;
	v34 =	vld.idx.msk [tilespmem:v28+s1+$0x0], $0xffff  }
0x557: {  	v22 =	vld.idx.msk [tilespmem:v22+s1+$0x0], $0xffff;
	v18 =	vmul.f32 v18, v19;
	v19 =	vor.u32 v10, v55  }
0x558: {  	v29 =	vor.u32 v6, v56;
	v30 =	vld.idx.msk [tilespmem:v60+s13+$0x0], $0xffff  }
0x559: {  	[tilespmem:v63+s13+$0x0] =	vst.idx.msk $0xffff, v18;
	v28 =	vld.idx.msk [tilespmem:v16+s13+$0x0], $0xffff;
	v35 =	vmul.f32 v21, v35;
	v21 =	vor.u32 v10, v59  }
0x55a: {  	v31 =	vor.u32 v6, v58;
	v24 =	vld.idx.msk [tilespmem:v33+s1+$0x0], $0xffff  }
0x55b: {  	v63 =	vor.u32 v7, v50;
	v23 =	vld.idx.msk [tilespmem:v14+s13+$0x0], $0xffff;
	[tilespmem:v25+s13+$0x0] =	vst.idx.msk $0xffff, v35;
	v20 =	vmul.f32 v20, v34  }
0x55c: {  	v32 =	vor.u32 v8, v52;
	v26 =	vld.idx.msk [tilespmem:v19+s13+$0x0], $0xffff  }
0x55d: {  	v17 =	vmul.f32 v17, v61;
	v25 =	vor.u32 v11, v51;
	v29 =	vld.idx.msk [tilespmem:v29+s1+$0x0], $0xffff;
	[tilespmem:v27+s13+$0x0] =	vst.idx.msk $0xffff, v20  }
0x55e: {  	v61 =	vor.u32 v7, v54;
	v15 =	vmul.f32 v28, v15;
	v27 =	vld.idx.msk [tilespmem:v21+s13+$0x0], $0xffff  }
0x55f: {  	[tilespmem:v62+s13+$0x0] =	vst.idx.msk $0xffff, v17;
	v17 =	vor.u32 v11, v53;
	v62 =	vld.idx.msk [tilespmem:v31+s1+$0x0], $0xffff  }
0x560: {  	v18 =	vld.idx.msk [tilespmem:v63+s1+$0x0], $0xffff;
	v63 =	vor.u32 v7, v56;
	[tilespmem:v16+s13+$0x0] =	vst.idx.msk $0xffff, v15;
	v23 =	vmul.f32 v23, v24  }
0x561: {  	v16 =	vor.u32 v11, v55;
	v31 =	vld.idx.msk [tilespmem:v32+s1+$0x0], $0xffff  }
0x562: {  	v52 =	vor.u32 v7, v58;
	v15 =	vld.idx.msk [tilespmem:v25+s13+$0x0], $0xffff;
	[tilespmem:v14+s13+$0x0] =	vst.idx.msk $0xffff, v23;
	v14 =	vmul.f32 v26, v29  }
0x563: {  	v26 =	vor.u32 v11, v59;
	v20 =	vld.idx.msk [tilespmem:v61+s1+$0x0], $0xffff  }
0x564: {  	v29 =	vor.u32 v12, v49;
	v61 =	vld.idx.msk [tilespmem:v17+s13+$0x0], $0xffff;
	[tilespmem:v19+s13+$0x0] =	vst.idx.msk $0xffff, v14;
	v14 =	vmul.f32 v27, v62  }
0x565: {  	v62 =	vor.u32 v8, v50;
	v24 =	vld.idx.msk [tilespmem:v63+s1+$0x0], $0xffff  }
0x566: {  	v27 =	vor.u32 v12, v51;
	v63 =	vld.idx.msk [tilespmem:v16+s13+$0x0], $0xffff;
	[tilespmem:v21+s13+$0x0] =	vst.idx.msk $0xffff, v14  }
0x567: {  	v14 =	vmul.f32 v15, v18;
	v15 =	vor.u32 v8, v54;
	v49 =	vld.idx.msk [tilespmem:v52+s1+$0x0], $0xffff  }
0x568: {  	v50 =	vor.u32 v12, v53;
	v51 =	vld.idx.msk [tilespmem:v26+s13+$0x0], $0xffff  }
0x569: {  	v33 =	vld.idx.msk [tilespmem:v29+s13+$0x0], $0xffff;
	v52 =	vor.u32 v8, v56;
	[tilespmem:v25+s13+$0x0] =	vst.idx.msk $0xffff, v14;
	v14 =	vmul.f32 v61, v20  }
0x56a: {  	v53 =	vor.u32 v12, v55;
	v19 =	vld.idx.msk [tilespmem:v62+s1+$0x0], $0xffff  }
0x56b: {  	v55 =	vor.u32 v8, v58;
	v54 =	vld.idx.msk [tilespmem:v27+s13+$0x0], $0xffff;
	[tilespmem:v17+s13+$0x0] =	vst.idx.msk $0xffff, v14;
	v14 =	vmul.f32 v63, v24  }
0x56c: {  	v56 =	vor.u32 v12, v59;
	v15 =	vld.idx.msk [tilespmem:v15+s1+$0x0], $0xffff  }
0x56d: {  	v58 =	vld.idx.msk [tilespmem:v50+s13+$0x0], $0xffff;
	[tilespmem:v16+s13+$0x0] =	vst.idx.msk $0xffff, v14;
	v14 =	vmul.f32 v51, v49  }
0x56e: {  	v16 =	vld.idx.msk [tilespmem:v52+s1+$0x0], $0xffff  }
0x56f: {  	v61 =	vmul.f32 v30, v22;
	v59 =	vld.idx.msk [tilespmem:v53+s13+$0x0], $0xffff;
	[tilespmem:v26+s13+$0x0] =	vst.idx.msk $0xffff, v14  }
0x570: {  	[tilespmem:v57+s13+$0x0] =	vst.idx.msk $0xffff, v13;
	v13 =	vmul.f32 v33, v31;
	v14 =	vld.idx.msk [tilespmem:v55+s1+$0x0], $0xffff  }
0x571: {  	[tilespmem:v60+s13+$0x0] =	vst.idx.msk $0xffff, v61;
	v63 =	vmul.f32 v54, v19;
	v62 =	vld.idx.msk [tilespmem:v56+s13+$0x0], $0xffff  }
0x572: {  	[tilespmem:v29+s13+$0x0] =	vst.idx.msk $0xffff, v13;
	v13 =	vmul.f32 v58, v15  }
0x573: {  	[tilespmem:v27+s13+$0x0] =	vst.idx.msk $0xffff, v63  }
0x574: {  	[tilespmem:v50+s13+$0x0] =	vst.idx.msk $0xffff, v13  }
0x575: {  	v15 =	vmul.f32 v59, v16;
	s7 =	rddreg [dreg:$0x13]  }
0x576: {  	v13 =	vmul.f32 v62, v14;
	s7 =	sadd.s32 s29, s7  }
0x577: {  	s8 =	rddreg [dreg:$0x0];
	[tilespmem:v53+s13+$0x0] =	vst.idx.msk $0xffff, v15;
	s7 =	sshrl.u32 s7, $0x3  }
0x578: {  	s12 =	simm.s32 $0x1F6D0;
	[tilespmem:v56+s13+$0x0] =	vst.idx.msk $0xffff, v13;
	s8 =	sadd.s32 s8, s7  }
0x579: {  	[tilespmem:s12], [sflag:$0x2] =	stream.linear.gather [hbm4b:s8+s5], $0x50, $0x38;
	[tilespmem:$0x1F860] =	vst v63  }
0x57a: {  	s10 =	sadd.s32 $0x1, s10;
	s15 =	rddreg [dreg:$0x6]  }
0x57b: {  	p2 =	sne.s32 s10, $0x7D;
	s7 =	sadd.s32 s15, s7  }
0x57c: {  	[tilespmem:s21], [sflag:$0x2] =	stream.linear.gather [hbm4b:s7+s5], $0x50, $0x38;
	[tilespmem:$0x1F860] =	vst v63  }
.Ltmp12:
0x57d: {  	_ = 	snop;
	(pc) =	sbr.rel @p2 .LBB2_3-.Ltmp12, $4  }
0x57e: {  	s29 =	rddreg [dreg:$0x2]  }
0x57f: {  	[spmem:s29] =	stream.indirect.scatter.add.f32 [tilespmem:s13], [sflag:$0x6], $0x80, s26, s23, $0xb8;
	[tilespmem:$0x1F860] =	vst v63  }
0x580: {  	_ = 	snop  }
0x581: {  	[spmem:s3] =	stream.indirect.scatter.add.f32 [tilespmem:s1], [sflag:$0x6], $0x8, s26, s23, $0xb8;
	[tilespmem:$0x1F860] =	vst v63  }
0x582: {  	_ =	swait.ge [sflag:s16], $0x2800  }
0x583: {  	[sflag:s16] =	ssyncset.done $0x0  }
0x584: {  	[sflag:s16] =	ssyncadd.s32 $0xFFFFD800  }
0x585: {  	_ =	swait.ge [sflag:s16], $0x280  }
0x586: {  	[sflag:s16] =	ssyncset.done $0x0  }
0x587: {  	[sflag:s16] =	ssyncadd.s32 $0xFFFFFD80  }
0x588: {  	_ =	swait.ge [sflag:s16], $0x280  }
0x589: {  	[sflag:s16] =	ssyncset.done $0x0  }
0x58a: {  	[sflag:s16] =	ssyncadd.s32 $0xFFFFFD80  }
0x58b: {  	_ =	swait.ge [sflag:s25], $0x50  }
0x58c: {  	[sflag:s25] =	ssyncset.done $0x0  }
0x58d: {  	[sflag:s25] =	ssyncadd.s32 $0xFFFFFFB0  }
0x58e: {  	_ =	swait.ge [sflag:s25], $0x50  }
0x58f: {  	[sflag:s25] =	ssyncset.done $0x0  }
0x590: {  	[sflag:s25] =	ssyncadd.s32 $0xFFFFFFB0  }
0x591: {  	_ =	swait.ge [sflag:s30], $0x2800  }
0x592: {  	[sflag:s30] =	ssyncset.done $0x0  }
0x593: {  	[sflag:s30] =	ssyncadd.s32 $0xFFFFD800  }
0x594: {  	_ =	swait.ge [sflag:s30], $0x280  }
0x595: {  	[sflag:s30] =	ssyncset.done $0x0  }
0x596: {  	[sflag:s30] =	ssyncadd.s32 $0xFFFFFD80  }
0x597: {  	[bflag:$0x0] =	sbarrier.arrive $0xFFFF  }
0x598: {  	s10 =	sld [smem:$0x7FD]  }
0x599: {  	s7 =	rddreg [dreg:$0x18]  }
0x59a: {  	s29 =	simm.s32 $0x7;
	s8 =	rddreg [dreg:$0x1f]  }
0x59b: {  	[hbm:s7], [sflag:s8] =	dma.local [spmem:s10], $0x2800  }
0x59c: {  	_ =	swait.ge [sflag:s29], $0x2800  }
0x59d: {  	s15 =	sld [smem:$0x7FC]  }
0x59e: {  	[sflag:s29] =	ssyncset.done $0x0  }
.Ltmp13:
0x59f: {  	s10 =	rddreg [dreg:$0x14];
	[sflag:s29] =	ssyncadd.s32 $0xFFFFD800;
	(pc) =	sbr.rel .LBB2_22-.Ltmp13, $4  }
0x5a0: {  	[hbm:s10], [sflag:s8] =	dma.local [spmem:s15], $0x280  }
0x5a1: {  	_ =	swait.ge [sflag:s29], $0x280  }
0x5a2: {  	[sflag:s29] =	ssyncset.done $0x0  }
0x5a3: {  	s8 =	rddreg [dreg:$0x1e];
	[sflag:s29] =	ssyncadd.s32 $0xFFFFFD80  }
.LBB2_23:
0x5a4: {  	_ =	sfence.sel $0x180000  }
0x5a5: {  	[bflag:$0x0] =	sbarrier.arrive $0xFFFF  }
0x5a6: {  	_ =	strace $0x90000047  }
0x5a7: {  	[bflag:$0x2] =	sbarrier.arrive $0xFFFF  }
0x5a8: {  	s0 =	rddreg [dreg:$0x5]  }
0x5a9: {  	s0 =	sadd.s32 @!p1 $0x100000, s0  }
0x5aa: {  	[sflag:s0] =	ssyncadd.tile.s32 @!p1 $0x1;
	_ =	shalt  }
.Lfunc_end2:
_tile_overlayer_lowered:
.L_overlay_start_2:
0x5ab: {  	(tag) =	ssettag $0x2  }
0x5ac: {  	s0 =	rddreg [dreg:$0x0];
	s2 =	stileid.u32  }
0x5ad: {  	s1 =	rddreg [dreg:$0x1];
	p0 =	sne.s32 s2, $0x0  }
0x5ae: {  	s3 =	rddreg [dreg:$0x2];
	[bflag:$0x3] =	sbarrier.arrive $0xFFFF;
	s2 =	simm.s32 @!p0 $0x1C07  }
0x5af: {  	[timem:s3], [sflag:s2] =	dma.local @!p0 [hbm:s0], s1  }
0x5b0: {  	s0 =	simm.s32 @!p0 $0x7  }
0x5b1: {  	_ =	swait.ge @!p0 [sflag:s0], s1  }
0x5b2: {  	s1 =	ssub.s32 @!p0 $0x0, s1;
	[sflag:s0] =	ssyncset.done @!p0 $0x0  }
0x5b3: {  	[sflag:s0] =	ssyncadd.s32 @!p0 s1  }
0x5b4: {  	[bflag:$0x3] =	sbarrier.arrive $0xFFFF  }
0x5b5: {  	_ =	shalt  }

</sc_bundles>
